<compile_context>
chip_gen: v7x
topology: tpu7x:2x2x1
jax: 0.10.2.dev20260603
libtpu: 0.0.44.dev20260713+nightly
codegen_flags: <defaults>
</compile_context>

<pallas_src>
import functools

import jax
import jax.numpy as jnp
from jax import lax
from jax.experimental import pallas as pl
from jax.experimental.pallas import tpu as pltpu
from jax.experimental.pallas import tpu_sc as plsc

B = 16384
F = 26
E = 16
FIELD_DIM = 100000
TOTAL_ROWS = F * FIELD_DIM

NW = 32
BPW = B // NW
CB = 16
NCHUNK = BPW // CB
ROWS = CB * F
SPC = 4
SLEN = ROWS // SPC
NPAIR = NCHUNK // 2

FIDX = BPW * F // 128


TROWS = 2600000
TCHUNK = 1024
NBLK = TROWS // TCHUNK
CPW = -(-NBLK // NW)
TAIL = TROWS - NBLK * TCHUNK


def _repack_body(embt_hbm, tail_hbm, dep_hbm, in0, in1, out0, out1,
                 tailin, tailb, isem0, isem1, osem0, osem1):
    cid = lax.axis_index("c")
    sid = lax.axis_index("s")
    wid = sid * 2 + cid

    iot = lax.iota(jnp.int32, 16)

    def blk(cl):
        return cl * NW + wid

    def ok(b):
        return b < NBLK

    def fire_in(b, in_v, isem):
        pltpu.async_copy(embt_hbm.at[:, pl.ds(b * TCHUNK, TCHUNK)],
                         in_v, isem)

    sc = [iot * 8 + p for p in range(8)]
    z16 = jnp.zeros((16,), jnp.int32)

    def transpose(in_v, out_v):
        def blk_body(bb, carry):
            r0 = bb * E
            rowv = z16 + bb
            for p in range(8):
                a = in_v[2 * p, pl.ds(r0, E)]
                b = in_v[2 * p + 1, pl.ds(r0, E)]
                pk = plsc.pack(a, b, format=plsc.PackFormat.INTERLEAVED)
                w = plsc.bitcast(pk, jnp.int32)
                plsc.store_scatter(out_v, [rowv, sc[p]], w)
            return carry
        lax.fori_loop(0, TCHUNK // E, blk_body, 0, unroll=4)

    def fire_out(b, out_v, osem):
        pltpu.async_copy(out_v,
                         dep_hbm.at[pl.ds(b * (TCHUNK // 16), TCHUNK // 16)],
                         osem)

    def wait_in(in_v, isem):
        pltpu.make_async_copy(embt_hbm.at[:, pl.ds(0, TCHUNK)], in_v,
                              isem).wait()

    def wait_out(b, out_v, osem):
        pltpu.make_async_copy(out_v,
                              dep_hbm.at[pl.ds(b * (TCHUNK // 16),
                                               TCHUNK // 16)], osem).wait()

    @pl.when(ok(blk(0)))
    def _():
        fire_in(blk(0), in0, isem0)

    def pair_body(cc, carry):
        c0 = 2 * cc
        c1 = c0 + 1
        b0, b1 = blk(c0), blk(c1)

        @pl.when(ok(b1))
        def _():
            fire_in(b1, in1, isem1)

        @pl.when(ok(b0))
        def _():
            @pl.when(cc > 0)
            def _():
                wait_out(blk(c0 - 2), out0, osem0)
            wait_in(in0, isem0)
            transpose(in0, out0)
            fire_out(b0, out0, osem0)

        @pl.when(ok(blk(c0 + 2)))
        def _():
            fire_in(blk(c0 + 2), in0, isem0)

        @pl.when(ok(b1))
        def _():
            @pl.when(cc > 0)
            def _():
                wait_out(blk(c1 - 2), out1, osem1)
            wait_in(in1, isem1)
            transpose(in1, out1)
            fire_out(b1, out1, osem1)
        return carry
    lax.fori_loop(0, CPW // 2, pair_body, 0)

    last0, last1 = blk(CPW - 2), blk(CPW - 1)

    @pl.when(ok(last0))
    def _():
        wait_out(last0, out0, osem0)

    @pl.when(ok(last1))
    def _():
        wait_out(last1, out1, osem1)

    @pl.when(wid == NW - 1)
    def _():
        pltpu.sync_copy(tail_hbm, tailin)
        for bb in range(TAIL // E):
            ridx = bb * E + iot
            rowv = z16 + bb
            for p in range(8):
                a = plsc.load_gather(tailin, [ridx,
                                              jnp.full((16,), 2 * p,
                                                       jnp.int32)])
                b = plsc.load_gather(tailin, [ridx,
                                              jnp.full((16,), 2 * p + 1,
                                                       jnp.int32)])
                pk = plsc.pack(a, b, format=plsc.PackFormat.INTERLEAVED)
                w = plsc.bitcast(pk, jnp.int32)
                plsc.store_scatter(tailb, [rowv, sc[p]], w)
        pltpu.sync_copy(tailb,
                        dep_hbm.at[pl.ds(NBLK * TCHUNK // 16, TAIL // 16)])


_sc_repack = functools.partial(
    pl.kernel,
    out_type=jax.ShapeDtypeStruct((TROWS // 16, 128), jnp.int32),
    mesh=plsc.VectorSubcoreMesh(core_axis_name="c", subcore_axis_name="s"),
    compiler_params=pltpu.CompilerParams(needs_layout_passes=False,
                                         use_tc_tiling_on_sc=True),
    scratch_types=[
        pltpu.VMEM((E, TCHUNK), jnp.float32),
        pltpu.VMEM((E, TCHUNK), jnp.float32),
        pltpu.VMEM((TCHUNK // 16, 128), jnp.int32),
        pltpu.VMEM((TCHUNK // 16, 128), jnp.int32),
        pltpu.VMEM((TAIL, E), jnp.float32),
        pltpu.VMEM((TAIL // 16, 128), jnp.int32),
        pltpu.SemaphoreType.DMA,
        pltpu.SemaphoreType.DMA,
        pltpu.SemaphoreType.DMA,
        pltpu.SemaphoreType.DMA,
    ],
)(_repack_body)


def _fm_body(tidx_hbm, dep8_hbm, fm_hbm,
             tidx0, tidx1, rows0, rows1, out_v, sem0, sem1):
    cid = lax.axis_index("c")
    sid = lax.axis_index("s")
    wid = sid * 2 + cid

    def stage_fire(c, tidx_v, rows, sem):
        pltpu.sync_copy(tidx_hbm.at[wid, pl.ds(c * SPC, SPC)], tidx_v)
        for s in range(SPC):
            pltpu.async_copy(dep8_hbm.at[tidx_v.at[s]],
                             rows.at[pl.ds(s * SLEN, SLEN)], sem)

    def drain(rows, sem):
        pltpu.make_async_copy(dep8_hbm.at[pl.ds(0, ROWS)], rows, sem).wait()

    iot = lax.iota(jnp.int32, 16)
    f_stride = iot * F
    p_splats = [jnp.full((16,), p, jnp.int32) for p in range(8)]

    def compute(c, rows_w):

        def field_body(f, carry):
            slots = f_stride + f
            acc = list(carry)
            for p in range(8):
                w = plsc.load_gather(rows_w, [slots, p_splats[p]])
                pk = plsc.bitcast(w, jnp.bfloat16)
                a, b = plsc.unpack(pk, format=plsc.PackFormat.INTERLEAVED)
                a = a.astype(jnp.float32)
                b = b.astype(jnp.float32)
                acc[2 * p] = acc[2 * p] + a
                acc[E + 2 * p] = acc[E + 2 * p] + a * a
                acc[2 * p + 1] = acc[2 * p + 1] + b
                acc[E + 2 * p + 1] = acc[E + 2 * p + 1] + b * b
            return tuple(acc)

        zero = jnp.zeros((16,), jnp.float32)
        acc = lax.fori_loop(0, F, field_body, (zero,) * (2 * E))
        fm = acc[0] * acc[0] - acc[E]
        for e in range(1, E):
            fm = fm + acc[e] * acc[e] - acc[E + e]
        out_v[pl.ds(c * CB, CB)] = fm

    stage_fire(0, tidx0, rows0, sem0)

    def pair_body(cc, carry):
        c0 = 2 * cc
        stage_fire(c0 + 1, tidx1, rows1, sem1)
        drain(rows0, sem0)
        compute(c0, rows0)

        @pl.when(cc < NPAIR - 1)
        def _():
            stage_fire(c0 + 2, tidx0, rows0, sem0)

        drain(rows1, sem1)
        compute(c0 + 1, rows1)
        return carry
    lax.fori_loop(0, NPAIR, pair_body, 0)

    pltpu.sync_copy(out_v, fm_hbm.at[pl.ds(wid * BPW, BPW)])


_sc_fm = functools.partial(
    pl.kernel,
    out_type=jax.ShapeDtypeStruct((B,), jnp.float32),
    mesh=plsc.VectorSubcoreMesh(core_axis_name="c", subcore_axis_name="s"),
    compiler_params=pltpu.CompilerParams(needs_layout_passes=False,
                                         use_tc_tiling_on_sc=False),
    scratch_types=[
        pltpu.VMEM((SPC, SLEN), jnp.int32),
        pltpu.VMEM((SPC, SLEN), jnp.int32),
        pltpu.VMEM((ROWS, 8), jnp.int32),
        pltpu.VMEM((ROWS, 8), jnp.int32),
        pltpu.VMEM((BPW,), jnp.float32),
        pltpu.SemaphoreType.DMA,
        pltpu.SemaphoreType.DMA,
    ],
)(_fm_body)


def _fin_body(idx_hbm, fc_hbm, fm_hbm, bias_hbm, out_hbm,
              idx_v, fc_v, fm_v, out_v, bias_v, sem):
    cid = lax.axis_index("c")
    sid = lax.axis_index("s")
    wid = sid * 2 + cid

    pltpu.sync_copy(idx_hbm.at[wid], idx_v)
    pltpu.sync_copy(fm_hbm.at[pl.ds(wid * BPW, BPW)], fm_v)
    pltpu.sync_copy(bias_hbm, bias_v)
    bias_vec = bias_v[...]

    def fire_body(cc, carry):
        for j in range(13):
            r = cc * 13 + j
            pltpu.async_copy(fc_hbm.at[idx_v.at[r]],
                             fc_v.at[pl.ds(r * 128, 128)], sem)
        return carry
    lax.fori_loop(0, FIDX // 13, fire_body, 0)
    pltpu.make_async_copy(fc_hbm.at[pl.ds(0, BPW * F)], fc_v, sem).wait()

    iot = lax.iota(jnp.int32, 16)
    f_stride = iot * F

    def group_body(g, carry):
        base = g * (16 * F) + f_stride
        fsum = plsc.load_gather(fc_v, [base])
        for f in range(1, F):
            fsum = fsum + plsc.load_gather(fc_v, [base + f])
        fm16 = fm_v[pl.ds(g * 16, 16)]
        y = 0.5 * fm16 + fsum + bias_vec
        out_v[pl.ds(g * 16, 16)] = 1.0 / (1.0 + jnp.exp(-y))
        return carry
    lax.fori_loop(0, BPW // 16, group_body, 0)

    pltpu.sync_copy(out_v, out_hbm.at[pl.ds(wid * BPW, BPW)])


_sc_fin = functools.partial(
    pl.kernel,
    out_type=jax.ShapeDtypeStruct((B,), jnp.float32),
    mesh=plsc.VectorSubcoreMesh(core_axis_name="c", subcore_axis_name="s"),
    compiler_params=pltpu.CompilerParams(needs_layout_passes=False,
                                         use_tc_tiling_on_sc=False),
    scratch_types=[
        pltpu.VMEM((FIDX, 128), jnp.int32),
        pltpu.VMEM((BPW * F,), jnp.float32),
        pltpu.VMEM((BPW,), jnp.float32),
        pltpu.VMEM((BPW,), jnp.float32),
        pltpu.VMEM((16,), jnp.float32),
        pltpu.SemaphoreType.DMA,
    ],
)(_fin_body)


@jax.jit
def kernel(xx, embed_table, fc_table, bias):
    offsets = (jnp.arange(F, dtype=jnp.int32) * FIELD_DIM)[None, :]
    idx = (xx.astype(jnp.int32) + offsets).reshape(NW, BPW * F)
    tidx = idx.reshape(NW, NCHUNK * SPC, SLEN)
    dep = _sc_repack(embed_table.T, embed_table[TROWS - TAIL:])
    fm = _sc_fm(tidx, dep.reshape(TROWS, 8))
    idxb = idx.reshape(NW, FIDX, 128)
    fc_flat = fc_table.reshape(TOTAL_ROWS)
    bias16 = jnp.broadcast_to(bias.astype(jnp.float32), (16,))
    return _sc_fin(idxb, fc_flat, fm, bias16)

# --- scband reference (transcript-rebuilt; emitter-appended) ---
"""Pipeline reference for scband-deep-factorization-machine-model-52853867545252 (READ-ONLY COPY).

The authoritative reference and input builder live on the scoring server;
editing this copy changes nothing except your own understanding.
"""

import jax, jax.numpy as jnp
import numpy as np

BATCH = 16384
NUM_FIELDS = 26
FIELD_DIM = 100000
EMBED_DIM = 16
TOTAL_ROWS = NUM_FIELDS * FIELD_DIM


def setup_inputs(seed: int = 0) -> dict:
    key = jax.random.key(seed)
    k1, k2, k3 = jax.random.split(key, 3)
    xx = jax.random.randint(k1, (BATCH, NUM_FIELDS), 0, FIELD_DIM, dtype=jnp.int32)
    # xavier-uniform-like init for the embedding table
    bound = float(np.sqrt(6.0 / (TOTAL_ROWS + EMBED_DIM)))
    embed_table = jax.random.uniform(k2, (TOTAL_ROWS, EMBED_DIM), minval=-bound, maxval=bound, dtype=jnp.float32)
    fc_table = jax.random.normal(k3, (TOTAL_ROWS, 1), dtype=jnp.float32) * 0.01
    bias = jnp.zeros((1,), dtype=jnp.float32)
    return {"xx": xx, "embed_table": embed_table, "fc_table": fc_table, "bias": bias}


def reference(xx, embed_table, fc_table, bias):
    # FeaturesEmbedding / FeaturesLinear offsets: cumsum of field dims
    offsets = (jnp.arange(NUM_FIELDS, dtype=jnp.int32) * FIELD_DIM)[None, :]
    idx = xx.astype(jnp.int32) + offsets  # (B, F)
    # Embedding lookup (gather)
    embed_x = jnp.take(embed_table, idx, axis=0)  # (B, F, E)
    # FeaturesLinear: sum of per-feature scalar weights + bias
    lin = jnp.sum(jnp.take(fc_table, idx, axis=0), axis=1) + bias  # (B, 1)
    # FactorizationMachine with reduce_sum=True
    square_of_sum = jnp.sum(embed_x, axis=1) ** 2  # (B, E)
    sum_of_square = jnp.sum(embed_x ** 2, axis=1)  # (B, E)
    fm = 0.5 * jnp.sum(square_of_sum - sum_of_square, axis=1, keepdims=True)  # (B, 1)
    y = lin + fm  # (B, 1)
    return jax.nn.sigmoid(jnp.squeeze(y, axis=1))  # (B,)

if __name__ == "__main__":
    import jax
    _d = setup_inputs()
    print(jax.jit(kernel)(*tuple(_d.values())))

</pallas_src>

<mosaic_0001>
#map = affine_map<(d0, d1) -> (0, 0)>
module attributes {stable_mosaic.version = 14 : i64} {
  func.func @_repack_body(%arg0: i32, %arg1: i32, %arg2: memref<16x2600000xf32, #tpu.memory_space<hbm>>, %arg3: memref<64x16xf32, #tpu.memory_space<hbm>>, %arg4: memref<162500x128xi32, #tpu.memory_space<hbm>>, %arg5: memref<16x1024xf32, #tpu.memory_space<vmem>>, %arg6: memref<16x1024xf32, #tpu.memory_space<vmem>>, %arg7: memref<64x128xi32, #tpu.memory_space<vmem>>, %arg8: memref<64x128xi32, #tpu.memory_space<vmem>>, %arg9: memref<64x16xf32, #tpu.memory_space<vmem>>, %arg10: memref<4x128xi32, #tpu.memory_space<vmem>>, %arg11: memref<!tpu.dma_semaphore, #tpu.memory_space<semaphore_mem>>, %arg12: memref<!tpu.dma_semaphore, #tpu.memory_space<semaphore_mem>>, %arg13: memref<!tpu.dma_semaphore, #tpu.memory_space<semaphore_mem>>, %arg14: memref<!tpu.dma_semaphore, #tpu.memory_space<semaphore_mem>>) attributes {dimension_semantics = [#tpu.dimension_semantics<core_parallel>, #tpu.dimension_semantics<subcore_parallel>], iteration_bounds = array<i64: 2, 16>, scalar_prefetch = 0 : i64, scratch_operands = 10 : i64, tpu.core_type = #tpu.core_type<sc_vector_subcore>, window_params = [{transform_indices = #map}, {transform_indices = #map}, {transform_indices = #map}]} {
    %mul3A = arith.constant 2 : i32
    %mul3A_0 = arith.muli %arg1, %mul3A : i32
    %add3A = arith.addi %mul3A_0, %arg0 : i32
    %iota3A = tpu.iota {dimensions = array<i32: 0>} : vector<16xi32>
    %mul3A_1 = arith.constant 8 : i32
    %mul3A_2 = vector.broadcast %mul3A_1 : i32 to vector<16xi32>
    %mul3A_3 = arith.muli %iota3A, %mul3A_2 : vector<16xi32>
    %add3A_4 = arith.constant 0 : i32
    %add3A_5 = vector.broadcast %add3A_4 : i32 to vector<16xi32>
    %add3A_6 = arith.addi %mul3A_3, %add3A_5 : vector<16xi32>
    %mul3A_7 = arith.constant 8 : i32
    %mul3A_8 = vector.broadcast %mul3A_7 : i32 to vector<16xi32>
    %mul3A_9 = arith.muli %iota3A, %mul3A_8 : vector<16xi32>
    %add3A_10 = arith.constant 1 : i32
    %add3A_11 = vector.broadcast %add3A_10 : i32 to vector<16xi32>
    %add3A_12 = arith.addi %mul3A_9, %add3A_11 : vector<16xi32>
    %mul3A_13 = arith.constant 8 : i32
    %mul3A_14 = vector.broadcast %mul3A_13 : i32 to vector<16xi32>
    %mul3A_15 = arith.muli %iota3A, %mul3A_14 : vector<16xi32>
    %add3A_16 = arith.constant 2 : i32
    %add3A_17 = vector.broadcast %add3A_16 : i32 to vector<16xi32>
    %add3A_18 = arith.addi %mul3A_15, %add3A_17 : vector<16xi32>
    %mul3A_19 = arith.constant 8 : i32
    %mul3A_20 = vector.broadcast %mul3A_19 : i32 to vector<16xi32>
    %mul3A_21 = arith.muli %iota3A, %mul3A_20 : vector<16xi32>
    %add3A_22 = arith.constant 3 : i32
    %add3A_23 = vector.broadcast %add3A_22 : i32 to vector<16xi32>
    %add3A_24 = arith.addi %mul3A_21, %add3A_23 : vector<16xi32>
    %mul3A_25 = arith.constant 8 : i32
    %mul3A_26 = vector.broadcast %mul3A_25 : i32 to vector<16xi32>
    %mul3A_27 = arith.muli %iota3A, %mul3A_26 : vector<16xi32>
    %add3A_28 = arith.constant 4 : i32
    %add3A_29 = vector.broadcast %add3A_28 : i32 to vector<16xi32>
    %add3A_30 = arith.addi %mul3A_27, %add3A_29 : vector<16xi32>
    %mul3A_31 = arith.constant 8 : i32
    %mul3A_32 = vector.broadcast %mul3A_31 : i32 to vector<16xi32>
    %mul3A_33 = arith.muli %iota3A, %mul3A_32 : vector<16xi32>
    %add3A_34 = arith.constant 5 : i32
    %add3A_35 = vector.broadcast %add3A_34 : i32 to vector<16xi32>
    %add3A_36 = arith.addi %mul3A_33, %add3A_35 : vector<16xi32>
    %mul3A_37 = arith.constant 8 : i32
    %mul3A_38 = vector.broadcast %mul3A_37 : i32 to vector<16xi32>
    %mul3A_39 = arith.muli %iota3A, %mul3A_38 : vector<16xi32>
    %add3A_40 = arith.constant 6 : i32
    %add3A_41 = vector.broadcast %add3A_40 : i32 to vector<16xi32>
    %add3A_42 = arith.addi %mul3A_39, %add3A_41 : vector<16xi32>
    %mul3A_43 = arith.constant 8 : i32
    %mul3A_44 = vector.broadcast %mul3A_43 : i32 to vector<16xi32>
    %mul3A_45 = arith.muli %iota3A, %mul3A_44 : vector<16xi32>
    %add3A_46 = arith.constant 7 : i32
    %add3A_47 = vector.broadcast %add3A_46 : i32 to vector<16xi32>
    %add3A_48 = arith.addi %mul3A_45, %add3A_47 : vector<16xi32>
    %broadcast_in_dim3A = arith.constant 0 : i32
    %broadcast_in_dim3A_49 = vector.broadcast %broadcast_in_dim3A : i32 to vector<16xi32>
    %add3A_50 = arith.constant 0 : i32
    %add3A_51 = arith.addi %add3A_50, %add3A : i32
    %lt3A = arith.constant 2539 : i32
    %lt3A_52 = arith.cmpi slt, %add3A_51, %lt3A : i32
    %convert_element_type3A = arith.extui %lt3A_52 : i1 to i32
    %cond3A = arith.constant 0 : i32
    %cond3A_53 = arith.cmpi ne, %convert_element_type3A, %cond3A : i32
    scf.if %cond3A_53 {
      %add3A_77 = arith.constant 0 : i32
      %add3A_78 = arith.addi %add3A_77, %add3A : i32
      %mul3A_79 = arith.constant 1024 : i32
      %mul3A_80 = arith.muli %add3A_78, %mul3A_79 : i32
      %dma_start3A = arith.constant 0 : i32
      %dma_start3A_81 = tpu.memref_slice %arg2[%dma_start3A, %mul3A_80] : memref<16x2600000xf32, #tpu.memory_space<hbm>> -> memref<16x1024xf32, #tpu.memory_space<hbm>>
      %dma_start3A_82 = arith.constant 0 : i32
      %dma_start3A_83 = tpu.memref_slice %arg2[%dma_start3A_82, %mul3A_80] : memref<16x2600000xf32, #tpu.memory_space<hbm>> -> memref<16x1024xf32, #tpu.memory_space<hbm>>
      tpu.enqueue_dma source(%dma_start3A_83 : memref<16x1024xf32, #tpu.memory_space<hbm>>) target(%arg5 : memref<16x1024xf32, #tpu.memory_space<vmem>>) target_semaphore(%arg11 : memref<!tpu.dma_semaphore, #tpu.memory_space<semaphore_mem>>)
    } else {
    }
    %scan3A = arith.constant 0 : i32
    %scan3A_54 = arith.constant 0 : i32
    %scan3A_55 = arith.constant 40 : i32
    %scan3A_56 = arith.addi %scan3A_54, %scan3A_55 : i32
    %scan3A_57 = arith.constant 1 : i32
    scf.for %scan3A_77 = %scan3A_54 to %scan3A_56 step %scan3A_57  : i32 {
      %mul3A_78 = arith.constant 2 : i32
      %mul3A_79 = arith.muli %mul3A_78, %scan3A_77 : i32
      %add3A_80 = arith.constant 1 : i32
      %add3A_81 = arith.addi %mul3A_79, %add3A_80 : i32
      %mul3A_82 = arith.constant 32 : i32
      %mul3A_83 = arith.muli %mul3A_79, %mul3A_82 : i32
      %add3A_84 = arith.addi %mul3A_83, %add3A : i32
      %mul3A_85 = arith.constant 32 : i32
      %mul3A_86 = arith.muli %add3A_81, %mul3A_85 : i32
      %add3A_87 = arith.addi %mul3A_86, %add3A : i32
      %lt3A_88 = arith.constant 2539 : i32
      %lt3A_89 = arith.cmpi slt, %add3A_87, %lt3A_88 : i32
      %convert_element_type3A_90 = arith.extui %lt3A_89 : i1 to i32
      %cond3A_91 = arith.constant 0 : i32
      %cond3A_92 = arith.cmpi ne, %convert_element_type3A_90, %cond3A_91 : i32
      scf.if %cond3A_92 {
        %mul3A_113 = arith.constant 1024 : i32
        %mul3A_114 = arith.muli %add3A_87, %mul3A_113 : i32
        %dma_start3A = arith.constant 0 : i32
        %dma_start3A_115 = tpu.memref_slice %arg2[%dma_start3A, %mul3A_114] : memref<16x2600000xf32, #tpu.memory_space<hbm>> -> memref<16x1024xf32, #tpu.memory_space<hbm>>
        %dma_start3A_116 = arith.constant 0 : i32
        %dma_start3A_117 = tpu.memref_slice %arg2[%dma_start3A_116, %mul3A_114] : memref<16x2600000xf32, #tpu.memory_space<hbm>> -> memref<16x1024xf32, #tpu.memory_space<hbm>>
        tpu.enqueue_dma source(%dma_start3A_117 : memref<16x1024xf32, #tpu.memory_space<hbm>>) target(%arg6 : memref<16x1024xf32, #tpu.memory_space<vmem>>) target_semaphore(%arg12 : memref<!tpu.dma_semaphore, #tpu.memory_space<semaphore_mem>>)
      } else {
      }
      %lt3A_93 = arith.constant 2539 : i32
      %lt3A_94 = arith.cmpi slt, %add3A_84, %lt3A_93 : i32
      %convert_element_type3A_95 = arith.extui %lt3A_94 : i1 to i32
      %cond3A_96 = arith.constant 0 : i32
      %cond3A_97 = arith.cmpi ne, %convert_element_type3A_95, %cond3A_96 : i32
      scf.if %cond3A_97 {
        %gt3A = arith.constant 0 : i32
        %gt3A_113 = arith.cmpi sgt, %scan3A_77, %gt3A : i32
        %convert_element_type3A_114 = arith.extui %gt3A_113 : i1 to i32
        %cond3A_115 = arith.constant 0 : i32
        %cond3A_116 = arith.cmpi ne, %convert_element_type3A_114, %cond3A_115 : i32
        scf.if %cond3A_116 {
          %sub3A = arith.constant 2 : i32
          %sub3A_133 = arith.subi %mul3A_79, %sub3A : i32
          %mul3A_134 = arith.constant 32 : i32
          %mul3A_135 = arith.muli %sub3A_133, %mul3A_134 : i32
          %add3A_136 = arith.addi %mul3A_135, %add3A : i32
          %mul3A_137 = arith.constant 64 : i32
          %mul3A_138 = arith.muli %add3A_136, %mul3A_137 : i32
          %dma_wait3A_139 = arith.constant 0 : i32
          %dma_wait3A_140 = tpu.memref_slice %arg4[%mul3A_138, %dma_wait3A_139] : memref<162500x128xi32, #tpu.memory_space<hbm>> -> memref<64x128xi32, #tpu.memory_space<hbm>>
          %dma_wait3A_141 = arith.constant 0 : i32
          %dma_wait3A_142 = tpu.memref_slice %arg4[%mul3A_138, %dma_wait3A_141] : memref<162500x128xi32, #tpu.memory_space<hbm>> -> memref<64x128xi32, #tpu.memory_space<hbm>>
          tpu.wait_dma2 semaphore(%arg13 : memref<!tpu.dma_semaphore, #tpu.memory_space<semaphore_mem>>) src(%arg7 : memref<64x128xi32, #tpu.memory_space<vmem>>) dst(%dma_wait3A_142 : memref<64x128xi32, #tpu.memory_space<hbm>>)
        } else {
        }
        %dma_wait3A = arith.constant 0 : i32
        %dma_wait3A_117 = arith.constant 0 : i32
        %dma_wait3A_118 = tpu.memref_slice %arg2[%dma_wait3A, %dma_wait3A_117] : memref<16x2600000xf32, #tpu.memory_space<hbm>> -> memref<16x1024xf32, #tpu.memory_space<hbm>>
        %dma_wait3A_119 = arith.constant 0 : i32
        %dma_wait3A_120 = arith.constant 0 : i32
        %dma_wait3A_121 = tpu.memref_slice %arg2[%dma_wait3A_119, %dma_wait3A_120] : memref<16x2600000xf32, #tpu.memory_space<hbm>> -> memref<16x1024xf32, #tpu.memory_space<hbm>>
        tpu.wait_dma2 semaphore(%arg11 : memref<!tpu.dma_semaphore, #tpu.memory_space<semaphore_mem>>) src(%dma_wait3A_121 : memref<16x1024xf32, #tpu.memory_space<hbm>>) dst(%arg5 : memref<16x1024xf32, #tpu.memory_space<vmem>>)
        %scan3A_122 = arith.constant 0 : i32
        %scan3A_123 = arith.constant 0 : i32
        %scan3A_124 = arith.constant 64 : i32
        %scan3A_125 = arith.addi %scan3A_123, %scan3A_124 : i32
        %scan3A_126 = arith.constant 4 : i32
        scf.for %scan3A_133 = %scan3A_123 to %scan3A_125 step %scan3A_126  : i32 {
          %mul3A_134 = arith.constant 16 : i32
          %mul3A_135 = arith.muli %scan3A_133, %mul3A_134 : i32
          %add3A_136 = vector.broadcast %scan3A_133 : i32 to vector<16xi32>
          %add3A_137 = arith.addi %broadcast_in_dim3A_49, %add3A_136 : vector<16xi32>
          %get3A = arith.constant 0 : i32
          %get3A_138 = arith.index_cast %get3A : i32 to index
          %get3A_139 = arith.index_cast %mul3A_135 : i32 to index
          %get3A_140 = tpu.vector_load %arg5[%get3A_138, %get3A_139] {strides = array<i32>} : memref<16x1024xf32, #tpu.memory_space<vmem>>, vector<16xf32>,
          %get3A_141 = arith.constant 1 : i32
          %get3A_142 = arith.index_cast %get3A_141 : i32 to index
          %get3A_143 = arith.index_cast %mul3A_135 : i32 to index
          %get3A_144 = tpu.vector_load %arg5[%get3A_142, %get3A_143] {strides = array<i32>} : memref<16x1024xf32, #tpu.memory_space<vmem>>, vector<16xf32>,
          %pack3A = tpu.pack_subelements %get3A_140, %get3A_144 {pack_format = #tpu.pack_format<interleaved>, positions = array<i32: 0, 1>} : vector<16xf32>, vector<16xf32> -> vector<32xbf16>
          %bitcast3A = vector.bitcast %pack3A : vector<32xbf16> to vector<16xi32>
          tpu.vector_store_idx %arg7[%add3A_137, %add3A_6], %bitcast3A : memref<64x128xi32, #tpu.memory_space<vmem>>[vector<16xi32>, vector<16xi32>], vector<16xi32>,
          %get3A_145 = arith.constant 2 : i32
          %get3A_146 = arith.index_cast %get3A_145 : i32 to index
          %get3A_147 = arith.index_cast %mul3A_135 : i32 to index
          %get3A_148 = tpu.vector_load %arg5[%get3A_146, %get3A_147] {strides = array<i32>} : memref<16x1024xf32, #tpu.memory_space<vmem>>, vector<16xf32>,
          %get3A_149 = arith.constant 3 : i32
          %get3A_150 = arith.index_cast %get3A_149 : i32 to index
          %get3A_151 = arith.index_cast %mul3A_135 : i32 to index
          %get3A_152 = tpu.vector_load %arg5[%get3A_150, %get3A_151] {strides = array<i32>} : memref<16x1024xf32, #tpu.memory_space<vmem>>, vector<16xf32>,
          %pack3A_153 = tpu.pack_subelements %get3A_148, %get3A_152 {pack_format = #tpu.pack_format<interleaved>, positions = array<i32: 0, 1>} : vector<16xf32>, vector<16xf32> -> vector<32xbf16>
          %bitcast3A_154 = vector.bitcast %pack3A_153 : vector<32xbf16> to vector<16xi32>
          tpu.vector_store_idx %arg7[%add3A_137, %add3A_12], %bitcast3A_154 : memref<64x128xi32, #tpu.memory_space<vmem>>[vector<16xi32>, vector<16xi32>], vector<16xi32>,
          %get3A_155 = arith.constant 4 : i32
          %get3A_156 = arith.index_cast %get3A_155 : i32 to index
          %get3A_157 = arith.index_cast %mul3A_135 : i32 to index
          %get3A_158 = tpu.vector_load %arg5[%get3A_156, %get3A_157] {strides = array<i32>} : memref<16x1024xf32, #tpu.memory_space<vmem>>, vector<16xf32>,
          %get3A_159 = arith.constant 5 : i32
          %get3A_160 = arith.index_cast %get3A_159 : i32 to index
          %get3A_161 = arith.index_cast %mul3A_135 : i32 to index
          %get3A_162 = tpu.vector_load %arg5[%get3A_160, %get3A_161] {strides = array<i32>} : memref<16x1024xf32, #tpu.memory_space<vmem>>, vector<16xf32>,
          %pack3A_163 = tpu.pack_subelements %get3A_158, %get3A_162 {pack_format = #tpu.pack_format<interleaved>, positions = array<i32: 0, 1>} : vector<16xf32>, vector<16xf32> -> vector<32xbf16>
          %bitcast3A_164 = vector.bitcast %pack3A_163 : vector<32xbf16> to vector<16xi32>
          tpu.vector_store_idx %arg7[%add3A_137, %add3A_18], %bitcast3A_164 : memref<64x128xi32, #tpu.memory_space<vmem>>[vector<16xi32>, vector<16xi32>], vector<16xi32>,
          %get3A_165 = arith.constant 6 : i32
          %get3A_166 = arith.index_cast %get3A_165 : i32 to index
          %get3A_167 = arith.index_cast %mul3A_135 : i32 to index
          %get3A_168 = tpu.vector_load %arg5[%get3A_166, %get3A_167] {strides = array<i32>} : memref<16x1024xf32, #tpu.memory_space<vmem>>, vector<16xf32>,
          %get3A_169 = arith.constant 7 : i32
          %get3A_170 = arith.index_cast %get3A_169 : i32 to index
          %get3A_171 = arith.index_cast %mul3A_135 : i32 to index
          %get3A_172 = tpu.vector_load %arg5[%get3A_170, %get3A_171] {strides = array<i32>} : memref<16x1024xf32, #tpu.memory_space<vmem>>, vector<16xf32>,
          %pack3A_173 = tpu.pack_subelements %get3A_168, %get3A_172 {pack_format = #tpu.pack_format<interleaved>, positions = array<i32: 0, 1>} : vector<16xf32>, vector<16xf32> -> vector<32xbf16>
          %bitcast3A_174 = vector.bitcast %pack3A_173 : vector<32xbf16> to vector<16xi32>
          tpu.vector_store_idx %arg7[%add3A_137, %add3A_24], %bitcast3A_174 : memref<64x128xi32, #tpu.memory_space<vmem>>[vector<16xi32>, vector<16xi32>], vector<16xi32>,
          %get3A_175 = arith.constant 8 : i32
          %get3A_176 = arith.index_cast %get3A_175 : i32 to index
          %get3A_177 = arith.index_cast %mul3A_135 : i32 to index
          %get3A_178 = tpu.vector_load %arg5[%get3A_176, %get3A_177] {strides = array<i32>} : memref<16x1024xf32, #tpu.memory_space<vmem>>, vector<16xf32>,
          %get3A_179 = arith.constant 9 : i32
          %get3A_180 = arith.index_cast %get3A_179 : i32 to index
          %get3A_181 = arith.index_cast %mul3A_135 : i32 to index
          %get3A_182 = tpu.vector_load %arg5[%get3A_180, %get3A_181] {strides = array<i32>} : memref<16x1024xf32, #tpu.memory_space<vmem>>, vector<16xf32>,
          %pack3A_183 = tpu.pack_subelements %get3A_178, %get3A_182 {pack_format = #tpu.pack_format<interleaved>, positions = array<i32: 0, 1>} : vector<16xf32>, vector<16xf32> -> vector<32xbf16>
          %bitcast3A_184 = vector.bitcast %pack3A_183 : vector<32xbf16> to vector<16xi32>
          tpu.vector_store_idx %arg7[%add3A_137, %add3A_30], %bitcast3A_184 : memref<64x128xi32, #tpu.memory_space<vmem>>[vector<16xi32>, vector<16xi32>], vector<16xi32>,
          %get3A_185 = arith.constant 10 : i32
          %get3A_186 = arith.index_cast %get3A_185 : i32 to index
          %get3A_187 = arith.index_cast %mul3A_135 : i32 to index
          %get3A_188 = tpu.vector_load %arg5[%get3A_186, %get3A_187] {strides = array<i32>} : memref<16x1024xf32, #tpu.memory_space<vmem>>, vector<16xf32>,
          %get3A_189 = arith.constant 11 : i32
          %get3A_190 = arith.index_cast %get3A_189 : i32 to index
          %get3A_191 = arith.index_cast %mul3A_135 : i32 to index
          %get3A_192 = tpu.vector_load %arg5[%get3A_190, %get3A_191] {strides = array<i32>} : memref<16x1024xf32, #tpu.memory_space<vmem>>, vector<16xf32>,
          %pack3A_193 = tpu.pack_subelements %get3A_188, %get3A_192 {pack_format = #tpu.pack_format<interleaved>, positions = array<i32: 0, 1>} : vector<16xf32>, vector<16xf32> -> vector<32xbf16>
          %bitcast3A_194 = vector.bitcast %pack3A_193 : vector<32xbf16> to vector<16xi32>
          tpu.vector_store_idx %arg7[%add3A_137, %add3A_36], %bitcast3A_194 : memref<64x128xi32, #tpu.memory_space<vmem>>[vector<16xi32>, vector<16xi32>], vector<16xi32>,
          %get3A_195 = arith.constant 12 : i32
          %get3A_196 = arith.index_cast %get3A_195 : i32 to index
          %get3A_197 = arith.index_cast %mul3A_135 : i32 to index
          %get3A_198 = tpu.vector_load %arg5[%get3A_196, %get3A_197] {strides = array<i32>} : memref<16x1024xf32, #tpu.memory_space<vmem>>, vector<16xf32>,
          %get3A_199 = arith.constant 13 : i32
          %get3A_200 = arith.index_cast %get3A_199 : i32 to index
          %get3A_201 = arith.index_cast %mul3A_135 : i32 to index
          %get3A_202 = tpu.vector_load %arg5[%get3A_200, %get3A_201] {strides = array<i32>} : memref<16x1024xf32, #tpu.memory_space<vmem>>, vector<16xf32>,
          %pack3A_203 = tpu.pack_subelements %get3A_198, %get3A_202 {pack_format = #tpu.pack_format<interleaved>, positions = array<i32: 0, 1>} : vector<16xf32>, vector<16xf32> -> vector<32xbf16>
          %bitcast3A_204 = vector.bitcast %pack3A_203 : vector<32xbf16> to vector<16xi32>
          tpu.vector_store_idx %arg7[%add3A_137, %add3A_42], %bitcast3A_204 : memref<64x128xi32, #tpu.memory_space<vmem>>[vector<16xi32>, vector<16xi32>], vector<16xi32>,
          %get3A_205 = arith.constant 14 : i32
          %get3A_206 = arith.index_cast %get3A_205 : i32 to index
          %get3A_207 = arith.index_cast %mul3A_135 : i32 to index
          %get3A_208 = tpu.vector_load %arg5[%get3A_206, %get3A_207] {strides = array<i32>} : memref<16x1024xf32, #tpu.memory_space<vmem>>, vector<16xf32>,
          %get3A_209 = arith.constant 15 : i32
          %get3A_210 = arith.index_cast %get3A_209 : i32 to index
          %get3A_211 = arith.index_cast %mul3A_135 : i32 to index
          %get3A_212 = tpu.vector_load %arg5[%get3A_210, %get3A_211] {strides = array<i32>} : memref<16x1024xf32, #tpu.memory_space<vmem>>, vector<16xf32>,
          %pack3A_213 = tpu.pack_subelements %get3A_208, %get3A_212 {pack_format = #tpu.pack_format<interleaved>, positions = array<i32: 0, 1>} : vector<16xf32>, vector<16xf32> -> vector<32xbf16>
          %bitcast3A_214 = vector.bitcast %pack3A_213 : vector<32xbf16> to vector<16xi32>
          tpu.vector_store_idx %arg7[%add3A_137, %add3A_48], %bitcast3A_214 : memref<64x128xi32, #tpu.memory_space<vmem>>[vector<16xi32>, vector<16xi32>], vector<16xi32>,
          %scan3A_215 = arith.constant 1 : i32
          %scan3A_216 = arith.addi %scan3A_133, %scan3A_215 : i32
          %mul3A_217 = arith.constant 16 : i32
          %mul3A_218 = arith.muli %scan3A_216, %mul3A_217 : i32
          %add3A_219 = vector.broadcast %scan3A_216 : i32 to vector<16xi32>
          %add3A_220 = arith.addi %broadcast_in_dim3A_49, %add3A_219 : vector<16xi32>
          %get3A_221 = arith.constant 0 : i32
          %get3A_222 = arith.index_cast %get3A_221 : i32 to index
          %get3A_223 = arith.index_cast %mul3A_218 : i32 to index
          %get3A_224 = tpu.vector_load %arg5[%get3A_222, %get3A_223] {strides = array<i32>} : memref<16x1024xf32, #tpu.memory_space<vmem>>, vector<16xf32>,
          %get3A_225 = arith.constant 1 : i32
          %get3A_226 = arith.index_cast %get3A_225 : i32 to index
          %get3A_227 = arith.index_cast %mul3A_218 : i32 to index
          %get3A_228 = tpu.vector_load %arg5[%get3A_226, %get3A_227] {strides = array<i32>} : memref<16x1024xf32, #tpu.memory_space<vmem>>, vector<16xf32>,
          %pack3A_229 = tpu.pack_subelements %get3A_224, %get3A_228 {pack_format = #tpu.pack_format<interleaved>, positions = array<i32: 0, 1>} : vector<16xf32>, vector<16xf32> -> vector<32xbf16>
          %bitcast3A_230 = vector.bitcast %pack3A_229 : vector<32xbf16> to vector<16xi32>
          tpu.vector_store_idx %arg7[%add3A_220, %add3A_6], %bitcast3A_230 : memref<64x128xi32, #tpu.memory_space<vmem>>[vector<16xi32>, vector<16xi32>], vector<16xi32>,
          %get3A_231 = arith.constant 2 : i32
          %get3A_232 = arith.index_cast %get3A_231 : i32 to index
          %get3A_233 = arith.index_cast %mul3A_218 : i32 to index
          %get3A_234 = tpu.vector_load %arg5[%get3A_232, %get3A_233] {strides = array<i32>} : memref<16x1024xf32, #tpu.memory_space<vmem>>, vector<16xf32>,
          %get3A_235 = arith.constant 3 : i32
          %get3A_236 = arith.index_cast %get3A_235 : i32 to index
          %get3A_237 = arith.index_cast %mul3A_218 : i32 to index
          %get3A_238 = tpu.vector_load %arg5[%get3A_236, %get3A_237] {strides = array<i32>} : memref<16x1024xf32, #tpu.memory_space<vmem>>, vector<16xf32>,
          %pack3A_239 = tpu.pack_subelements %get3A_234, %get3A_238 {pack_format = #tpu.pack_format<interleaved>, positions = array<i32: 0, 1>} : vector<16xf32>, vector<16xf32> -> vector<32xbf16>
          %bitcast3A_240 = vector.bitcast %pack3A_239 : vector<32xbf16> to vector<16xi32>
          tpu.vector_store_idx %arg7[%add3A_220, %add3A_12], %bitcast3A_240 : memref<64x128xi32, #tpu.memory_space<vmem>>[vector<16xi32>, vector<16xi32>], vector<16xi32>,
          %get3A_241 = arith.constant 4 : i32
          %get3A_242 = arith.index_cast %get3A_241 : i32 to index
          %get3A_243 = arith.index_cast %mul3A_218 : i32 to index
          %get3A_244 = tpu.vector_load %arg5[%get3A_242, %get3A_243] {strides = array<i32>} : memref<16x1024xf32, #tpu.memory_space<vmem>>, vector<16xf32>,
          %get3A_245 = arith.constant 5 : i32
          %get3A_246 = arith.index_cast %get3A_245 : i32 to index
          %get3A_247 = arith.index_cast %mul3A_218 : i32 to index
          %get3A_248 = tpu.vector_load %arg5[%get3A_246, %get3A_247] {strides = array<i32>} : memref<16x1024xf32, #tpu.memory_space<vmem>>, vector<16xf32>,
          %pack3A_249 = tpu.pack_subelements %get3A_244, %get3A_248 {pack_format = #tpu.pack_format<interleaved>, positions = array<i32: 0, 1>} : vector<16xf32>, vector<16xf32> -> vector<32xbf16>
          %bitcast3A_250 = vector.bitcast %pack3A_249 : vector<32xbf16> to vector<16xi32>
          tpu.vector_store_idx %arg7[%add3A_220, %add3A_18], %bitcast3A_250 : memref<64x128xi32, #tpu.memory_space<vmem>>[vector<16xi32>, vector<16xi32>], vector<16xi32>,
          %get3A_251 = arith.constant 6 : i32
          %get3A_252 = arith.index_cast %get3A_251 : i32 to index
          %get3A_253 = arith.index_cast %mul3A_218 : i32 to index
          %get3A_254 = tpu.vector_load %arg5[%get3A_252, %get3A_253] {strides = array<i32>} : memref<16x1024xf32, #tpu.memory_space<vmem>>, vector<16xf32>,
          %get3A_255 = arith.constant 7 : i32
          %get3A_256 = arith.index_cast %get3A_255 : i32 to index
          %get3A_257 = arith.index_cast %mul3A_218 : i32 to index
          %get3A_258 = tpu.vector_load %arg5[%get3A_256, %get3A_257] {strides = array<i32>} : memref<16x1024xf32, #tpu.memory_space<vmem>>, vector<16xf32>,
          %pack3A_259 = tpu.pack_subelements %get3A_254, %get3A_258 {pack_format = #tpu.pack_format<interleaved>, positions = array<i32: 0, 1>} : vector<16xf32>, vector<16xf32> -> vector<32xbf16>
          %bitcast3A_260 = vector.bitcast %pack3A_259 : vector<32xbf16> to vector<16xi32>
          tpu.vector_store_idx %arg7[%add3A_220, %add3A_24], %bitcast3A_260 : memref<64x128xi32, #tpu.memory_space<vmem>>[vector<16xi32>, vector<16xi32>], vector<16xi32>,
          %get3A_261 = arith.constant 8 : i32
          %get3A_262 = arith.index_cast %get3A_261 : i32 to index
          %get3A_263 = arith.index_cast %mul3A_218 : i32 to index
          %get3A_264 = tpu.vector_load %arg5[%get3A_262, %get3A_263] {strides = array<i32>} : memref<16x1024xf32, #tpu.memory_space<vmem>>, vector<16xf32>,
          %get3A_265 = arith.constant 9 : i32
          %get3A_266 = arith.index_cast %get3A_265 : i32 to index
          %get3A_267 = arith.index_cast %mul3A_218 : i32 to index
          %get3A_268 = tpu.vector_load %arg5[%get3A_266, %get3A_267] {strides = array<i32>} : memref<16x1024xf32, #tpu.memory_space<vmem>>, vector<16xf32>,
          %pack3A_269 = tpu.pack_subelements %get3A_264, %get3A_268 {pack_format = #tpu.pack_format<interleaved>, positions = array<i32: 0, 1>} : vector<16xf32>, vector<16xf32> -> vector<32xbf16>
          %bitcast3A_270 = vector.bitcast %pack3A_269 : vector<32xbf16> to vector<16xi32>
          tpu.vector_store_idx %arg7[%add3A_220, %add3A_30], %bitcast3A_270 : memref<64x128xi32, #tpu.memory_space<vmem>>[vector<16xi32>, vector<16xi32>], vector<16xi32>,
          %get3A_271 = arith.constant 10 : i32
          %get3A_272 = arith.index_cast %get3A_271 : i32 to index
          %get3A_273 = arith.index_cast %mul3A_218 : i32 to index
          %get3A_274 = tpu.vector_load %arg5[%get3A_272, %get3A_273] {strides = array<i32>} : memref<16x1024xf32, #tpu.memory_space<vmem>>, vector<16xf32>,
          %get3A_275 = arith.constant 11 : i32
          %get3A_276 = arith.index_cast %get3A_275 : i32 to index
          %get3A_277 = arith.index_cast %mul3A_218 : i32 to index
          %get3A_278 = tpu.vector_load %arg5[%get3A_276, %get3A_277] {strides = array<i32>} : memref<16x1024xf32, #tpu.memory_space<vmem>>, vector<16xf32>,
          %pack3A_279 = tpu.pack_subelements %get3A_274, %get3A_278 {pack_format = #tpu.pack_format<interleaved>, positions = array<i32: 0, 1>} : vector<16xf32>, vector<16xf32> -> vector<32xbf16>
          %bitcast3A_280 = vector.bitcast %pack3A_279 : vector<32xbf16> to vector<16xi32>
          tpu.vector_store_idx %arg7[%add3A_220, %add3A_36], %bitcast3A_280 : memref<64x128xi32, #tpu.memory_space<vmem>>[vector<16xi32>, vector<16xi32>], vector<16xi32>,
          %get3A_281 = arith.constant 12 : i32
          %get3A_282 = arith.index_cast %get3A_281 : i32 to index
          %get3A_283 = arith.index_cast %mul3A_218 : i32 to index
          %get3A_284 = tpu.vector_load %arg5[%get3A_282, %get3A_283] {strides = array<i32>} : memref<16x1024xf32, #tpu.memory_space<vmem>>, vector<16xf32>,
          %get3A_285 = arith.constant 13 : i32
          %get3A_286 = arith.index_cast %get3A_285 : i32 to index
          %get3A_287 = arith.index_cast %mul3A_218 : i32 to index
          %get3A_288 = tpu.vector_load %arg5[%get3A_286, %get3A_287] {strides = array<i32>} : memref<16x1024xf32, #tpu.memory_space<vmem>>, vector<16xf32>,
          %pack3A_289 = tpu.pack_subelements %get3A_284, %get3A_288 {pack_format = #tpu.pack_format<interleaved>, positions = array<i32: 0, 1>} : vector<16xf32>, vector<16xf32> -> vector<32xbf16>
          %bitcast3A_290 = vector.bitcast %pack3A_289 : vector<32xbf16> to vector<16xi32>
          tpu.vector_store_idx %arg7[%add3A_220, %add3A_42], %bitcast3A_290 : memref<64x128xi32, #tpu.memory_space<vmem>>[vector<16xi32>, vector<16xi32>], vector<16xi32>,
          %get3A_291 = arith.constant 14 : i32
          %get3A_292 = arith.index_cast %get3A_291 : i32 to index
          %get3A_293 = arith.index_cast %mul3A_218 : i32 to index
          %get3A_294 = tpu.vector_load %arg5[%get3A_292, %get3A_293] {strides = array<i32>} : memref<16x1024xf32, #tpu.memory_space<vmem>>, vector<16xf32>,
          %get3A_295 = arith.constant 15 : i32
          %get3A_296 = arith.index_cast %get3A_295 : i32 to index
          %get3A_297 = arith.index_cast %mul3A_218 : i32 to index
          %get3A_298 = tpu.vector_load %arg5[%get3A_296, %get3A_297] {strides = array<i32>} : memref<16x1024xf32, #tpu.memory_space<vmem>>, vector<16xf32>,
          %pack3A_299 = tpu.pack_subelements %get3A_294, %get3A_298 {pack_format = #tpu.pack_format<interleaved>, positions = array<i32: 0, 1>} : vector<16xf32>, vector<16xf32> -> vector<32xbf16>
          %bitcast3A_300 = vector.bitcast %pack3A_299 : vector<32xbf16> to vector<16xi32>
          tpu.vector_store_idx %arg7[%add3A_220, %add3A_48], %bitcast3A_300 : memref<64x128xi32, #tpu.memory_space<vmem>>[vector<16xi32>, vector<16xi32>], vector<16xi32>,
          %scan3A_301 = arith.constant 2 : i32
          %scan3A_302 = arith.addi %scan3A_133, %scan3A_301 : i32
          %mul3A_303 = arith.constant 16 : i32
          %mul3A_304 = arith.muli %scan3A_302, %mul3A_303 : i32
          %add3A_305 = vector.broadcast %scan3A_302 : i32 to vector<16xi32>
          %add3A_306 = arith.addi %broadcast_in_dim3A_49, %add3A_305 : vector<16xi32>
          %get3A_307 = arith.constant 0 : i32
          %get3A_308 = arith.index_cast %get3A_307 : i32 to index
          %get3A_309 = arith.index_cast %mul3A_304 : i32 to index
          %get3A_310 = tpu.vector_load %arg5[%get3A_308, %get3A_309] {strides = array<i32>} : memref<16x1024xf32, #tpu.memory_space<vmem>>, vector<16xf32>,
          %get3A_311 = arith.constant 1 : i32
          %get3A_312 = arith.index_cast %get3A_311 : i32 to index
          %get3A_313 = arith.index_cast %mul3A_304 : i32 to index
          %get3A_314 = tpu.vector_load %arg5[%get3A_312, %get3A_313] {strides = array<i32>} : memref<16x1024xf32, #tpu.memory_space<vmem>>, vector<16xf32>,
          %pack3A_315 = tpu.pack_subelements %get3A_310, %get3A_314 {pack_format = #tpu.pack_format<interleaved>, positions = array<i32: 0, 1>} : vector<16xf32>, vector<16xf32> -> vector<32xbf16>
          %bitcast3A_316 = vector.bitcast %pack3A_315 : vector<32xbf16> to vector<16xi32>
          tpu.vector_store_idx %arg7[%add3A_306, %add3A_6], %bitcast3A_316 : memref<64x128xi32, #tpu.memory_space<vmem>>[vector<16xi32>, vector<16xi32>], vector<16xi32>,
          %get3A_317 = arith.constant 2 : i32
          %get3A_318 = arith.index_cast %get3A_317 : i32 to index
          %get3A_319 = arith.index_cast %mul3A_304 : i32 to index
          %get3A_320 = tpu.vector_load %arg5[%get3A_318, %get3A_319] {strides = array<i32>} : memref<16x1024xf32, #tpu.memory_space<vmem>>, vector<16xf32>,
          %get3A_321 = arith.constant 3 : i32
          %get3A_322 = arith.index_cast %get3A_321 : i32 to index
          %get3A_323 = arith.index_cast %mul3A_304 : i32 to index
          %get3A_324 = tpu.vector_load %arg5[%get3A_322, %get3A_323] {strides = array<i32>} : memref<16x1024xf32, #tpu.memory_space<vmem>>, vector<16xf32>,
          %pack3A_325 = tpu.pack_subelements %get3A_320, %get3A_324 {pack_format = #tpu.pack_format<interleaved>, positions = array<i32: 0, 1>} : vector<16xf32>, vector<16xf32> -> vector<32xbf16>
          %bitcast3A_326 = vector.bitcast %pack3A_325 : vector<32xbf16> to vector<16xi32>
          tpu.vector_store_idx %arg7[%add3A_306, %add3A_12], %bitcast3A_326 : memref<64x128xi32, #tpu.memory_space<vmem>>[vector<16xi32>, vector<16xi32>], vector<16xi32>,
          %get3A_327 = arith.constant 4 : i32
          %get3A_328 = arith.index_cast %get3A_327 : i32 to index
          %get3A_329 = arith.index_cast %mul3A_304 : i32 to index
          %get3A_330 = tpu.vector_load %arg5[%get3A_328, %get3A_329] {strides = array<i32>} : memref<16x1024xf32, #tpu.memory_space<vmem>>, vector<16xf32>,
          %get3A_331 = arith.constant 5 : i32
          %get3A_332 = arith.index_cast %get3A_331 : i32 to index
          %get3A_333 = arith.index_cast %mul3A_304 : i32 to index
          %get3A_334 = tpu.vector_load %arg5[%get3A_332, %get3A_333] {strides = array<i32>} : memref<16x1024xf32, #tpu.memory_space<vmem>>, vector<16xf32>,
          %pack3A_335 = tpu.pack_subelements %get3A_330, %get3A_334 {pack_format = #tpu.pack_format<interleaved>, positions = array<i32: 0, 1>} : vector<16xf32>, vector<16xf32> -> vector<32xbf16>
          %bitcast3A_336 = vector.bitcast %pack3A_335 : vector<32xbf16> to vector<16xi32>
          tpu.vector_store_idx %arg7[%add3A_306, %add3A_18], %bitcast3A_336 : memref<64x128xi32, #tpu.memory_space<vmem>>[vector<16xi32>, vector<16xi32>], vector<16xi32>,
          %get3A_337 = arith.constant 6 : i32
          %get3A_338 = arith.index_cast %get3A_337 : i32 to index
          %get3A_339 = arith.index_cast %mul3A_304 : i32 to index
          %get3A_340 = tpu.vector_load %arg5[%get3A_338, %get3A_339] {strides = array<i32>} : memref<16x1024xf32, #tpu.memory_space<vmem>>, vector<16xf32>,
          %get3A_341 = arith.constant 7 : i32
          %get3A_342 = arith.index_cast %get3A_341 : i32 to index
          %get3A_343 = arith.index_cast %mul3A_304 : i32 to index
          %get3A_344 = tpu.vector_load %arg5[%get3A_342, %get3A_343] {strides = array<i32>} : memref<16x1024xf32, #tpu.memory_space<vmem>>, vector<16xf32>,
          %pack3A_345 = tpu.pack_subelements %get3A_340, %get3A_344 {pack_format = #tpu.pack_format<interleaved>, positions = array<i32: 0, 1>} : vector<16xf32>, vector<16xf32> -> vector<32xbf16>
          %bitcast3A_346 = vector.bitcast %pack3A_345 : vector<32xbf16> to vector<16xi32>
          tpu.vector_store_idx %arg7[%add3A_306, %add3A_24], %bitcast3A_346 : memref<64x128xi32, #tpu.memory_space<vmem>>[vector<16xi32>, vector<16xi32>], vector<16xi32>,
          %get3A_347 = arith.constant 8 : i32
          %get3A_348 = arith.index_cast %get3A_347 : i32 to index
          %get3A_349 = arith.index_cast %mul3A_304 : i32 to index
          %get3A_350 = tpu.vector_load %arg5[%get3A_348, %get3A_349] {strides = array<i32>} : memref<16x1024xf32, #tpu.memory_space<vmem>>, vector<16xf32>,
          %get3A_351 = arith.constant 9 : i32
          %get3A_352 = arith.index_cast %get3A_351 : i32 to index
          %get3A_353 = arith.index_cast %mul3A_304 : i32 to index
          %get3A_354 = tpu.vector_load %arg5[%get3A_352, %get3A_353] {strides = array<i32>} : memref<16x1024xf32, #tpu.memory_space<vmem>>, vector<16xf32>,
          %pack3A_355 = tpu.pack_subelements %get3A_350, %get3A_354 {pack_format = #tpu.pack_format<interleaved>, positions = array<i32: 0, 1>} : vector<16xf32>, vector<16xf32> -> vector<32xbf16>
          %bitcast3A_356 = vector.bitcast %pack3A_355 : vector<32xbf16> to vector<16xi32>
          tpu.vector_store_idx %arg7[%add3A_306, %add3A_30], %bitcast3A_356 : memref<64x128xi32, #tpu.memory_space<vmem>>[vector<16xi32>, vector<16xi32>], vector<16xi32>,
          %get3A_357 = arith.constant 10 : i32
          %get3A_358 = arith.index_cast %get3A_357 : i32 to index
          %get3A_359 = arith.index_cast %mul3A_304 : i32 to index
          %get3A_360 = tpu.vector_load %arg5[%get3A_358, %get3A_359] {strides = array<i32>} : memref<16x1024xf32, #tpu.memory_space<vmem>>, vector<16xf32>,
          %get3A_361 = arith.constant 11 : i32
          %get3A_362 = arith.index_cast %get3A_361 : i32 to index
          %get3A_363 = arith.index_cast %mul3A_304 : i32 to index
          %get3A_364 = tpu.vector_load %arg5[%get3A_362, %get3A_363] {strides = array<i32>} : memref<16x1024xf32, #tpu.memory_space<vmem>>, vector<16xf32>,
          %pack3A_365 = tpu.pack_subelements %get3A_360, %get3A_364 {pack_format = #tpu.pack_format<interleaved>, positions = array<i32: 0, 1>} : vector<16xf32>, vector<16xf32> -> vector<32xbf16>
          %bitcast3A_366 = vector.bitcast %pack3A_365 : vector<32xbf16> to vector<16xi32>
          tpu.vector_store_idx %arg7[%add3A_306, %add3A_36], %bitcast3A_366 : memref<64x128xi32, #tpu.memory_space<vmem>>[vector<16xi32>, vector<16xi32>], vector<16xi32>,
          %get3A_367 = arith.constant 12 : i32
          %get3A_368 = arith.index_cast %get3A_367 : i32 to index
          %get3A_369 = arith.index_cast %mul3A_304 : i32 to index
          %get3A_370 = tpu.vector_load %arg5[%get3A_368, %get3A_369] {strides = array<i32>} : memref<16x1024xf32, #tpu.memory_space<vmem>>, vector<16xf32>,
          %get3A_371 = arith.constant 13 : i32
          %get3A_372 = arith.index_cast %get3A_371 : i32 to index
          %get3A_373 = arith.index_cast %mul3A_304 : i32 to index
          %get3A_374 = tpu.vector_load %arg5[%get3A_372, %get3A_373] {strides = array<i32>} : memref<16x1024xf32, #tpu.memory_space<vmem>>, vector<16xf32>,
          %pack3A_375 = tpu.pack_subelements %get3A_370, %get3A_374 {pack_format = #tpu.pack_format<interleaved>, positions = array<i32: 0, 1>} : vector<16xf32>, vector<16xf32> -> vector<32xbf16>
          %bitcast3A_376 = vector.bitcast %pack3A_375 : vector<32xbf16> to vector<16xi32>
          tpu.vector_store_idx %arg7[%add3A_306, %add3A_42], %bitcast3A_376 : memref<64x128xi32, #tpu.memory_space<vmem>>[vector<16xi32>, vector<16xi32>], vector<16xi32>,
          %get3A_377 = arith.constant 14 : i32
          %get3A_378 = arith.index_cast %get3A_377 : i32 to index
          %get3A_379 = arith.index_cast %mul3A_304 : i32 to index
          %get3A_380 = tpu.vector_load %arg5[%get3A_378, %get3A_379] {strides = array<i32>} : memref<16x1024xf32, #tpu.memory_space<vmem>>, vector<16xf32>,
          %get3A_381 = arith.constant 15 : i32
          %get3A_382 = arith.index_cast %get3A_381 : i32 to index
          %get3A_383 = arith.index_cast %mul3A_304 : i32 to index
          %get3A_384 = tpu.vector_load %arg5[%get3A_382, %get3A_383] {strides = array<i32>} : memref<16x1024xf32, #tpu.memory_space<vmem>>, vector<16xf32>,
          %pack3A_385 = tpu.pack_subelements %get3A_380, %get3A_384 {pack_format = #tpu.pack_format<interleaved>, positions = array<i32: 0, 1>} : vector<16xf32>, vector<16xf32> -> vector<32xbf16>
          %bitcast3A_386 = vector.bitcast %pack3A_385 : vector<32xbf16> to vector<16xi32>
          tpu.vector_store_idx %arg7[%add3A_306, %add3A_48], %bitcast3A_386 : memref<64x128xi32, #tpu.memory_space<vmem>>[vector<16xi32>, vector<16xi32>], vector<16xi32>,
          %scan3A_387 = arith.constant 3 : i32
          %scan3A_388 = arith.addi %scan3A_133, %scan3A_387 : i32
          %mul3A_389 = arith.constant 16 : i32
          %mul3A_390 = arith.muli %scan3A_388, %mul3A_389 : i32
          %add3A_391 = vector.broadcast %scan3A_388 : i32 to vector<16xi32>
          %add3A_392 = arith.addi %broadcast_in_dim3A_49, %add3A_391 : vector<16xi32>
          %get3A_393 = arith.constant 0 : i32
          %get3A_394 = arith.index_cast %get3A_393 : i32 to index
          %get3A_395 = arith.index_cast %mul3A_390 : i32 to index
          %get3A_396 = tpu.vector_load %arg5[%get3A_394, %get3A_395] {strides = array<i32>} : memref<16x1024xf32, #tpu.memory_space<vmem>>, vector<16xf32>,
          %get3A_397 = arith.constant 1 : i32
          %get3A_398 = arith.index_cast %get3A_397 : i32 to index
          %get3A_399 = arith.index_cast %mul3A_390 : i32 to index
          %get3A_400 = tpu.vector_load %arg5[%get3A_398, %get3A_399] {strides = array<i32>} : memref<16x1024xf32, #tpu.memory_space<vmem>>, vector<16xf32>,
          %pack3A_401 = tpu.pack_subelements %get3A_396, %get3A_400 {pack_format = #tpu.pack_format<interleaved>, positions = array<i32: 0, 1>} : vector<16xf32>, vector<16xf32> -> vector<32xbf16>
          %bitcast3A_402 = vector.bitcast %pack3A_401 : vector<32xbf16> to vector<16xi32>
          tpu.vector_store_idx %arg7[%add3A_392, %add3A_6], %bitcast3A_402 : memref<64x128xi32, #tpu.memory_space<vmem>>[vector<16xi32>, vector<16xi32>], vector<16xi32>,
          %get3A_403 = arith.constant 2 : i32
          %get3A_404 = arith.index_cast %get3A_403 : i32 to index
          %get3A_405 = arith.index_cast %mul3A_390 : i32 to index
          %get3A_406 = tpu.vector_load %arg5[%get3A_404, %get3A_405] {strides = array<i32>} : memref<16x1024xf32, #tpu.memory_space<vmem>>, vector<16xf32>,
          %get3A_407 = arith.constant 3 : i32
          %get3A_408 = arith.index_cast %get3A_407 : i32 to index
          %get3A_409 = arith.index_cast %mul3A_390 : i32 to index
          %get3A_410 = tpu.vector_load %arg5[%get3A_408, %get3A_409] {strides = array<i32>} : memref<16x1024xf32, #tpu.memory_space<vmem>>, vector<16xf32>,
          %pack3A_411 = tpu.pack_subelements %get3A_406, %get3A_410 {pack_format = #tpu.pack_format<interleaved>, positions = array<i32: 0, 1>} : vector<16xf32>, vector<16xf32> -> vector<32xbf16>
          %bitcast3A_412 = vector.bitcast %pack3A_411 : vector<32xbf16> to vector<16xi32>
          tpu.vector_store_idx %arg7[%add3A_392, %add3A_12], %bitcast3A_412 : memref<64x128xi32, #tpu.memory_space<vmem>>[vector<16xi32>, vector<16xi32>], vector<16xi32>,
          %get3A_413 = arith.constant 4 : i32
          %get3A_414 = arith.index_cast %get3A_413 : i32 to index
          %get3A_415 = arith.index_cast %mul3A_390 : i32 to index
          %get3A_416 = tpu.vector_load %arg5[%get3A_414, %get3A_415] {strides = array<i32>} : memref<16x1024xf32, #tpu.memory_space<vmem>>, vector<16xf32>,
          %get3A_417 = arith.constant 5 : i32
          %get3A_418 = arith.index_cast %get3A_417 : i32 to index
          %get3A_419 = arith.index_cast %mul3A_390 : i32 to index
          %get3A_420 = tpu.vector_load %arg5[%get3A_418, %get3A_419] {strides = array<i32>} : memref<16x1024xf32, #tpu.memory_space<vmem>>, vector<16xf32>,
          %pack3A_421 = tpu.pack_subelements %get3A_416, %get3A_420 {pack_format = #tpu.pack_format<interleaved>, positions = array<i32: 0, 1>} : vector<16xf32>, vector<16xf32> -> vector<32xbf16>
          %bitcast3A_422 = vector.bitcast %pack3A_421 : vector<32xbf16> to vector<16xi32>
          tpu.vector_store_idx %arg7[%add3A_392, %add3A_18], %bitcast3A_422 : memref<64x128xi32, #tpu.memory_space<vmem>>[vector<16xi32>, vector<16xi32>], vector<16xi32>,
          %get3A_423 = arith.constant 6 : i32
          %get3A_424 = arith.index_cast %get3A_423 : i32 to index
          %get3A_425 = arith.index_cast %mul3A_390 : i32 to index
          %get3A_426 = tpu.vector_load %arg5[%get3A_424, %get3A_425] {strides = array<i32>} : memref<16x1024xf32, #tpu.memory_space<vmem>>, vector<16xf32>,
          %get3A_427 = arith.constant 7 : i32
          %get3A_428 = arith.index_cast %get3A_427 : i32 to index
          %get3A_429 = arith.index_cast %mul3A_390 : i32 to index
          %get3A_430 = tpu.vector_load %arg5[%get3A_428, %get3A_429] {strides = array<i32>} : memref<16x1024xf32, #tpu.memory_space<vmem>>, vector<16xf32>,
          %pack3A_431 = tpu.pack_subelements %get3A_426, %get3A_430 {pack_format = #tpu.pack_format<interleaved>, positions = array<i32: 0, 1>} : vector<16xf32>, vector<16xf32> -> vector<32xbf16>
          %bitcast3A_432 = vector.bitcast %pack3A_431 : vector<32xbf16> to vector<16xi32>
          tpu.vector_store_idx %arg7[%add3A_392, %add3A_24], %bitcast3A_432 : memref<64x128xi32, #tpu.memory_space<vmem>>[vector<16xi32>, vector<16xi32>], vector<16xi32>,
          %get3A_433 = arith.constant 8 : i32
          %get3A_434 = arith.index_cast %get3A_433 : i32 to index
          %get3A_435 = arith.index_cast %mul3A_390 : i32 to index
          %get3A_436 = tpu.vector_load %arg5[%get3A_434, %get3A_435] {strides = array<i32>} : memref<16x1024xf32, #tpu.memory_space<vmem>>, vector<16xf32>,
          %get3A_437 = arith.constant 9 : i32
          %get3A_438 = arith.index_cast %get3A_437 : i32 to index
          %get3A_439 = arith.index_cast %mul3A_390 : i32 to index
          %get3A_440 = tpu.vector_load %arg5[%get3A_438, %get3A_439] {strides = array<i32>} : memref<16x1024xf32, #tpu.memory_space<vmem>>, vector<16xf32>,
          %pack3A_441 = tpu.pack_subelements %get3A_436, %get3A_440 {pack_format = #tpu.pack_format<interleaved>, positions = array<i32: 0, 1>} : vector<16xf32>, vector<16xf32> -> vector<32xbf16>
          %bitcast3A_442 = vector.bitcast %pack3A_441 : vector<32xbf16> to vector<16xi32>
          tpu.vector_store_idx %arg7[%add3A_392, %add3A_30], %bitcast3A_442 : memref<64x128xi32, #tpu.memory_space<vmem>>[vector<16xi32>, vector<16xi32>], vector<16xi32>,
          %get3A_443 = arith.constant 10 : i32
          %get3A_444 = arith.index_cast %get3A_443 : i32 to index
          %get3A_445 = arith.index_cast %mul3A_390 : i32 to index
          %get3A_446 = tpu.vector_load %arg5[%get3A_444, %get3A_445] {strides = array<i32>} : memref<16x1024xf32, #tpu.memory_space<vmem>>, vector<16xf32>,
          %get3A_447 = arith.constant 11 : i32
          %get3A_448 = arith.index_cast %get3A_447 : i32 to index
          %get3A_449 = arith.index_cast %mul3A_390 : i32 to index
          %get3A_450 = tpu.vector_load %arg5[%get3A_448, %get3A_449] {strides = array<i32>} : memref<16x1024xf32, #tpu.memory_space<vmem>>, vector<16xf32>,
          %pack3A_451 = tpu.pack_subelements %get3A_446, %get3A_450 {pack_format = #tpu.pack_format<interleaved>, positions = array<i32: 0, 1>} : vector<16xf32>, vector<16xf32> -> vector<32xbf16>
          %bitcast3A_452 = vector.bitcast %pack3A_451 : vector<32xbf16> to vector<16xi32>
          tpu.vector_store_idx %arg7[%add3A_392, %add3A_36], %bitcast3A_452 : memref<64x128xi32, #tpu.memory_space<vmem>>[vector<16xi32>, vector<16xi32>], vector<16xi32>,
          %get3A_453 = arith.constant 12 : i32
          %get3A_454 = arith.index_cast %get3A_453 : i32 to index
          %get3A_455 = arith.index_cast %mul3A_390 : i32 to index
          %get3A_456 = tpu.vector_load %arg5[%get3A_454, %get3A_455] {strides = array<i32>} : memref<16x1024xf32, #tpu.memory_space<vmem>>, vector<16xf32>,
          %get3A_457 = arith.constant 13 : i32
          %get3A_458 = arith.index_cast %get3A_457 : i32 to index
          %get3A_459 = arith.index_cast %mul3A_390 : i32 to index
          %get3A_460 = tpu.vector_load %arg5[%get3A_458, %get3A_459] {strides = array<i32>} : memref<16x1024xf32, #tpu.memory_space<vmem>>, vector<16xf32>,
          %pack3A_461 = tpu.pack_subelements %get3A_456, %get3A_460 {pack_format = #tpu.pack_format<interleaved>, positions = array<i32: 0, 1>} : vector<16xf32>, vector<16xf32> -> vector<32xbf16>
          %bitcast3A_462 = vector.bitcast %pack3A_461 : vector<32xbf16> to vector<16xi32>
          tpu.vector_store_idx %arg7[%add3A_392, %add3A_42], %bitcast3A_462 : memref<64x128xi32, #tpu.memory_space<vmem>>[vector<16xi32>, vector<16xi32>], vector<16xi32>,
          %get3A_463 = arith.constant 14 : i32
          %get3A_464 = arith.index_cast %get3A_463 : i32 to index
          %get3A_465 = arith.index_cast %mul3A_390 : i32 to index
          %get3A_466 = tpu.vector_load %arg5[%get3A_464, %get3A_465] {strides = array<i32>} : memref<16x1024xf32, #tpu.memory_space<vmem>>, vector<16xf32>,
          %get3A_467 = arith.constant 15 : i32
          %get3A_468 = arith.index_cast %get3A_467 : i32 to index
          %get3A_469 = arith.index_cast %mul3A_390 : i32 to index
          %get3A_470 = tpu.vector_load %arg5[%get3A_468, %get3A_469] {strides = array<i32>} : memref<16x1024xf32, #tpu.memory_space<vmem>>, vector<16xf32>,
          %pack3A_471 = tpu.pack_subelements %get3A_466, %get3A_470 {pack_format = #tpu.pack_format<interleaved>, positions = array<i32: 0, 1>} : vector<16xf32>, vector<16xf32> -> vector<32xbf16>
          %bitcast3A_472 = vector.bitcast %pack3A_471 : vector<32xbf16> to vector<16xi32>
          tpu.vector_store_idx %arg7[%add3A_392, %add3A_48], %bitcast3A_472 : memref<64x128xi32, #tpu.memory_space<vmem>>[vector<16xi32>, vector<16xi32>], vector<16xi32>,
        }
        %scan3A_127 = arith.constant 64 : i32
        %mul3A_128 = arith.constant 64 : i32
        %mul3A_129 = arith.muli %add3A_84, %mul3A_128 : i32
        %dma_start3A = arith.constant 0 : i32
        %dma_start3A_130 = tpu.memref_slice %arg4[%mul3A_129, %dma_start3A] : memref<162500x128xi32, #tpu.memory_space<hbm>> -> memref<64x128xi32, #tpu.memory_space<hbm>>
        %dma_start3A_131 = arith.constant 0 : i32
        %dma_start3A_132 = tpu.memref_slice %arg4[%mul3A_129, %dma_start3A_131] : memref<162500x128xi32, #tpu.memory_space<hbm>> -> memref<64x128xi32, #tpu.memory_space<hbm>>
        tpu.enqueue_dma source(%arg7 : memref<64x128xi32, #tpu.memory_space<vmem>>) target(%dma_start3A_132 : memref<64x128xi32, #tpu.memory_space<hbm>>) target_semaphore(%arg13 : memref<!tpu.dma_semaphore, #tpu.memory_space<semaphore_mem>>)
      } else {
      }
      %add3A_98 = arith.constant 2 : i32
      %add3A_99 = arith.addi %mul3A_79, %add3A_98 : i32
      %mul3A_100 = arith.constant 32 : i32
      %mul3A_101 = arith.muli %add3A_99, %mul3A_100 : i32
      %add3A_102 = arith.addi %mul3A_101, %add3A : i32
      %lt3A_103 = arith.constant 2539 : i32
      %lt3A_104 = arith.cmpi slt, %add3A_102, %lt3A_103 : i32
      %convert_element_type3A_105 = arith.extui %lt3A_104 : i1 to i32
      %cond3A_106 = arith.constant 0 : i32
      %cond3A_107 = arith.cmpi ne, %convert_element_type3A_105, %cond3A_106 : i32
      scf.if %cond3A_107 {
        %add3A_113 = arith.constant 2 : i32
        %add3A_114 = arith.addi %mul3A_79, %add3A_113 : i32
        %mul3A_115 = arith.constant 32 : i32
        %mul3A_116 = arith.muli %add3A_114, %mul3A_115 : i32
        %add3A_117 = arith.addi %mul3A_116, %add3A : i32
        %mul3A_118 = arith.constant 1024 : i32
        %mul3A_119 = arith.muli %add3A_117, %mul3A_118 : i32
        %dma_start3A = arith.constant 0 : i32
        %dma_start3A_120 = tpu.memref_slice %arg2[%dma_start3A, %mul3A_119] : memref<16x2600000xf32, #tpu.memory_space<hbm>> -> memref<16x1024xf32, #tpu.memory_space<hbm>>
        %dma_start3A_121 = arith.constant 0 : i32
        %dma_start3A_122 = tpu.memref_slice %arg2[%dma_start3A_121, %mul3A_119] : memref<16x2600000xf32, #tpu.memory_space<hbm>> -> memref<16x1024xf32, #tpu.memory_space<hbm>>
        tpu.enqueue_dma source(%dma_start3A_122 : memref<16x1024xf32, #tpu.memory_space<hbm>>) target(%arg5 : memref<16x1024xf32, #tpu.memory_space<vmem>>) target_semaphore(%arg11 : memref<!tpu.dma_semaphore, #tpu.memory_space<semaphore_mem>>)
      } else {
      }
      %lt3A_108 = arith.constant 2539 : i32
      %lt3A_109 = arith.cmpi slt, %add3A_87, %lt3A_108 : i32
      %convert_element_type3A_110 = arith.extui %lt3A_109 : i1 to i32
      %cond3A_111 = arith.constant 0 : i32
      %cond3A_112 = arith.cmpi ne, %convert_element_type3A_110, %cond3A_111 : i32
      scf.if %cond3A_112 {
        %gt3A = arith.constant 0 : i32
        %gt3A_113 = arith.cmpi sgt, %scan3A_77, %gt3A : i32
        %convert_element_type3A_114 = arith.extui %gt3A_113 : i1 to i32
        %cond3A_115 = arith.constant 0 : i32
        %cond3A_116 = arith.cmpi ne, %convert_element_type3A_114, %cond3A_115 : i32
        scf.if %cond3A_116 {
          %sub3A = arith.constant 2 : i32
          %sub3A_133 = arith.subi %add3A_81, %sub3A : i32
          %mul3A_134 = arith.constant 32 : i32
          %mul3A_135 = arith.muli %sub3A_133, %mul3A_134 : i32
          %add3A_136 = arith.addi %mul3A_135, %add3A : i32
          %mul3A_137 = arith.constant 64 : i32
          %mul3A_138 = arith.muli %add3A_136, %mul3A_137 : i32
          %dma_wait3A_139 = arith.constant 0 : i32
          %dma_wait3A_140 = tpu.memref_slice %arg4[%mul3A_138, %dma_wait3A_139] : memref<162500x128xi32, #tpu.memory_space<hbm>> -> memref<64x128xi32, #tpu.memory_space<hbm>>
          %dma_wait3A_141 = arith.constant 0 : i32
          %dma_wait3A_142 = tpu.memref_slice %arg4[%mul3A_138, %dma_wait3A_141] : memref<162500x128xi32, #tpu.memory_space<hbm>> -> memref<64x128xi32, #tpu.memory_space<hbm>>
          tpu.wait_dma2 semaphore(%arg14 : memref<!tpu.dma_semaphore, #tpu.memory_space<semaphore_mem>>) src(%arg8 : memref<64x128xi32, #tpu.memory_space<vmem>>) dst(%dma_wait3A_142 : memref<64x128xi32, #tpu.memory_space<hbm>>)
        } else {
        }
        %dma_wait3A = arith.constant 0 : i32
        %dma_wait3A_117 = arith.constant 0 : i32
        %dma_wait3A_118 = tpu.memref_slice %arg2[%dma_wait3A, %dma_wait3A_117] : memref<16x2600000xf32, #tpu.memory_space<hbm>> -> memref<16x1024xf32, #tpu.memory_space<hbm>>
        %dma_wait3A_119 = arith.constant 0 : i32
        %dma_wait3A_120 = arith.constant 0 : i32
        %dma_wait3A_121 = tpu.memref_slice %arg2[%dma_wait3A_119, %dma_wait3A_120] : memref<16x2600000xf32, #tpu.memory_space<hbm>> -> memref<16x1024xf32, #tpu.memory_space<hbm>>
        tpu.wait_dma2 semaphore(%arg12 : memref<!tpu.dma_semaphore, #tpu.memory_space<semaphore_mem>>) src(%dma_wait3A_121 : memref<16x1024xf32, #tpu.memory_space<hbm>>) dst(%arg6 : memref<16x1024xf32, #tpu.memory_space<vmem>>)
        %scan3A_122 = arith.constant 0 : i32
        %scan3A_123 = arith.constant 0 : i32
        %scan3A_124 = arith.constant 64 : i32
        %scan3A_125 = arith.addi %scan3A_123, %scan3A_124 : i32
        %scan3A_126 = arith.constant 4 : i32
        scf.for %scan3A_133 = %scan3A_123 to %scan3A_125 step %scan3A_126  : i32 {
          %mul3A_134 = arith.constant 16 : i32
          %mul3A_135 = arith.muli %scan3A_133, %mul3A_134 : i32
          %add3A_136 = vector.broadcast %scan3A_133 : i32 to vector<16xi32>
          %add3A_137 = arith.addi %broadcast_in_dim3A_49, %add3A_136 : vector<16xi32>
          %get3A = arith.constant 0 : i32
          %get3A_138 = arith.index_cast %get3A : i32 to index
          %get3A_139 = arith.index_cast %mul3A_135 : i32 to index
          %get3A_140 = tpu.vector_load %arg6[%get3A_138, %get3A_139] {strides = array<i32>} : memref<16x1024xf32, #tpu.memory_space<vmem>>, vector<16xf32>,
          %get3A_141 = arith.constant 1 : i32
          %get3A_142 = arith.index_cast %get3A_141 : i32 to index
          %get3A_143 = arith.index_cast %mul3A_135 : i32 to index
          %get3A_144 = tpu.vector_load %arg6[%get3A_142, %get3A_143] {strides = array<i32>} : memref<16x1024xf32, #tpu.memory_space<vmem>>, vector<16xf32>,
          %pack3A = tpu.pack_subelements %get3A_140, %get3A_144 {pack_format = #tpu.pack_format<interleaved>, positions = array<i32: 0, 1>} : vector<16xf32>, vector<16xf32> -> vector<32xbf16>
          %bitcast3A = vector.bitcast %pack3A : vector<32xbf16> to vector<16xi32>
          tpu.vector_store_idx %arg8[%add3A_137, %add3A_6], %bitcast3A : memref<64x128xi32, #tpu.memory_space<vmem>>[vector<16xi32>, vector<16xi32>], vector<16xi32>,
          %get3A_145 = arith.constant 2 : i32
          %get3A_146 = arith.index_cast %get3A_145 : i32 to index
          %get3A_147 = arith.index_cast %mul3A_135 : i32 to index
          %get3A_148 = tpu.vector_load %arg6[%get3A_146, %get3A_147] {strides = array<i32>} : memref<16x1024xf32, #tpu.memory_space<vmem>>, vector<16xf32>,
          %get3A_149 = arith.constant 3 : i32
          %get3A_150 = arith.index_cast %get3A_149 : i32 to index
          %get3A_151 = arith.index_cast %mul3A_135 : i32 to index
          %get3A_152 = tpu.vector_load %arg6[%get3A_150, %get3A_151] {strides = array<i32>} : memref<16x1024xf32, #tpu.memory_space<vmem>>, vector<16xf32>,
          %pack3A_153 = tpu.pack_subelements %get3A_148, %get3A_152 {pack_format = #tpu.pack_format<interleaved>, positions = array<i32: 0, 1>} : vector<16xf32>, vector<16xf32> -> vector<32xbf16>
          %bitcast3A_154 = vector.bitcast %pack3A_153 : vector<32xbf16> to vector<16xi32>
          tpu.vector_store_idx %arg8[%add3A_137, %add3A_12], %bitcast3A_154 : memref<64x128xi32, #tpu.memory_space<vmem>>[vector<16xi32>, vector<16xi32>], vector<16xi32>,
          %get3A_155 = arith.constant 4 : i32
          %get3A_156 = arith.index_cast %get3A_155 : i32 to index
          %get3A_157 = arith.index_cast %mul3A_135 : i32 to index
          %get3A_158 = tpu.vector_load %arg6[%get3A_156, %get3A_157] {strides = array<i32>} : memref<16x1024xf32, #tpu.memory_space<vmem>>, vector<16xf32>,
          %get3A_159 = arith.constant 5 : i32
          %get3A_160 = arith.index_cast %get3A_159 : i32 to index
          %get3A_161 = arith.index_cast %mul3A_135 : i32 to index
          %get3A_162 = tpu.vector_load %arg6[%get3A_160, %get3A_161] {strides = array<i32>} : memref<16x1024xf32, #tpu.memory_space<vmem>>, vector<16xf32>,
          %pack3A_163 = tpu.pack_subelements %get3A_158, %get3A_162 {pack_format = #tpu.pack_format<interleaved>, positions = array<i32: 0, 1>} : vector<16xf32>, vector<16xf32> -> vector<32xbf16>
          %bitcast3A_164 = vector.bitcast %pack3A_163 : vector<32xbf16> to vector<16xi32>
          tpu.vector_store_idx %arg8[%add3A_137, %add3A_18], %bitcast3A_164 : memref<64x128xi32, #tpu.memory_space<vmem>>[vector<16xi32>, vector<16xi32>], vector<16xi32>,
          %get3A_165 = arith.constant 6 : i32
          %get3A_166 = arith.index_cast %get3A_165 : i32 to index
          %get3A_167 = arith.index_cast %mul3A_135 : i32 to index
          %get3A_168 = tpu.vector_load %arg6[%get3A_166, %get3A_167] {strides = array<i32>} : memref<16x1024xf32, #tpu.memory_space<vmem>>, vector<16xf32>,
          %get3A_169 = arith.constant 7 : i32
          %get3A_170 = arith.index_cast %get3A_169 : i32 to index
          %get3A_171 = arith.index_cast %mul3A_135 : i32 to index
          %get3A_172 = tpu.vector_load %arg6[%get3A_170, %get3A_171] {strides = array<i32>} : memref<16x1024xf32, #tpu.memory_space<vmem>>, vector<16xf32>,
          %pack3A_173 = tpu.pack_subelements %get3A_168, %get3A_172 {pack_format = #tpu.pack_format<interleaved>, positions = array<i32: 0, 1>} : vector<16xf32>, vector<16xf32> -> vector<32xbf16>
          %bitcast3A_174 = vector.bitcast %pack3A_173 : vector<32xbf16> to vector<16xi32>
          tpu.vector_store_idx %arg8[%add3A_137, %add3A_24], %bitcast3A_174 : memref<64x128xi32, #tpu.memory_space<vmem>>[vector<16xi32>, vector<16xi32>], vector<16xi32>,
          %get3A_175 = arith.constant 8 : i32
          %get3A_176 = arith.index_cast %get3A_175 : i32 to index
          %get3A_177 = arith.index_cast %mul3A_135 : i32 to index
          %get3A_178 = tpu.vector_load %arg6[%get3A_176, %get3A_177] {strides = array<i32>} : memref<16x1024xf32, #tpu.memory_space<vmem>>, vector<16xf32>,
          %get3A_179 = arith.constant 9 : i32
          %get3A_180 = arith.index_cast %get3A_179 : i32 to index
          %get3A_181 = arith.index_cast %mul3A_135 : i32 to index
          %get3A_182 = tpu.vector_load %arg6[%get3A_180, %get3A_181] {strides = array<i32>} : memref<16x1024xf32, #tpu.memory_space<vmem>>, vector<16xf32>,
          %pack3A_183 = tpu.pack_subelements %get3A_178, %get3A_182 {pack_format = #tpu.pack_format<interleaved>, positions = array<i32: 0, 1>} : vector<16xf32>, vector<16xf32> -> vector<32xbf16>
          %bitcast3A_184 = vector.bitcast %pack3A_183 : vector<32xbf16> to vector<16xi32>
          tpu.vector_store_idx %arg8[%add3A_137, %add3A_30], %bitcast3A_184 : memref<64x128xi32, #tpu.memory_space<vmem>>[vector<16xi32>, vector<16xi32>], vector<16xi32>,
          %get3A_185 = arith.constant 10 : i32
          %get3A_186 = arith.index_cast %get3A_185 : i32 to index
          %get3A_187 = arith.index_cast %mul3A_135 : i32 to index
          %get3A_188 = tpu.vector_load %arg6[%get3A_186, %get3A_187] {strides = array<i32>} : memref<16x1024xf32, #tpu.memory_space<vmem>>, vector<16xf32>,
          %get3A_189 = arith.constant 11 : i32
          %get3A_190 = arith.index_cast %get3A_189 : i32 to index
          %get3A_191 = arith.index_cast %mul3A_135 : i32 to index
          %get3A_192 = tpu.vector_load %arg6[%get3A_190, %get3A_191] {strides = array<i32>} : memref<16x1024xf32, #tpu.memory_space<vmem>>, vector<16xf32>,
          %pack3A_193 = tpu.pack_subelements %get3A_188, %get3A_192 {pack_format = #tpu.pack_format<interleaved>, positions = array<i32: 0, 1>} : vector<16xf32>, vector<16xf32> -> vector<32xbf16>
          %bitcast3A_194 = vector.bitcast %pack3A_193 : vector<32xbf16> to vector<16xi32>
          tpu.vector_store_idx %arg8[%add3A_137, %add3A_36], %bitcast3A_194 : memref<64x128xi32, #tpu.memory_space<vmem>>[vector<16xi32>, vector<16xi32>], vector<16xi32>,
          %get3A_195 = arith.constant 12 : i32
          %get3A_196 = arith.index_cast %get3A_195 : i32 to index
          %get3A_197 = arith.index_cast %mul3A_135 : i32 to index
          %get3A_198 = tpu.vector_load %arg6[%get3A_196, %get3A_197] {strides = array<i32>} : memref<16x1024xf32, #tpu.memory_space<vmem>>, vector<16xf32>,
          %get3A_199 = arith.constant 13 : i32
          %get3A_200 = arith.index_cast %get3A_199 : i32 to index
          %get3A_201 = arith.index_cast %mul3A_135 : i32 to index
          %get3A_202 = tpu.vector_load %arg6[%get3A_200, %get3A_201] {strides = array<i32>} : memref<16x1024xf32, #tpu.memory_space<vmem>>, vector<16xf32>,
          %pack3A_203 = tpu.pack_subelements %get3A_198, %get3A_202 {pack_format = #tpu.pack_format<interleaved>, positions = array<i32: 0, 1>} : vector<16xf32>, vector<16xf32> -> vector<32xbf16>
          %bitcast3A_204 = vector.bitcast %pack3A_203 : vector<32xbf16> to vector<16xi32>
          tpu.vector_store_idx %arg8[%add3A_137, %add3A_42], %bitcast3A_204 : memref<64x128xi32, #tpu.memory_space<vmem>>[vector<16xi32>, vector<16xi32>], vector<16xi32>,
          %get3A_205 = arith.constant 14 : i32
          %get3A_206 = arith.index_cast %get3A_205 : i32 to index
          %get3A_207 = arith.index_cast %mul3A_135 : i32 to index
          %get3A_208 = tpu.vector_load %arg6[%get3A_206, %get3A_207] {strides = array<i32>} : memref<16x1024xf32, #tpu.memory_space<vmem>>, vector<16xf32>,
          %get3A_209 = arith.constant 15 : i32
          %get3A_210 = arith.index_cast %get3A_209 : i32 to index
          %get3A_211 = arith.index_cast %mul3A_135 : i32 to index
          %get3A_212 = tpu.vector_load %arg6[%get3A_210, %get3A_211] {strides = array<i32>} : memref<16x1024xf32, #tpu.memory_space<vmem>>, vector<16xf32>,
          %pack3A_213 = tpu.pack_subelements %get3A_208, %get3A_212 {pack_format = #tpu.pack_format<interleaved>, positions = array<i32: 0, 1>} : vector<16xf32>, vector<16xf32> -> vector<32xbf16>
          %bitcast3A_214 = vector.bitcast %pack3A_213 : vector<32xbf16> to vector<16xi32>
          tpu.vector_store_idx %arg8[%add3A_137, %add3A_48], %bitcast3A_214 : memref<64x128xi32, #tpu.memory_space<vmem>>[vector<16xi32>, vector<16xi32>], vector<16xi32>,
          %scan3A_215 = arith.constant 1 : i32
          %scan3A_216 = arith.addi %scan3A_133, %scan3A_215 : i32
          %mul3A_217 = arith.constant 16 : i32
          %mul3A_218 = arith.muli %scan3A_216, %mul3A_217 : i32
          %add3A_219 = vector.broadcast %scan3A_216 : i32 to vector<16xi32>
          %add3A_220 = arith.addi %broadcast_in_dim3A_49, %add3A_219 : vector<16xi32>
          %get3A_221 = arith.constant 0 : i32
          %get3A_222 = arith.index_cast %get3A_221 : i32 to index
          %get3A_223 = arith.index_cast %mul3A_218 : i32 to index
          %get3A_224 = tpu.vector_load %arg6[%get3A_222, %get3A_223] {strides = array<i32>} : memref<16x1024xf32, #tpu.memory_space<vmem>>, vector<16xf32>,
          %get3A_225 = arith.constant 1 : i32
          %get3A_226 = arith.index_cast %get3A_225 : i32 to index
          %get3A_227 = arith.index_cast %mul3A_218 : i32 to index
          %get3A_228 = tpu.vector_load %arg6[%get3A_226, %get3A_227] {strides = array<i32>} : memref<16x1024xf32, #tpu.memory_space<vmem>>, vector<16xf32>,
          %pack3A_229 = tpu.pack_subelements %get3A_224, %get3A_228 {pack_format = #tpu.pack_format<interleaved>, positions = array<i32: 0, 1>} : vector<16xf32>, vector<16xf32> -> vector<32xbf16>
          %bitcast3A_230 = vector.bitcast %pack3A_229 : vector<32xbf16> to vector<16xi32>
          tpu.vector_store_idx %arg8[%add3A_220, %add3A_6], %bitcast3A_230 : memref<64x128xi32, #tpu.memory_space<vmem>>[vector<16xi32>, vector<16xi32>], vector<16xi32>,
          %get3A_231 = arith.constant 2 : i32
          %get3A_232 = arith.index_cast %get3A_231 : i32 to index
          %get3A_233 = arith.index_cast %mul3A_218 : i32 to index
          %get3A_234 = tpu.vector_load %arg6[%get3A_232, %get3A_233] {strides = array<i32>} : memref<16x1024xf32, #tpu.memory_space<vmem>>, vector<16xf32>,
          %get3A_235 = arith.constant 3 : i32
          %get3A_236 = arith.index_cast %get3A_235 : i32 to index
          %get3A_237 = arith.index_cast %mul3A_218 : i32 to index
          %get3A_238 = tpu.vector_load %arg6[%get3A_236, %get3A_237] {strides = array<i32>} : memref<16x1024xf32, #tpu.memory_space<vmem>>, vector<16xf32>,
          %pack3A_239 = tpu.pack_subelements %get3A_234, %get3A_238 {pack_format = #tpu.pack_format<interleaved>, positions = array<i32: 0, 1>} : vector<16xf32>, vector<16xf32> -> vector<32xbf16>
          %bitcast3A_240 = vector.bitcast %pack3A_239 : vector<32xbf16> to vector<16xi32>
          tpu.vector_store_idx %arg8[%add3A_220, %add3A_12], %bitcast3A_240 : memref<64x128xi32, #tpu.memory_space<vmem>>[vector<16xi32>, vector<16xi32>], vector<16xi32>,
          %get3A_241 = arith.constant 4 : i32
          %get3A_242 = arith.index_cast %get3A_241 : i32 to index
          %get3A_243 = arith.index_cast %mul3A_218 : i32 to index
          %get3A_244 = tpu.vector_load %arg6[%get3A_242, %get3A_243] {strides = array<i32>} : memref<16x1024xf32, #tpu.memory_space<vmem>>, vector<16xf32>,
          %get3A_245 = arith.constant 5 : i32
          %get3A_246 = arith.index_cast %get3A_245 : i32 to index
          %get3A_247 = arith.index_cast %mul3A_218 : i32 to index
          %get3A_248 = tpu.vector_load %arg6[%get3A_246, %get3A_247] {strides = array<i32>} : memref<16x1024xf32, #tpu.memory_space<vmem>>, vector<16xf32>,
          %pack3A_249 = tpu.pack_subelements %get3A_244, %get3A_248 {pack_format = #tpu.pack_format<interleaved>, positions = array<i32: 0, 1>} : vector<16xf32>, vector<16xf32> -> vector<32xbf16>
          %bitcast3A_250 = vector.bitcast %pack3A_249 : vector<32xbf16> to vector<16xi32>
          tpu.vector_store_idx %arg8[%add3A_220, %add3A_18], %bitcast3A_250 : memref<64x128xi32, #tpu.memory_space<vmem>>[vector<16xi32>, vector<16xi32>], vector<16xi32>,
          %get3A_251 = arith.constant 6 : i32
          %get3A_252 = arith.index_cast %get3A_251 : i32 to index
          %get3A_253 = arith.index_cast %mul3A_218 : i32 to index
          %get3A_254 = tpu.vector_load %arg6[%get3A_252, %get3A_253] {strides = array<i32>} : memref<16x1024xf32, #tpu.memory_space<vmem>>, vector<16xf32>,
          %get3A_255 = arith.constant 7 : i32
          %get3A_256 = arith.index_cast %get3A_255 : i32 to index
          %get3A_257 = arith.index_cast %mul3A_218 : i32 to index
          %get3A_258 = tpu.vector_load %arg6[%get3A_256, %get3A_257] {strides = array<i32>} : memref<16x1024xf32, #tpu.memory_space<vmem>>, vector<16xf32>,
          %pack3A_259 = tpu.pack_subelements %get3A_254, %get3A_258 {pack_format = #tpu.pack_format<interleaved>, positions = array<i32: 0, 1>} : vector<16xf32>, vector<16xf32> -> vector<32xbf16>
          %bitcast3A_260 = vector.bitcast %pack3A_259 : vector<32xbf16> to vector<16xi32>
          tpu.vector_store_idx %arg8[%add3A_220, %add3A_24], %bitcast3A_260 : memref<64x128xi32, #tpu.memory_space<vmem>>[vector<16xi32>, vector<16xi32>], vector<16xi32>,
          %get3A_261 = arith.constant 8 : i32
          %get3A_262 = arith.index_cast %get3A_261 : i32 to index
          %get3A_263 = arith.index_cast %mul3A_218 : i32 to index
          %get3A_264 = tpu.vector_load %arg6[%get3A_262, %get3A_263] {strides = array<i32>} : memref<16x1024xf32, #tpu.memory_space<vmem>>, vector<16xf32>,
          %get3A_265 = arith.constant 9 : i32
          %get3A_266 = arith.index_cast %get3A_265 : i32 to index
          %get3A_267 = arith.index_cast %mul3A_218 : i32 to index
          %get3A_268 = tpu.vector_load %arg6[%get3A_266, %get3A_267] {strides = array<i32>} : memref<16x1024xf32, #tpu.memory_space<vmem>>, vector<16xf32>,
          %pack3A_269 = tpu.pack_subelements %get3A_264, %get3A_268 {pack_format = #tpu.pack_format<interleaved>, positions = array<i32: 0, 1>} : vector<16xf32>, vector<16xf32> -> vector<32xbf16>
          %bitcast3A_270 = vector.bitcast %pack3A_269 : vector<32xbf16> to vector<16xi32>
          tpu.vector_store_idx %arg8[%add3A_220, %add3A_30], %bitcast3A_270 : memref<64x128xi32, #tpu.memory_space<vmem>>[vector<16xi32>, vector<16xi32>], vector<16xi32>,
          %get3A_271 = arith.constant 10 : i32
          %get3A_272 = arith.index_cast %get3A_271 : i32 to index
          %get3A_273 = arith.index_cast %mul3A_218 : i32 to index
          %get3A_274 = tpu.vector_load %arg6[%get3A_272, %get3A_273] {strides = array<i32>} : memref<16x1024xf32, #tpu.memory_space<vmem>>, vector<16xf32>,
          %get3A_275 = arith.constant 11 : i32
          %get3A_276 = arith.index_cast %get3A_275 : i32 to index
          %get3A_277 = arith.index_cast %mul3A_218 : i32 to index
          %get3A_278 = tpu.vector_load %arg6[%get3A_276, %get3A_277] {strides = array<i32>} : memref<16x1024xf32, #tpu.memory_space<vmem>>, vector<16xf32>,
          %pack3A_279 = tpu.pack_subelements %get3A_274, %get3A_278 {pack_format = #tpu.pack_format<interleaved>, positions = array<i32: 0, 1>} : vector<16xf32>, vector<16xf32> -> vector<32xbf16>
          %bitcast3A_280 = vector.bitcast %pack3A_279 : vector<32xbf16> to vector<16xi32>
          tpu.vector_store_idx %arg8[%add3A_220, %add3A_36], %bitcast3A_280 : memref<64x128xi32, #tpu.memory_space<vmem>>[vector<16xi32>, vector<16xi32>], vector<16xi32>,
          %get3A_281 = arith.constant 12 : i32
          %get3A_282 = arith.index_cast %get3A_281 : i32 to index
          %get3A_283 = arith.index_cast %mul3A_218 : i32 to index
          %get3A_284 = tpu.vector_load %arg6[%get3A_282, %get3A_283] {strides = array<i32>} : memref<16x1024xf32, #tpu.memory_space<vmem>>, vector<16xf32>,
          %get3A_285 = arith.constant 13 : i32
          %get3A_286 = arith.index_cast %get3A_285 : i32 to index
          %get3A_287 = arith.index_cast %mul3A_218 : i32 to index
          %get3A_288 = tpu.vector_load %arg6[%get3A_286, %get3A_287] {strides = array<i32>} : memref<16x1024xf32, #tpu.memory_space<vmem>>, vector<16xf32>,
          %pack3A_289 = tpu.pack_subelements %get3A_284, %get3A_288 {pack_format = #tpu.pack_format<interleaved>, positions = array<i32: 0, 1>} : vector<16xf32>, vector<16xf32> -> vector<32xbf16>
          %bitcast3A_290 = vector.bitcast %pack3A_289 : vector<32xbf16> to vector<16xi32>
          tpu.vector_store_idx %arg8[%add3A_220, %add3A_42], %bitcast3A_290 : memref<64x128xi32, #tpu.memory_space<vmem>>[vector<16xi32>, vector<16xi32>], vector<16xi32>,
          %get3A_291 = arith.constant 14 : i32
          %get3A_292 = arith.index_cast %get3A_291 : i32 to index
          %get3A_293 = arith.index_cast %mul3A_218 : i32 to index
          %get3A_294 = tpu.vector_load %arg6[%get3A_292, %get3A_293] {strides = array<i32>} : memref<16x1024xf32, #tpu.memory_space<vmem>>, vector<16xf32>,
          %get3A_295 = arith.constant 15 : i32
          %get3A_296 = arith.index_cast %get3A_295 : i32 to index
          %get3A_297 = arith.index_cast %mul3A_218 : i32 to index
          %get3A_298 = tpu.vector_load %arg6[%get3A_296, %get3A_297] {strides = array<i32>} : memref<16x1024xf32, #tpu.memory_space<vmem>>, vector<16xf32>,
          %pack3A_299 = tpu.pack_subelements %get3A_294, %get3A_298 {pack_format = #tpu.pack_format<interleaved>, positions = array<i32: 0, 1>} : vector<16xf32>, vector<16xf32> -> vector<32xbf16>
          %bitcast3A_300 = vector.bitcast %pack3A_299 : vector<32xbf16> to vector<16xi32>
          tpu.vector_store_idx %arg8[%add3A_220, %add3A_48], %bitcast3A_300 : memref<64x128xi32, #tpu.memory_space<vmem>>[vector<16xi32>, vector<16xi32>], vector<16xi32>,
          %scan3A_301 = arith.constant 2 : i32
          %scan3A_302 = arith.addi %scan3A_133, %scan3A_301 : i32
          %mul3A_303 = arith.constant 16 : i32
          %mul3A_304 = arith.muli %scan3A_302, %mul3A_303 : i32
          %add3A_305 = vector.broadcast %scan3A_302 : i32 to vector<16xi32>
          %add3A_306 = arith.addi %broadcast_in_dim3A_49, %add3A_305 : vector<16xi32>
          %get3A_307 = arith.constant 0 : i32
          %get3A_308 = arith.index_cast %get3A_307 : i32 to index
          %get3A_309 = arith.index_cast %mul3A_304 : i32 to index
          %get3A_310 = tpu.vector_load %arg6[%get3A_308, %get3A_309] {strides = array<i32>} : memref<16x1024xf32, #tpu.memory_space<vmem>>, vector<16xf32>,
          %get3A_311 = arith.constant 1 : i32
          %get3A_312 = arith.index_cast %get3A_311 : i32 to index
          %get3A_313 = arith.index_cast %mul3A_304 : i32 to index
          %get3A_314 = tpu.vector_load %arg6[%get3A_312, %get3A_313] {strides = array<i32>} : memref<16x1024xf32, #tpu.memory_space<vmem>>, vector<16xf32>,
          %pack3A_315 = tpu.pack_subelements %get3A_310, %get3A_314 {pack_format = #tpu.pack_format<interleaved>, positions = array<i32: 0, 1>} : vector<16xf32>, vector<16xf32> -> vector<32xbf16>
          %bitcast3A_316 = vector.bitcast %pack3A_315 : vector<32xbf16> to vector<16xi32>
          tpu.vector_store_idx %arg8[%add3A_306, %add3A_6], %bitcast3A_316 : memref<64x128xi32, #tpu.memory_space<vmem>>[vector<16xi32>, vector<16xi32>], vector<16xi32>,
          %get3A_317 = arith.constant 2 : i32
          %get3A_318 = arith.index_cast %get3A_317 : i32 to index
          %get3A_319 = arith.index_cast %mul3A_304 : i32 to index
          %get3A_320 = tpu.vector_load %arg6[%get3A_318, %get3A_319] {strides = array<i32>} : memref<16x1024xf32, #tpu.memory_space<vmem>>, vector<16xf32>,
          %get3A_321 = arith.constant 3 : i32
          %get3A_322 = arith.index_cast %get3A_321 : i32 to index
          %get3A_323 = arith.index_cast %mul3A_304 : i32 to index
          %get3A_324 = tpu.vector_load %arg6[%get3A_322, %get3A_323] {strides = array<i32>} : memref<16x1024xf32, #tpu.memory_space<vmem>>, vector<16xf32>,
          %pack3A_325 = tpu.pack_subelements %get3A_320, %get3A_324 {pack_format = #tpu.pack_format<interleaved>, positions = array<i32: 0, 1>} : vector<16xf32>, vector<16xf32> -> vector<32xbf16>
          %bitcast3A_326 = vector.bitcast %pack3A_325 : vector<32xbf16> to vector<16xi32>
          tpu.vector_store_idx %arg8[%add3A_306, %add3A_12], %bitcast3A_326 : memref<64x128xi32, #tpu.memory_space<vmem>>[vector<16xi32>, vector<16xi32>], vector<16xi32>,
          %get3A_327 = arith.constant 4 : i32
          %get3A_328 = arith.index_cast %get3A_327 : i32 to index
          %get3A_329 = arith.index_cast %mul3A_304 : i32 to index
          %get3A_330 = tpu.vector_load %arg6[%get3A_328, %get3A_329] {strides = array<i32>} : memref<16x1024xf32, #tpu.memory_space<vmem>>, vector<16xf32>,
          %get3A_331 = arith.constant 5 : i32
          %get3A_332 = arith.index_cast %get3A_331 : i32 to index
          %get3A_333 = arith.index_cast %mul3A_304 : i32 to index
          %get3A_334 = tpu.vector_load %arg6[%get3A_332, %get3A_333] {strides = array<i32>} : memref<16x1024xf32, #tpu.memory_space<vmem>>, vector<16xf32>,
          %pack3A_335 = tpu.pack_subelements %get3A_330, %get3A_334 {pack_format = #tpu.pack_format<interleaved>, positions = array<i32: 0, 1>} : vector<16xf32>, vector<16xf32> -> vector<32xbf16>
          %bitcast3A_336 = vector.bitcast %pack3A_335 : vector<32xbf16> to vector<16xi32>
          tpu.vector_store_idx %arg8[%add3A_306, %add3A_18], %bitcast3A_336 : memref<64x128xi32, #tpu.memory_space<vmem>>[vector<16xi32>, vector<16xi32>], vector<16xi32>,
          %get3A_337 = arith.constant 6 : i32
          %get3A_338 = arith.index_cast %get3A_337 : i32 to index
          %get3A_339 = arith.index_cast %mul3A_304 : i32 to index
          %get3A_340 = tpu.vector_load %arg6[%get3A_338, %get3A_339] {strides = array<i32>} : memref<16x1024xf32, #tpu.memory_space<vmem>>, vector<16xf32>,
          %get3A_341 = arith.constant 7 : i32
          %get3A_342 = arith.index_cast %get3A_341 : i32 to index
          %get3A_343 = arith.index_cast %mul3A_304 : i32 to index
          %get3A_344 = tpu.vector_load %arg6[%get3A_342, %get3A_343] {strides = array<i32>} : memref<16x1024xf32, #tpu.memory_space<vmem>>, vector<16xf32>,
          %pack3A_345 = tpu.pack_subelements %get3A_340, %get3A_344 {pack_format = #tpu.pack_format<interleaved>, positions = array<i32: 0, 1>} : vector<16xf32>, vector<16xf32> -> vector<32xbf16>
          %bitcast3A_346 = vector.bitcast %pack3A_345 : vector<32xbf16> to vector<16xi32>
          tpu.vector_store_idx %arg8[%add3A_306, %add3A_24], %bitcast3A_346 : memref<64x128xi32, #tpu.memory_space<vmem>>[vector<16xi32>, vector<16xi32>], vector<16xi32>,
          %get3A_347 = arith.constant 8 : i32
          %get3A_348 = arith.index_cast %get3A_347 : i32 to index
          %get3A_349 = arith.index_cast %mul3A_304 : i32 to index
          %get3A_350 = tpu.vector_load %arg6[%get3A_348, %get3A_349] {strides = array<i32>} : memref<16x1024xf32, #tpu.memory_space<vmem>>, vector<16xf32>,
          %get3A_351 = arith.constant 9 : i32
          %get3A_352 = arith.index_cast %get3A_351 : i32 to index
          %get3A_353 = arith.index_cast %mul3A_304 : i32 to index
          %get3A_354 = tpu.vector_load %arg6[%get3A_352, %get3A_353] {strides = array<i32>} : memref<16x1024xf32, #tpu.memory_space<vmem>>, vector<16xf32>,
          %pack3A_355 = tpu.pack_subelements %get3A_350, %get3A_354 {pack_format = #tpu.pack_format<interleaved>, positions = array<i32: 0, 1>} : vector<16xf32>, vector<16xf32> -> vector<32xbf16>
          %bitcast3A_356 = vector.bitcast %pack3A_355 : vector<32xbf16> to vector<16xi32>
          tpu.vector_store_idx %arg8[%add3A_306, %add3A_30], %bitcast3A_356 : memref<64x128xi32, #tpu.memory_space<vmem>>[vector<16xi32>, vector<16xi32>], vector<16xi32>,
          %get3A_357 = arith.constant 10 : i32
          %get3A_358 = arith.index_cast %get3A_357 : i32 to index
          %get3A_359 = arith.index_cast %mul3A_304 : i32 to index
          %get3A_360 = tpu.vector_load %arg6[%get3A_358, %get3A_359] {strides = array<i32>} : memref<16x1024xf32, #tpu.memory_space<vmem>>, vector<16xf32>,
          %get3A_361 = arith.constant 11 : i32
          %get3A_362 = arith.index_cast %get3A_361 : i32 to index
          %get3A_363 = arith.index_cast %mul3A_304 : i32 to index
          %get3A_364 = tpu.vector_load %arg6[%get3A_362, %get3A_363] {strides = array<i32>} : memref<16x1024xf32, #tpu.memory_space<vmem>>, vector<16xf32>,
          %pack3A_365 = tpu.pack_subelements %get3A_360, %get3A_364 {pack_format = #tpu.pack_format<interleaved>, positions = array<i32: 0, 1>} : vector<16xf32>, vector<16xf32> -> vector<32xbf16>
          %bitcast3A_366 = vector.bitcast %pack3A_365 : vector<32xbf16> to vector<16xi32>
          tpu.vector_store_idx %arg8[%add3A_306, %add3A_36], %bitcast3A_366 : memref<64x128xi32, #tpu.memory_space<vmem>>[vector<16xi32>, vector<16xi32>], vector<16xi32>,
          %get3A_367 = arith.constant 12 : i32
          %get3A_368 = arith.index_cast %get3A_367 : i32 to index
          %get3A_369 = arith.index_cast %mul3A_304 : i32 to index
          %get3A_370 = tpu.vector_load %arg6[%get3A_368, %get3A_369] {strides = array<i32>} : memref<16x1024xf32, #tpu.memory_space<vmem>>, vector<16xf32>,
          %get3A_371 = arith.constant 13 : i32
          %get3A_372 = arith.index_cast %get3A_371 : i32 to index
          %get3A_373 = arith.index_cast %mul3A_304 : i32 to index
          %get3A_374 = tpu.vector_load %arg6[%get3A_372, %get3A_373] {strides = array<i32>} : memref<16x1024xf32, #tpu.memory_space<vmem>>, vector<16xf32>,
          %pack3A_375 = tpu.pack_subelements %get3A_370, %get3A_374 {pack_format = #tpu.pack_format<interleaved>, positions = array<i32: 0, 1>} : vector<16xf32>, vector<16xf32> -> vector<32xbf16>
          %bitcast3A_376 = vector.bitcast %pack3A_375 : vector<32xbf16> to vector<16xi32>
          tpu.vector_store_idx %arg8[%add3A_306, %add3A_42], %bitcast3A_376 : memref<64x128xi32, #tpu.memory_space<vmem>>[vector<16xi32>, vector<16xi32>], vector<16xi32>,
          %get3A_377 = arith.constant 14 : i32
          %get3A_378 = arith.index_cast %get3A_377 : i32 to index
          %get3A_379 = arith.index_cast %mul3A_304 : i32 to index
          %get3A_380 = tpu.vector_load %arg6[%get3A_378, %get3A_379] {strides = array<i32>} : memref<16x1024xf32, #tpu.memory_space<vmem>>, vector<16xf32>,
          %get3A_381 = arith.constant 15 : i32
          %get3A_382 = arith.index_cast %get3A_381 : i32 to index
          %get3A_383 = arith.index_cast %mul3A_304 : i32 to index
          %get3A_384 = tpu.vector_load %arg6[%get3A_382, %get3A_383] {strides = array<i32>} : memref<16x1024xf32, #tpu.memory_space<vmem>>, vector<16xf32>,
          %pack3A_385 = tpu.pack_subelements %get3A_380, %get3A_384 {pack_format = #tpu.pack_format<interleaved>, positions = array<i32: 0, 1>} : vector<16xf32>, vector<16xf32> -> vector<32xbf16>
          %bitcast3A_386 = vector.bitcast %pack3A_385 : vector<32xbf16> to vector<16xi32>
          tpu.vector_store_idx %arg8[%add3A_306, %add3A_48], %bitcast3A_386 : memref<64x128xi32, #tpu.memory_space<vmem>>[vector<16xi32>, vector<16xi32>], vector<16xi32>,
          %scan3A_387 = arith.constant 3 : i32
          %scan3A_388 = arith.addi %scan3A_133, %scan3A_387 : i32
          %mul3A_389 = arith.constant 16 : i32
          %mul3A_390 = arith.muli %scan3A_388, %mul3A_389 : i32
          %add3A_391 = vector.broadcast %scan3A_388 : i32 to vector<16xi32>
          %add3A_392 = arith.addi %broadcast_in_dim3A_49, %add3A_391 : vector<16xi32>
          %get3A_393 = arith.constant 0 : i32
          %get3A_394 = arith.index_cast %get3A_393 : i32 to index
          %get3A_395 = arith.index_cast %mul3A_390 : i32 to index
          %get3A_396 = tpu.vector_load %arg6[%get3A_394, %get3A_395] {strides = array<i32>} : memref<16x1024xf32, #tpu.memory_space<vmem>>, vector<16xf32>,
          %get3A_397 = arith.constant 1 : i32
          %get3A_398 = arith.index_cast %get3A_397 : i32 to index
          %get3A_399 = arith.index_cast %mul3A_390 : i32 to index
          %get3A_400 = tpu.vector_load %arg6[%get3A_398, %get3A_399] {strides = array<i32>} : memref<16x1024xf32, #tpu.memory_space<vmem>>, vector<16xf32>,
          %pack3A_401 = tpu.pack_subelements %get3A_396, %get3A_400 {pack_format = #tpu.pack_format<interleaved>, positions = array<i32: 0, 1>} : vector<16xf32>, vector<16xf32> -> vector<32xbf16>
          %bitcast3A_402 = vector.bitcast %pack3A_401 : vector<32xbf16> to vector<16xi32>
          tpu.vector_store_idx %arg8[%add3A_392, %add3A_6], %bitcast3A_402 : memref<64x128xi32, #tpu.memory_space<vmem>>[vector<16xi32>, vector<16xi32>], vector<16xi32>,
          %get3A_403 = arith.constant 2 : i32
          %get3A_404 = arith.index_cast %get3A_403 : i32 to index
          %get3A_405 = arith.index_cast %mul3A_390 : i32 to index
          %get3A_406 = tpu.vector_load %arg6[%get3A_404, %get3A_405] {strides = array<i32>} : memref<16x1024xf32, #tpu.memory_space<vmem>>, vector<16xf32>,
          %get3A_407 = arith.constant 3 : i32
          %get3A_408 = arith.index_cast %get3A_407 : i32 to index
          %get3A_409 = arith.index_cast %mul3A_390 : i32 to index
          %get3A_410 = tpu.vector_load %arg6[%get3A_408, %get3A_409] {strides = array<i32>} : memref<16x1024xf32, #tpu.memory_space<vmem>>, vector<16xf32>,
          %pack3A_411 = tpu.pack_subelements %get3A_406, %get3A_410 {pack_format = #tpu.pack_format<interleaved>, positions = array<i32: 0, 1>} : vector<16xf32>, vector<16xf32> -> vector<32xbf16>
          %bitcast3A_412 = vector.bitcast %pack3A_411 : vector<32xbf16> to vector<16xi32>
          tpu.vector_store_idx %arg8[%add3A_392, %add3A_12], %bitcast3A_412 : memref<64x128xi32, #tpu.memory_space<vmem>>[vector<16xi32>, vector<16xi32>], vector<16xi32>,
          %get3A_413 = arith.constant 4 : i32
          %get3A_414 = arith.index_cast %get3A_413 : i32 to index
          %get3A_415 = arith.index_cast %mul3A_390 : i32 to index
          %get3A_416 = tpu.vector_load %arg6[%get3A_414, %get3A_415] {strides = array<i32>} : memref<16x1024xf32, #tpu.memory_space<vmem>>, vector<16xf32>,
          %get3A_417 = arith.constant 5 : i32
          %get3A_418 = arith.index_cast %get3A_417 : i32 to index
          %get3A_419 = arith.index_cast %mul3A_390 : i32 to index
          %get3A_420 = tpu.vector_load %arg6[%get3A_418, %get3A_419] {strides = array<i32>} : memref<16x1024xf32, #tpu.memory_space<vmem>>, vector<16xf32>,
          %pack3A_421 = tpu.pack_subelements %get3A_416, %get3A_420 {pack_format = #tpu.pack_format<interleaved>, positions = array<i32: 0, 1>} : vector<16xf32>, vector<16xf32> -> vector<32xbf16>
          %bitcast3A_422 = vector.bitcast %pack3A_421 : vector<32xbf16> to vector<16xi32>
          tpu.vector_store_idx %arg8[%add3A_392, %add3A_18], %bitcast3A_422 : memref<64x128xi32, #tpu.memory_space<vmem>>[vector<16xi32>, vector<16xi32>], vector<16xi32>,
          %get3A_423 = arith.constant 6 : i32
          %get3A_424 = arith.index_cast %get3A_423 : i32 to index
          %get3A_425 = arith.index_cast %mul3A_390 : i32 to index
          %get3A_426 = tpu.vector_load %arg6[%get3A_424, %get3A_425] {strides = array<i32>} : memref<16x1024xf32, #tpu.memory_space<vmem>>, vector<16xf32>,
          %get3A_427 = arith.constant 7 : i32
          %get3A_428 = arith.index_cast %get3A_427 : i32 to index
          %get3A_429 = arith.index_cast %mul3A_390 : i32 to index
          %get3A_430 = tpu.vector_load %arg6[%get3A_428, %get3A_429] {strides = array<i32>} : memref<16x1024xf32, #tpu.memory_space<vmem>>, vector<16xf32>,
          %pack3A_431 = tpu.pack_subelements %get3A_426, %get3A_430 {pack_format = #tpu.pack_format<interleaved>, positions = array<i32: 0, 1>} : vector<16xf32>, vector<16xf32> -> vector<32xbf16>
          %bitcast3A_432 = vector.bitcast %pack3A_431 : vector<32xbf16> to vector<16xi32>
          tpu.vector_store_idx %arg8[%add3A_392, %add3A_24], %bitcast3A_432 : memref<64x128xi32, #tpu.memory_space<vmem>>[vector<16xi32>, vector<16xi32>], vector<16xi32>,
          %get3A_433 = arith.constant 8 : i32
          %get3A_434 = arith.index_cast %get3A_433 : i32 to index
          %get3A_435 = arith.index_cast %mul3A_390 : i32 to index
          %get3A_436 = tpu.vector_load %arg6[%get3A_434, %get3A_435] {strides = array<i32>} : memref<16x1024xf32, #tpu.memory_space<vmem>>, vector<16xf32>,
          %get3A_437 = arith.constant 9 : i32
          %get3A_438 = arith.index_cast %get3A_437 : i32 to index
          %get3A_439 = arith.index_cast %mul3A_390 : i32 to index
          %get3A_440 = tpu.vector_load %arg6[%get3A_438, %get3A_439] {strides = array<i32>} : memref<16x1024xf32, #tpu.memory_space<vmem>>, vector<16xf32>,
          %pack3A_441 = tpu.pack_subelements %get3A_436, %get3A_440 {pack_format = #tpu.pack_format<interleaved>, positions = array<i32: 0, 1>} : vector<16xf32>, vector<16xf32> -> vector<32xbf16>
          %bitcast3A_442 = vector.bitcast %pack3A_441 : vector<32xbf16> to vector<16xi32>
          tpu.vector_store_idx %arg8[%add3A_392, %add3A_30], %bitcast3A_442 : memref<64x128xi32, #tpu.memory_space<vmem>>[vector<16xi32>, vector<16xi32>], vector<16xi32>,
          %get3A_443 = arith.constant 10 : i32
          %get3A_444 = arith.index_cast %get3A_443 : i32 to index
          %get3A_445 = arith.index_cast %mul3A_390 : i32 to index
          %get3A_446 = tpu.vector_load %arg6[%get3A_444, %get3A_445] {strides = array<i32>} : memref<16x1024xf32, #tpu.memory_space<vmem>>, vector<16xf32>,
          %get3A_447 = arith.constant 11 : i32
          %get3A_448 = arith.index_cast %get3A_447 : i32 to index
          %get3A_449 = arith.index_cast %mul3A_390 : i32 to index
          %get3A_450 = tpu.vector_load %arg6[%get3A_448, %get3A_449] {strides = array<i32>} : memref<16x1024xf32, #tpu.memory_space<vmem>>, vector<16xf32>,
          %pack3A_451 = tpu.pack_subelements %get3A_446, %get3A_450 {pack_format = #tpu.pack_format<interleaved>, positions = array<i32: 0, 1>} : vector<16xf32>, vector<16xf32> -> vector<32xbf16>
          %bitcast3A_452 = vector.bitcast %pack3A_451 : vector<32xbf16> to vector<16xi32>
          tpu.vector_store_idx %arg8[%add3A_392, %add3A_36], %bitcast3A_452 : memref<64x128xi32, #tpu.memory_space<vmem>>[vector<16xi32>, vector<16xi32>], vector<16xi32>,
          %get3A_453 = arith.constant 12 : i32
          %get3A_454 = arith.index_cast %get3A_453 : i32 to index
          %get3A_455 = arith.index_cast %mul3A_390 : i32 to index
          %get3A_456 = tpu.vector_load %arg6[%get3A_454, %get3A_455] {strides = array<i32>} : memref<16x1024xf32, #tpu.memory_space<vmem>>, vector<16xf32>,
          %get3A_457 = arith.constant 13 : i32
          %get3A_458 = arith.index_cast %get3A_457 : i32 to index
          %get3A_459 = arith.index_cast %mul3A_390 : i32 to index
          %get3A_460 = tpu.vector_load %arg6[%get3A_458, %get3A_459] {strides = array<i32>} : memref<16x1024xf32, #tpu.memory_space<vmem>>, vector<16xf32>,
          %pack3A_461 = tpu.pack_subelements %get3A_456, %get3A_460 {pack_format = #tpu.pack_format<interleaved>, positions = array<i32: 0, 1>} : vector<16xf32>, vector<16xf32> -> vector<32xbf16>
          %bitcast3A_462 = vector.bitcast %pack3A_461 : vector<32xbf16> to vector<16xi32>
          tpu.vector_store_idx %arg8[%add3A_392, %add3A_42], %bitcast3A_462 : memref<64x128xi32, #tpu.memory_space<vmem>>[vector<16xi32>, vector<16xi32>], vector<16xi32>,
          %get3A_463 = arith.constant 14 : i32
          %get3A_464 = arith.index_cast %get3A_463 : i32 to index
          %get3A_465 = arith.index_cast %mul3A_390 : i32 to index
          %get3A_466 = tpu.vector_load %arg6[%get3A_464, %get3A_465] {strides = array<i32>} : memref<16x1024xf32, #tpu.memory_space<vmem>>, vector<16xf32>,
          %get3A_467 = arith.constant 15 : i32
          %get3A_468 = arith.index_cast %get3A_467 : i32 to index
          %get3A_469 = arith.index_cast %mul3A_390 : i32 to index
          %get3A_470 = tpu.vector_load %arg6[%get3A_468, %get3A_469] {strides = array<i32>} : memref<16x1024xf32, #tpu.memory_space<vmem>>, vector<16xf32>,
          %pack3A_471 = tpu.pack_subelements %get3A_466, %get3A_470 {pack_format = #tpu.pack_format<interleaved>, positions = array<i32: 0, 1>} : vector<16xf32>, vector<16xf32> -> vector<32xbf16>
          %bitcast3A_472 = vector.bitcast %pack3A_471 : vector<32xbf16> to vector<16xi32>
          tpu.vector_store_idx %arg8[%add3A_392, %add3A_48], %bitcast3A_472 : memref<64x128xi32, #tpu.memory_space<vmem>>[vector<16xi32>, vector<16xi32>], vector<16xi32>,
        }
        %scan3A_127 = arith.constant 64 : i32
        %mul3A_128 = arith.constant 64 : i32
        %mul3A_129 = arith.muli %add3A_87, %mul3A_128 : i32
        %dma_start3A = arith.constant 0 : i32
        %dma_start3A_130 = tpu.memref_slice %arg4[%mul3A_129, %dma_start3A] : memref<162500x128xi32, #tpu.memory_space<hbm>> -> memref<64x128xi32, #tpu.memory_space<hbm>>
        %dma_start3A_131 = arith.constant 0 : i32
        %dma_start3A_132 = tpu.memref_slice %arg4[%mul3A_129, %dma_start3A_131] : memref<162500x128xi32, #tpu.memory_space<hbm>> -> memref<64x128xi32, #tpu.memory_space<hbm>>
        tpu.enqueue_dma source(%arg8 : memref<64x128xi32, #tpu.memory_space<vmem>>) target(%dma_start3A_132 : memref<64x128xi32, #tpu.memory_space<hbm>>) target_semaphore(%arg14 : memref<!tpu.dma_semaphore, #tpu.memory_space<semaphore_mem>>)
      } else {
      }
    }
    %scan3A_58 = arith.constant 40 : i32
    %add3A_59 = arith.constant 2496 : i32
    %add3A_60 = arith.addi %add3A_59, %add3A : i32
    %add3A_61 = arith.constant 2528 : i32
    %add3A_62 = arith.addi %add3A_61, %add3A : i32
    %lt3A_63 = arith.constant 2539 : i32
    %lt3A_64 = arith.cmpi slt, %add3A_60, %lt3A_63 : i32
    %convert_element_type3A_65 = arith.extui %lt3A_64 : i1 to i32
    %cond3A_66 = arith.constant 0 : i32
    %cond3A_67 = arith.cmpi ne, %convert_element_type3A_65, %cond3A_66 : i32
    scf.if %cond3A_67 {
      %mul3A_77 = arith.constant 64 : i32
      %mul3A_78 = arith.muli %add3A_60, %mul3A_77 : i32
      %dma_wait3A = arith.constant 0 : i32
      %dma_wait3A_79 = tpu.memref_slice %arg4[%mul3A_78, %dma_wait3A] : memref<162500x128xi32, #tpu.memory_space<hbm>> -> memref<64x128xi32, #tpu.memory_space<hbm>>
      %dma_wait3A_80 = arith.constant 0 : i32
      %dma_wait3A_81 = tpu.memref_slice %arg4[%mul3A_78, %dma_wait3A_80] : memref<162500x128xi32, #tpu.memory_space<hbm>> -> memref<64x128xi32, #tpu.memory_space<hbm>>
      tpu.wait_dma2 semaphore(%arg13 : memref<!tpu.dma_semaphore, #tpu.memory_space<semaphore_mem>>) src(%arg7 : memref<64x128xi32, #tpu.memory_space<vmem>>) dst(%dma_wait3A_81 : memref<64x128xi32, #tpu.memory_space<hbm>>)
    } else {
    }
    %lt3A_68 = arith.constant 2539 : i32
    %lt3A_69 = arith.cmpi slt, %add3A_62, %lt3A_68 : i32
    %convert_element_type3A_70 = arith.extui %lt3A_69 : i1 to i32
    %cond3A_71 = arith.constant 0 : i32
    %cond3A_72 = arith.cmpi ne, %convert_element_type3A_70, %cond3A_71 : i32
    scf.if %cond3A_72 {
      %mul3A_77 = arith.constant 64 : i32
      %mul3A_78 = arith.muli %add3A_62, %mul3A_77 : i32
      %dma_wait3A = arith.constant 0 : i32
      %dma_wait3A_79 = tpu.memref_slice %arg4[%mul3A_78, %dma_wait3A] : memref<162500x128xi32, #tpu.memory_space<hbm>> -> memref<64x128xi32, #tpu.memory_space<hbm>>
      %dma_wait3A_80 = arith.constant 0 : i32
      %dma_wait3A_81 = tpu.memref_slice %arg4[%mul3A_78, %dma_wait3A_80] : memref<162500x128xi32, #tpu.memory_space<hbm>> -> memref<64x128xi32, #tpu.memory_space<hbm>>
      tpu.wait_dma2 semaphore(%arg14 : memref<!tpu.dma_semaphore, #tpu.memory_space<semaphore_mem>>) src(%arg8 : memref<64x128xi32, #tpu.memory_space<vmem>>) dst(%dma_wait3A_81 : memref<64x128xi32, #tpu.memory_space<hbm>>)
    } else {
    }
    %eq3A = arith.constant 31 : i32
    %eq3A_73 = arith.cmpi eq, %add3A, %eq3A : i32
    %convert_element_type3A_74 = arith.extui %eq3A_73 : i1 to i32
    %cond3A_75 = arith.constant 0 : i32
    %cond3A_76 = arith.cmpi ne, %convert_element_type3A_74, %cond3A_75 : i32
    scf.if %cond3A_76 {
      "tpu.region"() ({
        %run_scoped3A = tpu.sem_alloc : memref<!tpu.dma_semaphore, #tpu.memory_space<semaphore_mem>>
        tpu.enqueue_dma source(%arg3 : memref<64x16xf32, #tpu.memory_space<hbm>>) target(%arg9 : memref<64x16xf32, #tpu.memory_space<vmem>>) target_semaphore(%run_scoped3A : memref<!tpu.dma_semaphore, #tpu.memory_space<semaphore_mem>>)
        tpu.wait_dma2 semaphore(%run_scoped3A : memref<!tpu.dma_semaphore, #tpu.memory_space<semaphore_mem>>) src(%arg3 : memref<64x16xf32, #tpu.memory_space<hbm>>) dst(%arg9 : memref<64x16xf32, #tpu.memory_space<vmem>>)
        tpu.yield
      }) : () -> ()
      %add3A_77 = arith.constant 0 : i32
      %add3A_78 = vector.broadcast %add3A_77 : i32 to vector<16xi32>
      %add3A_79 = arith.addi %add3A_78, %iota3A : vector<16xi32>
      %add3A_80 = arith.constant 0 : i32
      %add3A_81 = vector.broadcast %add3A_80 : i32 to vector<16xi32>
      %add3A_82 = arith.addi %broadcast_in_dim3A_49, %add3A_81 : vector<16xi32>
      %broadcast_in_dim3A_83 = arith.constant 0 : i32
      %broadcast_in_dim3A_84 = vector.broadcast %broadcast_in_dim3A_83 : i32 to vector<16xi32>
      %gather3A = tpu.vector_load_idx %arg9[%add3A_79, %broadcast_in_dim3A_84] : memref<64x16xf32, #tpu.memory_space<vmem>>[vector<16xi32>, vector<16xi32>], vector<16xf32>,
      %broadcast_in_dim3A_85 = arith.constant 1 : i32
      %broadcast_in_dim3A_86 = vector.broadcast %broadcast_in_dim3A_85 : i32 to vector<16xi32>
      %gather3A_87 = tpu.vector_load_idx %arg9[%add3A_79, %broadcast_in_dim3A_86] : memref<64x16xf32, #tpu.memory_space<vmem>>[vector<16xi32>, vector<16xi32>], vector<16xf32>,
      %pack3A = tpu.pack_subelements %gather3A, %gather3A_87 {pack_format = #tpu.pack_format<interleaved>, positions = array<i32: 0, 1>} : vector<16xf32>, vector<16xf32> -> vector<32xbf16>
      %bitcast3A = vector.bitcast %pack3A : vector<32xbf16> to vector<16xi32>
      tpu.vector_store_idx %arg10[%add3A_82, %add3A_6], %bitcast3A : memref<4x128xi32, #tpu.memory_space<vmem>>[vector<16xi32>, vector<16xi32>], vector<16xi32>,
      %broadcast_in_dim3A_88 = arith.constant 2 : i32
      %broadcast_in_dim3A_89 = vector.broadcast %broadcast_in_dim3A_88 : i32 to vector<16xi32>
      %gather3A_90 = tpu.vector_load_idx %arg9[%add3A_79, %broadcast_in_dim3A_89] : memref<64x16xf32, #tpu.memory_space<vmem>>[vector<16xi32>, vector<16xi32>], vector<16xf32>,
      %broadcast_in_dim3A_91 = arith.constant 3 : i32
      %broadcast_in_dim3A_92 = vector.broadcast %broadcast_in_dim3A_91 : i32 to vector<16xi32>
      %gather3A_93 = tpu.vector_load_idx %arg9[%add3A_79, %broadcast_in_dim3A_92] : memref<64x16xf32, #tpu.memory_space<vmem>>[vector<16xi32>, vector<16xi32>], vector<16xf32>,
      %pack3A_94 = tpu.pack_subelements %gather3A_90, %gather3A_93 {pack_format = #tpu.pack_format<interleaved>, positions = array<i32: 0, 1>} : vector<16xf32>, vector<16xf32> -> vector<32xbf16>
      %bitcast3A_95 = vector.bitcast %pack3A_94 : vector<32xbf16> to vector<16xi32>
      tpu.vector_store_idx %arg10[%add3A_82, %add3A_12], %bitcast3A_95 : memref<4x128xi32, #tpu.memory_space<vmem>>[vector<16xi32>, vector<16xi32>], vector<16xi32>,
      %broadcast_in_dim3A_96 = arith.constant 4 : i32
      %broadcast_in_dim3A_97 = vector.broadcast %broadcast_in_dim3A_96 : i32 to vector<16xi32>
      %gather3A_98 = tpu.vector_load_idx %arg9[%add3A_79, %broadcast_in_dim3A_97] : memref<64x16xf32, #tpu.memory_space<vmem>>[vector<16xi32>, vector<16xi32>], vector<16xf32>,
      %broadcast_in_dim3A_99 = arith.constant 5 : i32
      %broadcast_in_dim3A_100 = vector.broadcast %broadcast_in_dim3A_99 : i32 to vector<16xi32>
      %gather3A_101 = tpu.vector_load_idx %arg9[%add3A_79, %broadcast_in_dim3A_100] : memref<64x16xf32, #tpu.memory_space<vmem>>[vector<16xi32>, vector<16xi32>], vector<16xf32>,
      %pack3A_102 = tpu.pack_subelements %gather3A_98, %gather3A_101 {pack_format = #tpu.pack_format<interleaved>, positions = array<i32: 0, 1>} : vector<16xf32>, vector<16xf32> -> vector<32xbf16>
      %bitcast3A_103 = vector.bitcast %pack3A_102 : vector<32xbf16> to vector<16xi32>
      tpu.vector_store_idx %arg10[%add3A_82, %add3A_18], %bitcast3A_103 : memref<4x128xi32, #tpu.memory_space<vmem>>[vector<16xi32>, vector<16xi32>], vector<16xi32>,
      %broadcast_in_dim3A_104 = arith.constant 6 : i32
      %broadcast_in_dim3A_105 = vector.broadcast %broadcast_in_dim3A_104 : i32 to vector<16xi32>
      %gather3A_106 = tpu.vector_load_idx %arg9[%add3A_79, %broadcast_in_dim3A_105] : memref<64x16xf32, #tpu.memory_space<vmem>>[vector<16xi32>, vector<16xi32>], vector<16xf32>,
      %broadcast_in_dim3A_107 = arith.constant 7 : i32
      %broadcast_in_dim3A_108 = vector.broadcast %broadcast_in_dim3A_107 : i32 to vector<16xi32>
      %gather3A_109 = tpu.vector_load_idx %arg9[%add3A_79, %broadcast_in_dim3A_108] : memref<64x16xf32, #tpu.memory_space<vmem>>[vector<16xi32>, vector<16xi32>], vector<16xf32>,
      %pack3A_110 = tpu.pack_subelements %gather3A_106, %gather3A_109 {pack_format = #tpu.pack_format<interleaved>, positions = array<i32: 0, 1>} : vector<16xf32>, vector<16xf32> -> vector<32xbf16>
      %bitcast3A_111 = vector.bitcast %pack3A_110 : vector<32xbf16> to vector<16xi32>
      tpu.vector_store_idx %arg10[%add3A_82, %add3A_24], %bitcast3A_111 : memref<4x128xi32, #tpu.memory_space<vmem>>[vector<16xi32>, vector<16xi32>], vector<16xi32>,
      %broadcast_in_dim3A_112 = arith.constant 8 : i32
      %broadcast_in_dim3A_113 = vector.broadcast %broadcast_in_dim3A_112 : i32 to vector<16xi32>
      %gather3A_114 = tpu.vector_load_idx %arg9[%add3A_79, %broadcast_in_dim3A_113] : memref<64x16xf32, #tpu.memory_space<vmem>>[vector<16xi32>, vector<16xi32>], vector<16xf32>,
      %broadcast_in_dim3A_115 = arith.constant 9 : i32
      %broadcast_in_dim3A_116 = vector.broadcast %broadcast_in_dim3A_115 : i32 to vector<16xi32>
      %gather3A_117 = tpu.vector_load_idx %arg9[%add3A_79, %broadcast_in_dim3A_116] : memref<64x16xf32, #tpu.memory_space<vmem>>[vector<16xi32>, vector<16xi32>], vector<16xf32>,
      %pack3A_118 = tpu.pack_subelements %gather3A_114, %gather3A_117 {pack_format = #tpu.pack_format<interleaved>, positions = array<i32: 0, 1>} : vector<16xf32>, vector<16xf32> -> vector<32xbf16>
      %bitcast3A_119 = vector.bitcast %pack3A_118 : vector<32xbf16> to vector<16xi32>
      tpu.vector_store_idx %arg10[%add3A_82, %add3A_30], %bitcast3A_119 : memref<4x128xi32, #tpu.memory_space<vmem>>[vector<16xi32>, vector<16xi32>], vector<16xi32>,
      %broadcast_in_dim3A_120 = arith.constant 10 : i32
      %broadcast_in_dim3A_121 = vector.broadcast %broadcast_in_dim3A_120 : i32 to vector<16xi32>
      %gather3A_122 = tpu.vector_load_idx %arg9[%add3A_79, %broadcast_in_dim3A_121] : memref<64x16xf32, #tpu.memory_space<vmem>>[vector<16xi32>, vector<16xi32>], vector<16xf32>,
      %broadcast_in_dim3A_123 = arith.constant 11 : i32
      %broadcast_in_dim3A_124 = vector.broadcast %broadcast_in_dim3A_123 : i32 to vector<16xi32>
      %gather3A_125 = tpu.vector_load_idx %arg9[%add3A_79, %broadcast_in_dim3A_124] : memref<64x16xf32, #tpu.memory_space<vmem>>[vector<16xi32>, vector<16xi32>], vector<16xf32>,
      %pack3A_126 = tpu.pack_subelements %gather3A_122, %gather3A_125 {pack_format = #tpu.pack_format<interleaved>, positions = array<i32: 0, 1>} : vector<16xf32>, vector<16xf32> -> vector<32xbf16>
      %bitcast3A_127 = vector.bitcast %pack3A_126 : vector<32xbf16> to vector<16xi32>
      tpu.vector_store_idx %arg10[%add3A_82, %add3A_36], %bitcast3A_127 : memref<4x128xi32, #tpu.memory_space<vmem>>[vector<16xi32>, vector<16xi32>], vector<16xi32>,
      %broadcast_in_dim3A_128 = arith.constant 12 : i32
      %broadcast_in_dim3A_129 = vector.broadcast %broadcast_in_dim3A_128 : i32 to vector<16xi32>
      %gather3A_130 = tpu.vector_load_idx %arg9[%add3A_79, %broadcast_in_dim3A_129] : memref<64x16xf32, #tpu.memory_space<vmem>>[vector<16xi32>, vector<16xi32>], vector<16xf32>,
      %broadcast_in_dim3A_131 = arith.constant 13 : i32
      %broadcast_in_dim3A_132 = vector.broadcast %broadcast_in_dim3A_131 : i32 to vector<16xi32>
      %gather3A_133 = tpu.vector_load_idx %arg9[%add3A_79, %broadcast_in_dim3A_132] : memref<64x16xf32, #tpu.memory_space<vmem>>[vector<16xi32>, vector<16xi32>], vector<16xf32>,
      %pack3A_134 = tpu.pack_subelements %gather3A_130, %gather3A_133 {pack_format = #tpu.pack_format<interleaved>, positions = array<i32: 0, 1>} : vector<16xf32>, vector<16xf32> -> vector<32xbf16>
      %bitcast3A_135 = vector.bitcast %pack3A_134 : vector<32xbf16> to vector<16xi32>
      tpu.vector_store_idx %arg10[%add3A_82, %add3A_42], %bitcast3A_135 : memref<4x128xi32, #tpu.memory_space<vmem>>[vector<16xi32>, vector<16xi32>], vector<16xi32>,
      %broadcast_in_dim3A_136 = arith.constant 14 : i32
      %broadcast_in_dim3A_137 = vector.broadcast %broadcast_in_dim3A_136 : i32 to vector<16xi32>
      %gather3A_138 = tpu.vector_load_idx %arg9[%add3A_79, %broadcast_in_dim3A_137] : memref<64x16xf32, #tpu.memory_space<vmem>>[vector<16xi32>, vector<16xi32>], vector<16xf32>,
      %broadcast_in_dim3A_139 = arith.constant 15 : i32
      %broadcast_in_dim3A_140 = vector.broadcast %broadcast_in_dim3A_139 : i32 to vector<16xi32>
      %gather3A_141 = tpu.vector_load_idx %arg9[%add3A_79, %broadcast_in_dim3A_140] : memref<64x16xf32, #tpu.memory_space<vmem>>[vector<16xi32>, vector<16xi32>], vector<16xf32>,
      %pack3A_142 = tpu.pack_subelements %gather3A_138, %gather3A_141 {pack_format = #tpu.pack_format<interleaved>, positions = array<i32: 0, 1>} : vector<16xf32>, vector<16xf32> -> vector<32xbf16>
      %bitcast3A_143 = vector.bitcast %pack3A_142 : vector<32xbf16> to vector<16xi32>
      tpu.vector_store_idx %arg10[%add3A_82, %add3A_48], %bitcast3A_143 : memref<4x128xi32, #tpu.memory_space<vmem>>[vector<16xi32>, vector<16xi32>], vector<16xi32>,
      %add3A_144 = arith.constant 16 : i32
      %add3A_145 = vector.broadcast %add3A_144 : i32 to vector<16xi32>
      %add3A_146 = arith.addi %add3A_145, %iota3A : vector<16xi32>
      %add3A_147 = arith.constant 1 : i32
      %add3A_148 = vector.broadcast %add3A_147 : i32 to vector<16xi32>
      %add3A_149 = arith.addi %broadcast_in_dim3A_49, %add3A_148 : vector<16xi32>
      %broadcast_in_dim3A_150 = arith.constant 0 : i32
      %broadcast_in_dim3A_151 = vector.broadcast %broadcast_in_dim3A_150 : i32 to vector<16xi32>
      %gather3A_152 = tpu.vector_load_idx %arg9[%add3A_146, %broadcast_in_dim3A_151] : memref<64x16xf32, #tpu.memory_space<vmem>>[vector<16xi32>, vector<16xi32>], vector<16xf32>,
      %broadcast_in_dim3A_153 = arith.constant 1 : i32
      %broadcast_in_dim3A_154 = vector.broadcast %broadcast_in_dim3A_153 : i32 to vector<16xi32>
      %gather3A_155 = tpu.vector_load_idx %arg9[%add3A_146, %broadcast_in_dim3A_154] : memref<64x16xf32, #tpu.memory_space<vmem>>[vector<16xi32>, vector<16xi32>], vector<16xf32>,
      %pack3A_156 = tpu.pack_subelements %gather3A_152, %gather3A_155 {pack_format = #tpu.pack_format<interleaved>, positions = array<i32: 0, 1>} : vector<16xf32>, vector<16xf32> -> vector<32xbf16>
      %bitcast3A_157 = vector.bitcast %pack3A_156 : vector<32xbf16> to vector<16xi32>
      tpu.vector_store_idx %arg10[%add3A_149, %add3A_6], %bitcast3A_157 : memref<4x128xi32, #tpu.memory_space<vmem>>[vector<16xi32>, vector<16xi32>], vector<16xi32>,
      %broadcast_in_dim3A_158 = arith.constant 2 : i32
      %broadcast_in_dim3A_159 = vector.broadcast %broadcast_in_dim3A_158 : i32 to vector<16xi32>
      %gather3A_160 = tpu.vector_load_idx %arg9[%add3A_146, %broadcast_in_dim3A_159] : memref<64x16xf32, #tpu.memory_space<vmem>>[vector<16xi32>, vector<16xi32>], vector<16xf32>,
      %broadcast_in_dim3A_161 = arith.constant 3 : i32
      %broadcast_in_dim3A_162 = vector.broadcast %broadcast_in_dim3A_161 : i32 to vector<16xi32>
      %gather3A_163 = tpu.vector_load_idx %arg9[%add3A_146, %broadcast_in_dim3A_162] : memref<64x16xf32, #tpu.memory_space<vmem>>[vector<16xi32>, vector<16xi32>], vector<16xf32>,
      %pack3A_164 = tpu.pack_subelements %gather3A_160, %gather3A_163 {pack_format = #tpu.pack_format<interleaved>, positions = array<i32: 0, 1>} : vector<16xf32>, vector<16xf32> -> vector<32xbf16>
      %bitcast3A_165 = vector.bitcast %pack3A_164 : vector<32xbf16> to vector<16xi32>
      tpu.vector_store_idx %arg10[%add3A_149, %add3A_12], %bitcast3A_165 : memref<4x128xi32, #tpu.memory_space<vmem>>[vector<16xi32>, vector<16xi32>], vector<16xi32>,
      %broadcast_in_dim3A_166 = arith.constant 4 : i32
      %broadcast_in_dim3A_167 = vector.broadcast %broadcast_in_dim3A_166 : i32 to vector<16xi32>
      %gather3A_168 = tpu.vector_load_idx %arg9[%add3A_146, %broadcast_in_dim3A_167] : memref<64x16xf32, #tpu.memory_space<vmem>>[vector<16xi32>, vector<16xi32>], vector<16xf32>,
      %broadcast_in_dim3A_169 = arith.constant 5 : i32
      %broadcast_in_dim3A_170 = vector.broadcast %broadcast_in_dim3A_169 : i32 to vector<16xi32>
      %gather3A_171 = tpu.vector_load_idx %arg9[%add3A_146, %broadcast_in_dim3A_170] : memref<64x16xf32, #tpu.memory_space<vmem>>[vector<16xi32>, vector<16xi32>], vector<16xf32>,
      %pack3A_172 = tpu.pack_subelements %gather3A_168, %gather3A_171 {pack_format = #tpu.pack_format<interleaved>, positions = array<i32: 0, 1>} : vector<16xf32>, vector<16xf32> -> vector<32xbf16>
      %bitcast3A_173 = vector.bitcast %pack3A_172 : vector<32xbf16> to vector<16xi32>
      tpu.vector_store_idx %arg10[%add3A_149, %add3A_18], %bitcast3A_173 : memref<4x128xi32, #tpu.memory_space<vmem>>[vector<16xi32>, vector<16xi32>], vector<16xi32>,
      %broadcast_in_dim3A_174 = arith.constant 6 : i32
      %broadcast_in_dim3A_175 = vector.broadcast %broadcast_in_dim3A_174 : i32 to vector<16xi32>
      %gather3A_176 = tpu.vector_load_idx %arg9[%add3A_146, %broadcast_in_dim3A_175] : memref<64x16xf32, #tpu.memory_space<vmem>>[vector<16xi32>, vector<16xi32>], vector<16xf32>,
      %broadcast_in_dim3A_177 = arith.constant 7 : i32
      %broadcast_in_dim3A_178 = vector.broadcast %broadcast_in_dim3A_177 : i32 to vector<16xi32>
      %gather3A_179 = tpu.vector_load_idx %arg9[%add3A_146, %broadcast_in_dim3A_178] : memref<64x16xf32, #tpu.memory_space<vmem>>[vector<16xi32>, vector<16xi32>], vector<16xf32>,
      %pack3A_180 = tpu.pack_subelements %gather3A_176, %gather3A_179 {pack_format = #tpu.pack_format<interleaved>, positions = array<i32: 0, 1>} : vector<16xf32>, vector<16xf32> -> vector<32xbf16>
      %bitcast3A_181 = vector.bitcast %pack3A_180 : vector<32xbf16> to vector<16xi32>
      tpu.vector_store_idx %arg10[%add3A_149, %add3A_24], %bitcast3A_181 : memref<4x128xi32, #tpu.memory_space<vmem>>[vector<16xi32>, vector<16xi32>], vector<16xi32>,
      %broadcast_in_dim3A_182 = arith.constant 8 : i32
      %broadcast_in_dim3A_183 = vector.broadcast %broadcast_in_dim3A_182 : i32 to vector<16xi32>
      %gather3A_184 = tpu.vector_load_idx %arg9[%add3A_146, %broadcast_in_dim3A_183] : memref<64x16xf32, #tpu.memory_space<vmem>>[vector<16xi32>, vector<16xi32>], vector<16xf32>,
      %broadcast_in_dim3A_185 = arith.constant 9 : i32
      %broadcast_in_dim3A_186 = vector.broadcast %broadcast_in_dim3A_185 : i32 to vector<16xi32>
      %gather3A_187 = tpu.vector_load_idx %arg9[%add3A_146, %broadcast_in_dim3A_186] : memref<64x16xf32, #tpu.memory_space<vmem>>[vector<16xi32>, vector<16xi32>], vector<16xf32>,
      %pack3A_188 = tpu.pack_subelements %gather3A_184, %gather3A_187 {pack_format = #tpu.pack_format<interleaved>, positions = array<i32: 0, 1>} : vector<16xf32>, vector<16xf32> -> vector<32xbf16>
      %bitcast3A_189 = vector.bitcast %pack3A_188 : vector<32xbf16> to vector<16xi32>
      tpu.vector_store_idx %arg10[%add3A_149, %add3A_30], %bitcast3A_189 : memref<4x128xi32, #tpu.memory_space<vmem>>[vector<16xi32>, vector<16xi32>], vector<16xi32>,
      %broadcast_in_dim3A_190 = arith.constant 10 : i32
      %broadcast_in_dim3A_191 = vector.broadcast %broadcast_in_dim3A_190 : i32 to vector<16xi32>
      %gather3A_192 = tpu.vector_load_idx %arg9[%add3A_146, %broadcast_in_dim3A_191] : memref<64x16xf32, #tpu.memory_space<vmem>>[vector<16xi32>, vector<16xi32>], vector<16xf32>,
      %broadcast_in_dim3A_193 = arith.constant 11 : i32
      %broadcast_in_dim3A_194 = vector.broadcast %broadcast_in_dim3A_193 : i32 to vector<16xi32>
      %gather3A_195 = tpu.vector_load_idx %arg9[%add3A_146, %broadcast_in_dim3A_194] : memref<64x16xf32, #tpu.memory_space<vmem>>[vector<16xi32>, vector<16xi32>], vector<16xf32>,
      %pack3A_196 = tpu.pack_subelements %gather3A_192, %gather3A_195 {pack_format = #tpu.pack_format<interleaved>, positions = array<i32: 0, 1>} : vector<16xf32>, vector<16xf32> -> vector<32xbf16>
      %bitcast3A_197 = vector.bitcast %pack3A_196 : vector<32xbf16> to vector<16xi32>
      tpu.vector_store_idx %arg10[%add3A_149, %add3A_36], %bitcast3A_197 : memref<4x128xi32, #tpu.memory_space<vmem>>[vector<16xi32>, vector<16xi32>], vector<16xi32>,
      %broadcast_in_dim3A_198 = arith.constant 12 : i32
      %broadcast_in_dim3A_199 = vector.broadcast %broadcast_in_dim3A_198 : i32 to vector<16xi32>
      %gather3A_200 = tpu.vector_load_idx %arg9[%add3A_146, %broadcast_in_dim3A_199] : memref<64x16xf32, #tpu.memory_space<vmem>>[vector<16xi32>, vector<16xi32>], vector<16xf32>,
      %broadcast_in_dim3A_201 = arith.constant 13 : i32
      %broadcast_in_dim3A_202 = vector.broadcast %broadcast_in_dim3A_201 : i32 to vector<16xi32>
      %gather3A_203 = tpu.vector_load_idx %arg9[%add3A_146, %broadcast_in_dim3A_202] : memref<64x16xf32, #tpu.memory_space<vmem>>[vector<16xi32>, vector<16xi32>], vector<16xf32>,
      %pack3A_204 = tpu.pack_subelements %gather3A_200, %gather3A_203 {pack_format = #tpu.pack_format<interleaved>, positions = array<i32: 0, 1>} : vector<16xf32>, vector<16xf32> -> vector<32xbf16>
      %bitcast3A_205 = vector.bitcast %pack3A_204 : vector<32xbf16> to vector<16xi32>
      tpu.vector_store_idx %arg10[%add3A_149, %add3A_42], %bitcast3A_205 : memref<4x128xi32, #tpu.memory_space<vmem>>[vector<16xi32>, vector<16xi32>], vector<16xi32>,
      %broadcast_in_dim3A_206 = arith.constant 14 : i32
      %broadcast_in_dim3A_207 = vector.broadcast %broadcast_in_dim3A_206 : i32 to vector<16xi32>
      %gather3A_208 = tpu.vector_load_idx %arg9[%add3A_146, %broadcast_in_dim3A_207] : memref<64x16xf32, #tpu.memory_space<vmem>>[vector<16xi32>, vector<16xi32>], vector<16xf32>,
      %broadcast_in_dim3A_209 = arith.constant 15 : i32
      %broadcast_in_dim3A_210 = vector.broadcast %broadcast_in_dim3A_209 : i32 to vector<16xi32>
      %gather3A_211 = tpu.vector_load_idx %arg9[%add3A_146, %broadcast_in_dim3A_210] : memref<64x16xf32, #tpu.memory_space<vmem>>[vector<16xi32>, vector<16xi32>], vector<16xf32>,
      %pack3A_212 = tpu.pack_subelements %gather3A_208, %gather3A_211 {pack_format = #tpu.pack_format<interleaved>, positions = array<i32: 0, 1>} : vector<16xf32>, vector<16xf32> -> vector<32xbf16>
      %bitcast3A_213 = vector.bitcast %pack3A_212 : vector<32xbf16> to vector<16xi32>
      tpu.vector_store_idx %arg10[%add3A_149, %add3A_48], %bitcast3A_213 : memref<4x128xi32, #tpu.memory_space<vmem>>[vector<16xi32>, vector<16xi32>], vector<16xi32>,
      %add3A_214 = arith.constant 32 : i32
      %add3A_215 = vector.broadcast %add3A_214 : i32 to vector<16xi32>
      %add3A_216 = arith.addi %add3A_215, %iota3A : vector<16xi32>
      %add3A_217 = arith.constant 2 : i32
      %add3A_218 = vector.broadcast %add3A_217 : i32 to vector<16xi32>
      %add3A_219 = arith.addi %broadcast_in_dim3A_49, %add3A_218 : vector<16xi32>
      %broadcast_in_dim3A_220 = arith.constant 0 : i32
      %broadcast_in_dim3A_221 = vector.broadcast %broadcast_in_dim3A_220 : i32 to vector<16xi32>
      %gather3A_222 = tpu.vector_load_idx %arg9[%add3A_216, %broadcast_in_dim3A_221] : memref<64x16xf32, #tpu.memory_space<vmem>>[vector<16xi32>, vector<16xi32>], vector<16xf32>,
      %broadcast_in_dim3A_223 = arith.constant 1 : i32
      %broadcast_in_dim3A_224 = vector.broadcast %broadcast_in_dim3A_223 : i32 to vector<16xi32>
      %gather3A_225 = tpu.vector_load_idx %arg9[%add3A_216, %broadcast_in_dim3A_224] : memref<64x16xf32, #tpu.memory_space<vmem>>[vector<16xi32>, vector<16xi32>], vector<16xf32>,
      %pack3A_226 = tpu.pack_subelements %gather3A_222, %gather3A_225 {pack_format = #tpu.pack_format<interleaved>, positions = array<i32: 0, 1>} : vector<16xf32>, vector<16xf32> -> vector<32xbf16>
      %bitcast3A_227 = vector.bitcast %pack3A_226 : vector<32xbf16> to vector<16xi32>
      tpu.vector_store_idx %arg10[%add3A_219, %add3A_6], %bitcast3A_227 : memref<4x128xi32, #tpu.memory_space<vmem>>[vector<16xi32>, vector<16xi32>], vector<16xi32>,
      %broadcast_in_dim3A_228 = arith.constant 2 : i32
      %broadcast_in_dim3A_229 = vector.broadcast %broadcast_in_dim3A_228 : i32 to vector<16xi32>
      %gather3A_230 = tpu.vector_load_idx %arg9[%add3A_216, %broadcast_in_dim3A_229] : memref<64x16xf32, #tpu.memory_space<vmem>>[vector<16xi32>, vector<16xi32>], vector<16xf32>,
      %broadcast_in_dim3A_231 = arith.constant 3 : i32
      %broadcast_in_dim3A_232 = vector.broadcast %broadcast_in_dim3A_231 : i32 to vector<16xi32>
      %gather3A_233 = tpu.vector_load_idx %arg9[%add3A_216, %broadcast_in_dim3A_232] : memref<64x16xf32, #tpu.memory_space<vmem>>[vector<16xi32>, vector<16xi32>], vector<16xf32>,
      %pack3A_234 = tpu.pack_subelements %gather3A_230, %gather3A_233 {pack_format = #tpu.pack_format<interleaved>, positions = array<i32: 0, 1>} : vector<16xf32>, vector<16xf32> -> vector<32xbf16>
      %bitcast3A_235 = vector.bitcast %pack3A_234 : vector<32xbf16> to vector<16xi32>
      tpu.vector_store_idx %arg10[%add3A_219, %add3A_12], %bitcast3A_235 : memref<4x128xi32, #tpu.memory_space<vmem>>[vector<16xi32>, vector<16xi32>], vector<16xi32>,
      %broadcast_in_dim3A_236 = arith.constant 4 : i32
      %broadcast_in_dim3A_237 = vector.broadcast %broadcast_in_dim3A_236 : i32 to vector<16xi32>
      %gather3A_238 = tpu.vector_load_idx %arg9[%add3A_216, %broadcast_in_dim3A_237] : memref<64x16xf32, #tpu.memory_space<vmem>>[vector<16xi32>, vector<16xi32>], vector<16xf32>,
      %broadcast_in_dim3A_239 = arith.constant 5 : i32
      %broadcast_in_dim3A_240 = vector.broadcast %broadcast_in_dim3A_239 : i32 to vector<16xi32>
      %gather3A_241 = tpu.vector_load_idx %arg9[%add3A_216, %broadcast_in_dim3A_240] : memref<64x16xf32, #tpu.memory_space<vmem>>[vector<16xi32>, vector<16xi32>], vector<16xf32>,
      %pack3A_242 = tpu.pack_subelements %gather3A_238, %gather3A_241 {pack_format = #tpu.pack_format<interleaved>, positions = array<i32: 0, 1>} : vector<16xf32>, vector<16xf32> -> vector<32xbf16>
      %bitcast3A_243 = vector.bitcast %pack3A_242 : vector<32xbf16> to vector<16xi32>
      tpu.vector_store_idx %arg10[%add3A_219, %add3A_18], %bitcast3A_243 : memref<4x128xi32, #tpu.memory_space<vmem>>[vector<16xi32>, vector<16xi32>], vector<16xi32>,
      %broadcast_in_dim3A_244 = arith.constant 6 : i32
      %broadcast_in_dim3A_245 = vector.broadcast %broadcast_in_dim3A_244 : i32 to vector<16xi32>
      %gather3A_246 = tpu.vector_load_idx %arg9[%add3A_216, %broadcast_in_dim3A_245] : memref<64x16xf32, #tpu.memory_space<vmem>>[vector<16xi32>, vector<16xi32>], vector<16xf32>,
      %broadcast_in_dim3A_247 = arith.constant 7 : i32
      %broadcast_in_dim3A_248 = vector.broadcast %broadcast_in_dim3A_247 : i32 to vector<16xi32>
      %gather3A_249 = tpu.vector_load_idx %arg9[%add3A_216, %broadcast_in_dim3A_248] : memref<64x16xf32, #tpu.memory_space<vmem>>[vector<16xi32>, vector<16xi32>], vector<16xf32>,
      %pack3A_250 = tpu.pack_subelements %gather3A_246, %gather3A_249 {pack_format = #tpu.pack_format<interleaved>, positions = array<i32: 0, 1>} : vector<16xf32>, vector<16xf32> -> vector<32xbf16>
      %bitcast3A_251 = vector.bitcast %pack3A_250 : vector<32xbf16> to vector<16xi32>
      tpu.vector_store_idx %arg10[%add3A_219, %add3A_24], %bitcast3A_251 : memref<4x128xi32, #tpu.memory_space<vmem>>[vector<16xi32>, vector<16xi32>], vector<16xi32>,
      %broadcast_in_dim3A_252 = arith.constant 8 : i32
      %broadcast_in_dim3A_253 = vector.broadcast %broadcast_in_dim3A_252 : i32 to vector<16xi32>
      %gather3A_254 = tpu.vector_load_idx %arg9[%add3A_216, %broadcast_in_dim3A_253] : memref<64x16xf32, #tpu.memory_space<vmem>>[vector<16xi32>, vector<16xi32>], vector<16xf32>,
      %broadcast_in_dim3A_255 = arith.constant 9 : i32
      %broadcast_in_dim3A_256 = vector.broadcast %broadcast_in_dim3A_255 : i32 to vector<16xi32>
      %gather3A_257 = tpu.vector_load_idx %arg9[%add3A_216, %broadcast_in_dim3A_256] : memref<64x16xf32, #tpu.memory_space<vmem>>[vector<16xi32>, vector<16xi32>], vector<16xf32>,
      %pack3A_258 = tpu.pack_subelements %gather3A_254, %gather3A_257 {pack_format = #tpu.pack_format<interleaved>, positions = array<i32: 0, 1>} : vector<16xf32>, vector<16xf32> -> vector<32xbf16>
      %bitcast3A_259 = vector.bitcast %pack3A_258 : vector<32xbf16> to vector<16xi32>
      tpu.vector_store_idx %arg10[%add3A_219, %add3A_30], %bitcast3A_259 : memref<4x128xi32, #tpu.memory_space<vmem>>[vector<16xi32>, vector<16xi32>], vector<16xi32>,
      %broadcast_in_dim3A_260 = arith.constant 10 : i32
      %broadcast_in_dim3A_261 = vector.broadcast %broadcast_in_dim3A_260 : i32 to vector<16xi32>
      %gather3A_262 = tpu.vector_load_idx %arg9[%add3A_216, %broadcast_in_dim3A_261] : memref<64x16xf32, #tpu.memory_space<vmem>>[vector<16xi32>, vector<16xi32>], vector<16xf32>,
      %broadcast_in_dim3A_263 = arith.constant 11 : i32
      %broadcast_in_dim3A_264 = vector.broadcast %broadcast_in_dim3A_263 : i32 to vector<16xi32>
      %gather3A_265 = tpu.vector_load_idx %arg9[%add3A_216, %broadcast_in_dim3A_264] : memref<64x16xf32, #tpu.memory_space<vmem>>[vector<16xi32>, vector<16xi32>], vector<16xf32>,
      %pack3A_266 = tpu.pack_subelements %gather3A_262, %gather3A_265 {pack_format = #tpu.pack_format<interleaved>, positions = array<i32: 0, 1>} : vector<16xf32>, vector<16xf32> -> vector<32xbf16>
      %bitcast3A_267 = vector.bitcast %pack3A_266 : vector<32xbf16> to vector<16xi32>
      tpu.vector_store_idx %arg10[%add3A_219, %add3A_36], %bitcast3A_267 : memref<4x128xi32, #tpu.memory_space<vmem>>[vector<16xi32>, vector<16xi32>], vector<16xi32>,
      %broadcast_in_dim3A_268 = arith.constant 12 : i32
      %broadcast_in_dim3A_269 = vector.broadcast %broadcast_in_dim3A_268 : i32 to vector<16xi32>
      %gather3A_270 = tpu.vector_load_idx %arg9[%add3A_216, %broadcast_in_dim3A_269] : memref<64x16xf32, #tpu.memory_space<vmem>>[vector<16xi32>, vector<16xi32>], vector<16xf32>,
      %broadcast_in_dim3A_271 = arith.constant 13 : i32
      %broadcast_in_dim3A_272 = vector.broadcast %broadcast_in_dim3A_271 : i32 to vector<16xi32>
      %gather3A_273 = tpu.vector_load_idx %arg9[%add3A_216, %broadcast_in_dim3A_272] : memref<64x16xf32, #tpu.memory_space<vmem>>[vector<16xi32>, vector<16xi32>], vector<16xf32>,
      %pack3A_274 = tpu.pack_subelements %gather3A_270, %gather3A_273 {pack_format = #tpu.pack_format<interleaved>, positions = array<i32: 0, 1>} : vector<16xf32>, vector<16xf32> -> vector<32xbf16>
      %bitcast3A_275 = vector.bitcast %pack3A_274 : vector<32xbf16> to vector<16xi32>
      tpu.vector_store_idx %arg10[%add3A_219, %add3A_42], %bitcast3A_275 : memref<4x128xi32, #tpu.memory_space<vmem>>[vector<16xi32>, vector<16xi32>], vector<16xi32>,
      %broadcast_in_dim3A_276 = arith.constant 14 : i32
      %broadcast_in_dim3A_277 = vector.broadcast %broadcast_in_dim3A_276 : i32 to vector<16xi32>
      %gather3A_278 = tpu.vector_load_idx %arg9[%add3A_216, %broadcast_in_dim3A_277] : memref<64x16xf32, #tpu.memory_space<vmem>>[vector<16xi32>, vector<16xi32>], vector<16xf32>,
      %broadcast_in_dim3A_279 = arith.constant 15 : i32
      %broadcast_in_dim3A_280 = vector.broadcast %broadcast_in_dim3A_279 : i32 to vector<16xi32>
      %gather3A_281 = tpu.vector_load_idx %arg9[%add3A_216, %broadcast_in_dim3A_280] : memref<64x16xf32, #tpu.memory_space<vmem>>[vector<16xi32>, vector<16xi32>], vector<16xf32>,
      %pack3A_282 = tpu.pack_subelements %gather3A_278, %gather3A_281 {pack_format = #tpu.pack_format<interleaved>, positions = array<i32: 0, 1>} : vector<16xf32>, vector<16xf32> -> vector<32xbf16>
      %bitcast3A_283 = vector.bitcast %pack3A_282 : vector<32xbf16> to vector<16xi32>
      tpu.vector_store_idx %arg10[%add3A_219, %add3A_48], %bitcast3A_283 : memref<4x128xi32, #tpu.memory_space<vmem>>[vector<16xi32>, vector<16xi32>], vector<16xi32>,
      %add3A_284 = arith.constant 48 : i32
      %add3A_285 = vector.broadcast %add3A_284 : i32 to vector<16xi32>
      %add3A_286 = arith.addi %add3A_285, %iota3A : vector<16xi32>
      %add3A_287 = arith.constant 3 : i32
      %add3A_288 = vector.broadcast %add3A_287 : i32 to vector<16xi32>
      %add3A_289 = arith.addi %broadcast_in_dim3A_49, %add3A_288 : vector<16xi32>
      %broadcast_in_dim3A_290 = arith.constant 0 : i32
      %broadcast_in_dim3A_291 = vector.broadcast %broadcast_in_dim3A_290 : i32 to vector<16xi32>
      %gather3A_292 = tpu.vector_load_idx %arg9[%add3A_286, %broadcast_in_dim3A_291] : memref<64x16xf32, #tpu.memory_space<vmem>>[vector<16xi32>, vector<16xi32>], vector<16xf32>,
      %broadcast_in_dim3A_293 = arith.constant 1 : i32
      %broadcast_in_dim3A_294 = vector.broadcast %broadcast_in_dim3A_293 : i32 to vector<16xi32>
      %gather3A_295 = tpu.vector_load_idx %arg9[%add3A_286, %broadcast_in_dim3A_294] : memref<64x16xf32, #tpu.memory_space<vmem>>[vector<16xi32>, vector<16xi32>], vector<16xf32>,
      %pack3A_296 = tpu.pack_subelements %gather3A_292, %gather3A_295 {pack_format = #tpu.pack_format<interleaved>, positions = array<i32: 0, 1>} : vector<16xf32>, vector<16xf32> -> vector<32xbf16>
      %bitcast3A_297 = vector.bitcast %pack3A_296 : vector<32xbf16> to vector<16xi32>
      tpu.vector_store_idx %arg10[%add3A_289, %add3A_6], %bitcast3A_297 : memref<4x128xi32, #tpu.memory_space<vmem>>[vector<16xi32>, vector<16xi32>], vector<16xi32>,
      %broadcast_in_dim3A_298 = arith.constant 2 : i32
      %broadcast_in_dim3A_299 = vector.broadcast %broadcast_in_dim3A_298 : i32 to vector<16xi32>
      %gather3A_300 = tpu.vector_load_idx %arg9[%add3A_286, %broadcast_in_dim3A_299] : memref<64x16xf32, #tpu.memory_space<vmem>>[vector<16xi32>, vector<16xi32>], vector<16xf32>,
      %broadcast_in_dim3A_301 = arith.constant 3 : i32
      %broadcast_in_dim3A_302 = vector.broadcast %broadcast_in_dim3A_301 : i32 to vector<16xi32>
      %gather3A_303 = tpu.vector_load_idx %arg9[%add3A_286, %broadcast_in_dim3A_302] : memref<64x16xf32, #tpu.memory_space<vmem>>[vector<16xi32>, vector<16xi32>], vector<16xf32>,
      %pack3A_304 = tpu.pack_subelements %gather3A_300, %gather3A_303 {pack_format = #tpu.pack_format<interleaved>, positions = array<i32: 0, 1>} : vector<16xf32>, vector<16xf32> -> vector<32xbf16>
      %bitcast3A_305 = vector.bitcast %pack3A_304 : vector<32xbf16> to vector<16xi32>
      tpu.vector_store_idx %arg10[%add3A_289, %add3A_12], %bitcast3A_305 : memref<4x128xi32, #tpu.memory_space<vmem>>[vector<16xi32>, vector<16xi32>], vector<16xi32>,
      %broadcast_in_dim3A_306 = arith.constant 4 : i32
      %broadcast_in_dim3A_307 = vector.broadcast %broadcast_in_dim3A_306 : i32 to vector<16xi32>
      %gather3A_308 = tpu.vector_load_idx %arg9[%add3A_286, %broadcast_in_dim3A_307] : memref<64x16xf32, #tpu.memory_space<vmem>>[vector<16xi32>, vector<16xi32>], vector<16xf32>,
      %broadcast_in_dim3A_309 = arith.constant 5 : i32
      %broadcast_in_dim3A_310 = vector.broadcast %broadcast_in_dim3A_309 : i32 to vector<16xi32>
      %gather3A_311 = tpu.vector_load_idx %arg9[%add3A_286, %broadcast_in_dim3A_310] : memref<64x16xf32, #tpu.memory_space<vmem>>[vector<16xi32>, vector<16xi32>], vector<16xf32>,
      %pack3A_312 = tpu.pack_subelements %gather3A_308, %gather3A_311 {pack_format = #tpu.pack_format<interleaved>, positions = array<i32: 0, 1>} : vector<16xf32>, vector<16xf32> -> vector<32xbf16>
      %bitcast3A_313 = vector.bitcast %pack3A_312 : vector<32xbf16> to vector<16xi32>
      tpu.vector_store_idx %arg10[%add3A_289, %add3A_18], %bitcast3A_313 : memref<4x128xi32, #tpu.memory_space<vmem>>[vector<16xi32>, vector<16xi32>], vector<16xi32>,
      %broadcast_in_dim3A_314 = arith.constant 6 : i32
      %broadcast_in_dim3A_315 = vector.broadcast %broadcast_in_dim3A_314 : i32 to vector<16xi32>
      %gather3A_316 = tpu.vector_load_idx %arg9[%add3A_286, %broadcast_in_dim3A_315] : memref<64x16xf32, #tpu.memory_space<vmem>>[vector<16xi32>, vector<16xi32>], vector<16xf32>,
      %broadcast_in_dim3A_317 = arith.constant 7 : i32
      %broadcast_in_dim3A_318 = vector.broadcast %broadcast_in_dim3A_317 : i32 to vector<16xi32>
      %gather3A_319 = tpu.vector_load_idx %arg9[%add3A_286, %broadcast_in_dim3A_318] : memref<64x16xf32, #tpu.memory_space<vmem>>[vector<16xi32>, vector<16xi32>], vector<16xf32>,
      %pack3A_320 = tpu.pack_subelements %gather3A_316, %gather3A_319 {pack_format = #tpu.pack_format<interleaved>, positions = array<i32: 0, 1>} : vector<16xf32>, vector<16xf32> -> vector<32xbf16>
      %bitcast3A_321 = vector.bitcast %pack3A_320 : vector<32xbf16> to vector<16xi32>
      tpu.vector_store_idx %arg10[%add3A_289, %add3A_24], %bitcast3A_321 : memref<4x128xi32, #tpu.memory_space<vmem>>[vector<16xi32>, vector<16xi32>], vector<16xi32>,
      %broadcast_in_dim3A_322 = arith.constant 8 : i32
      %broadcast_in_dim3A_323 = vector.broadcast %broadcast_in_dim3A_322 : i32 to vector<16xi32>
      %gather3A_324 = tpu.vector_load_idx %arg9[%add3A_286, %broadcast_in_dim3A_323] : memref<64x16xf32, #tpu.memory_space<vmem>>[vector<16xi32>, vector<16xi32>], vector<16xf32>,
      %broadcast_in_dim3A_325 = arith.constant 9 : i32
      %broadcast_in_dim3A_326 = vector.broadcast %broadcast_in_dim3A_325 : i32 to vector<16xi32>
      %gather3A_327 = tpu.vector_load_idx %arg9[%add3A_286, %broadcast_in_dim3A_326] : memref<64x16xf32, #tpu.memory_space<vmem>>[vector<16xi32>, vector<16xi32>], vector<16xf32>,
      %pack3A_328 = tpu.pack_subelements %gather3A_324, %gather3A_327 {pack_format = #tpu.pack_format<interleaved>, positions = array<i32: 0, 1>} : vector<16xf32>, vector<16xf32> -> vector<32xbf16>
      %bitcast3A_329 = vector.bitcast %pack3A_328 : vector<32xbf16> to vector<16xi32>
      tpu.vector_store_idx %arg10[%add3A_289, %add3A_30], %bitcast3A_329 : memref<4x128xi32, #tpu.memory_space<vmem>>[vector<16xi32>, vector<16xi32>], vector<16xi32>,
      %broadcast_in_dim3A_330 = arith.constant 10 : i32
      %broadcast_in_dim3A_331 = vector.broadcast %broadcast_in_dim3A_330 : i32 to vector<16xi32>
      %gather3A_332 = tpu.vector_load_idx %arg9[%add3A_286, %broadcast_in_dim3A_331] : memref<64x16xf32, #tpu.memory_space<vmem>>[vector<16xi32>, vector<16xi32>], vector<16xf32>,
      %broadcast_in_dim3A_333 = arith.constant 11 : i32
      %broadcast_in_dim3A_334 = vector.broadcast %broadcast_in_dim3A_333 : i32 to vector<16xi32>
      %gather3A_335 = tpu.vector_load_idx %arg9[%add3A_286, %broadcast_in_dim3A_334] : memref<64x16xf32, #tpu.memory_space<vmem>>[vector<16xi32>, vector<16xi32>], vector<16xf32>,
      %pack3A_336 = tpu.pack_subelements %gather3A_332, %gather3A_335 {pack_format = #tpu.pack_format<interleaved>, positions = array<i32: 0, 1>} : vector<16xf32>, vector<16xf32> -> vector<32xbf16>
      %bitcast3A_337 = vector.bitcast %pack3A_336 : vector<32xbf16> to vector<16xi32>
      tpu.vector_store_idx %arg10[%add3A_289, %add3A_36], %bitcast3A_337 : memref<4x128xi32, #tpu.memory_space<vmem>>[vector<16xi32>, vector<16xi32>], vector<16xi32>,
      %broadcast_in_dim3A_338 = arith.constant 12 : i32
      %broadcast_in_dim3A_339 = vector.broadcast %broadcast_in_dim3A_338 : i32 to vector<16xi32>
      %gather3A_340 = tpu.vector_load_idx %arg9[%add3A_286, %broadcast_in_dim3A_339] : memref<64x16xf32, #tpu.memory_space<vmem>>[vector<16xi32>, vector<16xi32>], vector<16xf32>,
      %broadcast_in_dim3A_341 = arith.constant 13 : i32
      %broadcast_in_dim3A_342 = vector.broadcast %broadcast_in_dim3A_341 : i32 to vector<16xi32>
      %gather3A_343 = tpu.vector_load_idx %arg9[%add3A_286, %broadcast_in_dim3A_342] : memref<64x16xf32, #tpu.memory_space<vmem>>[vector<16xi32>, vector<16xi32>], vector<16xf32>,
      %pack3A_344 = tpu.pack_subelements %gather3A_340, %gather3A_343 {pack_format = #tpu.pack_format<interleaved>, positions = array<i32: 0, 1>} : vector<16xf32>, vector<16xf32> -> vector<32xbf16>
      %bitcast3A_345 = vector.bitcast %pack3A_344 : vector<32xbf16> to vector<16xi32>
      tpu.vector_store_idx %arg10[%add3A_289, %add3A_42], %bitcast3A_345 : memref<4x128xi32, #tpu.memory_space<vmem>>[vector<16xi32>, vector<16xi32>], vector<16xi32>,
      %broadcast_in_dim3A_346 = arith.constant 14 : i32
      %broadcast_in_dim3A_347 = vector.broadcast %broadcast_in_dim3A_346 : i32 to vector<16xi32>
      %gather3A_348 = tpu.vector_load_idx %arg9[%add3A_286, %broadcast_in_dim3A_347] : memref<64x16xf32, #tpu.memory_space<vmem>>[vector<16xi32>, vector<16xi32>], vector<16xf32>,
      %broadcast_in_dim3A_349 = arith.constant 15 : i32
      %broadcast_in_dim3A_350 = vector.broadcast %broadcast_in_dim3A_349 : i32 to vector<16xi32>
      %gather3A_351 = tpu.vector_load_idx %arg9[%add3A_286, %broadcast_in_dim3A_350] : memref<64x16xf32, #tpu.memory_space<vmem>>[vector<16xi32>, vector<16xi32>], vector<16xf32>,
      %pack3A_352 = tpu.pack_subelements %gather3A_348, %gather3A_351 {pack_format = #tpu.pack_format<interleaved>, positions = array<i32: 0, 1>} : vector<16xf32>, vector<16xf32> -> vector<32xbf16>
      %bitcast3A_353 = vector.bitcast %pack3A_352 : vector<32xbf16> to vector<16xi32>
      tpu.vector_store_idx %arg10[%add3A_289, %add3A_48], %bitcast3A_353 : memref<4x128xi32, #tpu.memory_space<vmem>>[vector<16xi32>, vector<16xi32>], vector<16xi32>,
      "tpu.region"() ({
        %run_scoped3A = tpu.sem_alloc : memref<!tpu.dma_semaphore, #tpu.memory_space<semaphore_mem>>
        %dma_start3A = arith.constant 162496 : i32
        %dma_start3A_354 = arith.constant 0 : i32
        %dma_start3A_355 = tpu.memref_slice %arg4[%dma_start3A, %dma_start3A_354] : memref<162500x128xi32, #tpu.memory_space<hbm>> -> memref<4x128xi32, #tpu.memory_space<hbm>>
        %dma_start3A_356 = arith.constant 162496 : i32
        %dma_start3A_357 = arith.constant 0 : i32
        %dma_start3A_358 = tpu.memref_slice %arg4[%dma_start3A_356, %dma_start3A_357] : memref<162500x128xi32, #tpu.memory_space<hbm>> -> memref<4x128xi32, #tpu.memory_space<hbm>>
        tpu.enqueue_dma source(%arg10 : memref<4x128xi32, #tpu.memory_space<vmem>>) target(%dma_start3A_358 : memref<4x128xi32, #tpu.memory_space<hbm>>) target_semaphore(%run_scoped3A : memref<!tpu.dma_semaphore, #tpu.memory_space<semaphore_mem>>)
        %dma_wait3A = arith.constant 162496 : i32
        %dma_wait3A_359 = arith.constant 0 : i32
        %dma_wait3A_360 = tpu.memref_slice %arg4[%dma_wait3A, %dma_wait3A_359] : memref<162500x128xi32, #tpu.memory_space<hbm>> -> memref<4x128xi32, #tpu.memory_space<hbm>>
        %dma_wait3A_361 = arith.constant 162496 : i32
        %dma_wait3A_362 = arith.constant 0 : i32
        %dma_wait3A_363 = tpu.memref_slice %arg4[%dma_wait3A_361, %dma_wait3A_362] : memref<162500x128xi32, #tpu.memory_space<hbm>> -> memref<4x128xi32, #tpu.memory_space<hbm>>
        tpu.wait_dma2 semaphore(%run_scoped3A : memref<!tpu.dma_semaphore, #tpu.memory_space<semaphore_mem>>) src(%arg10 : memref<4x128xi32, #tpu.memory_space<vmem>>) dst(%dma_wait3A_363 : memref<4x128xi32, #tpu.memory_space<hbm>>)
        tpu.yield
      }) : () -> ()
    } else {
    }
    return
  }
}

#map = affine_map<(d0, d1) -> (0, 0, 0)>
#map1 = affine_map<(d0, d1) -> (0, 0)>
#map2 = affine_map<(d0, d1) -> (0)>
module attributes {stable_mosaic.version = 14 : i64} {
  func.func @_fm_body(%arg0: i32, %arg1: i32, %arg2: memref<32x128x104xi32, #tpu.memory_space<hbm>>, %arg3: memref<2600000x8xi32, #tpu.memory_space<hbm>>, %arg4: memref<16384xf32, #tpu.memory_space<hbm>>, %arg5: memref<4x104xi32, #tpu.memory_space<vmem>>, %arg6: memref<4x104xi32, #tpu.memory_space<vmem>>, %arg7: memref<416x8xi32, #tpu.memory_space<vmem>>, %arg8: memref<416x8xi32, #tpu.memory_space<vmem>>, %arg9: memref<512xf32, #tpu.memory_space<vmem>>, %arg10: memref<!tpu.dma_semaphore, #tpu.memory_space<semaphore_mem>>, %arg11: memref<!tpu.dma_semaphore, #tpu.memory_space<semaphore_mem>>) attributes {dimension_semantics = [#tpu.dimension_semantics<core_parallel>, #tpu.dimension_semantics<subcore_parallel>], iteration_bounds = array<i64: 2, 16>, scalar_prefetch = 0 : i64, scratch_operands = 7 : i64, tpu.core_type = #tpu.core_type<sc_vector_subcore>, window_params = [{transform_indices = #map}, {transform_indices = #map1}, {transform_indices = #map2}]} {
    %mul3A = arith.constant 2 : i32
    %mul3A_0 = arith.muli %arg1, %mul3A : i32
    %add3A = arith.addi %mul3A_0, %arg0 : i32
    %iota3A = tpu.iota {dimensions = array<i32: 0>} : vector<16xi32>
    %mul3A_1 = arith.constant 26 : i32
    %mul3A_2 = vector.broadcast %mul3A_1 : i32 to vector<16xi32>
    %mul3A_3 = arith.muli %iota3A, %mul3A_2 : vector<16xi32>
    %broadcast_in_dim3A = arith.constant 0 : i32
    %broadcast_in_dim3A_4 = vector.broadcast %broadcast_in_dim3A : i32 to vector<16xi32>
    %broadcast_in_dim3A_5 = arith.constant 1 : i32
    %broadcast_in_dim3A_6 = vector.broadcast %broadcast_in_dim3A_5 : i32 to vector<16xi32>
    %broadcast_in_dim3A_7 = arith.constant 2 : i32
    %broadcast_in_dim3A_8 = vector.broadcast %broadcast_in_dim3A_7 : i32 to vector<16xi32>
    %broadcast_in_dim3A_9 = arith.constant 3 : i32
    %broadcast_in_dim3A_10 = vector.broadcast %broadcast_in_dim3A_9 : i32 to vector<16xi32>
    %broadcast_in_dim3A_11 = arith.constant 4 : i32
    %broadcast_in_dim3A_12 = vector.broadcast %broadcast_in_dim3A_11 : i32 to vector<16xi32>
    %broadcast_in_dim3A_13 = arith.constant 5 : i32
    %broadcast_in_dim3A_14 = vector.broadcast %broadcast_in_dim3A_13 : i32 to vector<16xi32>
    %broadcast_in_dim3A_15 = arith.constant 6 : i32
    %broadcast_in_dim3A_16 = vector.broadcast %broadcast_in_dim3A_15 : i32 to vector<16xi32>
    %broadcast_in_dim3A_17 = arith.constant 7 : i32
    %broadcast_in_dim3A_18 = vector.broadcast %broadcast_in_dim3A_17 : i32 to vector<16xi32>
    "tpu.region"() ({
      %run_scoped3A = tpu.sem_alloc : memref<!tpu.dma_semaphore, #tpu.memory_space<semaphore_mem>>
      %dma_start3A_65 = arith.constant 0 : i32
      %dma_start3A_66 = arith.constant 0 : i32
      %dma_start3A_67 = tpu.memref_slice %arg2[%add3A, %dma_start3A_65, %dma_start3A_66] : memref<32x128x104xi32, #tpu.memory_space<hbm>> -> memref<1x4x104xi32, #tpu.memory_space<hbm>>
      %dma_start3A_68 = tpu.memref_squeeze %dma_start3A_67 : memref<1x4x104xi32, #tpu.memory_space<hbm>> -> memref<4x104xi32, #tpu.memory_space<hbm>>
      %dma_start3A_69 = arith.constant 0 : i32
      %dma_start3A_70 = arith.constant 0 : i32
      %dma_start3A_71 = tpu.memref_slice %arg2[%add3A, %dma_start3A_69, %dma_start3A_70] : memref<32x128x104xi32, #tpu.memory_space<hbm>> -> memref<1x4x104xi32, #tpu.memory_space<hbm>>
      %dma_start3A_72 = tpu.memref_squeeze %dma_start3A_71 : memref<1x4x104xi32, #tpu.memory_space<hbm>> -> memref<4x104xi32, #tpu.memory_space<hbm>>
      tpu.enqueue_dma source(%dma_start3A_72 : memref<4x104xi32, #tpu.memory_space<hbm>>) target(%arg5 : memref<4x104xi32, #tpu.memory_space<vmem>>) target_semaphore(%run_scoped3A : memref<!tpu.dma_semaphore, #tpu.memory_space<semaphore_mem>>)
      %dma_wait3A = arith.constant 0 : i32
      %dma_wait3A_73 = arith.constant 0 : i32
      %dma_wait3A_74 = tpu.memref_slice %arg2[%add3A, %dma_wait3A, %dma_wait3A_73] : memref<32x128x104xi32, #tpu.memory_space<hbm>> -> memref<1x4x104xi32, #tpu.memory_space<hbm>>
      %dma_wait3A_75 = tpu.memref_squeeze %dma_wait3A_74 : memref<1x4x104xi32, #tpu.memory_space<hbm>> -> memref<4x104xi32, #tpu.memory_space<hbm>>
      %dma_wait3A_76 = arith.constant 0 : i32
      %dma_wait3A_77 = arith.constant 0 : i32
      %dma_wait3A_78 = tpu.memref_slice %arg2[%add3A, %dma_wait3A_76, %dma_wait3A_77] : memref<32x128x104xi32, #tpu.memory_space<hbm>> -> memref<1x4x104xi32, #tpu.memory_space<hbm>>
      %dma_wait3A_79 = tpu.memref_squeeze %dma_wait3A_78 : memref<1x4x104xi32, #tpu.memory_space<hbm>> -> memref<4x104xi32, #tpu.memory_space<hbm>>
      tpu.wait_dma2 semaphore(%run_scoped3A : memref<!tpu.dma_semaphore, #tpu.memory_space<semaphore_mem>>) src(%dma_wait3A_79 : memref<4x104xi32, #tpu.memory_space<hbm>>) dst(%arg5 : memref<4x104xi32, #tpu.memory_space<vmem>>)
      tpu.yield
    }) : () -> ()
    %dma_start3A = arith.constant 0 : i32
    %dma_start3A_19 = arith.constant 0 : i32
    %dma_start3A_20 = arith.constant 0 : i32
    %dma_start3A_21 = tpu.memref_slice %arg7[%dma_start3A_19, %dma_start3A_20] : memref<416x8xi32, #tpu.memory_space<vmem>> -> memref<104x8xi32, #tpu.memory_space<vmem>>
    %dma_start3A_22 = arith.constant 0 : i32
    %dma_start3A_23 = tpu.memref_slice %arg5[%dma_start3A, %dma_start3A_22] : memref<4x104xi32, #tpu.memory_space<vmem>> -> memref<1x104xi32, #tpu.memory_space<vmem>>
    %dma_start3A_24 = tpu.memref_squeeze %dma_start3A_23 : memref<1x104xi32, #tpu.memory_space<vmem>> -> memref<104xi32, #tpu.memory_space<vmem>>
    %dma_start3A_25 = arith.constant 0 : i32
    %dma_start3A_26 = arith.constant 0 : i32
    %dma_start3A_27 = tpu.memref_slice %arg3[%dma_start3A_25, %dma_start3A_26] : memref<2600000x8xi32, #tpu.memory_space<hbm>> -> memref<2600000x8xi32, #tpu.memory_space<hbm>>
    tpu.enqueue_indirect_dma source(%dma_start3A_27 : memref<2600000x8xi32, #tpu.memory_space<hbm>>) target(%dma_start3A_21 : memref<104x8xi32, #tpu.memory_space<vmem>>) offsets(%dma_start3A_24 : memref<104xi32, #tpu.memory_space<vmem>>) semaphore(%arg10 : memref<!tpu.dma_semaphore, #tpu.memory_space<semaphore_mem>>)
    %dma_start3A_28 = arith.constant 1 : i32
    %dma_start3A_29 = arith.constant 104 : i32
    %dma_start3A_30 = arith.constant 0 : i32
    %dma_start3A_31 = tpu.memref_slice %arg7[%dma_start3A_29, %dma_start3A_30] : memref<416x8xi32, #tpu.memory_space<vmem>> -> memref<104x8xi32, #tpu.memory_space<vmem>>
    %dma_start3A_32 = arith.constant 0 : i32
    %dma_start3A_33 = tpu.memref_slice %arg5[%dma_start3A_28, %dma_start3A_32] : memref<4x104xi32, #tpu.memory_space<vmem>> -> memref<1x104xi32, #tpu.memory_space<vmem>>
    %dma_start3A_34 = tpu.memref_squeeze %dma_start3A_33 : memref<1x104xi32, #tpu.memory_space<vmem>> -> memref<104xi32, #tpu.memory_space<vmem>>
    %dma_start3A_35 = arith.constant 0 : i32
    %dma_start3A_36 = arith.constant 0 : i32
    %dma_start3A_37 = tpu.memref_slice %arg3[%dma_start3A_35, %dma_start3A_36] : memref<2600000x8xi32, #tpu.memory_space<hbm>> -> memref<2600000x8xi32, #tpu.memory_space<hbm>>
    tpu.enqueue_indirect_dma source(%dma_start3A_37 : memref<2600000x8xi32, #tpu.memory_space<hbm>>) target(%dma_start3A_31 : memref<104x8xi32, #tpu.memory_space<vmem>>) offsets(%dma_start3A_34 : memref<104xi32, #tpu.memory_space<vmem>>) semaphore(%arg10 : memref<!tpu.dma_semaphore, #tpu.memory_space<semaphore_mem>>)
    %dma_start3A_38 = arith.constant 2 : i32
    %dma_start3A_39 = arith.constant 208 : i32
    %dma_start3A_40 = arith.constant 0 : i32
    %dma_start3A_41 = tpu.memref_slice %arg7[%dma_start3A_39, %dma_start3A_40] : memref<416x8xi32, #tpu.memory_space<vmem>> -> memref<104x8xi32, #tpu.memory_space<vmem>>
    %dma_start3A_42 = arith.constant 0 : i32
    %dma_start3A_43 = tpu.memref_slice %arg5[%dma_start3A_38, %dma_start3A_42] : memref<4x104xi32, #tpu.memory_space<vmem>> -> memref<1x104xi32, #tpu.memory_space<vmem>>
    %dma_start3A_44 = tpu.memref_squeeze %dma_start3A_43 : memref<1x104xi32, #tpu.memory_space<vmem>> -> memref<104xi32, #tpu.memory_space<vmem>>
    %dma_start3A_45 = arith.constant 0 : i32
    %dma_start3A_46 = arith.constant 0 : i32
    %dma_start3A_47 = tpu.memref_slice %arg3[%dma_start3A_45, %dma_start3A_46] : memref<2600000x8xi32, #tpu.memory_space<hbm>> -> memref<2600000x8xi32, #tpu.memory_space<hbm>>
    tpu.enqueue_indirect_dma source(%dma_start3A_47 : memref<2600000x8xi32, #tpu.memory_space<hbm>>) target(%dma_start3A_41 : memref<104x8xi32, #tpu.memory_space<vmem>>) offsets(%dma_start3A_44 : memref<104xi32, #tpu.memory_space<vmem>>) semaphore(%arg10 : memref<!tpu.dma_semaphore, #tpu.memory_space<semaphore_mem>>)
    %dma_start3A_48 = arith.constant 3 : i32
    %dma_start3A_49 = arith.constant 312 : i32
    %dma_start3A_50 = arith.constant 0 : i32
    %dma_start3A_51 = tpu.memref_slice %arg7[%dma_start3A_49, %dma_start3A_50] : memref<416x8xi32, #tpu.memory_space<vmem>> -> memref<104x8xi32, #tpu.memory_space<vmem>>
    %dma_start3A_52 = arith.constant 0 : i32
    %dma_start3A_53 = tpu.memref_slice %arg5[%dma_start3A_48, %dma_start3A_52] : memref<4x104xi32, #tpu.memory_space<vmem>> -> memref<1x104xi32, #tpu.memory_space<vmem>>
    %dma_start3A_54 = tpu.memref_squeeze %dma_start3A_53 : memref<1x104xi32, #tpu.memory_space<vmem>> -> memref<104xi32, #tpu.memory_space<vmem>>
    %dma_start3A_55 = arith.constant 0 : i32
    %dma_start3A_56 = arith.constant 0 : i32
    %dma_start3A_57 = tpu.memref_slice %arg3[%dma_start3A_55, %dma_start3A_56] : memref<2600000x8xi32, #tpu.memory_space<hbm>> -> memref<2600000x8xi32, #tpu.memory_space<hbm>>
    tpu.enqueue_indirect_dma source(%dma_start3A_57 : memref<2600000x8xi32, #tpu.memory_space<hbm>>) target(%dma_start3A_51 : memref<104x8xi32, #tpu.memory_space<vmem>>) offsets(%dma_start3A_54 : memref<104xi32, #tpu.memory_space<vmem>>) semaphore(%arg10 : memref<!tpu.dma_semaphore, #tpu.memory_space<semaphore_mem>>)
    %scan3A = arith.constant 0 : i32
    %scan3A_58 = arith.constant 0 : i32
    %scan3A_59 = arith.constant 16 : i32
    %scan3A_60 = arith.addi %scan3A_58, %scan3A_59 : i32
    %scan3A_61 = arith.constant 1 : i32
    scf.for %scan3A_65 = %scan3A_58 to %scan3A_60 step %scan3A_61  : i32 {
      %mul3A_66 = arith.constant 2 : i32
      %mul3A_67 = arith.muli %mul3A_66, %scan3A_65 : i32
      %add3A_68 = arith.constant 1 : i32
      %add3A_69 = arith.addi %mul3A_67, %add3A_68 : i32
      %mul3A_70 = arith.constant 4 : i32
      %mul3A_71 = arith.muli %add3A_69, %mul3A_70 : i32
      "tpu.region"() ({
        %run_scoped3A = tpu.sem_alloc : memref<!tpu.dma_semaphore, #tpu.memory_space<semaphore_mem>>
        %dma_start3A_243 = arith.constant 0 : i32
        %dma_start3A_244 = tpu.memref_slice %arg2[%add3A, %mul3A_71, %dma_start3A_243] : memref<32x128x104xi32, #tpu.memory_space<hbm>> -> memref<1x4x104xi32, #tpu.memory_space<hbm>>
        %dma_start3A_245 = tpu.memref_squeeze %dma_start3A_244 : memref<1x4x104xi32, #tpu.memory_space<hbm>> -> memref<4x104xi32, #tpu.memory_space<hbm>>
        %dma_start3A_246 = arith.constant 0 : i32
        %dma_start3A_247 = tpu.memref_slice %arg2[%add3A, %mul3A_71, %dma_start3A_246] : memref<32x128x104xi32, #tpu.memory_space<hbm>> -> memref<1x4x104xi32, #tpu.memory_space<hbm>>
        %dma_start3A_248 = tpu.memref_squeeze %dma_start3A_247 : memref<1x4x104xi32, #tpu.memory_space<hbm>> -> memref<4x104xi32, #tpu.memory_space<hbm>>
        tpu.enqueue_dma source(%dma_start3A_248 : memref<4x104xi32, #tpu.memory_space<hbm>>) target(%arg6 : memref<4x104xi32, #tpu.memory_space<vmem>>) target_semaphore(%run_scoped3A : memref<!tpu.dma_semaphore, #tpu.memory_space<semaphore_mem>>)
        %dma_wait3A_249 = arith.constant 0 : i32
        %dma_wait3A_250 = tpu.memref_slice %arg2[%add3A, %mul3A_71, %dma_wait3A_249] : memref<32x128x104xi32, #tpu.memory_space<hbm>> -> memref<1x4x104xi32, #tpu.memory_space<hbm>>
        %dma_wait3A_251 = tpu.memref_squeeze %dma_wait3A_250 : memref<1x4x104xi32, #tpu.memory_space<hbm>> -> memref<4x104xi32, #tpu.memory_space<hbm>>
        %dma_wait3A_252 = arith.constant 0 : i32
        %dma_wait3A_253 = tpu.memref_slice %arg2[%add3A, %mul3A_71, %dma_wait3A_252] : memref<32x128x104xi32, #tpu.memory_space<hbm>> -> memref<1x4x104xi32, #tpu.memory_space<hbm>>
        %dma_wait3A_254 = tpu.memref_squeeze %dma_wait3A_253 : memref<1x4x104xi32, #tpu.memory_space<hbm>> -> memref<4x104xi32, #tpu.memory_space<hbm>>
        tpu.wait_dma2 semaphore(%run_scoped3A : memref<!tpu.dma_semaphore, #tpu.memory_space<semaphore_mem>>) src(%dma_wait3A_254 : memref<4x104xi32, #tpu.memory_space<hbm>>) dst(%arg6 : memref<4x104xi32, #tpu.memory_space<vmem>>)
        tpu.yield
      }) : () -> ()
      %dma_start3A_72 = arith.constant 0 : i32
      %dma_start3A_73 = arith.constant 0 : i32
      %dma_start3A_74 = arith.constant 0 : i32
      %dma_start3A_75 = tpu.memref_slice %arg8[%dma_start3A_73, %dma_start3A_74] : memref<416x8xi32, #tpu.memory_space<vmem>> -> memref<104x8xi32, #tpu.memory_space<vmem>>
      %dma_start3A_76 = arith.constant 0 : i32
      %dma_start3A_77 = tpu.memref_slice %arg6[%dma_start3A_72, %dma_start3A_76] : memref<4x104xi32, #tpu.memory_space<vmem>> -> memref<1x104xi32, #tpu.memory_space<vmem>>
      %dma_start3A_78 = tpu.memref_squeeze %dma_start3A_77 : memref<1x104xi32, #tpu.memory_space<vmem>> -> memref<104xi32, #tpu.memory_space<vmem>>
      %dma_start3A_79 = arith.constant 0 : i32
      %dma_start3A_80 = arith.constant 0 : i32
      %dma_start3A_81 = tpu.memref_slice %arg3[%dma_start3A_79, %dma_start3A_80] : memref<2600000x8xi32, #tpu.memory_space<hbm>> -> memref<2600000x8xi32, #tpu.memory_space<hbm>>
      tpu.enqueue_indirect_dma source(%dma_start3A_81 : memref<2600000x8xi32, #tpu.memory_space<hbm>>) target(%dma_start3A_75 : memref<104x8xi32, #tpu.memory_space<vmem>>) offsets(%dma_start3A_78 : memref<104xi32, #tpu.memory_space<vmem>>) semaphore(%arg11 : memref<!tpu.dma_semaphore, #tpu.memory_space<semaphore_mem>>)
      %dma_start3A_82 = arith.constant 1 : i32
      %dma_start3A_83 = arith.constant 104 : i32
      %dma_start3A_84 = arith.constant 0 : i32
      %dma_start3A_85 = tpu.memref_slice %arg8[%dma_start3A_83, %dma_start3A_84] : memref<416x8xi32, #tpu.memory_space<vmem>> -> memref<104x8xi32, #tpu.memory_space<vmem>>
      %dma_start3A_86 = arith.constant 0 : i32
      %dma_start3A_87 = tpu.memref_slice %arg6[%dma_start3A_82, %dma_start3A_86] : memref<4x104xi32, #tpu.memory_space<vmem>> -> memref<1x104xi32, #tpu.memory_space<vmem>>
      %dma_start3A_88 = tpu.memref_squeeze %dma_start3A_87 : memref<1x104xi32, #tpu.memory_space<vmem>> -> memref<104xi32, #tpu.memory_space<vmem>>
      %dma_start3A_89 = arith.constant 0 : i32
      %dma_start3A_90 = arith.constant 0 : i32
      %dma_start3A_91 = tpu.memref_slice %arg3[%dma_start3A_89, %dma_start3A_90] : memref<2600000x8xi32, #tpu.memory_space<hbm>> -> memref<2600000x8xi32, #tpu.memory_space<hbm>>
      tpu.enqueue_indirect_dma source(%dma_start3A_91 : memref<2600000x8xi32, #tpu.memory_space<hbm>>) target(%dma_start3A_85 : memref<104x8xi32, #tpu.memory_space<vmem>>) offsets(%dma_start3A_88 : memref<104xi32, #tpu.memory_space<vmem>>) semaphore(%arg11 : memref<!tpu.dma_semaphore, #tpu.memory_space<semaphore_mem>>)
      %dma_start3A_92 = arith.constant 2 : i32
      %dma_start3A_93 = arith.constant 208 : i32
      %dma_start3A_94 = arith.constant 0 : i32
      %dma_start3A_95 = tpu.memref_slice %arg8[%dma_start3A_93, %dma_start3A_94] : memref<416x8xi32, #tpu.memory_space<vmem>> -> memref<104x8xi32, #tpu.memory_space<vmem>>
      %dma_start3A_96 = arith.constant 0 : i32
      %dma_start3A_97 = tpu.memref_slice %arg6[%dma_start3A_92, %dma_start3A_96] : memref<4x104xi32, #tpu.memory_space<vmem>> -> memref<1x104xi32, #tpu.memory_space<vmem>>
      %dma_start3A_98 = tpu.memref_squeeze %dma_start3A_97 : memref<1x104xi32, #tpu.memory_space<vmem>> -> memref<104xi32, #tpu.memory_space<vmem>>
      %dma_start3A_99 = arith.constant 0 : i32
      %dma_start3A_100 = arith.constant 0 : i32
      %dma_start3A_101 = tpu.memref_slice %arg3[%dma_start3A_99, %dma_start3A_100] : memref<2600000x8xi32, #tpu.memory_space<hbm>> -> memref<2600000x8xi32, #tpu.memory_space<hbm>>
      tpu.enqueue_indirect_dma source(%dma_start3A_101 : memref<2600000x8xi32, #tpu.memory_space<hbm>>) target(%dma_start3A_95 : memref<104x8xi32, #tpu.memory_space<vmem>>) offsets(%dma_start3A_98 : memref<104xi32, #tpu.memory_space<vmem>>) semaphore(%arg11 : memref<!tpu.dma_semaphore, #tpu.memory_space<semaphore_mem>>)
      %dma_start3A_102 = arith.constant 3 : i32
      %dma_start3A_103 = arith.constant 312 : i32
      %dma_start3A_104 = arith.constant 0 : i32
      %dma_start3A_105 = tpu.memref_slice %arg8[%dma_start3A_103, %dma_start3A_104] : memref<416x8xi32, #tpu.memory_space<vmem>> -> memref<104x8xi32, #tpu.memory_space<vmem>>
      %dma_start3A_106 = arith.constant 0 : i32
      %dma_start3A_107 = tpu.memref_slice %arg6[%dma_start3A_102, %dma_start3A_106] : memref<4x104xi32, #tpu.memory_space<vmem>> -> memref<1x104xi32, #tpu.memory_space<vmem>>
      %dma_start3A_108 = tpu.memref_squeeze %dma_start3A_107 : memref<1x104xi32, #tpu.memory_space<vmem>> -> memref<104xi32, #tpu.memory_space<vmem>>
      %dma_start3A_109 = arith.constant 0 : i32
      %dma_start3A_110 = arith.constant 0 : i32
      %dma_start3A_111 = tpu.memref_slice %arg3[%dma_start3A_109, %dma_start3A_110] : memref<2600000x8xi32, #tpu.memory_space<hbm>> -> memref<2600000x8xi32, #tpu.memory_space<hbm>>
      tpu.enqueue_indirect_dma source(%dma_start3A_111 : memref<2600000x8xi32, #tpu.memory_space<hbm>>) target(%dma_start3A_105 : memref<104x8xi32, #tpu.memory_space<vmem>>) offsets(%dma_start3A_108 : memref<104xi32, #tpu.memory_space<vmem>>) semaphore(%arg11 : memref<!tpu.dma_semaphore, #tpu.memory_space<semaphore_mem>>)
      %dma_wait3A = arith.constant 0 : i32
      %dma_wait3A_112 = arith.constant 0 : i32
      %dma_wait3A_113 = tpu.memref_slice %arg3[%dma_wait3A, %dma_wait3A_112] : memref<2600000x8xi32, #tpu.memory_space<hbm>> -> memref<416x8xi32, #tpu.memory_space<hbm>>
      %dma_wait3A_114 = arith.constant 0 : i32
      %dma_wait3A_115 = arith.constant 0 : i32
      %dma_wait3A_116 = tpu.memref_slice %arg3[%dma_wait3A_114, %dma_wait3A_115] : memref<2600000x8xi32, #tpu.memory_space<hbm>> -> memref<416x8xi32, #tpu.memory_space<hbm>>
      tpu.wait_dma2 semaphore(%arg10 : memref<!tpu.dma_semaphore, #tpu.memory_space<semaphore_mem>>) src(%dma_wait3A_116 : memref<416x8xi32, #tpu.memory_space<hbm>>) dst(%arg7 : memref<416x8xi32, #tpu.memory_space<vmem>>)
      %broadcast_in_dim3A_117 = arith.constant 0.000000e+00 : f32
      %broadcast_in_dim3A_118 = vector.broadcast %broadcast_in_dim3A_117 : f32 to vector<16xf32>
      %scan3A_119 = arith.constant 0 : i32
      %scan3A_120 = arith.constant 26 : i32
      %scan3A_121 = arith.addi %scan3A_119, %scan3A_120 : i32
      %scan3A_122 = arith.constant 1 : i32
      %scan3A_123:32 = scf.for %scan3A_243 = %scan3A_119 to %scan3A_121 step %scan3A_122 iter_args(%scan3A_244 = %broadcast_in_dim3A_118, %scan3A_245 = %broadcast_in_dim3A_118, %scan3A_246 = %broadcast_in_dim3A_118, %scan3A_247 = %broadcast_in_dim3A_118, %scan3A_248 = %broadcast_in_dim3A_118, %scan3A_249 = %broadcast_in_dim3A_118, %scan3A_250 = %broadcast_in_dim3A_118, %scan3A_251 = %broadcast_in_dim3A_118, %scan3A_252 = %broadcast_in_dim3A_118, %scan3A_253 = %broadcast_in_dim3A_118, %scan3A_254 = %broadcast_in_dim3A_118, %scan3A_255 = %broadcast_in_dim3A_118, %scan3A_256 = %broadcast_in_dim3A_118, %scan3A_257 = %broadcast_in_dim3A_118, %scan3A_258 = %broadcast_in_dim3A_118, %scan3A_259 = %broadcast_in_dim3A_118, %scan3A_260 = %broadcast_in_dim3A_118, %scan3A_261 = %broadcast_in_dim3A_118, %scan3A_262 = %broadcast_in_dim3A_118, %scan3A_263 = %broadcast_in_dim3A_118, %scan3A_264 = %broadcast_in_dim3A_118, %scan3A_265 = %broadcast_in_dim3A_118, %scan3A_266 = %broadcast_in_dim3A_118, %scan3A_267 = %broadcast_in_dim3A_118, %scan3A_268 = %broadcast_in_dim3A_118, %scan3A_269 = %broadcast_in_dim3A_118, %scan3A_270 = %broadcast_in_dim3A_118, %scan3A_271 = %broadcast_in_dim3A_118, %scan3A_272 = %broadcast_in_dim3A_118, %scan3A_273 = %broadcast_in_dim3A_118, %scan3A_274 = %broadcast_in_dim3A_118, %scan3A_275 = %broadcast_in_dim3A_118) -> (vector<16xf32>, vector<16xf32>, vector<16xf32>, vector<16xf32>, vector<16xf32>, vector<16xf32>, vector<16xf32>, vector<16xf32>, vector<16xf32>, vector<16xf32>, vector<16xf32>, vector<16xf32>, vector<16xf32>, vector<16xf32>, vector<16xf32>, vector<16xf32>, vector<16xf32>, vector<16xf32>, vector<16xf32>, vector<16xf32>, vector<16xf32>, vector<16xf32>, vector<16xf32>, vector<16xf32>, vector<16xf32>, vector<16xf32>, vector<16xf32>, vector<16xf32>, vector<16xf32>, vector<16xf32>, vector<16xf32>, vector<16xf32>)  : i32 {
        %add3A_276 = vector.broadcast %scan3A_243 : i32 to vector<16xi32>
        %add3A_277 = arith.addi %mul3A_3, %add3A_276 : vector<16xi32>
        %gather3A = tpu.vector_load_idx %arg7[%add3A_277, %broadcast_in_dim3A_4] : memref<416x8xi32, #tpu.memory_space<vmem>>[vector<16xi32>, vector<16xi32>], vector<16xi32>,
        %bitcast3A = vector.bitcast %gather3A : vector<16xi32> to vector<32xbf16>
        %unpack3A = tpu.unpack_subelements %bitcast3A, 0 {pack_format = #tpu.pack_format<interleaved>} : vector<32xbf16> -> vector<16xf32>
        %unpack3A_278 = tpu.unpack_subelements %bitcast3A, 1 {pack_format = #tpu.pack_format<interleaved>} : vector<32xbf16> -> vector<16xf32>
        %add3A_279 = arith.addf %scan3A_244, %unpack3A : vector<16xf32>
        %mul3A_280 = arith.mulf %unpack3A, %unpack3A : vector<16xf32>
        %add3A_281 = arith.addf %scan3A_260, %mul3A_280 : vector<16xf32>
        %add3A_282 = arith.addf %scan3A_245, %unpack3A_278 : vector<16xf32>
        %mul3A_283 = arith.mulf %unpack3A_278, %unpack3A_278 : vector<16xf32>
        %add3A_284 = arith.addf %scan3A_261, %mul3A_283 : vector<16xf32>
        %gather3A_285 = tpu.vector_load_idx %arg7[%add3A_277, %broadcast_in_dim3A_6] : memref<416x8xi32, #tpu.memory_space<vmem>>[vector<16xi32>, vector<16xi32>], vector<16xi32>,
        %bitcast3A_286 = vector.bitcast %gather3A_285 : vector<16xi32> to vector<32xbf16>
        %unpack3A_287 = tpu.unpack_subelements %bitcast3A_286, 0 {pack_format = #tpu.pack_format<interleaved>} : vector<32xbf16> -> vector<16xf32>
        %unpack3A_288 = tpu.unpack_subelements %bitcast3A_286, 1 {pack_format = #tpu.pack_format<interleaved>} : vector<32xbf16> -> vector<16xf32>
        %add3A_289 = arith.addf %scan3A_246, %unpack3A_287 : vector<16xf32>
        %mul3A_290 = arith.mulf %unpack3A_287, %unpack3A_287 : vector<16xf32>
        %add3A_291 = arith.addf %scan3A_262, %mul3A_290 : vector<16xf32>
        %add3A_292 = arith.addf %scan3A_247, %unpack3A_288 : vector<16xf32>
        %mul3A_293 = arith.mulf %unpack3A_288, %unpack3A_288 : vector<16xf32>
        %add3A_294 = arith.addf %scan3A_263, %mul3A_293 : vector<16xf32>
        %gather3A_295 = tpu.vector_load_idx %arg7[%add3A_277, %broadcast_in_dim3A_8] : memref<416x8xi32, #tpu.memory_space<vmem>>[vector<16xi32>, vector<16xi32>], vector<16xi32>,
        %bitcast3A_296 = vector.bitcast %gather3A_295 : vector<16xi32> to vector<32xbf16>
        %unpack3A_297 = tpu.unpack_subelements %bitcast3A_296, 0 {pack_format = #tpu.pack_format<interleaved>} : vector<32xbf16> -> vector<16xf32>
        %unpack3A_298 = tpu.unpack_subelements %bitcast3A_296, 1 {pack_format = #tpu.pack_format<interleaved>} : vector<32xbf16> -> vector<16xf32>
        %add3A_299 = arith.addf %scan3A_248, %unpack3A_297 : vector<16xf32>
        %mul3A_300 = arith.mulf %unpack3A_297, %unpack3A_297 : vector<16xf32>
        %add3A_301 = arith.addf %scan3A_264, %mul3A_300 : vector<16xf32>
        %add3A_302 = arith.addf %scan3A_249, %unpack3A_298 : vector<16xf32>
        %mul3A_303 = arith.mulf %unpack3A_298, %unpack3A_298 : vector<16xf32>
        %add3A_304 = arith.addf %scan3A_265, %mul3A_303 : vector<16xf32>
        %gather3A_305 = tpu.vector_load_idx %arg7[%add3A_277, %broadcast_in_dim3A_10] : memref<416x8xi32, #tpu.memory_space<vmem>>[vector<16xi32>, vector<16xi32>], vector<16xi32>,
        %bitcast3A_306 = vector.bitcast %gather3A_305 : vector<16xi32> to vector<32xbf16>
        %unpack3A_307 = tpu.unpack_subelements %bitcast3A_306, 0 {pack_format = #tpu.pack_format<interleaved>} : vector<32xbf16> -> vector<16xf32>
        %unpack3A_308 = tpu.unpack_subelements %bitcast3A_306, 1 {pack_format = #tpu.pack_format<interleaved>} : vector<32xbf16> -> vector<16xf32>
        %add3A_309 = arith.addf %scan3A_250, %unpack3A_307 : vector<16xf32>
        %mul3A_310 = arith.mulf %unpack3A_307, %unpack3A_307 : vector<16xf32>
        %add3A_311 = arith.addf %scan3A_266, %mul3A_310 : vector<16xf32>
        %add3A_312 = arith.addf %scan3A_251, %unpack3A_308 : vector<16xf32>
        %mul3A_313 = arith.mulf %unpack3A_308, %unpack3A_308 : vector<16xf32>
        %add3A_314 = arith.addf %scan3A_267, %mul3A_313 : vector<16xf32>
        %gather3A_315 = tpu.vector_load_idx %arg7[%add3A_277, %broadcast_in_dim3A_12] : memref<416x8xi32, #tpu.memory_space<vmem>>[vector<16xi32>, vector<16xi32>], vector<16xi32>,
        %bitcast3A_316 = vector.bitcast %gather3A_315 : vector<16xi32> to vector<32xbf16>
        %unpack3A_317 = tpu.unpack_subelements %bitcast3A_316, 0 {pack_format = #tpu.pack_format<interleaved>} : vector<32xbf16> -> vector<16xf32>
        %unpack3A_318 = tpu.unpack_subelements %bitcast3A_316, 1 {pack_format = #tpu.pack_format<interleaved>} : vector<32xbf16> -> vector<16xf32>
        %add3A_319 = arith.addf %scan3A_252, %unpack3A_317 : vector<16xf32>
        %mul3A_320 = arith.mulf %unpack3A_317, %unpack3A_317 : vector<16xf32>
        %add3A_321 = arith.addf %scan3A_268, %mul3A_320 : vector<16xf32>
        %add3A_322 = arith.addf %scan3A_253, %unpack3A_318 : vector<16xf32>
        %mul3A_323 = arith.mulf %unpack3A_318, %unpack3A_318 : vector<16xf32>
        %add3A_324 = arith.addf %scan3A_269, %mul3A_323 : vector<16xf32>
        %gather3A_325 = tpu.vector_load_idx %arg7[%add3A_277, %broadcast_in_dim3A_14] : memref<416x8xi32, #tpu.memory_space<vmem>>[vector<16xi32>, vector<16xi32>], vector<16xi32>,
        %bitcast3A_326 = vector.bitcast %gather3A_325 : vector<16xi32> to vector<32xbf16>
        %unpack3A_327 = tpu.unpack_subelements %bitcast3A_326, 0 {pack_format = #tpu.pack_format<interleaved>} : vector<32xbf16> -> vector<16xf32>
        %unpack3A_328 = tpu.unpack_subelements %bitcast3A_326, 1 {pack_format = #tpu.pack_format<interleaved>} : vector<32xbf16> -> vector<16xf32>
        %add3A_329 = arith.addf %scan3A_254, %unpack3A_327 : vector<16xf32>
        %mul3A_330 = arith.mulf %unpack3A_327, %unpack3A_327 : vector<16xf32>
        %add3A_331 = arith.addf %scan3A_270, %mul3A_330 : vector<16xf32>
        %add3A_332 = arith.addf %scan3A_255, %unpack3A_328 : vector<16xf32>
        %mul3A_333 = arith.mulf %unpack3A_328, %unpack3A_328 : vector<16xf32>
        %add3A_334 = arith.addf %scan3A_271, %mul3A_333 : vector<16xf32>
        %gather3A_335 = tpu.vector_load_idx %arg7[%add3A_277, %broadcast_in_dim3A_16] : memref<416x8xi32, #tpu.memory_space<vmem>>[vector<16xi32>, vector<16xi32>], vector<16xi32>,
        %bitcast3A_336 = vector.bitcast %gather3A_335 : vector<16xi32> to vector<32xbf16>
        %unpack3A_337 = tpu.unpack_subelements %bitcast3A_336, 0 {pack_format = #tpu.pack_format<interleaved>} : vector<32xbf16> -> vector<16xf32>
        %unpack3A_338 = tpu.unpack_subelements %bitcast3A_336, 1 {pack_format = #tpu.pack_format<interleaved>} : vector<32xbf16> -> vector<16xf32>
        %add3A_339 = arith.addf %scan3A_256, %unpack3A_337 : vector<16xf32>
        %mul3A_340 = arith.mulf %unpack3A_337, %unpack3A_337 : vector<16xf32>
        %add3A_341 = arith.addf %scan3A_272, %mul3A_340 : vector<16xf32>
        %add3A_342 = arith.addf %scan3A_257, %unpack3A_338 : vector<16xf32>
        %mul3A_343 = arith.mulf %unpack3A_338, %unpack3A_338 : vector<16xf32>
        %add3A_344 = arith.addf %scan3A_273, %mul3A_343 : vector<16xf32>
        %gather3A_345 = tpu.vector_load_idx %arg7[%add3A_277, %broadcast_in_dim3A_18] : memref<416x8xi32, #tpu.memory_space<vmem>>[vector<16xi32>, vector<16xi32>], vector<16xi32>,
        %bitcast3A_346 = vector.bitcast %gather3A_345 : vector<16xi32> to vector<32xbf16>
        %unpack3A_347 = tpu.unpack_subelements %bitcast3A_346, 0 {pack_format = #tpu.pack_format<interleaved>} : vector<32xbf16> -> vector<16xf32>
        %unpack3A_348 = tpu.unpack_subelements %bitcast3A_346, 1 {pack_format = #tpu.pack_format<interleaved>} : vector<32xbf16> -> vector<16xf32>
        %add3A_349 = arith.addf %scan3A_258, %unpack3A_347 : vector<16xf32>
        %mul3A_350 = arith.mulf %unpack3A_347, %unpack3A_347 : vector<16xf32>
        %add3A_351 = arith.addf %scan3A_274, %mul3A_350 : vector<16xf32>
        %add3A_352 = arith.addf %scan3A_259, %unpack3A_348 : vector<16xf32>
        %mul3A_353 = arith.mulf %unpack3A_348, %unpack3A_348 : vector<16xf32>
        %add3A_354 = arith.addf %scan3A_275, %mul3A_353 : vector<16xf32>
        scf.yield %add3A_279, %add3A_282, %add3A_289, %add3A_292, %add3A_299, %add3A_302, %add3A_309, %add3A_312, %add3A_319, %add3A_322, %add3A_329, %add3A_332, %add3A_339, %add3A_342, %add3A_349, %add3A_352, %add3A_281, %add3A_284, %add3A_291, %add3A_294, %add3A_301, %add3A_304, %add3A_311, %add3A_314, %add3A_321, %add3A_324, %add3A_331, %add3A_334, %add3A_341, %add3A_344, %add3A_351, %add3A_354 : vector<16xf32>, vector<16xf32>, vector<16xf32>, vector<16xf32>, vector<16xf32>, vector<16xf32>, vector<16xf32>, vector<16xf32>, vector<16xf32>, vector<16xf32>, vector<16xf32>, vector<16xf32>, vector<16xf32>, vector<16xf32>, vector<16xf32>, vector<16xf32>, vector<16xf32>, vector<16xf32>, vector<16xf32>, vector<16xf32>, vector<16xf32>, vector<16xf32>, vector<16xf32>, vector<16xf32>, vector<16xf32>, vector<16xf32>, vector<16xf32>, vector<16xf32>, vector<16xf32>, vector<16xf32>, vector<16xf32>, vector<16xf32>
      }
      %scan3A_124 = arith.constant 26 : i32
      %mul3A_125 = arith.mulf %scan3A_123#0, %scan3A_123#0 : vector<16xf32>
      %sub3A = arith.subf %mul3A_125, %scan3A_123#16 : vector<16xf32>
      %mul3A_126 = arith.mulf %scan3A_123#1, %scan3A_123#1 : vector<16xf32>
      %add3A_127 = arith.addf %sub3A, %mul3A_126 : vector<16xf32>
      %sub3A_128 = arith.subf %add3A_127, %scan3A_123#17 : vector<16xf32>
      %mul3A_129 = arith.mulf %scan3A_123#2, %scan3A_123#2 : vector<16xf32>
      %add3A_130 = arith.addf %sub3A_128, %mul3A_129 : vector<16xf32>
      %sub3A_131 = arith.subf %add3A_130, %scan3A_123#18 : vector<16xf32>
      %mul3A_132 = arith.mulf %scan3A_123#3, %scan3A_123#3 : vector<16xf32>
      %add3A_133 = arith.addf %sub3A_131, %mul3A_132 : vector<16xf32>
      %sub3A_134 = arith.subf %add3A_133, %scan3A_123#19 : vector<16xf32>
      %mul3A_135 = arith.mulf %scan3A_123#4, %scan3A_123#4 : vector<16xf32>
      %add3A_136 = arith.addf %sub3A_134, %mul3A_135 : vector<16xf32>
      %sub3A_137 = arith.subf %add3A_136, %scan3A_123#20 : vector<16xf32>
      %mul3A_138 = arith.mulf %scan3A_123#5, %scan3A_123#5 : vector<16xf32>
      %add3A_139 = arith.addf %sub3A_137, %mul3A_138 : vector<16xf32>
      %sub3A_140 = arith.subf %add3A_139, %scan3A_123#21 : vector<16xf32>
      %mul3A_141 = arith.mulf %scan3A_123#6, %scan3A_123#6 : vector<16xf32>
      %add3A_142 = arith.addf %sub3A_140, %mul3A_141 : vector<16xf32>
      %sub3A_143 = arith.subf %add3A_142, %scan3A_123#22 : vector<16xf32>
      %mul3A_144 = arith.mulf %scan3A_123#7, %scan3A_123#7 : vector<16xf32>
      %add3A_145 = arith.addf %sub3A_143, %mul3A_144 : vector<16xf32>
      %sub3A_146 = arith.subf %add3A_145, %scan3A_123#23 : vector<16xf32>
      %mul3A_147 = arith.mulf %scan3A_123#8, %scan3A_123#8 : vector<16xf32>
      %add3A_148 = arith.addf %sub3A_146, %mul3A_147 : vector<16xf32>
      %sub3A_149 = arith.subf %add3A_148, %scan3A_123#24 : vector<16xf32>
      %mul3A_150 = arith.mulf %scan3A_123#9, %scan3A_123#9 : vector<16xf32>
      %add3A_151 = arith.addf %sub3A_149, %mul3A_150 : vector<16xf32>
      %sub3A_152 = arith.subf %add3A_151, %scan3A_123#25 : vector<16xf32>
      %mul3A_153 = arith.mulf %scan3A_123#10, %scan3A_123#10 : vector<16xf32>
      %add3A_154 = arith.addf %sub3A_152, %mul3A_153 : vector<16xf32>
      %sub3A_155 = arith.subf %add3A_154, %scan3A_123#26 : vector<16xf32>
      %mul3A_156 = arith.mulf %scan3A_123#11, %scan3A_123#11 : vector<16xf32>
      %add3A_157 = arith.addf %sub3A_155, %mul3A_156 : vector<16xf32>
      %sub3A_158 = arith.subf %add3A_157, %scan3A_123#27 : vector<16xf32>
      %mul3A_159 = arith.mulf %scan3A_123#12, %scan3A_123#12 : vector<16xf32>
      %add3A_160 = arith.addf %sub3A_158, %mul3A_159 : vector<16xf32>
      %sub3A_161 = arith.subf %add3A_160, %scan3A_123#28 : vector<16xf32>
      %mul3A_162 = arith.mulf %scan3A_123#13, %scan3A_123#13 : vector<16xf32>
      %add3A_163 = arith.addf %sub3A_161, %mul3A_162 : vector<16xf32>
      %sub3A_164 = arith.subf %add3A_163, %scan3A_123#29 : vector<16xf32>
      %mul3A_165 = arith.mulf %scan3A_123#14, %scan3A_123#14 : vector<16xf32>
      %add3A_166 = arith.addf %sub3A_164, %mul3A_165 : vector<16xf32>
      %sub3A_167 = arith.subf %add3A_166, %scan3A_123#30 : vector<16xf32>
      %mul3A_168 = arith.mulf %scan3A_123#15, %scan3A_123#15 : vector<16xf32>
      %add3A_169 = arith.addf %sub3A_167, %mul3A_168 : vector<16xf32>
      %sub3A_170 = arith.subf %add3A_169, %scan3A_123#31 : vector<16xf32>
      %mul3A_171 = arith.constant 16 : i32
      %mul3A_172 = arith.muli %mul3A_67, %mul3A_171 : i32
      %swap3A = arith.index_cast %mul3A_172 : i32 to index
      %swap3A_173 = tpu.vector_load %arg9[%swap3A] {strides = array<i32>} : memref<512xf32, #tpu.memory_space<vmem>>, vector<16xf32>,
      tpu.vector_store %arg9[%swap3A], %sub3A_170 {strides = array<i32>} : memref<512xf32, #tpu.memory_space<vmem>>, vector<16xf32>,
      %lt3A = arith.constant 15 : i32
      %lt3A_174 = arith.cmpi slt, %scan3A_65, %lt3A : i32
      %convert_element_type3A = arith.extui %lt3A_174 : i1 to i32
      %cond3A = arith.constant 0 : i32
      %cond3A_175 = arith.cmpi ne, %convert_element_type3A, %cond3A : i32
      scf.if %cond3A_175 {
        %add3A_243 = arith.constant 2 : i32
        %add3A_244 = arith.addi %mul3A_67, %add3A_243 : i32
        %mul3A_245 = arith.constant 4 : i32
        %mul3A_246 = arith.muli %add3A_244, %mul3A_245 : i32
        "tpu.region"() ({
          %run_scoped3A = tpu.sem_alloc : memref<!tpu.dma_semaphore, #tpu.memory_space<semaphore_mem>>
          %dma_start3A_287 = arith.constant 0 : i32
          %dma_start3A_288 = tpu.memref_slice %arg2[%add3A, %mul3A_246, %dma_start3A_287] : memref<32x128x104xi32, #tpu.memory_space<hbm>> -> memref<1x4x104xi32, #tpu.memory_space<hbm>>
          %dma_start3A_289 = tpu.memref_squeeze %dma_start3A_288 : memref<1x4x104xi32, #tpu.memory_space<hbm>> -> memref<4x104xi32, #tpu.memory_space<hbm>>
          %dma_start3A_290 = arith.constant 0 : i32
          %dma_start3A_291 = tpu.memref_slice %arg2[%add3A, %mul3A_246, %dma_start3A_290] : memref<32x128x104xi32, #tpu.memory_space<hbm>> -> memref<1x4x104xi32, #tpu.memory_space<hbm>>
          %dma_start3A_292 = tpu.memref_squeeze %dma_start3A_291 : memref<1x4x104xi32, #tpu.memory_space<hbm>> -> memref<4x104xi32, #tpu.memory_space<hbm>>
          tpu.enqueue_dma source(%dma_start3A_292 : memref<4x104xi32, #tpu.memory_space<hbm>>) target(%arg5 : memref<4x104xi32, #tpu.memory_space<vmem>>) target_semaphore(%run_scoped3A : memref<!tpu.dma_semaphore, #tpu.memory_space<semaphore_mem>>)
          %dma_wait3A_293 = arith.constant 0 : i32
          %dma_wait3A_294 = tpu.memref_slice %arg2[%add3A, %mul3A_246, %dma_wait3A_293] : memref<32x128x104xi32, #tpu.memory_space<hbm>> -> memref<1x4x104xi32, #tpu.memory_space<hbm>>
          %dma_wait3A_295 = tpu.memref_squeeze %dma_wait3A_294 : memref<1x4x104xi32, #tpu.memory_space<hbm>> -> memref<4x104xi32, #tpu.memory_space<hbm>>
          %dma_wait3A_296 = arith.constant 0 : i32
          %dma_wait3A_297 = tpu.memref_slice %arg2[%add3A, %mul3A_246, %dma_wait3A_296] : memref<32x128x104xi32, #tpu.memory_space<hbm>> -> memref<1x4x104xi32, #tpu.memory_space<hbm>>
          %dma_wait3A_298 = tpu.memref_squeeze %dma_wait3A_297 : memref<1x4x104xi32, #tpu.memory_space<hbm>> -> memref<4x104xi32, #tpu.memory_space<hbm>>
          tpu.wait_dma2 semaphore(%run_scoped3A : memref<!tpu.dma_semaphore, #tpu.memory_space<semaphore_mem>>) src(%dma_wait3A_298 : memref<4x104xi32, #tpu.memory_space<hbm>>) dst(%arg5 : memref<4x104xi32, #tpu.memory_space<vmem>>)
          tpu.yield
        }) : () -> ()
        %dma_start3A_247 = arith.constant 0 : i32
        %dma_start3A_248 = arith.constant 0 : i32
        %dma_start3A_249 = arith.constant 0 : i32
        %dma_start3A_250 = tpu.memref_slice %arg7[%dma_start3A_248, %dma_start3A_249] : memref<416x8xi32, #tpu.memory_space<vmem>> -> memref<104x8xi32, #tpu.memory_space<vmem>>
        %dma_start3A_251 = arith.constant 0 : i32
        %dma_start3A_252 = tpu.memref_slice %arg5[%dma_start3A_247, %dma_start3A_251] : memref<4x104xi32, #tpu.memory_space<vmem>> -> memref<1x104xi32, #tpu.memory_space<vmem>>
        %dma_start3A_253 = tpu.memref_squeeze %dma_start3A_252 : memref<1x104xi32, #tpu.memory_space<vmem>> -> memref<104xi32, #tpu.memory_space<vmem>>
        %dma_start3A_254 = arith.constant 0 : i32
        %dma_start3A_255 = arith.constant 0 : i32
        %dma_start3A_256 = tpu.memref_slice %arg3[%dma_start3A_254, %dma_start3A_255] : memref<2600000x8xi32, #tpu.memory_space<hbm>> -> memref<2600000x8xi32, #tpu.memory_space<hbm>>
        tpu.enqueue_indirect_dma source(%dma_start3A_256 : memref<2600000x8xi32, #tpu.memory_space<hbm>>) target(%dma_start3A_250 : memref<104x8xi32, #tpu.memory_space<vmem>>) offsets(%dma_start3A_253 : memref<104xi32, #tpu.memory_space<vmem>>) semaphore(%arg10 : memref<!tpu.dma_semaphore, #tpu.memory_space<semaphore_mem>>)
        %dma_start3A_257 = arith.constant 1 : i32
        %dma_start3A_258 = arith.constant 104 : i32
        %dma_start3A_259 = arith.constant 0 : i32
        %dma_start3A_260 = tpu.memref_slice %arg7[%dma_start3A_258, %dma_start3A_259] : memref<416x8xi32, #tpu.memory_space<vmem>> -> memref<104x8xi32, #tpu.memory_space<vmem>>
        %dma_start3A_261 = arith.constant 0 : i32
        %dma_start3A_262 = tpu.memref_slice %arg5[%dma_start3A_257, %dma_start3A_261] : memref<4x104xi32, #tpu.memory_space<vmem>> -> memref<1x104xi32, #tpu.memory_space<vmem>>
        %dma_start3A_263 = tpu.memref_squeeze %dma_start3A_262 : memref<1x104xi32, #tpu.memory_space<vmem>> -> memref<104xi32, #tpu.memory_space<vmem>>
        %dma_start3A_264 = arith.constant 0 : i32
        %dma_start3A_265 = arith.constant 0 : i32
        %dma_start3A_266 = tpu.memref_slice %arg3[%dma_start3A_264, %dma_start3A_265] : memref<2600000x8xi32, #tpu.memory_space<hbm>> -> memref<2600000x8xi32, #tpu.memory_space<hbm>>
        tpu.enqueue_indirect_dma source(%dma_start3A_266 : memref<2600000x8xi32, #tpu.memory_space<hbm>>) target(%dma_start3A_260 : memref<104x8xi32, #tpu.memory_space<vmem>>) offsets(%dma_start3A_263 : memref<104xi32, #tpu.memory_space<vmem>>) semaphore(%arg10 : memref<!tpu.dma_semaphore, #tpu.memory_space<semaphore_mem>>)
        %dma_start3A_267 = arith.constant 2 : i32
        %dma_start3A_268 = arith.constant 208 : i32
        %dma_start3A_269 = arith.constant 0 : i32
        %dma_start3A_270 = tpu.memref_slice %arg7[%dma_start3A_268, %dma_start3A_269] : memref<416x8xi32, #tpu.memory_space<vmem>> -> memref<104x8xi32, #tpu.memory_space<vmem>>
        %dma_start3A_271 = arith.constant 0 : i32
        %dma_start3A_272 = tpu.memref_slice %arg5[%dma_start3A_267, %dma_start3A_271] : memref<4x104xi32, #tpu.memory_space<vmem>> -> memref<1x104xi32, #tpu.memory_space<vmem>>
        %dma_start3A_273 = tpu.memref_squeeze %dma_start3A_272 : memref<1x104xi32, #tpu.memory_space<vmem>> -> memref<104xi32, #tpu.memory_space<vmem>>
        %dma_start3A_274 = arith.constant 0 : i32
        %dma_start3A_275 = arith.constant 0 : i32
        %dma_start3A_276 = tpu.memref_slice %arg3[%dma_start3A_274, %dma_start3A_275] : memref<2600000x8xi32, #tpu.memory_space<hbm>> -> memref<2600000x8xi32, #tpu.memory_space<hbm>>
        tpu.enqueue_indirect_dma source(%dma_start3A_276 : memref<2600000x8xi32, #tpu.memory_space<hbm>>) target(%dma_start3A_270 : memref<104x8xi32, #tpu.memory_space<vmem>>) offsets(%dma_start3A_273 : memref<104xi32, #tpu.memory_space<vmem>>) semaphore(%arg10 : memref<!tpu.dma_semaphore, #tpu.memory_space<semaphore_mem>>)
        %dma_start3A_277 = arith.constant 3 : i32
        %dma_start3A_278 = arith.constant 312 : i32
        %dma_start3A_279 = arith.constant 0 : i32
        %dma_start3A_280 = tpu.memref_slice %arg7[%dma_start3A_278, %dma_start3A_279] : memref<416x8xi32, #tpu.memory_space<vmem>> -> memref<104x8xi32, #tpu.memory_space<vmem>>
        %dma_start3A_281 = arith.constant 0 : i32
        %dma_start3A_282 = tpu.memref_slice %arg5[%dma_start3A_277, %dma_start3A_281] : memref<4x104xi32, #tpu.memory_space<vmem>> -> memref<1x104xi32, #tpu.memory_space<vmem>>
        %dma_start3A_283 = tpu.memref_squeeze %dma_start3A_282 : memref<1x104xi32, #tpu.memory_space<vmem>> -> memref<104xi32, #tpu.memory_space<vmem>>
        %dma_start3A_284 = arith.constant 0 : i32
        %dma_start3A_285 = arith.constant 0 : i32
        %dma_start3A_286 = tpu.memref_slice %arg3[%dma_start3A_284, %dma_start3A_285] : memref<2600000x8xi32, #tpu.memory_space<hbm>> -> memref<2600000x8xi32, #tpu.memory_space<hbm>>
        tpu.enqueue_indirect_dma source(%dma_start3A_286 : memref<2600000x8xi32, #tpu.memory_space<hbm>>) target(%dma_start3A_280 : memref<104x8xi32, #tpu.memory_space<vmem>>) offsets(%dma_start3A_283 : memref<104xi32, #tpu.memory_space<vmem>>) semaphore(%arg10 : memref<!tpu.dma_semaphore, #tpu.memory_space<semaphore_mem>>)
      } else {
      }
      %dma_wait3A_176 = arith.constant 0 : i32
      %dma_wait3A_177 = arith.constant 0 : i32
      %dma_wait3A_178 = tpu.memref_slice %arg3[%dma_wait3A_176, %dma_wait3A_177] : memref<2600000x8xi32, #tpu.memory_space<hbm>> -> memref<416x8xi32, #tpu.memory_space<hbm>>
      %dma_wait3A_179 = arith.constant 0 : i32
      %dma_wait3A_180 = arith.constant 0 : i32
      %dma_wait3A_181 = tpu.memref_slice %arg3[%dma_wait3A_179, %dma_wait3A_180] : memref<2600000x8xi32, #tpu.memory_space<hbm>> -> memref<416x8xi32, #tpu.memory_space<hbm>>
      tpu.wait_dma2 semaphore(%arg11 : memref<!tpu.dma_semaphore, #tpu.memory_space<semaphore_mem>>) src(%dma_wait3A_181 : memref<416x8xi32, #tpu.memory_space<hbm>>) dst(%arg8 : memref<416x8xi32, #tpu.memory_space<vmem>>)
      %add3A_182 = arith.constant 1 : i32
      %add3A_183 = arith.addi %mul3A_67, %add3A_182 : i32
      %broadcast_in_dim3A_184 = arith.constant 0.000000e+00 : f32
      %broadcast_in_dim3A_185 = vector.broadcast %broadcast_in_dim3A_184 : f32 to vector<16xf32>
      %scan3A_186 = arith.constant 0 : i32
      %scan3A_187 = arith.constant 26 : i32
      %scan3A_188 = arith.addi %scan3A_186, %scan3A_187 : i32
      %scan3A_189 = arith.constant 1 : i32
      %scan3A_190:32 = scf.for %scan3A_243 = %scan3A_186 to %scan3A_188 step %scan3A_189 iter_args(%scan3A_244 = %broadcast_in_dim3A_185, %scan3A_245 = %broadcast_in_dim3A_185, %scan3A_246 = %broadcast_in_dim3A_185, %scan3A_247 = %broadcast_in_dim3A_185, %scan3A_248 = %broadcast_in_dim3A_185, %scan3A_249 = %broadcast_in_dim3A_185, %scan3A_250 = %broadcast_in_dim3A_185, %scan3A_251 = %broadcast_in_dim3A_185, %scan3A_252 = %broadcast_in_dim3A_185, %scan3A_253 = %broadcast_in_dim3A_185, %scan3A_254 = %broadcast_in_dim3A_185, %scan3A_255 = %broadcast_in_dim3A_185, %scan3A_256 = %broadcast_in_dim3A_185, %scan3A_257 = %broadcast_in_dim3A_185, %scan3A_258 = %broadcast_in_dim3A_185, %scan3A_259 = %broadcast_in_dim3A_185, %scan3A_260 = %broadcast_in_dim3A_185, %scan3A_261 = %broadcast_in_dim3A_185, %scan3A_262 = %broadcast_in_dim3A_185, %scan3A_263 = %broadcast_in_dim3A_185, %scan3A_264 = %broadcast_in_dim3A_185, %scan3A_265 = %broadcast_in_dim3A_185, %scan3A_266 = %broadcast_in_dim3A_185, %scan3A_267 = %broadcast_in_dim3A_185, %scan3A_268 = %broadcast_in_dim3A_185, %scan3A_269 = %broadcast_in_dim3A_185, %scan3A_270 = %broadcast_in_dim3A_185, %scan3A_271 = %broadcast_in_dim3A_185, %scan3A_272 = %broadcast_in_dim3A_185, %scan3A_273 = %broadcast_in_dim3A_185, %scan3A_274 = %broadcast_in_dim3A_185, %scan3A_275 = %broadcast_in_dim3A_185) -> (vector<16xf32>, vector<16xf32>, vector<16xf32>, vector<16xf32>, vector<16xf32>, vector<16xf32>, vector<16xf32>, vector<16xf32>, vector<16xf32>, vector<16xf32>, vector<16xf32>, vector<16xf32>, vector<16xf32>, vector<16xf32>, vector<16xf32>, vector<16xf32>, vector<16xf32>, vector<16xf32>, vector<16xf32>, vector<16xf32>, vector<16xf32>, vector<16xf32>, vector<16xf32>, vector<16xf32>, vector<16xf32>, vector<16xf32>, vector<16xf32>, vector<16xf32>, vector<16xf32>, vector<16xf32>, vector<16xf32>, vector<16xf32>)  : i32 {
        %add3A_276 = vector.broadcast %scan3A_243 : i32 to vector<16xi32>
        %add3A_277 = arith.addi %mul3A_3, %add3A_276 : vector<16xi32>
        %gather3A = tpu.vector_load_idx %arg8[%add3A_277, %broadcast_in_dim3A_4] : memref<416x8xi32, #tpu.memory_space<vmem>>[vector<16xi32>, vector<16xi32>], vector<16xi32>,
        %bitcast3A = vector.bitcast %gather3A : vector<16xi32> to vector<32xbf16>
        %unpack3A = tpu.unpack_subelements %bitcast3A, 0 {pack_format = #tpu.pack_format<interleaved>} : vector<32xbf16> -> vector<16xf32>
        %unpack3A_278 = tpu.unpack_subelements %bitcast3A, 1 {pack_format = #tpu.pack_format<interleaved>} : vector<32xbf16> -> vector<16xf32>
        %add3A_279 = arith.addf %scan3A_244, %unpack3A : vector<16xf32>
        %mul3A_280 = arith.mulf %unpack3A, %unpack3A : vector<16xf32>
        %add3A_281 = arith.addf %scan3A_260, %mul3A_280 : vector<16xf32>
        %add3A_282 = arith.addf %scan3A_245, %unpack3A_278 : vector<16xf32>
        %mul3A_283 = arith.mulf %unpack3A_278, %unpack3A_278 : vector<16xf32>
        %add3A_284 = arith.addf %scan3A_261, %mul3A_283 : vector<16xf32>
        %gather3A_285 = tpu.vector_load_idx %arg8[%add3A_277, %broadcast_in_dim3A_6] : memref<416x8xi32, #tpu.memory_space<vmem>>[vector<16xi32>, vector<16xi32>], vector<16xi32>,
        %bitcast3A_286 = vector.bitcast %gather3A_285 : vector<16xi32> to vector<32xbf16>
        %unpack3A_287 = tpu.unpack_subelements %bitcast3A_286, 0 {pack_format = #tpu.pack_format<interleaved>} : vector<32xbf16> -> vector<16xf32>
        %unpack3A_288 = tpu.unpack_subelements %bitcast3A_286, 1 {pack_format = #tpu.pack_format<interleaved>} : vector<32xbf16> -> vector<16xf32>
        %add3A_289 = arith.addf %scan3A_246, %unpack3A_287 : vector<16xf32>
        %mul3A_290 = arith.mulf %unpack3A_287, %unpack3A_287 : vector<16xf32>
        %add3A_291 = arith.addf %scan3A_262, %mul3A_290 : vector<16xf32>
        %add3A_292 = arith.addf %scan3A_247, %unpack3A_288 : vector<16xf32>
        %mul3A_293 = arith.mulf %unpack3A_288, %unpack3A_288 : vector<16xf32>
        %add3A_294 = arith.addf %scan3A_263, %mul3A_293 : vector<16xf32>
        %gather3A_295 = tpu.vector_load_idx %arg8[%add3A_277, %broadcast_in_dim3A_8] : memref<416x8xi32, #tpu.memory_space<vmem>>[vector<16xi32>, vector<16xi32>], vector<16xi32>,
        %bitcast3A_296 = vector.bitcast %gather3A_295 : vector<16xi32> to vector<32xbf16>
        %unpack3A_297 = tpu.unpack_subelements %bitcast3A_296, 0 {pack_format = #tpu.pack_format<interleaved>} : vector<32xbf16> -> vector<16xf32>
        %unpack3A_298 = tpu.unpack_subelements %bitcast3A_296, 1 {pack_format = #tpu.pack_format<interleaved>} : vector<32xbf16> -> vector<16xf32>
        %add3A_299 = arith.addf %scan3A_248, %unpack3A_297 : vector<16xf32>
        %mul3A_300 = arith.mulf %unpack3A_297, %unpack3A_297 : vector<16xf32>
        %add3A_301 = arith.addf %scan3A_264, %mul3A_300 : vector<16xf32>
        %add3A_302 = arith.addf %scan3A_249, %unpack3A_298 : vector<16xf32>
        %mul3A_303 = arith.mulf %unpack3A_298, %unpack3A_298 : vector<16xf32>
        %add3A_304 = arith.addf %scan3A_265, %mul3A_303 : vector<16xf32>
        %gather3A_305 = tpu.vector_load_idx %arg8[%add3A_277, %broadcast_in_dim3A_10] : memref<416x8xi32, #tpu.memory_space<vmem>>[vector<16xi32>, vector<16xi32>], vector<16xi32>,
        %bitcast3A_306 = vector.bitcast %gather3A_305 : vector<16xi32> to vector<32xbf16>
        %unpack3A_307 = tpu.unpack_subelements %bitcast3A_306, 0 {pack_format = #tpu.pack_format<interleaved>} : vector<32xbf16> -> vector<16xf32>
        %unpack3A_308 = tpu.unpack_subelements %bitcast3A_306, 1 {pack_format = #tpu.pack_format<interleaved>} : vector<32xbf16> -> vector<16xf32>
        %add3A_309 = arith.addf %scan3A_250, %unpack3A_307 : vector<16xf32>
        %mul3A_310 = arith.mulf %unpack3A_307, %unpack3A_307 : vector<16xf32>
        %add3A_311 = arith.addf %scan3A_266, %mul3A_310 : vector<16xf32>
        %add3A_312 = arith.addf %scan3A_251, %unpack3A_308 : vector<16xf32>
        %mul3A_313 = arith.mulf %unpack3A_308, %unpack3A_308 : vector<16xf32>
        %add3A_314 = arith.addf %scan3A_267, %mul3A_313 : vector<16xf32>
        %gather3A_315 = tpu.vector_load_idx %arg8[%add3A_277, %broadcast_in_dim3A_12] : memref<416x8xi32, #tpu.memory_space<vmem>>[vector<16xi32>, vector<16xi32>], vector<16xi32>,
        %bitcast3A_316 = vector.bitcast %gather3A_315 : vector<16xi32> to vector<32xbf16>
        %unpack3A_317 = tpu.unpack_subelements %bitcast3A_316, 0 {pack_format = #tpu.pack_format<interleaved>} : vector<32xbf16> -> vector<16xf32>
        %unpack3A_318 = tpu.unpack_subelements %bitcast3A_316, 1 {pack_format = #tpu.pack_format<interleaved>} : vector<32xbf16> -> vector<16xf32>
        %add3A_319 = arith.addf %scan3A_252, %unpack3A_317 : vector<16xf32>
        %mul3A_320 = arith.mulf %unpack3A_317, %unpack3A_317 : vector<16xf32>
        %add3A_321 = arith.addf %scan3A_268, %mul3A_320 : vector<16xf32>
        %add3A_322 = arith.addf %scan3A_253, %unpack3A_318 : vector<16xf32>
        %mul3A_323 = arith.mulf %unpack3A_318, %unpack3A_318 : vector<16xf32>
        %add3A_324 = arith.addf %scan3A_269, %mul3A_323 : vector<16xf32>
        %gather3A_325 = tpu.vector_load_idx %arg8[%add3A_277, %broadcast_in_dim3A_14] : memref<416x8xi32, #tpu.memory_space<vmem>>[vector<16xi32>, vector<16xi32>], vector<16xi32>,
        %bitcast3A_326 = vector.bitcast %gather3A_325 : vector<16xi32> to vector<32xbf16>
        %unpack3A_327 = tpu.unpack_subelements %bitcast3A_326, 0 {pack_format = #tpu.pack_format<interleaved>} : vector<32xbf16> -> vector<16xf32>
        %unpack3A_328 = tpu.unpack_subelements %bitcast3A_326, 1 {pack_format = #tpu.pack_format<interleaved>} : vector<32xbf16> -> vector<16xf32>
        %add3A_329 = arith.addf %scan3A_254, %unpack3A_327 : vector<16xf32>
        %mul3A_330 = arith.mulf %unpack3A_327, %unpack3A_327 : vector<16xf32>
        %add3A_331 = arith.addf %scan3A_270, %mul3A_330 : vector<16xf32>
        %add3A_332 = arith.addf %scan3A_255, %unpack3A_328 : vector<16xf32>
        %mul3A_333 = arith.mulf %unpack3A_328, %unpack3A_328 : vector<16xf32>
        %add3A_334 = arith.addf %scan3A_271, %mul3A_333 : vector<16xf32>
        %gather3A_335 = tpu.vector_load_idx %arg8[%add3A_277, %broadcast_in_dim3A_16] : memref<416x8xi32, #tpu.memory_space<vmem>>[vector<16xi32>, vector<16xi32>], vector<16xi32>,
        %bitcast3A_336 = vector.bitcast %gather3A_335 : vector<16xi32> to vector<32xbf16>
        %unpack3A_337 = tpu.unpack_subelements %bitcast3A_336, 0 {pack_format = #tpu.pack_format<interleaved>} : vector<32xbf16> -> vector<16xf32>
        %unpack3A_338 = tpu.unpack_subelements %bitcast3A_336, 1 {pack_format = #tpu.pack_format<interleaved>} : vector<32xbf16> -> vector<16xf32>
        %add3A_339 = arith.addf %scan3A_256, %unpack3A_337 : vector<16xf32>
        %mul3A_340 = arith.mulf %unpack3A_337, %unpack3A_337 : vector<16xf32>
        %add3A_341 = arith.addf %scan3A_272, %mul3A_340 : vector<16xf32>
        %add3A_342 = arith.addf %scan3A_257, %unpack3A_338 : vector<16xf32>
        %mul3A_343 = arith.mulf %unpack3A_338, %unpack3A_338 : vector<16xf32>
        %add3A_344 = arith.addf %scan3A_273, %mul3A_343 : vector<16xf32>
        %gather3A_345 = tpu.vector_load_idx %arg8[%add3A_277, %broadcast_in_dim3A_18] : memref<416x8xi32, #tpu.memory_space<vmem>>[vector<16xi32>, vector<16xi32>], vector<16xi32>,
        %bitcast3A_346 = vector.bitcast %gather3A_345 : vector<16xi32> to vector<32xbf16>
        %unpack3A_347 = tpu.unpack_subelements %bitcast3A_346, 0 {pack_format = #tpu.pack_format<interleaved>} : vector<32xbf16> -> vector<16xf32>
        %unpack3A_348 = tpu.unpack_subelements %bitcast3A_346, 1 {pack_format = #tpu.pack_format<interleaved>} : vector<32xbf16> -> vector<16xf32>
        %add3A_349 = arith.addf %scan3A_258, %unpack3A_347 : vector<16xf32>
        %mul3A_350 = arith.mulf %unpack3A_347, %unpack3A_347 : vector<16xf32>
        %add3A_351 = arith.addf %scan3A_274, %mul3A_350 : vector<16xf32>
        %add3A_352 = arith.addf %scan3A_259, %unpack3A_348 : vector<16xf32>
        %mul3A_353 = arith.mulf %unpack3A_348, %unpack3A_348 : vector<16xf32>
        %add3A_354 = arith.addf %scan3A_275, %mul3A_353 : vector<16xf32>
        scf.yield %add3A_279, %add3A_282, %add3A_289, %add3A_292, %add3A_299, %add3A_302, %add3A_309, %add3A_312, %add3A_319, %add3A_322, %add3A_329, %add3A_332, %add3A_339, %add3A_342, %add3A_349, %add3A_352, %add3A_281, %add3A_284, %add3A_291, %add3A_294, %add3A_301, %add3A_304, %add3A_311, %add3A_314, %add3A_321, %add3A_324, %add3A_331, %add3A_334, %add3A_341, %add3A_344, %add3A_351, %add3A_354 : vector<16xf32>, vector<16xf32>, vector<16xf32>, vector<16xf32>, vector<16xf32>, vector<16xf32>, vector<16xf32>, vector<16xf32>, vector<16xf32>, vector<16xf32>, vector<16xf32>, vector<16xf32>, vector<16xf32>, vector<16xf32>, vector<16xf32>, vector<16xf32>, vector<16xf32>, vector<16xf32>, vector<16xf32>, vector<16xf32>, vector<16xf32>, vector<16xf32>, vector<16xf32>, vector<16xf32>, vector<16xf32>, vector<16xf32>, vector<16xf32>, vector<16xf32>, vector<16xf32>, vector<16xf32>, vector<16xf32>, vector<16xf32>
      }
      %scan3A_191 = arith.constant 26 : i32
      %mul3A_192 = arith.mulf %scan3A_190#0, %scan3A_190#0 : vector<16xf32>
      %sub3A_193 = arith.subf %mul3A_192, %scan3A_190#16 : vector<16xf32>
      %mul3A_194 = arith.mulf %scan3A_190#1, %scan3A_190#1 : vector<16xf32>
      %add3A_195 = arith.addf %sub3A_193, %mul3A_194 : vector<16xf32>
      %sub3A_196 = arith.subf %add3A_195, %scan3A_190#17 : vector<16xf32>
      %mul3A_197 = arith.mulf %scan3A_190#2, %scan3A_190#2 : vector<16xf32>
      %add3A_198 = arith.addf %sub3A_196, %mul3A_197 : vector<16xf32>
      %sub3A_199 = arith.subf %add3A_198, %scan3A_190#18 : vector<16xf32>
      %mul3A_200 = arith.mulf %scan3A_190#3, %scan3A_190#3 : vector<16xf32>
      %add3A_201 = arith.addf %sub3A_199, %mul3A_200 : vector<16xf32>
      %sub3A_202 = arith.subf %add3A_201, %scan3A_190#19 : vector<16xf32>
      %mul3A_203 = arith.mulf %scan3A_190#4, %scan3A_190#4 : vector<16xf32>
      %add3A_204 = arith.addf %sub3A_202, %mul3A_203 : vector<16xf32>
      %sub3A_205 = arith.subf %add3A_204, %scan3A_190#20 : vector<16xf32>
      %mul3A_206 = arith.mulf %scan3A_190#5, %scan3A_190#5 : vector<16xf32>
      %add3A_207 = arith.addf %sub3A_205, %mul3A_206 : vector<16xf32>
      %sub3A_208 = arith.subf %add3A_207, %scan3A_190#21 : vector<16xf32>
      %mul3A_209 = arith.mulf %scan3A_190#6, %scan3A_190#6 : vector<16xf32>
      %add3A_210 = arith.addf %sub3A_208, %mul3A_209 : vector<16xf32>
      %sub3A_211 = arith.subf %add3A_210, %scan3A_190#22 : vector<16xf32>
      %mul3A_212 = arith.mulf %scan3A_190#7, %scan3A_190#7 : vector<16xf32>
      %add3A_213 = arith.addf %sub3A_211, %mul3A_212 : vector<16xf32>
      %sub3A_214 = arith.subf %add3A_213, %scan3A_190#23 : vector<16xf32>
      %mul3A_215 = arith.mulf %scan3A_190#8, %scan3A_190#8 : vector<16xf32>
      %add3A_216 = arith.addf %sub3A_214, %mul3A_215 : vector<16xf32>
      %sub3A_217 = arith.subf %add3A_216, %scan3A_190#24 : vector<16xf32>
      %mul3A_218 = arith.mulf %scan3A_190#9, %scan3A_190#9 : vector<16xf32>
      %add3A_219 = arith.addf %sub3A_217, %mul3A_218 : vector<16xf32>
      %sub3A_220 = arith.subf %add3A_219, %scan3A_190#25 : vector<16xf32>
      %mul3A_221 = arith.mulf %scan3A_190#10, %scan3A_190#10 : vector<16xf32>
      %add3A_222 = arith.addf %sub3A_220, %mul3A_221 : vector<16xf32>
      %sub3A_223 = arith.subf %add3A_222, %scan3A_190#26 : vector<16xf32>
      %mul3A_224 = arith.mulf %scan3A_190#11, %scan3A_190#11 : vector<16xf32>
      %add3A_225 = arith.addf %sub3A_223, %mul3A_224 : vector<16xf32>
      %sub3A_226 = arith.subf %add3A_225, %scan3A_190#27 : vector<16xf32>
      %mul3A_227 = arith.mulf %scan3A_190#12, %scan3A_190#12 : vector<16xf32>
      %add3A_228 = arith.addf %sub3A_226, %mul3A_227 : vector<16xf32>
      %sub3A_229 = arith.subf %add3A_228, %scan3A_190#28 : vector<16xf32>
      %mul3A_230 = arith.mulf %scan3A_190#13, %scan3A_190#13 : vector<16xf32>
      %add3A_231 = arith.addf %sub3A_229, %mul3A_230 : vector<16xf32>
      %sub3A_232 = arith.subf %add3A_231, %scan3A_190#29 : vector<16xf32>
      %mul3A_233 = arith.mulf %scan3A_190#14, %scan3A_190#14 : vector<16xf32>
      %add3A_234 = arith.addf %sub3A_232, %mul3A_233 : vector<16xf32>
      %sub3A_235 = arith.subf %add3A_234, %scan3A_190#30 : vector<16xf32>
      %mul3A_236 = arith.mulf %scan3A_190#15, %scan3A_190#15 : vector<16xf32>
      %add3A_237 = arith.addf %sub3A_235, %mul3A_236 : vector<16xf32>
      %sub3A_238 = arith.subf %add3A_237, %scan3A_190#31 : vector<16xf32>
      %mul3A_239 = arith.constant 16 : i32
      %mul3A_240 = arith.muli %add3A_183, %mul3A_239 : i32
      %swap3A_241 = arith.index_cast %mul3A_240 : i32 to index
      %swap3A_242 = tpu.vector_load %arg9[%swap3A_241] {strides = array<i32>} : memref<512xf32, #tpu.memory_space<vmem>>, vector<16xf32>,
      tpu.vector_store %arg9[%swap3A_241], %sub3A_238 {strides = array<i32>} : memref<512xf32, #tpu.memory_space<vmem>>, vector<16xf32>,
    }
    %scan3A_62 = arith.constant 16 : i32
    %mul3A_63 = arith.constant 512 : i32
    %mul3A_64 = arith.muli %add3A, %mul3A_63 : i32
    "tpu.region"() ({
      %run_scoped3A = tpu.sem_alloc : memref<!tpu.dma_semaphore, #tpu.memory_space<semaphore_mem>>
      %dma_start3A_65 = tpu.memref_slice %arg4[%mul3A_64] : memref<16384xf32, #tpu.memory_space<hbm>> -> memref<512xf32, #tpu.memory_space<hbm>>
      %dma_start3A_66 = tpu.memref_slice %arg4[%mul3A_64] : memref<16384xf32, #tpu.memory_space<hbm>> -> memref<512xf32, #tpu.memory_space<hbm>>
      tpu.enqueue_dma source(%arg9 : memref<512xf32, #tpu.memory_space<vmem>>) target(%dma_start3A_66 : memref<512xf32, #tpu.memory_space<hbm>>) target_semaphore(%run_scoped3A : memref<!tpu.dma_semaphore, #tpu.memory_space<semaphore_mem>>)
      %dma_wait3A = tpu.memref_slice %arg4[%mul3A_64] : memref<16384xf32, #tpu.memory_space<hbm>> -> memref<512xf32, #tpu.memory_space<hbm>>
      %dma_wait3A_67 = tpu.memref_slice %arg4[%mul3A_64] : memref<16384xf32, #tpu.memory_space<hbm>> -> memref<512xf32, #tpu.memory_space<hbm>>
      tpu.wait_dma2 semaphore(%run_scoped3A : memref<!tpu.dma_semaphore, #tpu.memory_space<semaphore_mem>>) src(%arg9 : memref<512xf32, #tpu.memory_space<vmem>>) dst(%dma_wait3A_67 : memref<512xf32, #tpu.memory_space<hbm>>)
      tpu.yield
    }) : () -> ()
    return
  }
}

#map = affine_map<(d0, d1) -> (0, 0, 0)>
#map1 = affine_map<(d0, d1) -> (0)>
module attributes {stable_mosaic.version = 14 : i64} {
  func.func @_fin_body(%arg0: i32, %arg1: i32, %arg2: memref<32x104x128xi32, #tpu.memory_space<hbm>>, %arg3: memref<2600000xf32, #tpu.memory_space<hbm>>, %arg4: memref<16384xf32, #tpu.memory_space<hbm>>, %arg5: memref<16xf32, #tpu.memory_space<hbm>>, %arg6: memref<16384xf32, #tpu.memory_space<hbm>>, %arg7: memref<104x128xi32, #tpu.memory_space<vmem>>, %arg8: memref<13312xf32, #tpu.memory_space<vmem>>, %arg9: memref<512xf32, #tpu.memory_space<vmem>>, %arg10: memref<512xf32, #tpu.memory_space<vmem>>, %arg11: memref<16xf32, #tpu.memory_space<vmem>>, %arg12: memref<!tpu.dma_semaphore, #tpu.memory_space<semaphore_mem>>) attributes {dimension_semantics = [#tpu.dimension_semantics<core_parallel>, #tpu.dimension_semantics<subcore_parallel>], iteration_bounds = array<i64: 2, 16>, scalar_prefetch = 0 : i64, scratch_operands = 6 : i64, tpu.core_type = #tpu.core_type<sc_vector_subcore>, window_params = [{transform_indices = #map}, {transform_indices = #map1}, {transform_indices = #map1}, {transform_indices = #map1}, {transform_indices = #map1}]} {
    %mul3A = arith.constant 2 : i32
    %mul3A_0 = arith.muli %arg1, %mul3A : i32
    %add3A = arith.addi %mul3A_0, %arg0 : i32
    "tpu.region"() ({
      %run_scoped3A = tpu.sem_alloc : memref<!tpu.dma_semaphore, #tpu.memory_space<semaphore_mem>>
      %dma_start3A = arith.constant 0 : i32
      %dma_start3A_23 = arith.constant 0 : i32
      %dma_start3A_24 = tpu.memref_slice %arg2[%add3A, %dma_start3A, %dma_start3A_23] : memref<32x104x128xi32, #tpu.memory_space<hbm>> -> memref<1x104x128xi32, #tpu.memory_space<hbm>>
      %dma_start3A_25 = tpu.memref_squeeze %dma_start3A_24 : memref<1x104x128xi32, #tpu.memory_space<hbm>> -> memref<104x128xi32, #tpu.memory_space<hbm>>
      %dma_start3A_26 = arith.constant 0 : i32
      %dma_start3A_27 = arith.constant 0 : i32
      %dma_start3A_28 = tpu.memref_slice %arg2[%add3A, %dma_start3A_26, %dma_start3A_27] : memref<32x104x128xi32, #tpu.memory_space<hbm>> -> memref<1x104x128xi32, #tpu.memory_space<hbm>>
      %dma_start3A_29 = tpu.memref_squeeze %dma_start3A_28 : memref<1x104x128xi32, #tpu.memory_space<hbm>> -> memref<104x128xi32, #tpu.memory_space<hbm>>
      tpu.enqueue_dma source(%dma_start3A_29 : memref<104x128xi32, #tpu.memory_space<hbm>>) target(%arg7 : memref<104x128xi32, #tpu.memory_space<vmem>>) target_semaphore(%run_scoped3A : memref<!tpu.dma_semaphore, #tpu.memory_space<semaphore_mem>>)
      %dma_wait3A_30 = arith.constant 0 : i32
      %dma_wait3A_31 = arith.constant 0 : i32
      %dma_wait3A_32 = tpu.memref_slice %arg2[%add3A, %dma_wait3A_30, %dma_wait3A_31] : memref<32x104x128xi32, #tpu.memory_space<hbm>> -> memref<1x104x128xi32, #tpu.memory_space<hbm>>
      %dma_wait3A_33 = tpu.memref_squeeze %dma_wait3A_32 : memref<1x104x128xi32, #tpu.memory_space<hbm>> -> memref<104x128xi32, #tpu.memory_space<hbm>>
      %dma_wait3A_34 = arith.constant 0 : i32
      %dma_wait3A_35 = arith.constant 0 : i32
      %dma_wait3A_36 = tpu.memref_slice %arg2[%add3A, %dma_wait3A_34, %dma_wait3A_35] : memref<32x104x128xi32, #tpu.memory_space<hbm>> -> memref<1x104x128xi32, #tpu.memory_space<hbm>>
      %dma_wait3A_37 = tpu.memref_squeeze %dma_wait3A_36 : memref<1x104x128xi32, #tpu.memory_space<hbm>> -> memref<104x128xi32, #tpu.memory_space<hbm>>
      tpu.wait_dma2 semaphore(%run_scoped3A : memref<!tpu.dma_semaphore, #tpu.memory_space<semaphore_mem>>) src(%dma_wait3A_37 : memref<104x128xi32, #tpu.memory_space<hbm>>) dst(%arg7 : memref<104x128xi32, #tpu.memory_space<vmem>>)
      tpu.yield
    }) : () -> ()
    %mul3A_1 = arith.constant 512 : i32
    %mul3A_2 = arith.muli %add3A, %mul3A_1 : i32
    "tpu.region"() ({
      %run_scoped3A = tpu.sem_alloc : memref<!tpu.dma_semaphore, #tpu.memory_space<semaphore_mem>>
      %dma_start3A = tpu.memref_slice %arg4[%mul3A_2] : memref<16384xf32, #tpu.memory_space<hbm>> -> memref<512xf32, #tpu.memory_space<hbm>>
      %dma_start3A_23 = tpu.memref_slice %arg4[%mul3A_2] : memref<16384xf32, #tpu.memory_space<hbm>> -> memref<512xf32, #tpu.memory_space<hbm>>
      tpu.enqueue_dma source(%dma_start3A_23 : memref<512xf32, #tpu.memory_space<hbm>>) target(%arg9 : memref<512xf32, #tpu.memory_space<vmem>>) target_semaphore(%run_scoped3A : memref<!tpu.dma_semaphore, #tpu.memory_space<semaphore_mem>>)
      %dma_wait3A_24 = tpu.memref_slice %arg4[%mul3A_2] : memref<16384xf32, #tpu.memory_space<hbm>> -> memref<512xf32, #tpu.memory_space<hbm>>
      %dma_wait3A_25 = tpu.memref_slice %arg4[%mul3A_2] : memref<16384xf32, #tpu.memory_space<hbm>> -> memref<512xf32, #tpu.memory_space<hbm>>
      tpu.wait_dma2 semaphore(%run_scoped3A : memref<!tpu.dma_semaphore, #tpu.memory_space<semaphore_mem>>) src(%dma_wait3A_25 : memref<512xf32, #tpu.memory_space<hbm>>) dst(%arg9 : memref<512xf32, #tpu.memory_space<vmem>>)
      tpu.yield
    }) : () -> ()
    "tpu.region"() ({
      %run_scoped3A = tpu.sem_alloc : memref<!tpu.dma_semaphore, #tpu.memory_space<semaphore_mem>>
      tpu.enqueue_dma source(%arg5 : memref<16xf32, #tpu.memory_space<hbm>>) target(%arg11 : memref<16xf32, #tpu.memory_space<vmem>>) target_semaphore(%run_scoped3A : memref<!tpu.dma_semaphore, #tpu.memory_space<semaphore_mem>>)
      tpu.wait_dma2 semaphore(%run_scoped3A : memref<!tpu.dma_semaphore, #tpu.memory_space<semaphore_mem>>) src(%arg5 : memref<16xf32, #tpu.memory_space<hbm>>) dst(%arg11 : memref<16xf32, #tpu.memory_space<vmem>>)
      tpu.yield
    }) : () -> ()
    %get3A = arith.constant 0 : index
    %get3A_3 = tpu.vector_load %arg11[%get3A] {strides = array<i32>} : memref<16xf32, #tpu.memory_space<vmem>>, vector<16xf32>,
    %scan3A = arith.constant 0 : i32
    %scan3A_4 = arith.constant 0 : i32
    %scan3A_5 = arith.constant 8 : i32
    %scan3A_6 = arith.addi %scan3A_4, %scan3A_5 : i32
    %scan3A_7 = arith.constant 1 : i32
    scf.for %scan3A_23 = %scan3A_4 to %scan3A_6 step %scan3A_7  : i32 {
      %mul3A_24 = arith.constant 13 : i32
      %mul3A_25 = arith.muli %scan3A_23, %mul3A_24 : i32
      %add3A_26 = arith.constant 0 : i32
      %add3A_27 = arith.addi %mul3A_25, %add3A_26 : i32
      %mul3A_28 = arith.constant 128 : i32
      %mul3A_29 = arith.muli %add3A_27, %mul3A_28 : i32
      %dma_start3A = tpu.memref_slice %arg8[%mul3A_29] : memref<13312xf32, #tpu.memory_space<vmem>> -> memref<128xf32, #tpu.memory_space<vmem>>
      %dma_start3A_30 = arith.constant 0 : i32
      %dma_start3A_31 = tpu.memref_slice %arg7[%add3A_27, %dma_start3A_30] : memref<104x128xi32, #tpu.memory_space<vmem>> -> memref<1x128xi32, #tpu.memory_space<vmem>>
      %dma_start3A_32 = tpu.memref_squeeze %dma_start3A_31 : memref<1x128xi32, #tpu.memory_space<vmem>> -> memref<128xi32, #tpu.memory_space<vmem>>
      %dma_start3A_33 = arith.constant 0 : i32
      %dma_start3A_34 = tpu.memref_slice %arg3[%dma_start3A_33] : memref<2600000xf32, #tpu.memory_space<hbm>> -> memref<2600000xf32, #tpu.memory_space<hbm>>
      tpu.enqueue_indirect_dma source(%dma_start3A_34 : memref<2600000xf32, #tpu.memory_space<hbm>>) target(%dma_start3A : memref<128xf32, #tpu.memory_space<vmem>>) offsets(%dma_start3A_32 : memref<128xi32, #tpu.memory_space<vmem>>) semaphore(%arg12 : memref<!tpu.dma_semaphore, #tpu.memory_space<semaphore_mem>>)
      %mul3A_35 = arith.constant 13 : i32
      %mul3A_36 = arith.muli %scan3A_23, %mul3A_35 : i32
      %add3A_37 = arith.constant 1 : i32
      %add3A_38 = arith.addi %mul3A_36, %add3A_37 : i32
      %mul3A_39 = arith.constant 128 : i32
      %mul3A_40 = arith.muli %add3A_38, %mul3A_39 : i32
      %dma_start3A_41 = tpu.memref_slice %arg8[%mul3A_40] : memref<13312xf32, #tpu.memory_space<vmem>> -> memref<128xf32, #tpu.memory_space<vmem>>
      %dma_start3A_42 = arith.constant 0 : i32
      %dma_start3A_43 = tpu.memref_slice %arg7[%add3A_38, %dma_start3A_42] : memref<104x128xi32, #tpu.memory_space<vmem>> -> memref<1x128xi32, #tpu.memory_space<vmem>>
      %dma_start3A_44 = tpu.memref_squeeze %dma_start3A_43 : memref<1x128xi32, #tpu.memory_space<vmem>> -> memref<128xi32, #tpu.memory_space<vmem>>
      %dma_start3A_45 = arith.constant 0 : i32
      %dma_start3A_46 = tpu.memref_slice %arg3[%dma_start3A_45] : memref<2600000xf32, #tpu.memory_space<hbm>> -> memref<2600000xf32, #tpu.memory_space<hbm>>
      tpu.enqueue_indirect_dma source(%dma_start3A_46 : memref<2600000xf32, #tpu.memory_space<hbm>>) target(%dma_start3A_41 : memref<128xf32, #tpu.memory_space<vmem>>) offsets(%dma_start3A_44 : memref<128xi32, #tpu.memory_space<vmem>>) semaphore(%arg12 : memref<!tpu.dma_semaphore, #tpu.memory_space<semaphore_mem>>)
      %mul3A_47 = arith.constant 13 : i32
      %mul3A_48 = arith.muli %scan3A_23, %mul3A_47 : i32
      %add3A_49 = arith.constant 2 : i32
      %add3A_50 = arith.addi %mul3A_48, %add3A_49 : i32
      %mul3A_51 = arith.constant 128 : i32
      %mul3A_52 = arith.muli %add3A_50, %mul3A_51 : i32
      %dma_start3A_53 = tpu.memref_slice %arg8[%mul3A_52] : memref<13312xf32, #tpu.memory_space<vmem>> -> memref<128xf32, #tpu.memory_space<vmem>>
      %dma_start3A_54 = arith.constant 0 : i32
      %dma_start3A_55 = tpu.memref_slice %arg7[%add3A_50, %dma_start3A_54] : memref<104x128xi32, #tpu.memory_space<vmem>> -> memref<1x128xi32, #tpu.memory_space<vmem>>
      %dma_start3A_56 = tpu.memref_squeeze %dma_start3A_55 : memref<1x128xi32, #tpu.memory_space<vmem>> -> memref<128xi32, #tpu.memory_space<vmem>>
      %dma_start3A_57 = arith.constant 0 : i32
      %dma_start3A_58 = tpu.memref_slice %arg3[%dma_start3A_57] : memref<2600000xf32, #tpu.memory_space<hbm>> -> memref<2600000xf32, #tpu.memory_space<hbm>>
      tpu.enqueue_indirect_dma source(%dma_start3A_58 : memref<2600000xf32, #tpu.memory_space<hbm>>) target(%dma_start3A_53 : memref<128xf32, #tpu.memory_space<vmem>>) offsets(%dma_start3A_56 : memref<128xi32, #tpu.memory_space<vmem>>) semaphore(%arg12 : memref<!tpu.dma_semaphore, #tpu.memory_space<semaphore_mem>>)
      %mul3A_59 = arith.constant 13 : i32
      %mul3A_60 = arith.muli %scan3A_23, %mul3A_59 : i32
      %add3A_61 = arith.constant 3 : i32
      %add3A_62 = arith.addi %mul3A_60, %add3A_61 : i32
      %mul3A_63 = arith.constant 128 : i32
      %mul3A_64 = arith.muli %add3A_62, %mul3A_63 : i32
      %dma_start3A_65 = tpu.memref_slice %arg8[%mul3A_64] : memref<13312xf32, #tpu.memory_space<vmem>> -> memref<128xf32, #tpu.memory_space<vmem>>
      %dma_start3A_66 = arith.constant 0 : i32
      %dma_start3A_67 = tpu.memref_slice %arg7[%add3A_62, %dma_start3A_66] : memref<104x128xi32, #tpu.memory_space<vmem>> -> memref<1x128xi32, #tpu.memory_space<vmem>>
      %dma_start3A_68 = tpu.memref_squeeze %dma_start3A_67 : memref<1x128xi32, #tpu.memory_space<vmem>> -> memref<128xi32, #tpu.memory_space<vmem>>
      %dma_start3A_69 = arith.constant 0 : i32
      %dma_start3A_70 = tpu.memref_slice %arg3[%dma_start3A_69] : memref<2600000xf32, #tpu.memory_space<hbm>> -> memref<2600000xf32, #tpu.memory_space<hbm>>
      tpu.enqueue_indirect_dma source(%dma_start3A_70 : memref<2600000xf32, #tpu.memory_space<hbm>>) target(%dma_start3A_65 : memref<128xf32, #tpu.memory_space<vmem>>) offsets(%dma_start3A_68 : memref<128xi32, #tpu.memory_space<vmem>>) semaphore(%arg12 : memref<!tpu.dma_semaphore, #tpu.memory_space<semaphore_mem>>)
      %mul3A_71 = arith.constant 13 : i32
      %mul3A_72 = arith.muli %scan3A_23, %mul3A_71 : i32
      %add3A_73 = arith.constant 4 : i32
      %add3A_74 = arith.addi %mul3A_72, %add3A_73 : i32
      %mul3A_75 = arith.constant 128 : i32
      %mul3A_76 = arith.muli %add3A_74, %mul3A_75 : i32
      %dma_start3A_77 = tpu.memref_slice %arg8[%mul3A_76] : memref<13312xf32, #tpu.memory_space<vmem>> -> memref<128xf32, #tpu.memory_space<vmem>>
      %dma_start3A_78 = arith.constant 0 : i32
      %dma_start3A_79 = tpu.memref_slice %arg7[%add3A_74, %dma_start3A_78] : memref<104x128xi32, #tpu.memory_space<vmem>> -> memref<1x128xi32, #tpu.memory_space<vmem>>
      %dma_start3A_80 = tpu.memref_squeeze %dma_start3A_79 : memref<1x128xi32, #tpu.memory_space<vmem>> -> memref<128xi32, #tpu.memory_space<vmem>>
      %dma_start3A_81 = arith.constant 0 : i32
      %dma_start3A_82 = tpu.memref_slice %arg3[%dma_start3A_81] : memref<2600000xf32, #tpu.memory_space<hbm>> -> memref<2600000xf32, #tpu.memory_space<hbm>>
      tpu.enqueue_indirect_dma source(%dma_start3A_82 : memref<2600000xf32, #tpu.memory_space<hbm>>) target(%dma_start3A_77 : memref<128xf32, #tpu.memory_space<vmem>>) offsets(%dma_start3A_80 : memref<128xi32, #tpu.memory_space<vmem>>) semaphore(%arg12 : memref<!tpu.dma_semaphore, #tpu.memory_space<semaphore_mem>>)
      %mul3A_83 = arith.constant 13 : i32
      %mul3A_84 = arith.muli %scan3A_23, %mul3A_83 : i32
      %add3A_85 = arith.constant 5 : i32
      %add3A_86 = arith.addi %mul3A_84, %add3A_85 : i32
      %mul3A_87 = arith.constant 128 : i32
      %mul3A_88 = arith.muli %add3A_86, %mul3A_87 : i32
      %dma_start3A_89 = tpu.memref_slice %arg8[%mul3A_88] : memref<13312xf32, #tpu.memory_space<vmem>> -> memref<128xf32, #tpu.memory_space<vmem>>
      %dma_start3A_90 = arith.constant 0 : i32
      %dma_start3A_91 = tpu.memref_slice %arg7[%add3A_86, %dma_start3A_90] : memref<104x128xi32, #tpu.memory_space<vmem>> -> memref<1x128xi32, #tpu.memory_space<vmem>>
      %dma_start3A_92 = tpu.memref_squeeze %dma_start3A_91 : memref<1x128xi32, #tpu.memory_space<vmem>> -> memref<128xi32, #tpu.memory_space<vmem>>
      %dma_start3A_93 = arith.constant 0 : i32
      %dma_start3A_94 = tpu.memref_slice %arg3[%dma_start3A_93] : memref<2600000xf32, #tpu.memory_space<hbm>> -> memref<2600000xf32, #tpu.memory_space<hbm>>
      tpu.enqueue_indirect_dma source(%dma_start3A_94 : memref<2600000xf32, #tpu.memory_space<hbm>>) target(%dma_start3A_89 : memref<128xf32, #tpu.memory_space<vmem>>) offsets(%dma_start3A_92 : memref<128xi32, #tpu.memory_space<vmem>>) semaphore(%arg12 : memref<!tpu.dma_semaphore, #tpu.memory_space<semaphore_mem>>)
      %mul3A_95 = arith.constant 13 : i32
      %mul3A_96 = arith.muli %scan3A_23, %mul3A_95 : i32
      %add3A_97 = arith.constant 6 : i32
      %add3A_98 = arith.addi %mul3A_96, %add3A_97 : i32
      %mul3A_99 = arith.constant 128 : i32
      %mul3A_100 = arith.muli %add3A_98, %mul3A_99 : i32
      %dma_start3A_101 = tpu.memref_slice %arg8[%mul3A_100] : memref<13312xf32, #tpu.memory_space<vmem>> -> memref<128xf32, #tpu.memory_space<vmem>>
      %dma_start3A_102 = arith.constant 0 : i32
      %dma_start3A_103 = tpu.memref_slice %arg7[%add3A_98, %dma_start3A_102] : memref<104x128xi32, #tpu.memory_space<vmem>> -> memref<1x128xi32, #tpu.memory_space<vmem>>
      %dma_start3A_104 = tpu.memref_squeeze %dma_start3A_103 : memref<1x128xi32, #tpu.memory_space<vmem>> -> memref<128xi32, #tpu.memory_space<vmem>>
      %dma_start3A_105 = arith.constant 0 : i32
      %dma_start3A_106 = tpu.memref_slice %arg3[%dma_start3A_105] : memref<2600000xf32, #tpu.memory_space<hbm>> -> memref<2600000xf32, #tpu.memory_space<hbm>>
      tpu.enqueue_indirect_dma source(%dma_start3A_106 : memref<2600000xf32, #tpu.memory_space<hbm>>) target(%dma_start3A_101 : memref<128xf32, #tpu.memory_space<vmem>>) offsets(%dma_start3A_104 : memref<128xi32, #tpu.memory_space<vmem>>) semaphore(%arg12 : memref<!tpu.dma_semaphore, #tpu.memory_space<semaphore_mem>>)
      %mul3A_107 = arith.constant 13 : i32
      %mul3A_108 = arith.muli %scan3A_23, %mul3A_107 : i32
      %add3A_109 = arith.constant 7 : i32
      %add3A_110 = arith.addi %mul3A_108, %add3A_109 : i32
      %mul3A_111 = arith.constant 128 : i32
      %mul3A_112 = arith.muli %add3A_110, %mul3A_111 : i32
      %dma_start3A_113 = tpu.memref_slice %arg8[%mul3A_112] : memref<13312xf32, #tpu.memory_space<vmem>> -> memref<128xf32, #tpu.memory_space<vmem>>
      %dma_start3A_114 = arith.constant 0 : i32
      %dma_start3A_115 = tpu.memref_slice %arg7[%add3A_110, %dma_start3A_114] : memref<104x128xi32, #tpu.memory_space<vmem>> -> memref<1x128xi32, #tpu.memory_space<vmem>>
      %dma_start3A_116 = tpu.memref_squeeze %dma_start3A_115 : memref<1x128xi32, #tpu.memory_space<vmem>> -> memref<128xi32, #tpu.memory_space<vmem>>
      %dma_start3A_117 = arith.constant 0 : i32
      %dma_start3A_118 = tpu.memref_slice %arg3[%dma_start3A_117] : memref<2600000xf32, #tpu.memory_space<hbm>> -> memref<2600000xf32, #tpu.memory_space<hbm>>
      tpu.enqueue_indirect_dma source(%dma_start3A_118 : memref<2600000xf32, #tpu.memory_space<hbm>>) target(%dma_start3A_113 : memref<128xf32, #tpu.memory_space<vmem>>) offsets(%dma_start3A_116 : memref<128xi32, #tpu.memory_space<vmem>>) semaphore(%arg12 : memref<!tpu.dma_semaphore, #tpu.memory_space<semaphore_mem>>)
      %mul3A_119 = arith.constant 13 : i32
      %mul3A_120 = arith.muli %scan3A_23, %mul3A_119 : i32
      %add3A_121 = arith.constant 8 : i32
      %add3A_122 = arith.addi %mul3A_120, %add3A_121 : i32
      %mul3A_123 = arith.constant 128 : i32
      %mul3A_124 = arith.muli %add3A_122, %mul3A_123 : i32
      %dma_start3A_125 = tpu.memref_slice %arg8[%mul3A_124] : memref<13312xf32, #tpu.memory_space<vmem>> -> memref<128xf32, #tpu.memory_space<vmem>>
      %dma_start3A_126 = arith.constant 0 : i32
      %dma_start3A_127 = tpu.memref_slice %arg7[%add3A_122, %dma_start3A_126] : memref<104x128xi32, #tpu.memory_space<vmem>> -> memref<1x128xi32, #tpu.memory_space<vmem>>
      %dma_start3A_128 = tpu.memref_squeeze %dma_start3A_127 : memref<1x128xi32, #tpu.memory_space<vmem>> -> memref<128xi32, #tpu.memory_space<vmem>>
      %dma_start3A_129 = arith.constant 0 : i32
      %dma_start3A_130 = tpu.memref_slice %arg3[%dma_start3A_129] : memref<2600000xf32, #tpu.memory_space<hbm>> -> memref<2600000xf32, #tpu.memory_space<hbm>>
      tpu.enqueue_indirect_dma source(%dma_start3A_130 : memref<2600000xf32, #tpu.memory_space<hbm>>) target(%dma_start3A_125 : memref<128xf32, #tpu.memory_space<vmem>>) offsets(%dma_start3A_128 : memref<128xi32, #tpu.memory_space<vmem>>) semaphore(%arg12 : memref<!tpu.dma_semaphore, #tpu.memory_space<semaphore_mem>>)
      %mul3A_131 = arith.constant 13 : i32
      %mul3A_132 = arith.muli %scan3A_23, %mul3A_131 : i32
      %add3A_133 = arith.constant 9 : i32
      %add3A_134 = arith.addi %mul3A_132, %add3A_133 : i32
      %mul3A_135 = arith.constant 128 : i32
      %mul3A_136 = arith.muli %add3A_134, %mul3A_135 : i32
      %dma_start3A_137 = tpu.memref_slice %arg8[%mul3A_136] : memref<13312xf32, #tpu.memory_space<vmem>> -> memref<128xf32, #tpu.memory_space<vmem>>
      %dma_start3A_138 = arith.constant 0 : i32
      %dma_start3A_139 = tpu.memref_slice %arg7[%add3A_134, %dma_start3A_138] : memref<104x128xi32, #tpu.memory_space<vmem>> -> memref<1x128xi32, #tpu.memory_space<vmem>>
      %dma_start3A_140 = tpu.memref_squeeze %dma_start3A_139 : memref<1x128xi32, #tpu.memory_space<vmem>> -> memref<128xi32, #tpu.memory_space<vmem>>
      %dma_start3A_141 = arith.constant 0 : i32
      %dma_start3A_142 = tpu.memref_slice %arg3[%dma_start3A_141] : memref<2600000xf32, #tpu.memory_space<hbm>> -> memref<2600000xf32, #tpu.memory_space<hbm>>
      tpu.enqueue_indirect_dma source(%dma_start3A_142 : memref<2600000xf32, #tpu.memory_space<hbm>>) target(%dma_start3A_137 : memref<128xf32, #tpu.memory_space<vmem>>) offsets(%dma_start3A_140 : memref<128xi32, #tpu.memory_space<vmem>>) semaphore(%arg12 : memref<!tpu.dma_semaphore, #tpu.memory_space<semaphore_mem>>)
      %mul3A_143 = arith.constant 13 : i32
      %mul3A_144 = arith.muli %scan3A_23, %mul3A_143 : i32
      %add3A_145 = arith.constant 10 : i32
      %add3A_146 = arith.addi %mul3A_144, %add3A_145 : i32
      %mul3A_147 = arith.constant 128 : i32
      %mul3A_148 = arith.muli %add3A_146, %mul3A_147 : i32
      %dma_start3A_149 = tpu.memref_slice %arg8[%mul3A_148] : memref<13312xf32, #tpu.memory_space<vmem>> -> memref<128xf32, #tpu.memory_space<vmem>>
      %dma_start3A_150 = arith.constant 0 : i32
      %dma_start3A_151 = tpu.memref_slice %arg7[%add3A_146, %dma_start3A_150] : memref<104x128xi32, #tpu.memory_space<vmem>> -> memref<1x128xi32, #tpu.memory_space<vmem>>
      %dma_start3A_152 = tpu.memref_squeeze %dma_start3A_151 : memref<1x128xi32, #tpu.memory_space<vmem>> -> memref<128xi32, #tpu.memory_space<vmem>>
      %dma_start3A_153 = arith.constant 0 : i32
      %dma_start3A_154 = tpu.memref_slice %arg3[%dma_start3A_153] : memref<2600000xf32, #tpu.memory_space<hbm>> -> memref<2600000xf32, #tpu.memory_space<hbm>>
      tpu.enqueue_indirect_dma source(%dma_start3A_154 : memref<2600000xf32, #tpu.memory_space<hbm>>) target(%dma_start3A_149 : memref<128xf32, #tpu.memory_space<vmem>>) offsets(%dma_start3A_152 : memref<128xi32, #tpu.memory_space<vmem>>) semaphore(%arg12 : memref<!tpu.dma_semaphore, #tpu.memory_space<semaphore_mem>>)
      %mul3A_155 = arith.constant 13 : i32
      %mul3A_156 = arith.muli %scan3A_23, %mul3A_155 : i32
      %add3A_157 = arith.constant 11 : i32
      %add3A_158 = arith.addi %mul3A_156, %add3A_157 : i32
      %mul3A_159 = arith.constant 128 : i32
      %mul3A_160 = arith.muli %add3A_158, %mul3A_159 : i32
      %dma_start3A_161 = tpu.memref_slice %arg8[%mul3A_160] : memref<13312xf32, #tpu.memory_space<vmem>> -> memref<128xf32, #tpu.memory_space<vmem>>
      %dma_start3A_162 = arith.constant 0 : i32
      %dma_start3A_163 = tpu.memref_slice %arg7[%add3A_158, %dma_start3A_162] : memref<104x128xi32, #tpu.memory_space<vmem>> -> memref<1x128xi32, #tpu.memory_space<vmem>>
      %dma_start3A_164 = tpu.memref_squeeze %dma_start3A_163 : memref<1x128xi32, #tpu.memory_space<vmem>> -> memref<128xi32, #tpu.memory_space<vmem>>
      %dma_start3A_165 = arith.constant 0 : i32
      %dma_start3A_166 = tpu.memref_slice %arg3[%dma_start3A_165] : memref<2600000xf32, #tpu.memory_space<hbm>> -> memref<2600000xf32, #tpu.memory_space<hbm>>
      tpu.enqueue_indirect_dma source(%dma_start3A_166 : memref<2600000xf32, #tpu.memory_space<hbm>>) target(%dma_start3A_161 : memref<128xf32, #tpu.memory_space<vmem>>) offsets(%dma_start3A_164 : memref<128xi32, #tpu.memory_space<vmem>>) semaphore(%arg12 : memref<!tpu.dma_semaphore, #tpu.memory_space<semaphore_mem>>)
      %mul3A_167 = arith.constant 13 : i32
      %mul3A_168 = arith.muli %scan3A_23, %mul3A_167 : i32
      %add3A_169 = arith.constant 12 : i32
      %add3A_170 = arith.addi %mul3A_168, %add3A_169 : i32
      %mul3A_171 = arith.constant 128 : i32
      %mul3A_172 = arith.muli %add3A_170, %mul3A_171 : i32
      %dma_start3A_173 = tpu.memref_slice %arg8[%mul3A_172] : memref<13312xf32, #tpu.memory_space<vmem>> -> memref<128xf32, #tpu.memory_space<vmem>>
      %dma_start3A_174 = arith.constant 0 : i32
      %dma_start3A_175 = tpu.memref_slice %arg7[%add3A_170, %dma_start3A_174] : memref<104x128xi32, #tpu.memory_space<vmem>> -> memref<1x128xi32, #tpu.memory_space<vmem>>
      %dma_start3A_176 = tpu.memref_squeeze %dma_start3A_175 : memref<1x128xi32, #tpu.memory_space<vmem>> -> memref<128xi32, #tpu.memory_space<vmem>>
      %dma_start3A_177 = arith.constant 0 : i32
      %dma_start3A_178 = tpu.memref_slice %arg3[%dma_start3A_177] : memref<2600000xf32, #tpu.memory_space<hbm>> -> memref<2600000xf32, #tpu.memory_space<hbm>>
      tpu.enqueue_indirect_dma source(%dma_start3A_178 : memref<2600000xf32, #tpu.memory_space<hbm>>) target(%dma_start3A_173 : memref<128xf32, #tpu.memory_space<vmem>>) offsets(%dma_start3A_176 : memref<128xi32, #tpu.memory_space<vmem>>) semaphore(%arg12 : memref<!tpu.dma_semaphore, #tpu.memory_space<semaphore_mem>>)
    }
    %scan3A_8 = arith.constant 8 : i32
    %dma_wait3A = arith.constant 0 : i32
    %dma_wait3A_9 = tpu.memref_slice %arg3[%dma_wait3A] : memref<2600000xf32, #tpu.memory_space<hbm>> -> memref<13312xf32, #tpu.memory_space<hbm>>
    %dma_wait3A_10 = arith.constant 0 : i32
    %dma_wait3A_11 = tpu.memref_slice %arg3[%dma_wait3A_10] : memref<2600000xf32, #tpu.memory_space<hbm>> -> memref<13312xf32, #tpu.memory_space<hbm>>
    tpu.wait_dma2 semaphore(%arg12 : memref<!tpu.dma_semaphore, #tpu.memory_space<semaphore_mem>>) src(%dma_wait3A_11 : memref<13312xf32, #tpu.memory_space<hbm>>) dst(%arg8 : memref<13312xf32, #tpu.memory_space<vmem>>)
    %iota3A = tpu.iota {dimensions = array<i32: 0>} : vector<16xi32>
    %mul3A_12 = arith.constant 26 : i32
    %mul3A_13 = vector.broadcast %mul3A_12 : i32 to vector<16xi32>
    %mul3A_14 = arith.muli %iota3A, %mul3A_13 : vector<16xi32>
    %scan3A_15 = arith.constant 0 : i32
    %scan3A_16 = arith.constant 0 : i32
    %scan3A_17 = arith.constant 32 : i32
    %scan3A_18 = arith.addi %scan3A_16, %scan3A_17 : i32
    %scan3A_19 = arith.constant 1 : i32
    scf.for %scan3A_23 = %scan3A_16 to %scan3A_18 step %scan3A_19  : i32 {
      %mul3A_24 = arith.constant 416 : i32
      %mul3A_25 = arith.muli %scan3A_23, %mul3A_24 : i32
      %add3A_26 = vector.broadcast %mul3A_25 : i32 to vector<16xi32>
      %add3A_27 = arith.addi %add3A_26, %mul3A_14 : vector<16xi32>
      %gather3A = tpu.vector_load_idx %arg8[%add3A_27] : memref<13312xf32, #tpu.memory_space<vmem>>[vector<16xi32>], vector<16xf32>,
      %add3A_28 = arith.constant 1 : i32
      %add3A_29 = vector.broadcast %add3A_28 : i32 to vector<16xi32>
      %add3A_30 = arith.addi %add3A_27, %add3A_29 : vector<16xi32>
      %gather3A_31 = tpu.vector_load_idx %arg8[%add3A_30] : memref<13312xf32, #tpu.memory_space<vmem>>[vector<16xi32>], vector<16xf32>,
      %add3A_32 = arith.addf %gather3A, %gather3A_31 : vector<16xf32>
      %add3A_33 = arith.constant 2 : i32
      %add3A_34 = vector.broadcast %add3A_33 : i32 to vector<16xi32>
      %add3A_35 = arith.addi %add3A_27, %add3A_34 : vector<16xi32>
      %gather3A_36 = tpu.vector_load_idx %arg8[%add3A_35] : memref<13312xf32, #tpu.memory_space<vmem>>[vector<16xi32>], vector<16xf32>,
      %add3A_37 = arith.addf %add3A_32, %gather3A_36 : vector<16xf32>
      %add3A_38 = arith.constant 3 : i32
      %add3A_39 = vector.broadcast %add3A_38 : i32 to vector<16xi32>
      %add3A_40 = arith.addi %add3A_27, %add3A_39 : vector<16xi32>
      %gather3A_41 = tpu.vector_load_idx %arg8[%add3A_40] : memref<13312xf32, #tpu.memory_space<vmem>>[vector<16xi32>], vector<16xf32>,
      %add3A_42 = arith.addf %add3A_37, %gather3A_41 : vector<16xf32>
      %add3A_43 = arith.constant 4 : i32
      %add3A_44 = vector.broadcast %add3A_43 : i32 to vector<16xi32>
      %add3A_45 = arith.addi %add3A_27, %add3A_44 : vector<16xi32>
      %gather3A_46 = tpu.vector_load_idx %arg8[%add3A_45] : memref<13312xf32, #tpu.memory_space<vmem>>[vector<16xi32>], vector<16xf32>,
      %add3A_47 = arith.addf %add3A_42, %gather3A_46 : vector<16xf32>
      %add3A_48 = arith.constant 5 : i32
      %add3A_49 = vector.broadcast %add3A_48 : i32 to vector<16xi32>
      %add3A_50 = arith.addi %add3A_27, %add3A_49 : vector<16xi32>
      %gather3A_51 = tpu.vector_load_idx %arg8[%add3A_50] : memref<13312xf32, #tpu.memory_space<vmem>>[vector<16xi32>], vector<16xf32>,
      %add3A_52 = arith.addf %add3A_47, %gather3A_51 : vector<16xf32>
      %add3A_53 = arith.constant 6 : i32
      %add3A_54 = vector.broadcast %add3A_53 : i32 to vector<16xi32>
      %add3A_55 = arith.addi %add3A_27, %add3A_54 : vector<16xi32>
      %gather3A_56 = tpu.vector_load_idx %arg8[%add3A_55] : memref<13312xf32, #tpu.memory_space<vmem>>[vector<16xi32>], vector<16xf32>,
      %add3A_57 = arith.addf %add3A_52, %gather3A_56 : vector<16xf32>
      %add3A_58 = arith.constant 7 : i32
      %add3A_59 = vector.broadcast %add3A_58 : i32 to vector<16xi32>
      %add3A_60 = arith.addi %add3A_27, %add3A_59 : vector<16xi32>
      %gather3A_61 = tpu.vector_load_idx %arg8[%add3A_60] : memref<13312xf32, #tpu.memory_space<vmem>>[vector<16xi32>], vector<16xf32>,
      %add3A_62 = arith.addf %add3A_57, %gather3A_61 : vector<16xf32>
      %add3A_63 = arith.constant 8 : i32
      %add3A_64 = vector.broadcast %add3A_63 : i32 to vector<16xi32>
      %add3A_65 = arith.addi %add3A_27, %add3A_64 : vector<16xi32>
      %gather3A_66 = tpu.vector_load_idx %arg8[%add3A_65] : memref<13312xf32, #tpu.memory_space<vmem>>[vector<16xi32>], vector<16xf32>,
      %add3A_67 = arith.addf %add3A_62, %gather3A_66 : vector<16xf32>
      %add3A_68 = arith.constant 9 : i32
      %add3A_69 = vector.broadcast %add3A_68 : i32 to vector<16xi32>
      %add3A_70 = arith.addi %add3A_27, %add3A_69 : vector<16xi32>
      %gather3A_71 = tpu.vector_load_idx %arg8[%add3A_70] : memref<13312xf32, #tpu.memory_space<vmem>>[vector<16xi32>], vector<16xf32>,
      %add3A_72 = arith.addf %add3A_67, %gather3A_71 : vector<16xf32>
      %add3A_73 = arith.constant 10 : i32
      %add3A_74 = vector.broadcast %add3A_73 : i32 to vector<16xi32>
      %add3A_75 = arith.addi %add3A_27, %add3A_74 : vector<16xi32>
      %gather3A_76 = tpu.vector_load_idx %arg8[%add3A_75] : memref<13312xf32, #tpu.memory_space<vmem>>[vector<16xi32>], vector<16xf32>,
      %add3A_77 = arith.addf %add3A_72, %gather3A_76 : vector<16xf32>
      %add3A_78 = arith.constant 11 : i32
      %add3A_79 = vector.broadcast %add3A_78 : i32 to vector<16xi32>
      %add3A_80 = arith.addi %add3A_27, %add3A_79 : vector<16xi32>
      %gather3A_81 = tpu.vector_load_idx %arg8[%add3A_80] : memref<13312xf32, #tpu.memory_space<vmem>>[vector<16xi32>], vector<16xf32>,
      %add3A_82 = arith.addf %add3A_77, %gather3A_81 : vector<16xf32>
      %add3A_83 = arith.constant 12 : i32
      %add3A_84 = vector.broadcast %add3A_83 : i32 to vector<16xi32>
      %add3A_85 = arith.addi %add3A_27, %add3A_84 : vector<16xi32>
      %gather3A_86 = tpu.vector_load_idx %arg8[%add3A_85] : memref<13312xf32, #tpu.memory_space<vmem>>[vector<16xi32>], vector<16xf32>,
      %add3A_87 = arith.addf %add3A_82, %gather3A_86 : vector<16xf32>
      %add3A_88 = arith.constant 13 : i32
      %add3A_89 = vector.broadcast %add3A_88 : i32 to vector<16xi32>
      %add3A_90 = arith.addi %add3A_27, %add3A_89 : vector<16xi32>
      %gather3A_91 = tpu.vector_load_idx %arg8[%add3A_90] : memref<13312xf32, #tpu.memory_space<vmem>>[vector<16xi32>], vector<16xf32>,
      %add3A_92 = arith.addf %add3A_87, %gather3A_91 : vector<16xf32>
      %add3A_93 = arith.constant 14 : i32
      %add3A_94 = vector.broadcast %add3A_93 : i32 to vector<16xi32>
      %add3A_95 = arith.addi %add3A_27, %add3A_94 : vector<16xi32>
      %gather3A_96 = tpu.vector_load_idx %arg8[%add3A_95] : memref<13312xf32, #tpu.memory_space<vmem>>[vector<16xi32>], vector<16xf32>,
      %add3A_97 = arith.addf %add3A_92, %gather3A_96 : vector<16xf32>
      %add3A_98 = arith.constant 15 : i32
      %add3A_99 = vector.broadcast %add3A_98 : i32 to vector<16xi32>
      %add3A_100 = arith.addi %add3A_27, %add3A_99 : vector<16xi32>
      %gather3A_101 = tpu.vector_load_idx %arg8[%add3A_100] : memref<13312xf32, #tpu.memory_space<vmem>>[vector<16xi32>], vector<16xf32>,
      %add3A_102 = arith.addf %add3A_97, %gather3A_101 : vector<16xf32>
      %add3A_103 = arith.constant 16 : i32
      %add3A_104 = vector.broadcast %add3A_103 : i32 to vector<16xi32>
      %add3A_105 = arith.addi %add3A_27, %add3A_104 : vector<16xi32>
      %gather3A_106 = tpu.vector_load_idx %arg8[%add3A_105] : memref<13312xf32, #tpu.memory_space<vmem>>[vector<16xi32>], vector<16xf32>,
      %add3A_107 = arith.addf %add3A_102, %gather3A_106 : vector<16xf32>
      %add3A_108 = arith.constant 17 : i32
      %add3A_109 = vector.broadcast %add3A_108 : i32 to vector<16xi32>
      %add3A_110 = arith.addi %add3A_27, %add3A_109 : vector<16xi32>
      %gather3A_111 = tpu.vector_load_idx %arg8[%add3A_110] : memref<13312xf32, #tpu.memory_space<vmem>>[vector<16xi32>], vector<16xf32>,
      %add3A_112 = arith.addf %add3A_107, %gather3A_111 : vector<16xf32>
      %add3A_113 = arith.constant 18 : i32
      %add3A_114 = vector.broadcast %add3A_113 : i32 to vector<16xi32>
      %add3A_115 = arith.addi %add3A_27, %add3A_114 : vector<16xi32>
      %gather3A_116 = tpu.vector_load_idx %arg8[%add3A_115] : memref<13312xf32, #tpu.memory_space<vmem>>[vector<16xi32>], vector<16xf32>,
      %add3A_117 = arith.addf %add3A_112, %gather3A_116 : vector<16xf32>
      %add3A_118 = arith.constant 19 : i32
      %add3A_119 = vector.broadcast %add3A_118 : i32 to vector<16xi32>
      %add3A_120 = arith.addi %add3A_27, %add3A_119 : vector<16xi32>
      %gather3A_121 = tpu.vector_load_idx %arg8[%add3A_120] : memref<13312xf32, #tpu.memory_space<vmem>>[vector<16xi32>], vector<16xf32>,
      %add3A_122 = arith.addf %add3A_117, %gather3A_121 : vector<16xf32>
      %add3A_123 = arith.constant 20 : i32
      %add3A_124 = vector.broadcast %add3A_123 : i32 to vector<16xi32>
      %add3A_125 = arith.addi %add3A_27, %add3A_124 : vector<16xi32>
      %gather3A_126 = tpu.vector_load_idx %arg8[%add3A_125] : memref<13312xf32, #tpu.memory_space<vmem>>[vector<16xi32>], vector<16xf32>,
      %add3A_127 = arith.addf %add3A_122, %gather3A_126 : vector<16xf32>
      %add3A_128 = arith.constant 21 : i32
      %add3A_129 = vector.broadcast %add3A_128 : i32 to vector<16xi32>
      %add3A_130 = arith.addi %add3A_27, %add3A_129 : vector<16xi32>
      %gather3A_131 = tpu.vector_load_idx %arg8[%add3A_130] : memref<13312xf32, #tpu.memory_space<vmem>>[vector<16xi32>], vector<16xf32>,
      %add3A_132 = arith.addf %add3A_127, %gather3A_131 : vector<16xf32>
      %add3A_133 = arith.constant 22 : i32
      %add3A_134 = vector.broadcast %add3A_133 : i32 to vector<16xi32>
      %add3A_135 = arith.addi %add3A_27, %add3A_134 : vector<16xi32>
      %gather3A_136 = tpu.vector_load_idx %arg8[%add3A_135] : memref<13312xf32, #tpu.memory_space<vmem>>[vector<16xi32>], vector<16xf32>,
      %add3A_137 = arith.addf %add3A_132, %gather3A_136 : vector<16xf32>
      %add3A_138 = arith.constant 23 : i32
      %add3A_139 = vector.broadcast %add3A_138 : i32 to vector<16xi32>
      %add3A_140 = arith.addi %add3A_27, %add3A_139 : vector<16xi32>
      %gather3A_141 = tpu.vector_load_idx %arg8[%add3A_140] : memref<13312xf32, #tpu.memory_space<vmem>>[vector<16xi32>], vector<16xf32>,
      %add3A_142 = arith.addf %add3A_137, %gather3A_141 : vector<16xf32>
      %add3A_143 = arith.constant 24 : i32
      %add3A_144 = vector.broadcast %add3A_143 : i32 to vector<16xi32>
      %add3A_145 = arith.addi %add3A_27, %add3A_144 : vector<16xi32>
      %gather3A_146 = tpu.vector_load_idx %arg8[%add3A_145] : memref<13312xf32, #tpu.memory_space<vmem>>[vector<16xi32>], vector<16xf32>,
      %add3A_147 = arith.addf %add3A_142, %gather3A_146 : vector<16xf32>
      %add3A_148 = arith.constant 25 : i32
      %add3A_149 = vector.broadcast %add3A_148 : i32 to vector<16xi32>
      %add3A_150 = arith.addi %add3A_27, %add3A_149 : vector<16xi32>
      %gather3A_151 = tpu.vector_load_idx %arg8[%add3A_150] : memref<13312xf32, #tpu.memory_space<vmem>>[vector<16xi32>], vector<16xf32>,
      %add3A_152 = arith.addf %add3A_147, %gather3A_151 : vector<16xf32>
      %mul3A_153 = arith.constant 16 : i32
      %mul3A_154 = arith.muli %scan3A_23, %mul3A_153 : i32
      %get3A_155 = arith.index_cast %mul3A_154 : i32 to index
      %get3A_156 = tpu.vector_load %arg9[%get3A_155] {strides = array<i32>} : memref<512xf32, #tpu.memory_space<vmem>>, vector<16xf32>,
      %mul3A_157 = arith.constant 5.000000e-01 : f32
      %mul3A_158 = vector.broadcast %mul3A_157 : f32 to vector<16xf32>
      %mul3A_159 = arith.mulf %mul3A_158, %get3A_156 : vector<16xf32>
      %add3A_160 = arith.addf %mul3A_159, %add3A_152 : vector<16xf32>
      %add3A_161 = arith.addf %add3A_160, %get3A_3 : vector<16xf32>
      %neg3A = arith.constant 0.000000e+00 : f32
      %neg3A_162 = vector.broadcast %neg3A : f32 to vector<16xf32>
      %neg3A_163 = arith.subf %neg3A_162, %add3A_161 : vector<16xf32>
      %exp3A = math.exp %neg3A_163 : vector<16xf32>
      %add3A_164 = arith.constant 1.000000e+00 : f32
      %add3A_165 = vector.broadcast %add3A_164 : f32 to vector<16xf32>
      %add3A_166 = arith.addf %add3A_165, %exp3A : vector<16xf32>
      %div3A = arith.constant 1.000000e+00 : f32
      %div3A_167 = vector.broadcast %div3A : f32 to vector<16xf32>
      %div3A_168 = arith.divf %div3A_167, %add3A_166 : vector<16xf32>
      %mul3A_169 = arith.constant 16 : i32
      %mul3A_170 = arith.muli %scan3A_23, %mul3A_169 : i32
      %swap3A = arith.index_cast %mul3A_170 : i32 to index
      %swap3A_171 = tpu.vector_load %arg10[%swap3A] {strides = array<i32>} : memref<512xf32, #tpu.memory_space<vmem>>, vector<16xf32>,
      tpu.vector_store %arg10[%swap3A], %div3A_168 {strides = array<i32>} : memref<512xf32, #tpu.memory_space<vmem>>, vector<16xf32>,
    }
    %scan3A_20 = arith.constant 32 : i32
    %mul3A_21 = arith.constant 512 : i32
    %mul3A_22 = arith.muli %add3A, %mul3A_21 : i32
    "tpu.region"() ({
      %run_scoped3A = tpu.sem_alloc : memref<!tpu.dma_semaphore, #tpu.memory_space<semaphore_mem>>
      %dma_start3A = tpu.memref_slice %arg6[%mul3A_22] : memref<16384xf32, #tpu.memory_space<hbm>> -> memref<512xf32, #tpu.memory_space<hbm>>
      %dma_start3A_23 = tpu.memref_slice %arg6[%mul3A_22] : memref<16384xf32, #tpu.memory_space<hbm>> -> memref<512xf32, #tpu.memory_space<hbm>>
      tpu.enqueue_dma source(%arg10 : memref<512xf32, #tpu.memory_space<vmem>>) target(%dma_start3A_23 : memref<512xf32, #tpu.memory_space<hbm>>) target_semaphore(%run_scoped3A : memref<!tpu.dma_semaphore, #tpu.memory_space<semaphore_mem>>)
      %dma_wait3A_24 = tpu.memref_slice %arg6[%mul3A_22] : memref<16384xf32, #tpu.memory_space<hbm>> -> memref<512xf32, #tpu.memory_space<hbm>>
      %dma_wait3A_25 = tpu.memref_slice %arg6[%mul3A_22] : memref<16384xf32, #tpu.memory_space<hbm>> -> memref<512xf32, #tpu.memory_space<hbm>>
      tpu.wait_dma2 semaphore(%run_scoped3A : memref<!tpu.dma_semaphore, #tpu.memory_space<semaphore_mem>>) src(%arg10 : memref<512xf32, #tpu.memory_space<vmem>>) dst(%dma_wait3A_25 : memref<512xf32, #tpu.memory_space<hbm>>)
      tpu.yield
    }) : () -> ()
    return
  }
}

</mosaic_0001>

<sc_bundles>
// kernel: kernel.11.cloned.1.call-start
scs
__scs_entry_jumppad:
0x0: {  	(pc) =	sbr.rel $0x88, $3  }
0x1: {  	(tag) =	ssettag $0x0;
	lr =	simm.s32 $0x1  }
0x2: {  	[smem:$0x3F9D] =	sst lr;
	_ =	strace $0xD0000000  }
0x3: {  	_ = 	snop  }
0x4: {  	_ = 	snop  }
0x5: {  	_ = 	snop  }
0x6: {  	_ = 	snop  }
0x7: {  	_ = 	snop  }
__scs_overlays_trampoline_lowered:
0x8: {  	[smem:$0x3FAC] =	sst s0  }
0x9: {  	[smem:$0x3FAD] =	sst s1  }
0xa: {  	[smem:$0x3FAE] =	sst s2  }
0xb: {  	[smem:$0x3FAF] =	sst s3  }
0xc: {  	[smem:$0x3FB0] =	sst s4  }
0xd: {  	[smem:$0x3FB1] =	sst s5  }
0xe: {  	[smem:$0x3FB2] =	sst s6  }
0xf: {  	[smem:$0x3FB3] =	sst s7  }
0x10: {  	[smem:$0x3FB4] =	sst s8  }
0x11: {  	[smem:$0x3FB5] =	sst s9;
	s0 =	simm.s32 @!p0 $0x0  }
0x12: {  	s1 =	sld [smem:$0x3F9B];
	s0 =	simm.s32 @p0 $0x1  }
0x13: {  	[smem:$0x3FB6] =	sst s0;
	s0 =	simm.s32 @!p1 $0x0  }
0x14: {  	s2 =	sld [smem:$0x3F9A];
	s0 =	simm.s32 @p1 $0x1  }
0x15: {  	[smem:$0x3FB7] =	sst s0;
	s0 =	simm.s32 @!p2 $0x0  }
0x16: {  	s3 =	sld [smem:$0x3FDB];
	s0 =	simm.s32 @p2 $0x1  }
0x17: {  	s4 =	simm.s32 $0x1BF5;
	[smem:$0x3FB9] =	sst s0  }
0x18: {  	s0 =	sld [smem:$0x3F9C];
	_ =	swait.ge [sflag:s4], $0x0  }
0x19: {  	s7 =	sld [smem:$0x3F9D]  }
0x1a: {  	s8 =	sadd.s32 $0xFFFFE003, lr  }
0x1b: {  	s9 =	sadd.s32 $0xFFFFFEF7, lr;
	s5 =	simm.s32 $0xFFFFFFFF;
	p2 =	slt.u32 s8, $0xFFFFF086  }
0x1c: {  	p1 =	slt.u32 s9, $0xF7A;
	s5 =	simm.s32 @!p2 $0x0  }
0x1d: {  	s5 =	simm.s32 @p1 $0x1;
	p0 =	seq.s32 s7, s2  }
0x1e: {  	s7 =	smul.u32 @!p0 $0xF7A, s2;
	p2 =	seq.s32 @!p0 s5, $0x0  }
0x1f: {  	s9 =	smul.u32 $0xF7A, s1;
	s8 =	simm.s32 @!p0 $0x1BF5;
	p2 =	por !p2, p0  }
0x20: {  	[sflag:s8] =	ssyncset.s32 @!p0 $0xFFFFF086;
	s6 =	sadd.s32 @!p0 s3, s7;
	s7 =	simm.s32 @!p0 $0x108  }
0x21: {  	s3 =	sadd.s32 s3, s9;
	s6 =	sadd.s32 @!p0 $0x88, s6;
	s7 =	simm.s32 @p2 $0x1082  }
0x22: {  	[simem:s7], [sflag:s8] =	dma.local @!p0 [hbm:s6], $0xF7A  }
0x23: {  	s9 =	sor.u32 $0xD0000000, s2;
	s6 =	simm.s32 $0x108;
	_ =	swait.ge @!p0 [sflag:s8], $0x0  }
0x24: {  	s3 =	sadd.s32 $0x88, s3;
	s6 =	simm.s32 @!p1 $0x1082;
	[sflag:s4] =	ssyncset.s32 $0xFFFFF086  }
0x25: {  	[simem:s6], [sflag:s4] =	dma.local [hbm:s3], $0xF7A  }
0x26: {  	[smem:$0x3F9D] =	sst s1;
	(tag) =	ssettag s2;
	_ =	strace s9  }
0x27: {  	s1 =	sld [smem:$0x3FAD]  }
0x28: {  	s2 =	sld [smem:$0x3FAE]  }
0x29: {  	s4 =	sld [smem:$0x3FB0]  }
0x2a: {  	p0 =	seq.s32 s5, $0x0;
	s5 =	sld [smem:$0x3FB1]  }
0x2b: {  	s6 =	sld [smem:$0x3FB2]  }
0x2c: {  	s7 =	sld [smem:$0x3FB3]  }
0x2d: {  	s3 =	simm.s32 $0x108;
	s8 =	sld [smem:$0x3FB4]  }
0x2e: {  	s3 =	simm.s32 @!p0 $0x1082;
	s9 =	sld [smem:$0x3FB5]  }
0x2f: {  	lr =	sadd.s32 s0, s3;
	s0 =	sld [smem:$0x3FAC]  }
0x30: {  	s3 =	sld [smem:$0x3FAF]  }
0x31: {  	[smem:$0x3FB8] =	sst s10  }
0x32: {  	s10 =	sld [smem:$0x3FB6];
	_ =	sdelay $0x3  }
0x33: {  	p0 =	seq.s32 s10, $0x1;
	s10 =	sld [smem:$0x3FB8];
	_ =	sdelay $0x3  }
0x34: {  	[smem:$0x3FB8] =	sst s10  }
0x35: {  	s10 =	sld [smem:$0x3FB7];
	_ =	sdelay $0x3  }
0x36: {  	p1 =	seq.s32 s10, $0x1;
	s10 =	sld [smem:$0x3FB8];
	_ =	sdelay $0x3  }
0x37: {  	[smem:$0x3FB8] =	sst s10  }
0x38: {  	s10 =	sld [smem:$0x3FB9]  }
0x39: {  	_ = 	snop;
	(pc) =	sbr.ind lr, $3  }
0x3a: {  	_ = 	snop  }
0x3b: {  	_ = 	snop  }
0x3c: {  	p2 =	seq.s32 s10, $0x1;
	s10 =	sld [smem:$0x3FB8]  }
0x3d: {  	_ =	shalt  }
0x3e: {  	_ =	shalt  }
0x3f: {  	_ =	shalt  }
0x40: {  	_ =	shalt  }
0x41: {  	_ =	shalt  }
0x42: {  	_ =	shalt  }
0x43: {  	_ =	shalt  }
0x44: {  	_ =	shalt  }
0x45: {  	_ =	shalt  }
0x46: {  	_ =	shalt  }
0x47: {  	_ =	shalt  }
0x48: {  	_ =	shalt  }
0x49: {  	_ =	shalt  }
0x4a: {  	_ =	shalt  }
0x4b: {  	_ =	shalt  }
0x4c: {  	_ =	shalt  }
0x4d: {  	_ =	shalt  }
0x4e: {  	_ =	shalt  }
0x4f: {  	_ =	shalt  }
0x50: {  	_ =	shalt  }
0x51: {  	_ =	shalt  }
0x52: {  	_ =	shalt  }
0x53: {  	_ =	shalt  }
0x54: {  	_ =	shalt  }
0x55: {  	_ =	shalt  }
0x56: {  	_ =	shalt  }
0x57: {  	_ =	shalt  }
0x58: {  	_ =	shalt  }
0x59: {  	_ =	shalt  }
0x5a: {  	_ =	shalt  }
0x5b: {  	_ =	shalt  }
0x5c: {  	_ =	shalt  }
0x5d: {  	_ =	shalt  }
0x5e: {  	_ =	shalt  }
0x5f: {  	_ =	shalt  }
0x60: {  	_ =	shalt  }
0x61: {  	_ =	shalt  }
0x62: {  	_ =	shalt  }
0x63: {  	_ =	shalt  }
0x64: {  	_ =	shalt  }
0x65: {  	_ =	shalt  }
0x66: {  	_ =	shalt  }
0x67: {  	_ =	shalt  }
0x68: {  	_ =	shalt  }
0x69: {  	_ =	shalt  }
0x6a: {  	_ =	shalt  }
0x6b: {  	_ =	shalt  }
0x6c: {  	_ =	shalt  }
0x6d: {  	_ =	shalt  }
0x6e: {  	_ =	shalt  }
0x6f: {  	_ =	shalt  }
0x70: {  	_ =	shalt  }
0x71: {  	_ =	shalt  }
0x72: {  	_ =	shalt  }
0x73: {  	_ =	shalt  }
0x74: {  	_ =	shalt  }
0x75: {  	_ =	shalt  }
0x76: {  	_ =	shalt  }
0x77: {  	_ =	shalt  }
0x78: {  	_ =	shalt  }
0x79: {  	_ =	shalt  }
0x7a: {  	_ =	shalt  }
0x7b: {  	_ =	shalt  }
0x7c: {  	_ =	shalt  }
0x7d: {  	_ =	shalt  }
0x7e: {  	_ =	shalt  }
0x7f: {  	_ =	shalt  }
0x80: {  	_ =	shalt  }
0x81: {  	_ =	shalt  }
0x82: {  	_ =	shalt  }
0x83: {  	_ =	shalt  }
0x84: {  	_ =	shalt  }
0x85: {  	_ =	shalt  }
0x86: {  	_ =	shalt  }
0x87: {  	_ =	shalt  }
.Lfunc_end0:
.L_simem_size_0:
called_computation.2_lowered:
.L_overlay_start_0:
0x88: {  	s2 =	sld [smem:$0x3FD9]  }
0x89: {  	s3 =	sld [smem:$0x3FFE];
	_ =	sdelay $0x1  }
0x8a: {  	s1 =	srdreg.scid  }
0x8b: {  	s0 =	sand.u32 $0x1, s1  }
0x8c: {  	s17 =	sshll.u32 s0, $0xA;
	s2 =	sadd.s32 s3, s2  }
0x8d: {  	s2 =	sadd.s32 s2, s17  }
0x8e: {  	[smem:$0x3FC4] =	sst s2  }
0x8f: {  	_ = 	snop  }
0x90: {  	s2 =	sld [smem:$0x3FD0];
	(tm) =	ssettm $0x1  }
0x91: {  	s18 =	sld [smem:$0x3FFB];
	_ =	sdelay $0x3  }
0x92: {  	_ =	strace s18  }
0x93: {  	s3 =	sld [smem:$0x3FFC];
	_ =	sdelay $0x3  }
0x94: {  	_ =	strace s3  }
0x95: {  	s3 =	sld [smem:$0x3FFD];
	_ =	sdelay $0x3  }
0x96: {  	_ =	strace s3  }
0x97: {  	_ =	strace $0x8FFFFFFF  }
0x98: {  	s19 =	sld [smem:$0x3FDB];
	_ =	sdelay $0x1  }
0x99: {  	s4 =	simm.s32 $_scs_section_size  }
0x9a: {  	s5 =	simm.s32 $_size__tile_overlayer_lowered;
	s6 =	simm.s32 $_tile_overlayer_lowered  }
0x9b: {  	s22 =	simm.s32 $0x1BFF;
	s21 =	sshll.u32 s6, $0x1;
	s3 =	sadd.s32 s4, s19  }
0x9c: {  	s7 =	simm.s32 $0x0;
	s20 =	sshll.u32 s5, $0x1;
	s5 =	sadd.s32 s21, s3  }
0x9d: {  	[timem:s7], [sflag:s22] =	dma.local [hbm:s5], s20  }
0x9e: {  	_ =	swait.ge [sflag:s22], s20  }
0x9f: {  	s4 =	ssub.s32 $0x0, s20;
	[sflag:s22] =	ssyncset.done $0x0  }
0xa0: {  	[sflag:s22] =	ssyncadd.s32 s4;
	_ =	sdelay $0x1  }
0xa1: {  	s23 =	simm.s32 $0x1B8B  }
0xa2: {  	_ =	swait.ge [sflag:s23], $0x1  }
0xa3: {  	[sflag:s23] =	ssyncset.done $0x0  }
0xa4: {  	s25 =	simm.s32 $0x1B8E;
	s24 =	sld [smem:$0x3FFE];
	[sflag:s23] =	ssyncadd.s32 $0xFFFFFFFF  }
0xa5: {  	s26 =	simm.s32 $execute0_lowered;
	[smem:$0x3FD2] =	sst s25  }
0xa6: {  	s5 =	sshll.u32 s26, $0x1;
	_ =	strace $0x8000004C;
	[dreg:$0x1] =	wrdreg $0xFFFFFFFF  }
0xa7: {  	s28 =	simm.s32 $_size_execute0_lowered;
	s3 =	sadd.s32 s3, s5;
	[dreg:$0x0] =	wrdreg $0x0  }
0xa8: {  	s5 =	sshll.u32 s28, $0x1;
	[dreg:$0x2] =	wrdreg s3  }
0xa9: {  	[dreg:$0x3] =	wrdreg s5  }
0xaa: {  	[dreg:$0x4] =	wrdreg $0xC0  }
0xab: {  	_ =	task [dreg:s7], $0x5FFFF  }
0xac: {  	[dreg:$0x1] =	wrdreg $0xFFFFFFFF  }
0xad: {  	[dreg:$0x0] =	wrdreg $0x60  }
0xae: {  	[dreg:$0x2] =	wrdreg s24  }
0xaf: {  	[dreg:$0x3] =	wrdreg s2  }
0xb0: {  	[dreg:$0x4] =	wrdreg $0x9  }
0xb1: {  	_ =	task.clear_ibuf [dreg:s7], $0x5FFFF;
	_ =	strace $0x9000004C  }
0xb2: {  	s29 =	simm.s32 $0x9;
	_ =	strace $0x8000004E  }
0xb3: {  	_ =	swait.ge [sflag:s29], $0x1  }
0xb4: {  	[sflag:s29] =	ssyncadd.s32 $0xFFFFFFFF  }
0xb5: {  	_ =	strace $0x9000004E  }
0xb6: {  	_ =	sfence  }
0xb7: {  	s30 =	sld [smem:$0x0];
	_ =	sdelay $0x2  }
0xb8: {  	s31 =	sshll.u32 s1, $0xD;
	s1 =	sshrl.u32 s1, $0x2  }
0xb9: {  	s3 =	sand.u32 $0x4000, s31;
	s1 =	sadd.s32 s1, s30  }
0xba: {  	s0 =	sor.u32 s3, s0;
	s1 =	sshll.u32 s1, $0x11  }
0xbb: {  	s0 =	sor.u32 s1, s0  }
0xbc: {  	s0 =	sadd.s32 $0x8F2B, s0  }
0xbd: {  	[sflag:s0] =	ssyncadd.remote.s32 $0x1  }
0xbe: {  	_ =	sfence.sel $0xFFFF  }
0xbf: {  	[dreg:$0x0] =	wrdreg $0xFFFFFFFF;
	(pc) =	sbr.abs _section_cstart, $3  }
0xc0: {  	[dreg:$0x1] =	wrdreg $0xFFFFFFFF  }
0xc1: {  	_ =	task.clear_ibuf [dreg:s7], $0x2FFFF;
	_ =	strace $0x9FFFFFFF  }
0xc2: {  	(tm) =	ssettm $0x7FFFFFFF  }
0xc3: {  	_ =	shalt  }
tec
execute0_lowered:
.L_overlay_start_1:
0x0: {  	(tag) =	ssettag $0x1  }
0x1: {  	s0 =	srdreg.scid;
	s1 =	rddreg [dreg:$0x0]  }
0x2: {  	s2 =	stileid.u32;
	s7 =	rddreg [dreg:$0x1];
	v7 =	vimm.s32 $0x1070503;
	v9 =	vimm.s32 $0x2000604;
	v11 =	vimm.s32 $0x3010705  }
0x3: {  	s11 =	simm.s32 $0x80;
	s12 =	simm.s32 $0x3400;
	v0 =	vlaneseq.u32;
	v13 =	vimm.s32 $0x4020006;
	v15 =	vimm.s32 $0x5030107;
	s15 =	simm.s32 $0x3080  }
0x4: {  	v5 =	vimm.s32 $0x60402;
	s16 =	simm.s32 $0x6480;
	s17 =	simm.s32 $0x3100;
	s18 =	simm.s32 $0x6500;
	v1 =	vand.u32 $0x3, v0;
	v0 =	vmul.u32 $0x1A, v0  }
0x5: {  	s19 =	simm.s32 $0x3180;
	s20 =	simm.s32 $0x6580;
	s21 =	simm.s32 $0x3200;
	v5 =	vunpack.c.0.s8.s32 v5;
	v7 =	vunpack.c.0.s8.s32 v7;
	v9 =	vunpack.c.0.s8.s32 v9  }
0x6: {  	s22 =	simm.s32 $0x6600;
	s23 =	simm.s32 $0x3280;
	s24 =	simm.s32 $0x6680;
	v11 =	vunpack.c.0.s8.s32 v11;
	v13 =	vunpack.c.0.s8.s32 v13;
	v15 =	vunpack.c.0.s8.s32 v15  }
0x7: {  	s25 =	simm.s32 $0x3300;
	s26 =	simm.s32 $0x6700;
	s28 =	simm.s32 $0x3380;
	v1 =	vmul.u32 $0x2, v1;
	v2 =	vor.u32 $0x1, v0;
	v4 =	vadd.s32 $0x2, v0  }
0x8: {  	s29 =	simm.s32 $0x6780;
	s0 =	sand.u32 $0x1, s0;
	s2 =	sshll.u32 s2, $0x1;
	v6 =	vadd.s32 $0x3, v0;
	v8 =	vadd.s32 $0x4, v0;
	v10 =	vadd.s32 $0x5, v0  }
0x9: {  	s30 =	simm.s32 $0x1;
	s31 =	simm.s32 $0x6A00;
	s4 =	sor.u32 s0, s2;
	v12 =	vadd.s32 $0x6, v0;
	v14 =	vadd.s32 $0x7, v0;
	v17 =	vadd.s32 $0x9, v0  }
0xa: {  	s2 =	simm.s32 $0x0;
	s0 =	ssub.s32 $0x2, s0;
	s3 =	smul.u32 $0x680, s4;
	v18 =	vadd.s32 $0xA, v0;
	v19 =	vadd.s32 $0xB, v0;
	v20 =	vadd.s32 $0xC, v0  }
0xb: {  	[smem:$0x7FF] =	sst s2;
	s8 =	sshll.u32 s4, $0x6;
	s6 =	sshrl.u32 s0, $0x1;
	v21 =	vadd.s32 $0xD, v0;
	v22 =	vadd.s32 $0xE, v0;
	v23 =	vadd.s32 $0xF, v0  }
0xc: {  	s4 =	sadd.s32 $0x1600, s1;
	v24 =	vadd.s32 $0x10, v0;
	v25 =	vadd.s32 $0x11, v0;
	v26 =	vadd.s32 $0x12, v0;
	_ =	strace $0x8000004D;
	s9 =	sadd.s32 s8, s1  }
0xd: {  	v27 =	vadd.s32 $0x13, v0;
	v28 =	vadd.s32 $0x14, v0;
	v29 =	vadd.s32 $0x15, v0;
	s0 =	ssub.s32 s0, s6;
	s7 =	sadd.s32 s7, s8;
	s5 =	sadd.s32 s3, s1  }
0xe: {  	v16 =	vadd.s32 $0x8, v0;
	v30 =	vadd.s32 $0x16, v0;
	v31 =	vadd.s32 $0x17, v0;
	s3 =	sadd.s32 $0x289C00, s1;
	s6 =	sadd.s32 $0x289400, s9;
	s8 =	smax.u32 s0, $0x1  }
0xf: {  	v32 =	vadd.s32 $0x18, v0;
	v33 =	vadd.s32 $0x19, v0;
	v3 =	vor.u32 $0x1, v1;
	s9 =	simm.s32 $0x2;
	s1 =	simm.s32 $0x0;
	s5 =	sadd.s32 $0x27C400, s5  }
.LBB2_1:
0x10: {  	[tilespmem:s2], [sflag:$0x2] =	stream.linear.gather [hbm4b:s5+s2], $0x3400, $0x38;
	[tilespmem:$0x6C10] =	vst v63  }
0x11: {  	_ =	swait.ge [sflag:s9], $0x3400  }
0x12: {  	[sflag:s9] =	ssyncset.done $0x0  }
0x13: {  	s0 =	simm.s32 $0x6800;
	[sflag:s9] =	ssyncadd.s32 $0xFFFFCC00  }
0x14: {  	[tilespmem:s0], [sflag:$0x2] =	stream.linear.gather [hbm4b:s6+s2], $0x200, $0x38;
	[tilespmem:$0x6C10] =	vst v63  }
0x15: {  	_ =	swait.ge [sflag:s9], $0x200  }
0x16: {  	[sflag:s9] =	ssyncset.done $0x0  }
0x17: {  	s10 =	simm.s32 $0x6C00;
	[sflag:s9] =	ssyncadd.s32 $0xFFFFFE00  }
0x18: {  	[tilespmem:s10], [sflag:$0x2] =	stream.linear.gather [hbm4b:s4+s2], $0x10, $0x38;
	[tilespmem:$0x6C10] =	vst v63  }
0x19: {  	_ =	swait.ge [sflag:s9], $0x10  }
0x1a: {  	[sflag:s9] =	ssyncset.done $0x0  }
0x1b: {  	[sflag:s9] =	ssyncadd.s32 $0xFFFFFFF0  }
0x1c: {  	v34 =	vld [tilespmem:$0x6C00];
	[tilespmem:s12], [sflag:$0x1] =	stream.indirect.gather [hbm4b:s3+s11], $0x1, s2, s11, $0xb8  }
0x1d: {  	s13 =	simm.s32 $0x3480  }
0x1e: {  	[tilespmem:s13], [sflag:$0x1] =	stream.indirect.gather [hbm4b:s3+s11], $0x1, s11, s11, $0xb8;
	[tilespmem:$0x6C10] =	vst v63  }
0x1f: {  	s14 =	simm.s32 $0x100;
	s13 =	simm.s32 $0x3500  }
0x20: {  	[tilespmem:s13], [sflag:$0x1] =	stream.indirect.gather [hbm4b:s3+s11], $0x1, s14, s11, $0xb8;
	[tilespmem:$0x6C10] =	vst v63  }
0x21: {  	s13 =	simm.s32 $0x180;
	s14 =	simm.s32 $0x3580  }
0x22: {  	[tilespmem:s14], [sflag:$0x1] =	stream.indirect.gather [hbm4b:s3+s11], $0x1, s13, s11, $0xb8;
	[tilespmem:$0x6C10] =	vst v63  }
0x23: {  	s13 =	simm.s32 $0x200;
	s14 =	simm.s32 $0x3600  }
0x24: {  	[tilespmem:s14], [sflag:$0x1] =	stream.indirect.gather [hbm4b:s3+s11], $0x1, s13, s11, $0xb8;
	[tilespmem:$0x6C10] =	vst v63  }
0x25: {  	s13 =	simm.s32 $0x280;
	s14 =	simm.s32 $0x3680  }
0x26: {  	[tilespmem:s14], [sflag:$0x1] =	stream.indirect.gather [hbm4b:s3+s11], $0x1, s13, s11, $0xb8;
	[tilespmem:$0x6C10] =	vst v63  }
0x27: {  	s13 =	simm.s32 $0x300;
	s14 =	simm.s32 $0x3700  }
0x28: {  	[tilespmem:s14], [sflag:$0x1] =	stream.indirect.gather [hbm4b:s3+s11], $0x1, s13, s11, $0xb8;
	[tilespmem:$0x6C10] =	vst v63  }
0x29: {  	s13 =	simm.s32 $0x380;
	s14 =	simm.s32 $0x3780  }
0x2a: {  	[tilespmem:s14], [sflag:$0x1] =	stream.indirect.gather [hbm4b:s3+s11], $0x1, s13, s11, $0xb8;
	[tilespmem:$0x6C10] =	vst v63  }
0x2b: {  	s13 =	simm.s32 $0x400;
	s14 =	simm.s32 $0x3800  }
0x2c: {  	[tilespmem:s14], [sflag:$0x1] =	stream.indirect.gather [hbm4b:s3+s11], $0x1, s13, s11, $0xb8;
	[tilespmem:$0x6C10] =	vst v63  }
0x2d: {  	s13 =	simm.s32 $0x480;
	s14 =	simm.s32 $0x3880  }
0x2e: {  	[tilespmem:s14], [sflag:$0x1] =	stream.indirect.gather [hbm4b:s3+s11], $0x1, s13, s11, $0xb8;
	[tilespmem:$0x6C10] =	vst v63  }
0x2f: {  	s13 =	simm.s32 $0x500;
	s14 =	simm.s32 $0x3900  }
0x30: {  	[tilespmem:s14], [sflag:$0x1] =	stream.indirect.gather [hbm4b:s3+s11], $0x1, s13, s11, $0xb8;
	[tilespmem:$0x6C10] =	vst v63  }
0x31: {  	s13 =	simm.s32 $0x580;
	s14 =	simm.s32 $0x3980  }
0x32: {  	[tilespmem:s14], [sflag:$0x1] =	stream.indirect.gather [hbm4b:s3+s11], $0x1, s13, s11, $0xb8;
	[tilespmem:$0x6C10] =	vst v63  }
0x33: {  	s13 =	simm.s32 $0x600;
	s14 =	simm.s32 $0x3A00  }
0x34: {  	[tilespmem:s14], [sflag:$0x1] =	stream.indirect.gather [hbm4b:s3+s11], $0x1, s13, s11, $0xb8;
	[tilespmem:$0x6C10] =	vst v63  }
0x35: {  	s13 =	simm.s32 $0x680;
	s14 =	simm.s32 $0x3A80  }
0x36: {  	[tilespmem:s14], [sflag:$0x1] =	stream.indirect.gather [hbm4b:s3+s11], $0x1, s13, s11, $0xb8;
	[tilespmem:$0x6C10] =	vst v63  }
0x37: {  	s13 =	simm.s32 $0x700;
	s14 =	simm.s32 $0x3B00  }
0x38: {  	[tilespmem:s14], [sflag:$0x1] =	stream.indirect.gather [hbm4b:s3+s11], $0x1, s13, s11, $0xb8;
	[tilespmem:$0x6C10] =	vst v63  }
0x39: {  	s13 =	simm.s32 $0x780;
	s14 =	simm.s32 $0x3B80  }
0x3a: {  	[tilespmem:s14], [sflag:$0x1] =	stream.indirect.gather [hbm4b:s3+s11], $0x1, s13, s11, $0xb8;
	[tilespmem:$0x6C10] =	vst v63  }
0x3b: {  	s13 =	simm.s32 $0x800;
	s14 =	simm.s32 $0x3C00  }
0x3c: {  	[tilespmem:s14], [sflag:$0x1] =	stream.indirect.gather [hbm4b:s3+s11], $0x1, s13, s11, $0xb8;
	[tilespmem:$0x6C10] =	vst v63  }
0x3d: {  	s13 =	simm.s32 $0x880;
	s14 =	simm.s32 $0x3C80  }
0x3e: {  	[tilespmem:s14], [sflag:$0x1] =	stream.indirect.gather [hbm4b:s3+s11], $0x1, s13, s11, $0xb8;
	[tilespmem:$0x6C10] =	vst v63  }
0x3f: {  	s13 =	simm.s32 $0x900;
	s14 =	simm.s32 $0x3D00  }
0x40: {  	[tilespmem:s14], [sflag:$0x1] =	stream.indirect.gather [hbm4b:s3+s11], $0x1, s13, s11, $0xb8;
	[tilespmem:$0x6C10] =	vst v63  }
0x41: {  	s13 =	simm.s32 $0x980;
	s14 =	simm.s32 $0x3D80  }
0x42: {  	[tilespmem:s14], [sflag:$0x1] =	stream.indirect.gather [hbm4b:s3+s11], $0x1, s13, s11, $0xb8;
	[tilespmem:$0x6C10] =	vst v63  }
0x43: {  	s13 =	simm.s32 $0xA00;
	s14 =	simm.s32 $0x3E00  }
0x44: {  	[tilespmem:s14], [sflag:$0x1] =	stream.indirect.gather [hbm4b:s3+s11], $0x1, s13, s11, $0xb8;
	[tilespmem:$0x6C10] =	vst v63  }
0x45: {  	s13 =	simm.s32 $0xA80;
	s14 =	simm.s32 $0x3E80  }
0x46: {  	[tilespmem:s14], [sflag:$0x1] =	stream.indirect.gather [hbm4b:s3+s11], $0x1, s13, s11, $0xb8;
	[tilespmem:$0x6C10] =	vst v63  }
0x47: {  	s13 =	simm.s32 $0xB00;
	s14 =	simm.s32 $0x3F00  }
0x48: {  	[tilespmem:s14], [sflag:$0x1] =	stream.indirect.gather [hbm4b:s3+s11], $0x1, s13, s11, $0xb8;
	[tilespmem:$0x6C10] =	vst v63  }
0x49: {  	s13 =	simm.s32 $0xB80;
	s14 =	simm.s32 $0x3F80  }
0x4a: {  	[tilespmem:s14], [sflag:$0x1] =	stream.indirect.gather [hbm4b:s3+s11], $0x1, s13, s11, $0xb8;
	[tilespmem:$0x6C10] =	vst v63  }
0x4b: {  	s13 =	simm.s32 $0xC00;
	s14 =	simm.s32 $0x4000  }
0x4c: {  	[tilespmem:s14], [sflag:$0x1] =	stream.indirect.gather [hbm4b:s3+s11], $0x1, s13, s11, $0xb8;
	[tilespmem:$0x6C10] =	vst v63  }
0x4d: {  	s13 =	simm.s32 $0xC80;
	s14 =	simm.s32 $0x4080  }
0x4e: {  	[tilespmem:s14], [sflag:$0x1] =	stream.indirect.gather [hbm4b:s3+s11], $0x1, s13, s11, $0xb8;
	[tilespmem:$0x6C10] =	vst v63  }
0x4f: {  	s13 =	simm.s32 $0xD00;
	s14 =	simm.s32 $0x4100  }
0x50: {  	[tilespmem:s14], [sflag:$0x1] =	stream.indirect.gather [hbm4b:s3+s11], $0x1, s13, s11, $0xb8;
	[tilespmem:$0x6C10] =	vst v63  }
0x51: {  	s13 =	simm.s32 $0xD80;
	s14 =	simm.s32 $0x4180  }
0x52: {  	[tilespmem:s14], [sflag:$0x1] =	stream.indirect.gather [hbm4b:s3+s11], $0x1, s13, s11, $0xb8;
	[tilespmem:$0x6C10] =	vst v63  }
0x53: {  	s13 =	simm.s32 $0xE00;
	s14 =	simm.s32 $0x4200  }
0x54: {  	[tilespmem:s14], [sflag:$0x1] =	stream.indirect.gather [hbm4b:s3+s11], $0x1, s13, s11, $0xb8;
	[tilespmem:$0x6C10] =	vst v63  }
0x55: {  	s13 =	simm.s32 $0xE80;
	s14 =	simm.s32 $0x4280  }
0x56: {  	[tilespmem:s14], [sflag:$0x1] =	stream.indirect.gather [hbm4b:s3+s11], $0x1, s13, s11, $0xb8;
	[tilespmem:$0x6C10] =	vst v63  }
0x57: {  	s13 =	simm.s32 $0xF00;
	s14 =	simm.s32 $0x4300  }
0x58: {  	[tilespmem:s14], [sflag:$0x1] =	stream.indirect.gather [hbm4b:s3+s11], $0x1, s13, s11, $0xb8;
	[tilespmem:$0x6C10] =	vst v63  }
0x59: {  	s13 =	simm.s32 $0xF80;
	s14 =	simm.s32 $0x4380  }
0x5a: {  	[tilespmem:s14], [sflag:$0x1] =	stream.indirect.gather [hbm4b:s3+s11], $0x1, s13, s11, $0xb8;
	[tilespmem:$0x6C10] =	vst v63  }
0x5b: {  	s13 =	simm.s32 $0x1000;
	s14 =	simm.s32 $0x4400  }
0x5c: {  	[tilespmem:s14], [sflag:$0x1] =	stream.indirect.gather [hbm4b:s3+s11], $0x1, s13, s11, $0xb8;
	[tilespmem:$0x6C10] =	vst v63  }
0x5d: {  	s13 =	simm.s32 $0x1080;
	s14 =	simm.s32 $0x4480  }
0x5e: {  	[tilespmem:s14], [sflag:$0x1] =	stream.indirect.gather [hbm4b:s3+s11], $0x1, s13, s11, $0xb8;
	[tilespmem:$0x6C10] =	vst v63  }
0x5f: {  	s13 =	simm.s32 $0x1100;
	s14 =	simm.s32 $0x4500  }
0x60: {  	[tilespmem:s14], [sflag:$0x1] =	stream.indirect.gather [hbm4b:s3+s11], $0x1, s13, s11, $0xb8;
	[tilespmem:$0x6C10] =	vst v63  }
0x61: {  	s13 =	simm.s32 $0x1180;
	s14 =	simm.s32 $0x4580  }
0x62: {  	[tilespmem:s14], [sflag:$0x1] =	stream.indirect.gather [hbm4b:s3+s11], $0x1, s13, s11, $0xb8;
	[tilespmem:$0x6C10] =	vst v63  }
0x63: {  	s13 =	simm.s32 $0x1200;
	s14 =	simm.s32 $0x4600  }
0x64: {  	[tilespmem:s14], [sflag:$0x1] =	stream.indirect.gather [hbm4b:s3+s11], $0x1, s13, s11, $0xb8;
	[tilespmem:$0x6C10] =	vst v63  }
0x65: {  	s13 =	simm.s32 $0x1280;
	s14 =	simm.s32 $0x4680  }
0x66: {  	[tilespmem:s14], [sflag:$0x1] =	stream.indirect.gather [hbm4b:s3+s11], $0x1, s13, s11, $0xb8;
	[tilespmem:$0x6C10] =	vst v63  }
0x67: {  	s13 =	simm.s32 $0x1300;
	s14 =	simm.s32 $0x4700  }
0x68: {  	[tilespmem:s14], [sflag:$0x1] =	stream.indirect.gather [hbm4b:s3+s11], $0x1, s13, s11, $0xb8;
	[tilespmem:$0x6C10] =	vst v63  }
0x69: {  	s13 =	simm.s32 $0x1380;
	s14 =	simm.s32 $0x4780  }
0x6a: {  	[tilespmem:s14], [sflag:$0x1] =	stream.indirect.gather [hbm4b:s3+s11], $0x1, s13, s11, $0xb8;
	[tilespmem:$0x6C10] =	vst v63  }
0x6b: {  	s13 =	simm.s32 $0x1400;
	s14 =	simm.s32 $0x4800  }
0x6c: {  	[tilespmem:s14], [sflag:$0x1] =	stream.indirect.gather [hbm4b:s3+s11], $0x1, s13, s11, $0xb8;
	[tilespmem:$0x6C10] =	vst v63  }
0x6d: {  	s13 =	simm.s32 $0x1480;
	s14 =	simm.s32 $0x4880  }
0x6e: {  	[tilespmem:s14], [sflag:$0x1] =	stream.indirect.gather [hbm4b:s3+s11], $0x1, s13, s11, $0xb8;
	[tilespmem:$0x6C10] =	vst v63  }
0x6f: {  	s13 =	simm.s32 $0x1500;
	s14 =	simm.s32 $0x4900  }
0x70: {  	[tilespmem:s14], [sflag:$0x1] =	stream.indirect.gather [hbm4b:s3+s11], $0x1, s13, s11, $0xb8;
	[tilespmem:$0x6C10] =	vst v63  }
0x71: {  	s13 =	simm.s32 $0x1580;
	s14 =	simm.s32 $0x4980  }
0x72: {  	[tilespmem:s14], [sflag:$0x1] =	stream.indirect.gather [hbm4b:s3+s11], $0x1, s13, s11, $0xb8;
	[tilespmem:$0x6C10] =	vst v63  }
0x73: {  	s13 =	simm.s32 $0x1600;
	s14 =	simm.s32 $0x4A00  }
0x74: {  	[tilespmem:s14], [sflag:$0x1] =	stream.indirect.gather [hbm4b:s3+s11], $0x1, s13, s11, $0xb8;
	[tilespmem:$0x6C10] =	vst v63  }
0x75: {  	s13 =	simm.s32 $0x1680;
	s14 =	simm.s32 $0x4A80  }
0x76: {  	[tilespmem:s14], [sflag:$0x1] =	stream.indirect.gather [hbm4b:s3+s11], $0x1, s13, s11, $0xb8;
	[tilespmem:$0x6C10] =	vst v63  }
0x77: {  	s13 =	simm.s32 $0x1700;
	s14 =	simm.s32 $0x4B00  }
0x78: {  	[tilespmem:s14], [sflag:$0x1] =	stream.indirect.gather [hbm4b:s3+s11], $0x1, s13, s11, $0xb8;
	[tilespmem:$0x6C10] =	vst v63  }
0x79: {  	s13 =	simm.s32 $0x1780;
	s14 =	simm.s32 $0x4B80  }
0x7a: {  	[tilespmem:s14], [sflag:$0x1] =	stream.indirect.gather [hbm4b:s3+s11], $0x1, s13, s11, $0xb8;
	[tilespmem:$0x6C10] =	vst v63  }
0x7b: {  	s13 =	simm.s32 $0x1800;
	s14 =	simm.s32 $0x4C00  }
0x7c: {  	[tilespmem:s14], [sflag:$0x1] =	stream.indirect.gather [hbm4b:s3+s11], $0x1, s13, s11, $0xb8;
	[tilespmem:$0x6C10] =	vst v63  }
0x7d: {  	s13 =	simm.s32 $0x1880;
	s14 =	simm.s32 $0x4C80  }
0x7e: {  	[tilespmem:s14], [sflag:$0x1] =	stream.indirect.gather [hbm4b:s3+s11], $0x1, s13, s11, $0xb8;
	[tilespmem:$0x6C10] =	vst v63  }
0x7f: {  	s13 =	simm.s32 $0x1900;
	s14 =	simm.s32 $0x4D00  }
0x80: {  	[tilespmem:s14], [sflag:$0x1] =	stream.indirect.gather [hbm4b:s3+s11], $0x1, s13, s11, $0xb8;
	[tilespmem:$0x6C10] =	vst v63  }
0x81: {  	s13 =	simm.s32 $0x1980;
	s14 =	simm.s32 $0x4D80  }
0x82: {  	[tilespmem:s14], [sflag:$0x1] =	stream.indirect.gather [hbm4b:s3+s11], $0x1, s13, s11, $0xb8;
	[tilespmem:$0x6C10] =	vst v63  }
0x83: {  	s13 =	simm.s32 $0x1A00;
	s14 =	simm.s32 $0x4E00  }
0x84: {  	[tilespmem:s14], [sflag:$0x1] =	stream.indirect.gather [hbm4b:s3+s11], $0x1, s13, s11, $0xb8;
	[tilespmem:$0x6C10] =	vst v63  }
0x85: {  	s13 =	simm.s32 $0x1A80;
	s14 =	simm.s32 $0x4E80  }
0x86: {  	[tilespmem:s14], [sflag:$0x1] =	stream.indirect.gather [hbm4b:s3+s11], $0x1, s13, s11, $0xb8;
	[tilespmem:$0x6C10] =	vst v63  }
0x87: {  	s13 =	simm.s32 $0x1B00;
	s14 =	simm.s32 $0x4F00  }
0x88: {  	[tilespmem:s14], [sflag:$0x1] =	stream.indirect.gather [hbm4b:s3+s11], $0x1, s13, s11, $0xb8;
	[tilespmem:$0x6C10] =	vst v63  }
0x89: {  	s13 =	simm.s32 $0x1B80;
	s14 =	simm.s32 $0x4F80  }
0x8a: {  	[tilespmem:s14], [sflag:$0x1] =	stream.indirect.gather [hbm4b:s3+s11], $0x1, s13, s11, $0xb8;
	[tilespmem:$0x6C10] =	vst v63  }
0x8b: {  	s13 =	simm.s32 $0x1C00;
	s14 =	simm.s32 $0x5000  }
0x8c: {  	[tilespmem:s14], [sflag:$0x1] =	stream.indirect.gather [hbm4b:s3+s11], $0x1, s13, s11, $0xb8;
	[tilespmem:$0x6C10] =	vst v63  }
0x8d: {  	s13 =	simm.s32 $0x1C80;
	s14 =	simm.s32 $0x5080  }
0x8e: {  	[tilespmem:s14], [sflag:$0x1] =	stream.indirect.gather [hbm4b:s3+s11], $0x1, s13, s11, $0xb8;
	[tilespmem:$0x6C10] =	vst v63  }
0x8f: {  	s13 =	simm.s32 $0x1D00;
	s14 =	simm.s32 $0x5100  }
0x90: {  	[tilespmem:s14], [sflag:$0x1] =	stream.indirect.gather [hbm4b:s3+s11], $0x1, s13, s11, $0xb8;
	[tilespmem:$0x6C10] =	vst v63  }
0x91: {  	s13 =	simm.s32 $0x1D80;
	s14 =	simm.s32 $0x5180  }
0x92: {  	[tilespmem:s14], [sflag:$0x1] =	stream.indirect.gather [hbm4b:s3+s11], $0x1, s13, s11, $0xb8;
	[tilespmem:$0x6C10] =	vst v63  }
0x93: {  	s13 =	simm.s32 $0x1E00;
	s14 =	simm.s32 $0x5200  }
0x94: {  	[tilespmem:s14], [sflag:$0x1] =	stream.indirect.gather [hbm4b:s3+s11], $0x1, s13, s11, $0xb8;
	[tilespmem:$0x6C10] =	vst v63  }
0x95: {  	s13 =	simm.s32 $0x1E80;
	s14 =	simm.s32 $0x5280  }
0x96: {  	[tilespmem:s14], [sflag:$0x1] =	stream.indirect.gather [hbm4b:s3+s11], $0x1, s13, s11, $0xb8;
	[tilespmem:$0x6C10] =	vst v63  }
0x97: {  	s13 =	simm.s32 $0x1F00;
	s14 =	simm.s32 $0x5300  }
0x98: {  	[tilespmem:s14], [sflag:$0x1] =	stream.indirect.gather [hbm4b:s3+s11], $0x1, s13, s11, $0xb8;
	[tilespmem:$0x6C10] =	vst v63  }
0x99: {  	s13 =	simm.s32 $0x1F80;
	s14 =	simm.s32 $0x5380  }
0x9a: {  	[tilespmem:s14], [sflag:$0x1] =	stream.indirect.gather [hbm4b:s3+s11], $0x1, s13, s11, $0xb8;
	[tilespmem:$0x6C10] =	vst v63  }
0x9b: {  	s13 =	simm.s32 $0x2000;
	s14 =	simm.s32 $0x5400  }
0x9c: {  	[tilespmem:s14], [sflag:$0x1] =	stream.indirect.gather [hbm4b:s3+s11], $0x1, s13, s11, $0xb8;
	[tilespmem:$0x6C10] =	vst v63  }
0x9d: {  	s13 =	simm.s32 $0x2080;
	s14 =	simm.s32 $0x5480  }
0x9e: {  	[tilespmem:s14], [sflag:$0x1] =	stream.indirect.gather [hbm4b:s3+s11], $0x1, s13, s11, $0xb8;
	[tilespmem:$0x6C10] =	vst v63  }
0x9f: {  	s13 =	simm.s32 $0x2100;
	s14 =	simm.s32 $0x5500  }
0xa0: {  	[tilespmem:s14], [sflag:$0x1] =	stream.indirect.gather [hbm4b:s3+s11], $0x1, s13, s11, $0xb8;
	[tilespmem:$0x6C10] =	vst v63  }
0xa1: {  	s13 =	simm.s32 $0x2180;
	s14 =	simm.s32 $0x5580  }
0xa2: {  	[tilespmem:s14], [sflag:$0x1] =	stream.indirect.gather [hbm4b:s3+s11], $0x1, s13, s11, $0xb8;
	[tilespmem:$0x6C10] =	vst v63  }
0xa3: {  	s13 =	simm.s32 $0x2200;
	s14 =	simm.s32 $0x5600  }
0xa4: {  	[tilespmem:s14], [sflag:$0x1] =	stream.indirect.gather [hbm4b:s3+s11], $0x1, s13, s11, $0xb8;
	[tilespmem:$0x6C10] =	vst v63  }
0xa5: {  	s13 =	simm.s32 $0x2280;
	s14 =	simm.s32 $0x5680  }
0xa6: {  	[tilespmem:s14], [sflag:$0x1] =	stream.indirect.gather [hbm4b:s3+s11], $0x1, s13, s11, $0xb8;
	[tilespmem:$0x6C10] =	vst v63  }
0xa7: {  	s13 =	simm.s32 $0x2300;
	s14 =	simm.s32 $0x5700  }
0xa8: {  	[tilespmem:s14], [sflag:$0x1] =	stream.indirect.gather [hbm4b:s3+s11], $0x1, s13, s11, $0xb8;
	[tilespmem:$0x6C10] =	vst v63  }
0xa9: {  	s13 =	simm.s32 $0x2380;
	s14 =	simm.s32 $0x5780  }
0xaa: {  	[tilespmem:s14], [sflag:$0x1] =	stream.indirect.gather [hbm4b:s3+s11], $0x1, s13, s11, $0xb8;
	[tilespmem:$0x6C10] =	vst v63  }
0xab: {  	s13 =	simm.s32 $0x2400;
	s14 =	simm.s32 $0x5800  }
0xac: {  	[tilespmem:s14], [sflag:$0x1] =	stream.indirect.gather [hbm4b:s3+s11], $0x1, s13, s11, $0xb8;
	[tilespmem:$0x6C10] =	vst v63  }
0xad: {  	s13 =	simm.s32 $0x2480;
	s14 =	simm.s32 $0x5880  }
0xae: {  	[tilespmem:s14], [sflag:$0x1] =	stream.indirect.gather [hbm4b:s3+s11], $0x1, s13, s11, $0xb8;
	[tilespmem:$0x6C10] =	vst v63  }
0xaf: {  	s13 =	simm.s32 $0x2500;
	s14 =	simm.s32 $0x5900  }
0xb0: {  	[tilespmem:s14], [sflag:$0x1] =	stream.indirect.gather [hbm4b:s3+s11], $0x1, s13, s11, $0xb8;
	[tilespmem:$0x6C10] =	vst v63  }
0xb1: {  	s13 =	simm.s32 $0x2580;
	s14 =	simm.s32 $0x5980  }
0xb2: {  	[tilespmem:s14], [sflag:$0x1] =	stream.indirect.gather [hbm4b:s3+s11], $0x1, s13, s11, $0xb8;
	[tilespmem:$0x6C10] =	vst v63  }
0xb3: {  	s13 =	simm.s32 $0x2600;
	s14 =	simm.s32 $0x5A00  }
0xb4: {  	[tilespmem:s14], [sflag:$0x1] =	stream.indirect.gather [hbm4b:s3+s11], $0x1, s13, s11, $0xb8;
	[tilespmem:$0x6C10] =	vst v63  }
0xb5: {  	s13 =	simm.s32 $0x2680;
	s14 =	simm.s32 $0x5A80  }
0xb6: {  	[tilespmem:s14], [sflag:$0x1] =	stream.indirect.gather [hbm4b:s3+s11], $0x1, s13, s11, $0xb8;
	[tilespmem:$0x6C10] =	vst v63  }
0xb7: {  	s13 =	simm.s32 $0x2700;
	s14 =	simm.s32 $0x5B00  }
0xb8: {  	[tilespmem:s14], [sflag:$0x1] =	stream.indirect.gather [hbm4b:s3+s11], $0x1, s13, s11, $0xb8;
	[tilespmem:$0x6C10] =	vst v63  }
0xb9: {  	s13 =	simm.s32 $0x2780;
	s14 =	simm.s32 $0x5B80  }
0xba: {  	[tilespmem:s14], [sflag:$0x1] =	stream.indirect.gather [hbm4b:s3+s11], $0x1, s13, s11, $0xb8;
	[tilespmem:$0x6C10] =	vst v63  }
0xbb: {  	s13 =	simm.s32 $0x2800;
	s14 =	simm.s32 $0x5C00  }
0xbc: {  	[tilespmem:s14], [sflag:$0x1] =	stream.indirect.gather [hbm4b:s3+s11], $0x1, s13, s11, $0xb8;
	[tilespmem:$0x6C10] =	vst v63  }
0xbd: {  	s13 =	simm.s32 $0x2880;
	s14 =	simm.s32 $0x5C80  }
0xbe: {  	[tilespmem:s14], [sflag:$0x1] =	stream.indirect.gather [hbm4b:s3+s11], $0x1, s13, s11, $0xb8;
	[tilespmem:$0x6C10] =	vst v63  }
0xbf: {  	s13 =	simm.s32 $0x2900;
	s14 =	simm.s32 $0x5D00  }
0xc0: {  	[tilespmem:s14], [sflag:$0x1] =	stream.indirect.gather [hbm4b:s3+s11], $0x1, s13, s11, $0xb8;
	[tilespmem:$0x6C10] =	vst v63  }
0xc1: {  	s13 =	simm.s32 $0x2980;
	s14 =	simm.s32 $0x5D80  }
0xc2: {  	[tilespmem:s14], [sflag:$0x1] =	stream.indirect.gather [hbm4b:s3+s11], $0x1, s13, s11, $0xb8;
	[tilespmem:$0x6C10] =	vst v63  }
0xc3: {  	s13 =	simm.s32 $0x2A00;
	s14 =	simm.s32 $0x5E00  }
0xc4: {  	[tilespmem:s14], [sflag:$0x1] =	stream.indirect.gather [hbm4b:s3+s11], $0x1, s13, s11, $0xb8;
	[tilespmem:$0x6C10] =	vst v63  }
0xc5: {  	s13 =	simm.s32 $0x2A80;
	s14 =	simm.s32 $0x5E80  }
0xc6: {  	[tilespmem:s14], [sflag:$0x1] =	stream.indirect.gather [hbm4b:s3+s11], $0x1, s13, s11, $0xb8;
	[tilespmem:$0x6C10] =	vst v63  }
0xc7: {  	s13 =	simm.s32 $0x2B00;
	s14 =	simm.s32 $0x5F00  }
0xc8: {  	[tilespmem:s14], [sflag:$0x1] =	stream.indirect.gather [hbm4b:s3+s11], $0x1, s13, s11, $0xb8;
	[tilespmem:$0x6C10] =	vst v63  }
0xc9: {  	s13 =	simm.s32 $0x2B80;
	s14 =	simm.s32 $0x5F80  }
0xca: {  	[tilespmem:s14], [sflag:$0x1] =	stream.indirect.gather [hbm4b:s3+s11], $0x1, s13, s11, $0xb8;
	[tilespmem:$0x6C10] =	vst v63  }
0xcb: {  	s13 =	simm.s32 $0x2C00;
	s14 =	simm.s32 $0x6000  }
0xcc: {  	[tilespmem:s14], [sflag:$0x1] =	stream.indirect.gather [hbm4b:s3+s11], $0x1, s13, s11, $0xb8;
	[tilespmem:$0x6C10] =	vst v63  }
0xcd: {  	s13 =	simm.s32 $0x2C80;
	s14 =	simm.s32 $0x6080  }
0xce: {  	[tilespmem:s14], [sflag:$0x1] =	stream.indirect.gather [hbm4b:s3+s11], $0x1, s13, s11, $0xb8;
	[tilespmem:$0x6C10] =	vst v63  }
0xcf: {  	s13 =	simm.s32 $0x2D00;
	s14 =	simm.s32 $0x6100  }
0xd0: {  	[tilespmem:s14], [sflag:$0x1] =	stream.indirect.gather [hbm4b:s3+s11], $0x1, s13, s11, $0xb8;
	[tilespmem:$0x6C10] =	vst v63  }
0xd1: {  	s13 =	simm.s32 $0x2D80;
	s14 =	simm.s32 $0x6180  }
0xd2: {  	[tilespmem:s14], [sflag:$0x1] =	stream.indirect.gather [hbm4b:s3+s11], $0x1, s13, s11, $0xb8;
	[tilespmem:$0x6C10] =	vst v63  }
0xd3: {  	s13 =	simm.s32 $0x2E00;
	s14 =	simm.s32 $0x6200  }
0xd4: {  	[tilespmem:s14], [sflag:$0x1] =	stream.indirect.gather [hbm4b:s3+s11], $0x1, s13, s11, $0xb8;
	[tilespmem:$0x6C10] =	vst v63  }
0xd5: {  	s13 =	simm.s32 $0x2E80;
	s14 =	simm.s32 $0x6280  }
0xd6: {  	[tilespmem:s14], [sflag:$0x1] =	stream.indirect.gather [hbm4b:s3+s11], $0x1, s13, s11, $0xb8;
	[tilespmem:$0x6C10] =	vst v63  }
0xd7: {  	s13 =	simm.s32 $0x2F00;
	s14 =	simm.s32 $0x6300  }
0xd8: {  	[tilespmem:s14], [sflag:$0x1] =	stream.indirect.gather [hbm4b:s3+s11], $0x1, s13, s11, $0xb8;
	[tilespmem:$0x6C10] =	vst v63  }
0xd9: {  	s13 =	simm.s32 $0x2F80;
	s14 =	simm.s32 $0x6380  }
0xda: {  	[tilespmem:s14], [sflag:$0x1] =	stream.indirect.gather [hbm4b:s3+s11], $0x1, s13, s11, $0xb8;
	[tilespmem:$0x6C10] =	vst v63  }
0xdb: {  	s13 =	simm.s32 $0x3000;
	s14 =	simm.s32 $0x6400  }
0xdc: {  	[tilespmem:s14], [sflag:$0x1] =	stream.indirect.gather [hbm4b:s3+s11], $0x1, s13, s11, $0xb8;
	[tilespmem:$0x6C10] =	vst v63  }
0xdd: {  	_ = 	snop  }
0xde: {  	[tilespmem:s16], [sflag:$0x1] =	stream.indirect.gather [hbm4b:s3+s11], $0x1, s15, s11, $0xb8;
	[tilespmem:$0x6C10] =	vst v63  }
0xdf: {  	_ = 	snop  }
0xe0: {  	[tilespmem:s18], [sflag:$0x1] =	stream.indirect.gather [hbm4b:s3+s11], $0x1, s17, s11, $0xb8;
	[tilespmem:$0x6C10] =	vst v63  }
0xe1: {  	_ = 	snop  }
0xe2: {  	[tilespmem:s20], [sflag:$0x1] =	stream.indirect.gather [hbm4b:s3+s11], $0x1, s19, s11, $0xb8;
	[tilespmem:$0x6C10] =	vst v63  }
0xe3: {  	_ = 	snop  }
0xe4: {  	[tilespmem:s22], [sflag:$0x1] =	stream.indirect.gather [hbm4b:s3+s11], $0x1, s21, s11, $0xb8;
	[tilespmem:$0x6C10] =	vst v63  }
0xe5: {  	_ = 	snop  }
0xe6: {  	[tilespmem:s24], [sflag:$0x1] =	stream.indirect.gather [hbm4b:s3+s11], $0x1, s23, s11, $0xb8;
	[tilespmem:$0x6C10] =	vst v63  }
0xe7: {  	v35 =	vadd.s32 s2, v2  }
0xe8: {  	v36 =	vadd.s32 s2, v0;
	v35 =	vand.u32 $0x7FF8, v35;
	[tilespmem:s26], [sflag:$0x1] =	stream.indirect.gather [hbm4b:s3+s11], $0x1, s25, s11, $0xb8;
	[tilespmem:$0x6C10] =	vst v63  }
0xe9: {  	v36 =	vand.u32 $0x7FF8, v36;
	v35 =	vor.u32 v3, v35  }
0xea: {  	v37 =	vadd.s32 s2, v4;
	v36 =	vor.u32 v1, v36;
	[tilespmem:s29], [sflag:$0x1] =	stream.indirect.gather [hbm4b:s3+s11], $0x1, s28, s11, $0xb8;
	[tilespmem:$0x6C10] =	vst v63  }
0xeb: {  	v37 =	vand.u32 $0x7FF8, v37;
	_ =	swait.ge [sflag:s30], $0x3400  }
0xec: {  	v38 =	vadd.s32 s2, v6;
	v37 =	vor.u32 v5, v37;
	[sflag:s30] =	ssyncset.done $0x0  }
0xed: {  	v38 =	vand.u32 $0x7FF8, v38;
	[sflag:s30] =	ssyncadd.s32 $0xFFFFCC00  }
0xee: {  	v39 =	vadd.s32 s2, v8;
	v38 =	vor.u32 v7, v38;
	v35 =	vld.idx.msk [tilespmem:v35+s12+$0x0], $0xffff  }
0xef: {  	v39 =	vand.u32 $0x7FF8, v39;
	v36 =	vld.idx.msk [tilespmem:v36+s12+$0x0], $0xffff  }
0xf0: {  	v40 =	vadd.s32 s2, v10;
	v39 =	vor.u32 v9, v39  }
0xf1: {  	v40 =	vand.u32 $0x7FF8, v40;
	v37 =	vld.idx.msk [tilespmem:v37+s12+$0x0], $0xffff  }
0xf2: {  	v41 =	vadd.s32 s2, v12;
	v40 =	vor.u32 v11, v40  }
0xf3: {  	v41 =	vand.u32 $0x7FF8, v41;
	v38 =	vld.idx.msk [tilespmem:v38+s12+$0x0], $0xffff  }
0xf4: {  	v42 =	vadd.s32 s2, v14;
	v41 =	vor.u32 v13, v41;
	v35 =	vadd.f32 v35, v36  }
0xf5: {  	v55 =	vand.u32 $0x7FF8, v42;
	v54 =	vld.idx.msk [tilespmem:v39+s12+$0x0], $0xffff  }
0xf6: {  	v56 =	vadd.s32 s2, v16;
	v39 =	vor.u32 v15, v55;
	v35 =	vadd.f32 v37, v35  }
0xf7: {  	v58 =	vand.u32 $0x7FF8, v56;
	v57 =	vld.idx.msk [tilespmem:v40+s12+$0x0], $0xffff  }
0xf8: {  	v59 =	vadd.s32 s2, v17;
	v40 =	vor.u32 v1, v58;
	v35 =	vadd.f32 v38, v35  }
0xf9: {  	v61 =	vand.u32 $0x7FF8, v59;
	v60 =	vld.idx.msk [tilespmem:v41+s12+$0x0], $0xffff  }
0xfa: {  	v62 =	vadd.s32 s2, v18;
	v41 =	vor.u32 v3, v61;
	v35 =	vadd.f32 v54, v35  }
0xfb: {  	v44 =	vand.u32 $0x7FF8, v62;
	v63 =	vld.idx.msk [tilespmem:v39+s12+$0x0], $0xffff  }
0xfc: {  	v45 =	vadd.s32 s2, v19;
	v39 =	vor.u32 v5, v44;
	v35 =	vadd.f32 v57, v35  }
0xfd: {  	v47 =	vand.u32 $0x7FF8, v45;
	v46 =	vld.idx.msk [tilespmem:v40+s12+$0x0], $0xffff  }
0xfe: {  	v48 =	vadd.s32 s2, v20;
	v40 =	vor.u32 v7, v47;
	v35 =	vadd.f32 v60, v35  }
0xff: {  	v50 =	vand.u32 $0x7FF8, v48;
	v49 =	vld.idx.msk [tilespmem:v41+s12+$0x0], $0xffff  }
0x100: {  	v51 =	vadd.s32 s2, v21;
	v41 =	vor.u32 v9, v50;
	v35 =	vadd.f32 v63, v35  }
0x101: {  	v53 =	vand.u32 $0x7FF8, v51;
	v52 =	vld.idx.msk [tilespmem:v39+s12+$0x0], $0xffff  }
0x102: {  	v39 =	vor.u32 v11, v53;
	v54 =	vadd.s32 s2, v22;
	v35 =	vadd.f32 v46, v35  }
0x103: {  	v55 =	vld.idx.msk [tilespmem:v40+s12+$0x0], $0xffff;
	v56 =	vand.u32 $0x7FF8, v54  }
0x104: {  	v40 =	vor.u32 v13, v56;
	v57 =	vadd.s32 s2, v23;
	v35 =	vadd.f32 v49, v35  }
0x105: {  	v58 =	vld.idx.msk [tilespmem:v41+s12+$0x0], $0xffff;
	v59 =	vand.u32 $0x7FF8, v57  }
0x106: {  	v41 =	vor.u32 v15, v59;
	v60 =	vadd.s32 s2, v24;
	v35 =	vadd.f32 v52, v35  }
0x107: {  	v61 =	vld.idx.msk [tilespmem:v39+s12+$0x0], $0xffff;
	v62 =	vand.u32 $0x7FF8, v60  }
0x108: {  	v39 =	vor.u32 v1, v62;
	v63 =	vadd.s32 s2, v25;
	v35 =	vadd.f32 v55, v35  }
0x109: {  	v45 =	vld.idx.msk [tilespmem:v40+s12+$0x0], $0xffff;
	v46 =	vand.u32 $0x7FF8, v63  }
0x10a: {  	v47 =	vadd.s32 s2, v26;
	v40 =	vor.u32 v3, v46;
	v35 =	vadd.f32 v58, v35  }
0x10b: {  	v48 =	vld.idx.msk [tilespmem:v41+s12+$0x0], $0xffff;
	v49 =	vand.u32 $0x7FF8, v47  }
0x10c: {  	v50 =	vadd.s32 s2, v27;
	v41 =	vor.u32 v5, v49;
	v35 =	vadd.f32 v61, v35  }
0x10d: {  	v51 =	vld.idx.msk [tilespmem:v39+s12+$0x0], $0xffff;
	v52 =	vand.u32 $0x7FF8, v50  }
0x10e: {  	v53 =	vadd.s32 s2, v28;
	v39 =	vor.u32 v7, v52;
	v35 =	vadd.f32 v45, v35  }
0x10f: {  	v54 =	vld.idx.msk [tilespmem:v40+s12+$0x0], $0xffff;
	v55 =	vand.u32 $0x7FF8, v53  }
0x110: {  	v56 =	vadd.s32 s2, v29;
	v40 =	vor.u32 v9, v55;
	v35 =	vadd.f32 v48, v35  }
0x111: {  	v57 =	vld.idx.msk [tilespmem:v41+s12+$0x0], $0xffff;
	v58 =	vand.u32 $0x7FF8, v56  }
0x112: {  	v59 =	vadd.s32 s2, v30;
	v41 =	vor.u32 v11, v58;
	v35 =	vadd.f32 v51, v35  }
0x113: {  	v60 =	vld.idx.msk [tilespmem:v39+s12+$0x0], $0xffff;
	v61 =	vand.u32 $0x7FF8, v59  }
0x114: {  	v62 =	vadd.s32 s2, v31;
	v39 =	vor.u32 v13, v61;
	v35 =	vadd.f32 v54, v35  }
0x115: {  	v44 =	vand.u32 $0x7FF8, v62;
	v63 =	vld.idx.msk [tilespmem:v40+s12+$0x0], $0xffff  }
0x116: {  	v40 =	vor.u32 v15, v44;
	v45 =	vadd.s32 s2, v32;
	v35 =	vadd.f32 v57, v35  }
0x117: {  	v47 =	vand.u32 $0x7FF8, v45;
	v46 =	vld.idx.msk [tilespmem:v41+s12+$0x0], $0xffff  }
0x118: {  	v48 =	vadd.s32 s2, v33;
	v41 =	vor.u32 v1, v47;
	v35 =	vadd.f32 v60, v35  }
0x119: {  	v49 =	vand.u32 $0x7FF8, v48;
	v39 =	vld.idx.msk [tilespmem:v39+s12+$0x0], $0xffff  }
0x11a: {  	v36 =	vor.u32 v3, v49;
	v35 =	vadd.f32 v63, v35  }
0x11b: {  	v50 =	vld.idx.msk [tilespmem:v40+s12+$0x0], $0xffff  }
0x11c: {  	v35 =	vadd.f32 v46, v35  }
0x11d: {  	v51 =	vld.idx.msk [tilespmem:v41+s12+$0x0], $0xffff  }
0x11e: {  	v52 =	vld [tilespmem:s0+$0x0];
	v35 =	vadd.f32 v39, v35  }
0x11f: {  	v36 =	vld.idx.msk [tilespmem:v36+s12+$0x0], $0xffff  }
0x120: {  	v35 =	vadd.f32 v50, v35;
	_ =	sdelay $0x1  }
0x121: {  	v35 =	vadd.f32 v51, v35;
	_ =	sdelay $0x1  }
0x122: {  	v53 =	vmul.f32 $5.000000000e-01, v52;
	v35 =	vadd.f32 v36, v35;
	_ =	sdelay $0x1  }
0x123: {  	v35 =	vadd.f32 v53, v35;
	_ =	sdelay $0x1  }
0x124: {  	v35 =	vadd.f32 v35, v34;
	_ =	sdelay $0x1  }
0x125: {  	v35 =	vsub.f32 $0.0e+00, v35;
	_ =	sdelay $0x1  }
0x126: {  	v35 =	vmul.f32 $1.442695020e+00, v35;
	_ =	sdelay $0x1  }
0x127: {  	(erf) = vpow2.f32 v35;
	_ =	sdelay $0x8  }
0x128: {  	v35 =	vpop (erf)  }
0x129: {  	v35 =	vadd.f32 $1.000000000e+00, v35;
	_ =	sdelay $0x1  }
0x12a: {  	(erf) = vrcp.f32 v35;
	_ =	sdelay $0x2  }
0x12b: {  	s14 =	simm.s32 $0x1A0  }
0x12c: {  	v54 =	vadd.s32 s14, v2  }
0x12d: {  	v55 =	vadd.s32 s14, v0;
	v35 =	vand.u32 $0x7FF8, v54  }
0x12e: {  	v36 =	vand.u32 $0x7FF8, v55;
	v35 =	vor.u32 v3, v35  }
0x12f: {  	v56 =	vadd.s32 s14, v4;
	v36 =	vor.u32 v1, v36  }
0x130: {  	v37 =	vand.u32 $0x7FF8, v56  }
0x131: {  	v37 =	vor.u32 v5, v37;
	v57 =	vadd.s32 s14, v6;
	v58 =	vpop (erf)  }
0x132: {  	v38 =	vand.u32 $0x7FF8, v57;
	[tilespmem:s31+$0x0] =	vst v58  }
0x133: {  	v59 =	vadd.s32 s14, v8;
	v38 =	vor.u32 v7, v38;
	v35 =	vld.idx.msk [tilespmem:v35+s12+$0x0], $0xffff  }
0x134: {  	v39 =	vand.u32 $0x7FF8, v59;
	v36 =	vld.idx.msk [tilespmem:v36+s12+$0x0], $0xffff  }
0x135: {  	v60 =	vadd.s32 s14, v10;
	v39 =	vor.u32 v9, v39  }
0x136: {  	v40 =	vand.u32 $0x7FF8, v60;
	v37 =	vld.idx.msk [tilespmem:v37+s12+$0x0], $0xffff  }
0x137: {  	v61 =	vadd.s32 s14, v12;
	v40 =	vor.u32 v11, v40  }
0x138: {  	v41 =	vand.u32 $0x7FF8, v61;
	v38 =	vld.idx.msk [tilespmem:v38+s12+$0x0], $0xffff  }
0x139: {  	v62 =	vadd.s32 s14, v14;
	v41 =	vor.u32 v13, v41;
	v35 =	vadd.f32 v35, v36  }
0x13a: {  	v44 =	vand.u32 $0x7FF8, v62;
	v63 =	vld.idx.msk [tilespmem:v39+s12+$0x0], $0xffff  }
0x13b: {  	v45 =	vadd.s32 s14, v16;
	v39 =	vor.u32 v15, v44;
	v35 =	vadd.f32 v37, v35  }
0x13c: {  	v47 =	vand.u32 $0x7FF8, v45;
	v46 =	vld.idx.msk [tilespmem:v40+s12+$0x0], $0xffff  }
0x13d: {  	v48 =	vadd.s32 s14, v17;
	v40 =	vor.u32 v1, v47;
	v35 =	vadd.f32 v38, v35  }
0x13e: {  	v50 =	vand.u32 $0x7FF8, v48;
	v49 =	vld.idx.msk [tilespmem:v41+s12+$0x0], $0xffff  }
0x13f: {  	v51 =	vadd.s32 s14, v18;
	v41 =	vor.u32 v3, v50;
	v35 =	vadd.f32 v63, v35  }
0x140: {  	v53 =	vand.u32 $0x7FF8, v51;
	v52 =	vld.idx.msk [tilespmem:v39+s12+$0x0], $0xffff  }
0x141: {  	v54 =	vadd.s32 s14, v19;
	v39 =	vor.u32 v5, v53;
	v35 =	vadd.f32 v46, v35  }
0x142: {  	v56 =	vand.u32 $0x7FF8, v54;
	v55 =	vld.idx.msk [tilespmem:v40+s12+$0x0], $0xffff  }
0x143: {  	v57 =	vadd.s32 s14, v20;
	v40 =	vor.u32 v7, v56;
	v35 =	vadd.f32 v49, v35  }
0x144: {  	v59 =	vand.u32 $0x7FF8, v57;
	v58 =	vld.idx.msk [tilespmem:v41+s12+$0x0], $0xffff  }
0x145: {  	v60 =	vadd.s32 s14, v21;
	v41 =	vor.u32 v9, v59;
	v35 =	vadd.f32 v52, v35  }
0x146: {  	v62 =	vand.u32 $0x7FF8, v60;
	v61 =	vld.idx.msk [tilespmem:v39+s12+$0x0], $0xffff  }
0x147: {  	v39 =	vor.u32 v11, v62;
	v63 =	vadd.s32 s14, v22;
	v35 =	vadd.f32 v55, v35  }
0x148: {  	v45 =	vld.idx.msk [tilespmem:v40+s12+$0x0], $0xffff;
	v46 =	vand.u32 $0x7FF8, v63  }
0x149: {  	v47 =	vadd.s32 s14, v23;
	v40 =	vor.u32 v13, v46;
	v35 =	vadd.f32 v58, v35  }
0x14a: {  	v48 =	vld.idx.msk [tilespmem:v41+s12+$0x0], $0xffff;
	v49 =	vand.u32 $0x7FF8, v47  }
0x14b: {  	v50 =	vadd.s32 s14, v24;
	v41 =	vor.u32 v15, v49;
	v35 =	vadd.f32 v61, v35  }
0x14c: {  	v51 =	vld.idx.msk [tilespmem:v39+s12+$0x0], $0xffff;
	v52 =	vand.u32 $0x7FF8, v50  }
0x14d: {  	v53 =	vadd.s32 s14, v25;
	v39 =	vor.u32 v1, v52;
	v35 =	vadd.f32 v45, v35  }
0x14e: {  	v54 =	vld.idx.msk [tilespmem:v40+s12+$0x0], $0xffff;
	v55 =	vand.u32 $0x7FF8, v53  }
0x14f: {  	v56 =	vadd.s32 s14, v26;
	v40 =	vor.u32 v3, v55;
	v35 =	vadd.f32 v48, v35  }
0x150: {  	v57 =	vld.idx.msk [tilespmem:v41+s12+$0x0], $0xffff;
	v58 =	vand.u32 $0x7FF8, v56  }
0x151: {  	v59 =	vadd.s32 s14, v27;
	v41 =	vor.u32 v5, v58;
	v35 =	vadd.f32 v51, v35  }
0x152: {  	v60 =	vld.idx.msk [tilespmem:v39+s12+$0x0], $0xffff;
	v61 =	vand.u32 $0x7FF8, v59  }
0x153: {  	v62 =	vadd.s32 s14, v28;
	v39 =	vor.u32 v7, v61;
	v35 =	vadd.f32 v54, v35  }
0x154: {  	v44 =	vand.u32 $0x7FF8, v62;
	v63 =	vld.idx.msk [tilespmem:v40+s12+$0x0], $0xffff  }
0x155: {  	v40 =	vor.u32 v9, v44;
	v45 =	vadd.s32 s14, v29;
	v35 =	vadd.f32 v57, v35  }
0x156: {  	v47 =	vand.u32 $0x7FF8, v45;
	v46 =	vld.idx.msk [tilespmem:v41+s12+$0x0], $0xffff  }
0x157: {  	v41 =	vor.u32 v11, v47;
	v48 =	vadd.s32 s14, v30;
	v35 =	vadd.f32 v60, v35  }
0x158: {  	v50 =	vand.u32 $0x7FF8, v48;
	v49 =	vld.idx.msk [tilespmem:v39+s12+$0x0], $0xffff  }
0x159: {  	v39 =	vor.u32 v13, v50;
	v51 =	vadd.s32 s14, v31;
	v35 =	vadd.f32 v63, v35  }
0x15a: {  	v52 =	vld.idx.msk [tilespmem:v40+s12+$0x0], $0xffff;
	v53 =	vand.u32 $0x7FF8, v51  }
0x15b: {  	v40 =	vor.u32 v15, v53;
	v54 =	vadd.s32 s14, v32;
	v35 =	vadd.f32 v46, v35  }
0x15c: {  	v55 =	vld.idx.msk [tilespmem:v41+s12+$0x0], $0xffff;
	v56 =	vand.u32 $0x7FF8, v54  }
0x15d: {  	v57 =	vadd.s32 s14, v33;
	v41 =	vor.u32 v1, v56;
	v35 =	vadd.f32 v49, v35  }
0x15e: {  	v58 =	vand.u32 $0x7FF8, v57;
	v39 =	vld.idx.msk [tilespmem:v39+s12+$0x0], $0xffff  }
0x15f: {  	v36 =	vor.u32 v3, v58;
	v35 =	vadd.f32 v52, v35  }
0x160: {  	v59 =	vld.idx.msk [tilespmem:v40+s12+$0x0], $0xffff  }
0x161: {  	v35 =	vadd.f32 v55, v35  }
0x162: {  	s0 =	simm.s32 $0x6810;
	v60 =	vld.idx.msk [tilespmem:v41+s12+$0x0], $0xffff  }
0x163: {  	v61 =	vld [tilespmem:s0+$0x0];
	v35 =	vadd.f32 v39, v35  }
0x164: {  	v36 =	vld.idx.msk [tilespmem:v36+s12+$0x0], $0xffff  }
0x165: {  	v35 =	vadd.f32 v59, v35;
	_ =	sdelay $0x1  }
0x166: {  	v35 =	vadd.f32 v60, v35;
	_ =	sdelay $0x1  }
0x167: {  	v62 =	vmul.f32 $5.000000000e-01, v61;
	v35 =	vadd.f32 v36, v35;
	_ =	sdelay $0x1  }
0x168: {  	v35 =	vadd.f32 v62, v35;
	_ =	sdelay $0x1  }
0x169: {  	v35 =	vadd.f32 v35, v34;
	_ =	sdelay $0x1  }
0x16a: {  	v35 =	vsub.f32 $0.0e+00, v35;
	_ =	sdelay $0x1  }
0x16b: {  	v35 =	vmul.f32 $1.442695020e+00, v35;
	_ =	sdelay $0x1  }
0x16c: {  	(erf) = vpow2.f32 v35;
	_ =	sdelay $0x8  }
0x16d: {  	v35 =	vpop (erf)  }
0x16e: {  	v35 =	vadd.f32 $1.000000000e+00, v35;
	_ =	sdelay $0x1  }
0x16f: {  	(erf) = vrcp.f32 v35;
	_ =	sdelay $0x2  }
0x170: {  	s10 =	simm.s32 $0x340  }
0x171: {  	v63 =	vadd.s32 s10, v2  }
0x172: {  	s13 =	simm.s32 $0x6A00;
	s14 =	simm.s32 $0x4E0;
	v36 =	vand.u32 $0x7FF8, v63;
	v35 =	vadd.s32 s10, v0  }
.LBB2_2:
0x173: {  	p0 =	sne.s32 s14, $0x3260;
	v35 =	vand.u32 $0x7FF8, v35;
	v36 =	vor.u32 v3, v36  }
0x174: {  	v37 =	vadd.s32 s10, v4;
	v35 =	vor.u32 v1, v35  }
0x175: {  	v37 =	vand.u32 $0x7FF8, v37  }
0x176: {  	v38 =	vadd.s32 s10, v6;
	s13 =	sadd.s32 $0x10, s13;
	v37 =	vor.u32 v5, v37;
	v39 =	vpop (erf)  }
0x177: {  	v38 =	vand.u32 $0x7FF8, v38;
	[tilespmem:s13+$0x0] =	vst v39  }
0x178: {  	v38 =	vor.u32 v7, v38;
	v39 =	vadd.s32 s10, v8;
	v36 =	vld.idx.msk [tilespmem:v36+s12+$0x0], $0xffff  }
0x179: {  	v39 =	vand.u32 $0x7FF8, v39;
	v35 =	vld.idx.msk [tilespmem:v35+s12+$0x0], $0xffff  }
0x17a: {  	v40 =	vadd.s32 s10, v10;
	v39 =	vor.u32 v9, v39  }
0x17b: {  	v40 =	vand.u32 $0x7FF8, v40;
	v37 =	vld.idx.msk [tilespmem:v37+s12+$0x0], $0xffff  }
0x17c: {  	v41 =	vadd.s32 s10, v12;
	v40 =	vor.u32 v11, v40  }
0x17d: {  	v41 =	vand.u32 $0x7FF8, v41;
	v38 =	vld.idx.msk [tilespmem:v38+s12+$0x0], $0xffff  }
0x17e: {  	v42 =	vadd.s32 s10, v14;
	v41 =	vor.u32 v13, v41  }
0x17f: {  	v35 =	vadd.f32 v36, v35;
	v36 =	vld.idx.msk [tilespmem:v39+s12+$0x0], $0xffff;
	v39 =	vand.u32 $0x7FF8, v42  }
0x180: {  	v42 =	vadd.s32 s10, v16;
	v39 =	vor.u32 v15, v39  }
0x181: {  	v35 =	vadd.f32 v37, v35;
	v37 =	vld.idx.msk [tilespmem:v40+s12+$0x0], $0xffff;
	v40 =	vand.u32 $0x7FF8, v42  }
0x182: {  	v42 =	vadd.s32 s10, v17;
	v40 =	vor.u32 v1, v40  }
0x183: {  	v35 =	vadd.f32 v38, v35;
	v38 =	vld.idx.msk [tilespmem:v41+s12+$0x0], $0xffff;
	v41 =	vand.u32 $0x7FF8, v42  }
0x184: {  	v42 =	vadd.s32 s10, v18;
	v41 =	vor.u32 v3, v41  }
0x185: {  	v35 =	vadd.f32 v36, v35;
	v36 =	vld.idx.msk [tilespmem:v39+s12+$0x0], $0xffff;
	v39 =	vand.u32 $0x7FF8, v42  }
0x186: {  	v42 =	vadd.s32 s10, v19;
	v39 =	vor.u32 v5, v39  }
0x187: {  	v35 =	vadd.f32 v37, v35;
	v37 =	vld.idx.msk [tilespmem:v40+s12+$0x0], $0xffff;
	v40 =	vand.u32 $0x7FF8, v42  }
0x188: {  	v42 =	vadd.s32 s10, v20;
	v40 =	vor.u32 v7, v40  }
0x189: {  	v35 =	vadd.f32 v38, v35;
	v38 =	vld.idx.msk [tilespmem:v41+s12+$0x0], $0xffff;
	v41 =	vand.u32 $0x7FF8, v42  }
0x18a: {  	v42 =	vadd.s32 s10, v21;
	v41 =	vor.u32 v9, v41  }
0x18b: {  	v35 =	vadd.f32 v36, v35;
	v36 =	vld.idx.msk [tilespmem:v39+s12+$0x0], $0xffff;
	v39 =	vand.u32 $0x7FF8, v42  }
0x18c: {  	v42 =	vadd.s32 s10, v22;
	v39 =	vor.u32 v11, v39  }
0x18d: {  	v35 =	vadd.f32 v37, v35;
	v37 =	vld.idx.msk [tilespmem:v40+s12+$0x0], $0xffff;
	v40 =	vand.u32 $0x7FF8, v42  }
0x18e: {  	v42 =	vadd.s32 s10, v23;
	v40 =	vor.u32 v13, v40  }
0x18f: {  	v35 =	vadd.f32 v38, v35;
	v38 =	vld.idx.msk [tilespmem:v41+s12+$0x0], $0xffff;
	v41 =	vand.u32 $0x7FF8, v42  }
0x190: {  	v42 =	vadd.s32 s10, v24;
	v41 =	vor.u32 v15, v41  }
0x191: {  	v35 =	vadd.f32 v36, v35;
	v36 =	vld.idx.msk [tilespmem:v39+s12+$0x0], $0xffff;
	v39 =	vand.u32 $0x7FF8, v42  }
0x192: {  	v42 =	vadd.s32 s10, v25;
	v39 =	vor.u32 v1, v39  }
0x193: {  	v35 =	vadd.f32 v37, v35;
	v37 =	vld.idx.msk [tilespmem:v40+s12+$0x0], $0xffff;
	v40 =	vand.u32 $0x7FF8, v42  }
0x194: {  	v42 =	vadd.s32 s10, v26;
	v40 =	vor.u32 v3, v40  }
0x195: {  	v35 =	vadd.f32 v38, v35;
	v38 =	vld.idx.msk [tilespmem:v41+s12+$0x0], $0xffff;
	v41 =	vand.u32 $0x7FF8, v42  }
0x196: {  	v42 =	vadd.s32 s10, v27;
	v41 =	vor.u32 v5, v41  }
0x197: {  	v35 =	vadd.f32 v36, v35;
	v36 =	vld.idx.msk [tilespmem:v39+s12+$0x0], $0xffff;
	v39 =	vand.u32 $0x7FF8, v42  }
0x198: {  	v42 =	vadd.s32 s10, v28;
	v39 =	vor.u32 v7, v39  }
0x199: {  	v35 =	vadd.f32 v37, v35;
	v37 =	vld.idx.msk [tilespmem:v40+s12+$0x0], $0xffff;
	v40 =	vand.u32 $0x7FF8, v42  }
0x19a: {  	v42 =	vadd.s32 s10, v29;
	v40 =	vor.u32 v9, v40  }
0x19b: {  	v35 =	vadd.f32 v38, v35;
	v38 =	vld.idx.msk [tilespmem:v41+s12+$0x0], $0xffff;
	v41 =	vand.u32 $0x7FF8, v42  }
0x19c: {  	v42 =	vadd.s32 s10, v30;
	v41 =	vor.u32 v11, v41  }
0x19d: {  	v35 =	vadd.f32 v36, v35;
	v36 =	vld.idx.msk [tilespmem:v39+s12+$0x0], $0xffff;
	v39 =	vand.u32 $0x7FF8, v42  }
0x19e: {  	v42 =	vadd.s32 s10, v31;
	v39 =	vor.u32 v13, v39  }
0x19f: {  	v35 =	vadd.f32 v37, v35;
	v37 =	vld.idx.msk [tilespmem:v40+s12+$0x0], $0xffff;
	v40 =	vand.u32 $0x7FF8, v42  }
0x1a0: {  	v42 =	vadd.s32 s10, v32;
	v40 =	vor.u32 v15, v40  }
0x1a1: {  	v35 =	vadd.f32 v38, v35;
	v38 =	vld.idx.msk [tilespmem:v41+s12+$0x0], $0xffff;
	v41 =	vand.u32 $0x7FF8, v42  }
0x1a2: {  	v42 =	vadd.s32 s10, v33;
	s10 =	smov.u32 s14;
	v41 =	vor.u32 v1, v41  }
0x1a3: {  	v35 =	vadd.f32 v36, v35;
	v36 =	vld.idx.msk [tilespmem:v39+s12+$0x0], $0xffff;
	v39 =	vand.u32 $0x7FF8, v42  }
0x1a4: {  	v39 =	vor.u32 v3, v39  }
0x1a5: {  	v35 =	vadd.f32 v37, v35;
	v37 =	vld.idx.msk [tilespmem:v40+s12+$0x0], $0xffff;
	_ =	sdelay $0x1  }
0x1a6: {  	v35 =	vadd.f32 v38, v35;
	v38 =	vld.idx.msk [tilespmem:v41+s12+$0x0], $0xffff;
	_ =	sdelay $0x1  }
0x1a7: {  	s0 =	sadd.s32 $0x10, s0;
	v35 =	vadd.f32 v36, v35;
	v36 =	vld.idx.msk [tilespmem:v39+s12+$0x0], $0xffff  }
0x1a8: {  	v39 =	vld [tilespmem:s0+$0x0]  }
0x1a9: {  	v35 =	vadd.f32 v37, v35;
	_ =	sdelay $0x1  }
0x1aa: {  	v35 =	vadd.f32 v38, v35;
	_ =	sdelay $0x1  }
0x1ab: {  	v35 =	vadd.f32 v36, v35;
	v36 =	vmul.f32 $5.000000000e-01, v39;
	_ =	sdelay $0x1  }
0x1ac: {  	v35 =	vadd.f32 v36, v35;
	_ =	sdelay $0x1  }
0x1ad: {  	v35 =	vadd.f32 v35, v34;
	_ =	sdelay $0x1  }
0x1ae: {  	v35 =	vsub.f32 $0.0e+00, v35;
	_ =	sdelay $0x1  }
0x1af: {  	v35 =	vmul.f32 $1.442695020e+00, v35;
	_ =	sdelay $0x1  }
0x1b0: {  	(erf) = vpow2.f32 v35;
	_ =	sdelay $0x8  }
0x1b1: {  	v35 =	vpop (erf)  }
0x1b2: {  	v35 =	vadd.f32 $1.000000000e+00, v35;
	_ =	sdelay $0x1  }
0x1b3: {  	(erf) = vrcp.f32 v35  }
.Ltmp0:
0x1b4: {  	(pc) =	sbr.rel @p0 .LBB2_2-.Ltmp0, $3  }
0x1b5: {  	_ =	sdelay $0x1  }
0x1b6: {  	v36 =	vadd.s32 s14, v2  }
0x1b7: {  	s14 =	sadd.s32 $0x1A0, s14;
	v36 =	vand.u32 $0x7FF8, v36;
	v35 =	vadd.s32 s10, v0  }
0x1b8: {  	v35 =	vand.u32 $0x7FF8, v35;
	v36 =	vor.u32 v3, v36  }
0x1b9: {  	v37 =	vadd.s32 s10, v4;
	v35 =	vor.u32 v1, v35  }
0x1ba: {  	v37 =	vand.u32 $0x7FF8, v37  }
0x1bb: {  	v38 =	vadd.s32 s10, v6;
	s13 =	sadd.s32 $0x10, s13;
	v37 =	vor.u32 v5, v37;
	v39 =	vpop (erf)  }
0x1bc: {  	v38 =	vand.u32 $0x7FF8, v38;
	[tilespmem:s13+$0x0] =	vst v39  }
0x1bd: {  	v62 =	vadd.s32 s10, v8;
	v38 =	vor.u32 v7, v38;
	v36 =	vld.idx.msk [tilespmem:v36+s12+$0x0], $0xffff  }
0x1be: {  	v39 =	vand.u32 $0x7FF8, v62;
	v35 =	vld.idx.msk [tilespmem:v35+s12+$0x0], $0xffff  }
0x1bf: {  	v40 =	vadd.s32 s10, v10;
	v39 =	vor.u32 v9, v39  }
0x1c0: {  	v40 =	vand.u32 $0x7FF8, v40;
	v37 =	vld.idx.msk [tilespmem:v37+s12+$0x0], $0xffff  }
0x1c1: {  	v41 =	vadd.s32 s10, v12;
	v40 =	vor.u32 v11, v40  }
0x1c2: {  	v41 =	vand.u32 $0x7FF8, v41;
	v38 =	vld.idx.msk [tilespmem:v38+s12+$0x0], $0xffff  }
0x1c3: {  	v42 =	vadd.s32 s10, v14;
	v41 =	vor.u32 v13, v41;
	v35 =	vadd.f32 v36, v35  }
0x1c4: {  	v44 =	vand.u32 $0x7FF8, v42;
	v63 =	vld.idx.msk [tilespmem:v39+s12+$0x0], $0xffff  }
0x1c5: {  	v45 =	vadd.s32 s10, v16;
	v39 =	vor.u32 v15, v44;
	v35 =	vadd.f32 v37, v35  }
0x1c6: {  	v47 =	vand.u32 $0x7FF8, v45;
	v46 =	vld.idx.msk [tilespmem:v40+s12+$0x0], $0xffff  }
0x1c7: {  	v48 =	vadd.s32 s10, v17;
	v40 =	vor.u32 v1, v47;
	v35 =	vadd.f32 v38, v35  }
0x1c8: {  	v50 =	vand.u32 $0x7FF8, v48;
	v49 =	vld.idx.msk [tilespmem:v41+s12+$0x0], $0xffff  }
0x1c9: {  	v51 =	vadd.s32 s10, v18;
	v41 =	vor.u32 v3, v50;
	v35 =	vadd.f32 v63, v35  }
0x1ca: {  	v53 =	vand.u32 $0x7FF8, v51;
	v52 =	vld.idx.msk [tilespmem:v39+s12+$0x0], $0xffff  }
0x1cb: {  	v54 =	vadd.s32 s10, v19;
	v39 =	vor.u32 v5, v53;
	v35 =	vadd.f32 v46, v35  }
0x1cc: {  	v56 =	vand.u32 $0x7FF8, v54;
	v55 =	vld.idx.msk [tilespmem:v40+s12+$0x0], $0xffff  }
0x1cd: {  	v57 =	vadd.s32 s10, v20;
	v40 =	vor.u32 v7, v56;
	v35 =	vadd.f32 v49, v35  }
0x1ce: {  	v59 =	vand.u32 $0x7FF8, v57;
	v58 =	vld.idx.msk [tilespmem:v41+s12+$0x0], $0xffff  }
0x1cf: {  	v60 =	vadd.s32 s10, v21;
	v41 =	vor.u32 v9, v59;
	v35 =	vadd.f32 v52, v35  }
0x1d0: {  	v62 =	vand.u32 $0x7FF8, v60;
	v61 =	vld.idx.msk [tilespmem:v39+s12+$0x0], $0xffff  }
0x1d1: {  	v63 =	vadd.s32 s10, v22;
	v39 =	vor.u32 v11, v62;
	v35 =	vadd.f32 v55, v35  }
0x1d2: {  	v45 =	vld.idx.msk [tilespmem:v40+s12+$0x0], $0xffff;
	v46 =	vand.u32 $0x7FF8, v63  }
0x1d3: {  	v47 =	vadd.s32 s10, v23;
	v40 =	vor.u32 v13, v46;
	v35 =	vadd.f32 v58, v35  }
0x1d4: {  	v48 =	vld.idx.msk [tilespmem:v41+s12+$0x0], $0xffff;
	v49 =	vand.u32 $0x7FF8, v47  }
0x1d5: {  	v50 =	vadd.s32 s10, v24;
	v41 =	vor.u32 v15, v49;
	v35 =	vadd.f32 v61, v35  }
0x1d6: {  	v52 =	vand.u32 $0x7FF8, v50;
	v51 =	vld.idx.msk [tilespmem:v39+s12+$0x0], $0xffff  }
0x1d7: {  	v53 =	vadd.s32 s10, v25;
	v39 =	vor.u32 v1, v52;
	v35 =	vadd.f32 v45, v35  }
0x1d8: {  	v54 =	vld.idx.msk [tilespmem:v40+s12+$0x0], $0xffff;
	v55 =	vand.u32 $0x7FF8, v53  }
0x1d9: {  	v56 =	vadd.s32 s10, v26;
	v40 =	vor.u32 v3, v55;
	v35 =	vadd.f32 v48, v35  }
0x1da: {  	v57 =	vld.idx.msk [tilespmem:v41+s12+$0x0], $0xffff;
	v58 =	vand.u32 $0x7FF8, v56  }
0x1db: {  	v59 =	vadd.s32 s10, v27;
	v41 =	vor.u32 v5, v58;
	v35 =	vadd.f32 v51, v35  }
0x1dc: {  	v61 =	vand.u32 $0x7FF8, v59;
	v60 =	vld.idx.msk [tilespmem:v39+s12+$0x0], $0xffff  }
0x1dd: {  	v62 =	vadd.s32 s10, v28;
	v39 =	vor.u32 v7, v61;
	v35 =	vadd.f32 v54, v35  }
0x1de: {  	v63 =	vld.idx.msk [tilespmem:v40+s12+$0x0], $0xffff;
	v45 =	vand.u32 $0x7FF8, v62  }
0x1df: {  	v46 =	vadd.s32 s10, v29;
	v40 =	vor.u32 v9, v45;
	v35 =	vadd.f32 v57, v35  }
0x1e0: {  	v47 =	vld.idx.msk [tilespmem:v41+s12+$0x0], $0xffff;
	v48 =	vand.u32 $0x7FF8, v46  }
0x1e1: {  	v49 =	vadd.s32 s10, v30;
	v41 =	vor.u32 v11, v48;
	v35 =	vadd.f32 v60, v35  }
0x1e2: {  	v50 =	vld.idx.msk [tilespmem:v39+s12+$0x0], $0xffff;
	v51 =	vand.u32 $0x7FF8, v49  }
0x1e3: {  	v52 =	vadd.s32 s10, v31;
	v39 =	vor.u32 v13, v51;
	v35 =	vadd.f32 v63, v35  }
0x1e4: {  	v53 =	vld.idx.msk [tilespmem:v40+s12+$0x0], $0xffff;
	v54 =	vand.u32 $0x7FF8, v52  }
0x1e5: {  	v55 =	vadd.s32 s10, v32;
	v40 =	vor.u32 v15, v54;
	v35 =	vadd.f32 v47, v35  }
0x1e6: {  	v56 =	vld.idx.msk [tilespmem:v41+s12+$0x0], $0xffff;
	v57 =	vand.u32 $0x7FF8, v55  }
0x1e7: {  	v58 =	vadd.s32 s10, v33;
	v41 =	vor.u32 v1, v57;
	v35 =	vadd.f32 v50, v35  }
0x1e8: {  	v59 =	vand.u32 $0x7FF8, v58;
	v39 =	vld.idx.msk [tilespmem:v39+s12+$0x0], $0xffff  }
0x1e9: {  	v36 =	vor.u32 v3, v59;
	v35 =	vadd.f32 v53, v35  }
0x1ea: {  	v60 =	vld.idx.msk [tilespmem:v40+s12+$0x0], $0xffff  }
0x1eb: {  	v35 =	vadd.f32 v56, v35  }
0x1ec: {  	s0 =	sadd.s32 $0x10, s0;
	v61 =	vld.idx.msk [tilespmem:v41+s12+$0x0], $0xffff  }
0x1ed: {  	v62 =	vld [tilespmem:s0+$0x0];
	v35 =	vadd.f32 v39, v35  }
0x1ee: {  	v36 =	vld.idx.msk [tilespmem:v36+s12+$0x0], $0xffff  }
0x1ef: {  	v35 =	vadd.f32 v60, v35;
	_ =	sdelay $0x1  }
0x1f0: {  	v35 =	vadd.f32 v61, v35;
	_ =	sdelay $0x1  }
0x1f1: {  	v63 =	vmul.f32 $5.000000000e-01, v62;
	v35 =	vadd.f32 v36, v35;
	_ =	sdelay $0x1  }
0x1f2: {  	v35 =	vadd.f32 v63, v35;
	_ =	sdelay $0x1  }
0x1f3: {  	v34 =	vadd.f32 v35, v34;
	_ =	sdelay $0x1  }
0x1f4: {  	v34 =	vsub.f32 $0.0e+00, v34;
	_ =	sdelay $0x1  }
0x1f5: {  	v34 =	vmul.f32 $1.442695020e+00, v34;
	_ =	sdelay $0x1  }
0x1f6: {  	(erf) = vpow2.f32 v34;
	_ =	sdelay $0x8  }
0x1f7: {  	v34 =	vpop (erf)  }
0x1f8: {  	v34 =	vadd.f32 $1.000000000e+00, v34;
	_ =	sdelay $0x1  }
0x1f9: {  	(erf) = vrcp.f32 v34;
	_ =	sdelay $0x7  }
0x1fa: {  	s1 =	sadd.s32 $0x1, s1  }
0x1fb: {  	s14 =	sadd.s32 $0x10, s13;
	p0 =	sne.s32 s1, s8;
	v34 =	vpop (erf)  }
.Ltmp1:
0x1fc: {  	[tilespmem:s14+$0x0] =	vst v34;
	(pc) =	sbr.rel @p0 .LBB2_1-.Ltmp1, $4  }
0x1fd: {  	[hbm4b:s7+s2] =	stream.linear.scatter [tilespmem:s31], [sflag:$0x2], $0x200, $0x38;
	[tilespmem:$0x6C10] =	vst v63  }
0x1fe: {  	_ =	swait.ge [sflag:s9], $0x200  }
0x1ff: {  	[sflag:s9] =	ssyncset.done $0x0  }
0x200: {  	[sflag:s9] =	ssyncadd.s32 $0xFFFFFE00  }
0x201: {  	_ =	sfence.sel $0x180000  }
0x202: {  	[bflag:$0x0] =	sbarrier.arrive $0xFFFF  }
0x203: {  	_ =	strace $0x9000004D  }
0x204: {  	s0 =	stileid.u32;
	[bflag:$0x2] =	sbarrier.arrive $0xFFFF  }
0x205: {  	p0 =	sne.s32 s0, $0x0;
	s0 =	rddreg [dreg:$0x2]  }
0x206: {  	s0 =	sadd.s32 @!p0 $0x100000, s0  }
0x207: {  	[sflag:s0] =	ssyncadd.tile.s32 @!p0 $0x1;
	_ =	shalt  }
.Lfunc_end2:
_tile_overlayer_lowered:
.L_overlay_start_2:
0x208: {  	(tag) =	ssettag $0x2  }
0x209: {  	s0 =	rddreg [dreg:$0x0];
	s2 =	stileid.u32  }
0x20a: {  	s1 =	rddreg [dreg:$0x1];
	p0 =	sne.s32 s2, $0x0  }
0x20b: {  	s3 =	rddreg [dreg:$0x2];
	[bflag:$0x3] =	sbarrier.arrive $0xFFFF;
	s2 =	simm.s32 @!p0 $0x1C02  }
0x20c: {  	[timem:s3], [sflag:s2] =	dma.local @!p0 [hbm:s0], s1  }
0x20d: {  	s0 =	simm.s32 @!p0 $0x2  }
0x20e: {  	_ =	swait.ge @!p0 [sflag:s0], s1  }
0x20f: {  	s1 =	ssub.s32 @!p0 $0x0, s1;
	[sflag:s0] =	ssyncset.done @!p0 $0x0  }
0x210: {  	[sflag:s0] =	ssyncadd.s32 @!p0 s1  }
0x211: {  	[bflag:$0x3] =	sbarrier.arrive $0xFFFF  }
0x212: {  	_ =	shalt  }

// kernel: kernel.5.cloned.1.call-start
scs
__scs_entry_jumppad:
0x0: {  	(pc) =	sbr.rel $0x88, $3  }
0x1: {  	(tag) =	ssettag $0x0;
	lr =	simm.s32 $0x1  }
0x2: {  	[smem:$0x3F9D] =	sst lr;
	_ =	strace $0xD0000000  }
0x3: {  	_ = 	snop  }
0x4: {  	_ = 	snop  }
0x5: {  	_ = 	snop  }
0x6: {  	_ = 	snop  }
0x7: {  	_ = 	snop  }
__scs_overlays_trampoline_lowered:
0x8: {  	[smem:$0x3FAC] =	sst s0  }
0x9: {  	[smem:$0x3FAD] =	sst s1  }
0xa: {  	[smem:$0x3FAE] =	sst s2  }
0xb: {  	[smem:$0x3FAF] =	sst s3  }
0xc: {  	[smem:$0x3FB0] =	sst s4  }
0xd: {  	[smem:$0x3FB1] =	sst s5  }
0xe: {  	[smem:$0x3FB2] =	sst s6  }
0xf: {  	[smem:$0x3FB3] =	sst s7  }
0x10: {  	[smem:$0x3FB4] =	sst s8  }
0x11: {  	[smem:$0x3FB5] =	sst s9;
	s0 =	simm.s32 @!p0 $0x0  }
0x12: {  	s1 =	sld [smem:$0x3F9B];
	s0 =	simm.s32 @p0 $0x1  }
0x13: {  	[smem:$0x3FB6] =	sst s0;
	s0 =	simm.s32 @!p1 $0x0  }
0x14: {  	s2 =	sld [smem:$0x3F9A];
	s0 =	simm.s32 @p1 $0x1  }
0x15: {  	[smem:$0x3FB7] =	sst s0;
	s0 =	simm.s32 @!p2 $0x0  }
0x16: {  	s3 =	sld [smem:$0x3FDB];
	s0 =	simm.s32 @p2 $0x1  }
0x17: {  	s4 =	simm.s32 $0x1BF5;
	[smem:$0x3FB9] =	sst s0  }
0x18: {  	s0 =	sld [smem:$0x3F9C];
	_ =	swait.ge [sflag:s4], $0x0  }
0x19: {  	s7 =	sld [smem:$0x3F9D]  }
0x1a: {  	s8 =	sadd.s32 $0xFFFFE003, lr  }
0x1b: {  	s9 =	sadd.s32 $0xFFFFFEF7, lr;
	s5 =	simm.s32 $0xFFFFFFFF;
	p2 =	slt.u32 s8, $0xFFFFF086  }
0x1c: {  	p1 =	slt.u32 s9, $0xF7A;
	s5 =	simm.s32 @!p2 $0x0  }
0x1d: {  	s5 =	simm.s32 @p1 $0x1;
	p0 =	seq.s32 s7, s2  }
0x1e: {  	s7 =	smul.u32 @!p0 $0xF7A, s2;
	p2 =	seq.s32 @!p0 s5, $0x0  }
0x1f: {  	s9 =	smul.u32 $0xF7A, s1;
	s8 =	simm.s32 @!p0 $0x1BF5;
	p2 =	por !p2, p0  }
0x20: {  	[sflag:s8] =	ssyncset.s32 @!p0 $0xFFFFF086;
	s6 =	sadd.s32 @!p0 s3, s7;
	s7 =	simm.s32 @!p0 $0x108  }
0x21: {  	s3 =	sadd.s32 s3, s9;
	s6 =	sadd.s32 @!p0 $0x88, s6;
	s7 =	simm.s32 @p2 $0x1082  }
0x22: {  	[simem:s7], [sflag:s8] =	dma.local @!p0 [hbm:s6], $0xF7A  }
0x23: {  	s9 =	sor.u32 $0xD0000000, s2;
	s6 =	simm.s32 $0x108;
	_ =	swait.ge @!p0 [sflag:s8], $0x0  }
0x24: {  	s3 =	sadd.s32 $0x88, s3;
	s6 =	simm.s32 @!p1 $0x1082;
	[sflag:s4] =	ssyncset.s32 $0xFFFFF086  }
0x25: {  	[simem:s6], [sflag:s4] =	dma.local [hbm:s3], $0xF7A  }
0x26: {  	[smem:$0x3F9D] =	sst s1;
	(tag) =	ssettag s2;
	_ =	strace s9  }
0x27: {  	s1 =	sld [smem:$0x3FAD]  }
0x28: {  	s2 =	sld [smem:$0x3FAE]  }
0x29: {  	s4 =	sld [smem:$0x3FB0]  }
0x2a: {  	p0 =	seq.s32 s5, $0x0;
	s5 =	sld [smem:$0x3FB1]  }
0x2b: {  	s6 =	sld [smem:$0x3FB2]  }
0x2c: {  	s7 =	sld [smem:$0x3FB3]  }
0x2d: {  	s3 =	simm.s32 $0x108;
	s8 =	sld [smem:$0x3FB4]  }
0x2e: {  	s3 =	simm.s32 @!p0 $0x1082;
	s9 =	sld [smem:$0x3FB5]  }
0x2f: {  	lr =	sadd.s32 s0, s3;
	s0 =	sld [smem:$0x3FAC]  }
0x30: {  	s3 =	sld [smem:$0x3FAF]  }
0x31: {  	[smem:$0x3FB8] =	sst s10  }
0x32: {  	s10 =	sld [smem:$0x3FB6];
	_ =	sdelay $0x3  }
0x33: {  	p0 =	seq.s32 s10, $0x1;
	s10 =	sld [smem:$0x3FB8];
	_ =	sdelay $0x3  }
0x34: {  	[smem:$0x3FB8] =	sst s10  }
0x35: {  	s10 =	sld [smem:$0x3FB7];
	_ =	sdelay $0x3  }
0x36: {  	p1 =	seq.s32 s10, $0x1;
	s10 =	sld [smem:$0x3FB8];
	_ =	sdelay $0x3  }
0x37: {  	[smem:$0x3FB8] =	sst s10  }
0x38: {  	s10 =	sld [smem:$0x3FB9]  }
0x39: {  	_ = 	snop;
	(pc) =	sbr.ind lr, $3  }
0x3a: {  	_ = 	snop  }
0x3b: {  	_ = 	snop  }
0x3c: {  	p2 =	seq.s32 s10, $0x1;
	s10 =	sld [smem:$0x3FB8]  }
0x3d: {  	_ =	shalt  }
0x3e: {  	_ =	shalt  }
0x3f: {  	_ =	shalt  }
0x40: {  	_ =	shalt  }
0x41: {  	_ =	shalt  }
0x42: {  	_ =	shalt  }
0x43: {  	_ =	shalt  }
0x44: {  	_ =	shalt  }
0x45: {  	_ =	shalt  }
0x46: {  	_ =	shalt  }
0x47: {  	_ =	shalt  }
0x48: {  	_ =	shalt  }
0x49: {  	_ =	shalt  }
0x4a: {  	_ =	shalt  }
0x4b: {  	_ =	shalt  }
0x4c: {  	_ =	shalt  }
0x4d: {  	_ =	shalt  }
0x4e: {  	_ =	shalt  }
0x4f: {  	_ =	shalt  }
0x50: {  	_ =	shalt  }
0x51: {  	_ =	shalt  }
0x52: {  	_ =	shalt  }
0x53: {  	_ =	shalt  }
0x54: {  	_ =	shalt  }
0x55: {  	_ =	shalt  }
0x56: {  	_ =	shalt  }
0x57: {  	_ =	shalt  }
0x58: {  	_ =	shalt  }
0x59: {  	_ =	shalt  }
0x5a: {  	_ =	shalt  }
0x5b: {  	_ =	shalt  }
0x5c: {  	_ =	shalt  }
0x5d: {  	_ =	shalt  }
0x5e: {  	_ =	shalt  }
0x5f: {  	_ =	shalt  }
0x60: {  	_ =	shalt  }
0x61: {  	_ =	shalt  }
0x62: {  	_ =	shalt  }
0x63: {  	_ =	shalt  }
0x64: {  	_ =	shalt  }
0x65: {  	_ =	shalt  }
0x66: {  	_ =	shalt  }
0x67: {  	_ =	shalt  }
0x68: {  	_ =	shalt  }
0x69: {  	_ =	shalt  }
0x6a: {  	_ =	shalt  }
0x6b: {  	_ =	shalt  }
0x6c: {  	_ =	shalt  }
0x6d: {  	_ =	shalt  }
0x6e: {  	_ =	shalt  }
0x6f: {  	_ =	shalt  }
0x70: {  	_ =	shalt  }
0x71: {  	_ =	shalt  }
0x72: {  	_ =	shalt  }
0x73: {  	_ =	shalt  }
0x74: {  	_ =	shalt  }
0x75: {  	_ =	shalt  }
0x76: {  	_ =	shalt  }
0x77: {  	_ =	shalt  }
0x78: {  	_ =	shalt  }
0x79: {  	_ =	shalt  }
0x7a: {  	_ =	shalt  }
0x7b: {  	_ =	shalt  }
0x7c: {  	_ =	shalt  }
0x7d: {  	_ =	shalt  }
0x7e: {  	_ =	shalt  }
0x7f: {  	_ =	shalt  }
0x80: {  	_ =	shalt  }
0x81: {  	_ =	shalt  }
0x82: {  	_ =	shalt  }
0x83: {  	_ =	shalt  }
0x84: {  	_ =	shalt  }
0x85: {  	_ =	shalt  }
0x86: {  	_ =	shalt  }
0x87: {  	_ =	shalt  }
.Lfunc_end0:
.L_simem_size_0:
called_computation_lowered:
.L_overlay_start_0:
0x88: {  	s2 =	sld [smem:$0x3FD9]  }
0x89: {  	s3 =	sld [smem:$0x3FFE];
	_ =	sdelay $0x1  }
0x8a: {  	s1 =	srdreg.scid  }
0x8b: {  	s0 =	sand.u32 $0x1, s1  }
0x8c: {  	s17 =	sshll.u32 s0, $0xA;
	s2 =	sadd.s32 s3, s2  }
0x8d: {  	s2 =	sadd.s32 s2, s17  }
0x8e: {  	[smem:$0x3FC4] =	sst s2  }
0x8f: {  	_ = 	snop  }
0x90: {  	s2 =	sld [smem:$0x3FC8]  }
0x91: {  	s18 =	sld [smem:$0x3FD0];
	(tm) =	ssettm $0x1  }
0x92: {  	s4 =	sld [smem:$0x3FFB];
	_ =	sdelay $0x3  }
0x93: {  	_ =	strace s4  }
0x94: {  	s4 =	sld [smem:$0x3FFC];
	_ =	sdelay $0x3  }
0x95: {  	_ =	strace s4  }
0x96: {  	s4 =	sld [smem:$0x3FFD];
	_ =	sdelay $0x3  }
0x97: {  	_ =	strace s4  }
0x98: {  	_ =	strace $0x8FFFFFFF  }
0x99: {  	s19 =	sld [smem:$0x3FDB];
	_ =	sdelay $0x1  }
0x9a: {  	s5 =	simm.s32 $_scs_section_size  }
0x9b: {  	s6 =	simm.s32 $_size__tile_overlayer_lowered;
	s7 =	simm.s32 $_tile_overlayer_lowered  }
0x9c: {  	s22 =	simm.s32 $0x1BFF;
	s21 =	sshll.u32 s7, $0x1;
	s4 =	sadd.s32 s5, s19  }
0x9d: {  	s8 =	simm.s32 $0x0;
	s20 =	sshll.u32 s6, $0x1;
	s6 =	sadd.s32 s21, s4  }
0x9e: {  	[timem:s8], [sflag:s22] =	dma.local [hbm:s6], s20  }
0x9f: {  	_ =	swait.ge [sflag:s22], s20  }
0xa0: {  	s5 =	ssub.s32 $0x0, s20;
	[sflag:s22] =	ssyncset.done $0x0  }
0xa1: {  	[sflag:s22] =	ssyncadd.s32 s5;
	_ =	sdelay $0x1  }
0xa2: {  	s23 =	simm.s32 $0x1B8B  }
0xa3: {  	_ =	swait.ge [sflag:s23], $0x1  }
0xa4: {  	[sflag:s23] =	ssyncset.done $0x0  }
0xa5: {  	s25 =	simm.s32 $0x1B8E;
	s24 =	sld [smem:$0x3FFE];
	[sflag:s23] =	ssyncadd.s32 $0xFFFFFFFF  }
0xa6: {  	s26 =	simm.s32 $execute0_lowered;
	[smem:$0x3FD2] =	sst s25  }
0xa7: {  	s6 =	sshll.u32 s26, $0x1;
	_ =	strace $0x80000046;
	[dreg:$0x1] =	wrdreg $0xFFFFFFFF  }
0xa8: {  	s28 =	simm.s32 $_size_execute0_lowered;
	s4 =	sadd.s32 s4, s6;
	[dreg:$0x0] =	wrdreg $0x0  }
0xa9: {  	s6 =	sshll.u32 s28, $0x1;
	[dreg:$0x2] =	wrdreg s4  }
0xaa: {  	[dreg:$0x3] =	wrdreg s6  }
0xab: {  	[dreg:$0x4] =	wrdreg $0xC0  }
0xac: {  	_ =	task [dreg:s8], $0x5FFFF  }
0xad: {  	[dreg:$0x1] =	wrdreg $0xFFFFFFFF  }
0xae: {  	[dreg:$0x0] =	wrdreg $0x60  }
0xaf: {  	[dreg:$0x2] =	wrdreg s2  }
0xb0: {  	[dreg:$0x3] =	wrdreg s18  }
0xb1: {  	[dreg:$0x4] =	wrdreg s24  }
0xb2: {  	[dreg:$0x5] =	wrdreg $0x9  }
0xb3: {  	_ =	task.clear_ibuf [dreg:s8], $0x6FFFF;
	_ =	strace $0x90000046  }
0xb4: {  	s29 =	simm.s32 $0x9;
	_ =	strace $0x80000048  }
0xb5: {  	_ =	swait.ge [sflag:s29], $0x1  }
0xb6: {  	[sflag:s29] =	ssyncadd.s32 $0xFFFFFFFF  }
0xb7: {  	_ =	strace $0x90000048  }
0xb8: {  	_ =	sfence  }
0xb9: {  	s30 =	sld [smem:$0x0];
	_ =	sdelay $0x2  }
0xba: {  	s31 =	sshll.u32 s1, $0xD;
	s1 =	sshrl.u32 s1, $0x2  }
0xbb: {  	s3 =	sand.u32 $0x4000, s31;
	s1 =	sadd.s32 s1, s30  }
0xbc: {  	s0 =	sor.u32 s3, s0;
	s1 =	sshll.u32 s1, $0x11  }
0xbd: {  	s0 =	sor.u32 s1, s0  }
0xbe: {  	s0 =	sadd.s32 $0x8F2B, s0  }
0xbf: {  	[sflag:s0] =	ssyncadd.remote.s32 $0x1  }
0xc0: {  	_ =	sfence.sel $0xFFFF  }
0xc1: {  	[dreg:$0x0] =	wrdreg $0xFFFFFFFF;
	(pc) =	sbr.abs _section_cstart, $3  }
0xc2: {  	[dreg:$0x1] =	wrdreg $0xFFFFFFFF  }
0xc3: {  	_ =	task.clear_ibuf [dreg:s8], $0x2FFFF;
	_ =	strace $0x9FFFFFFF  }
0xc4: {  	(tm) =	ssettm $0x7FFFFFFF  }
0xc5: {  	_ =	shalt  }
tec
execute0_lowered:
.L_overlay_start_1:
0x0: {  	(tag) =	ssettag $0x1  }
0x1: {  	v3 =	vlaneseq.u32  }
0x2: {  	v0 =	vmul.u32 $0x8, v3;
	_ =	sdelay $0x1  }
0x3: {  	v3 =	vmul.u32 $0x80, v3;
	v1 =	vor.u32 $0x1, v0;
	v2 =	vor.u32 $0x2, v0  }
0x4: {  	v4 =	vor.u32 $0x3, v0;
	v5 =	vor.u32 $0x4, v0;
	v6 =	vor.u32 $0x5, v0  }
0x5: {  	v7 =	vor.u32 $0x6, v0;
	v8 =	vor.u32 $0x7, v0;
	v9 =	vor.u32 $0x1, v3  }
0x6: {  	v16 =	vor.u32 $0x8, v3;
	v17 =	vor.u32 $0x9, v3;
	v18 =	vor.u32 $0xA, v3  }
0x7: {  	v19 =	vor.u32 $0xB, v3;
	v20 =	vor.u32 $0xC, v3;
	v21 =	vor.u32 $0xD, v3  }
0x8: {  	v22 =	vor.u32 $0xE, v3;
	v23 =	vor.u32 $0xF, v3;
	v24 =	vor.u32 $0x800, v3  }
0x9: {  	v25 =	vor.u32 $0x801, v3;
	v26 =	vor.u32 $0x80, v0;
	v27 =	vor.u32 $0x802, v3  }
0xa: {  	v28 =	vor.u32 $0x803, v3;
	v29 =	vor.u32 $0x81, v0;
	v30 =	vor.u32 $0x804, v3  }
0xb: {  	v31 =	vor.u32 $0x805, v3;
	v32 =	vor.u32 $0x82, v0;
	[tilespmem:$0x1FF90] =	vst v9;
	v9 =	vor.u32 $0x2, v3  }
0xc: {  	s5 =	rddreg [dreg:$0x0];
	v33 =	vor.u32 $0x806, v3;
	v34 =	vor.u32 $0x807, v3;
	[tilespmem:$0x1FFA0] =	vst v9;
	v9 =	vor.u32 $0x3, v3  }
0xd: {  	s0 =	rddreg [dreg:$0x2];
	v35 =	vor.u32 $0x83, v0;
	v36 =	vor.u32 $0x808, v3;
	[tilespmem:$0x1FFB0] =	vst v9;
	v9 =	vor.u32 $0x4, v3  }
0xe: {  	s1 =	srdreg.scid;
	s3 =	stileid.u32;
	v37 =	vor.u32 $0x809, v3;
	v38 =	vor.u32 $0x84, v0;
	[tilespmem:$0x1FFC0] =	vst v9;
	v9 =	vor.u32 $0x5, v3  }
0xf: {  	s2 =	simm.s32 $0x0;
	s1 =	sand.u32 $0x1, s1;
	s3 =	sshll.u32 s3, $0x1;
	v39 =	vor.u32 $0x80A, v3;
	v40 =	vor.u32 $0x80B, v3;
	[tilespmem:$0x1FFD0] =	vst v9;
	v9 =	vor.u32 $0x6, v3  }
0x10: {  	[smem:$0x7FF] =	sst s2;
	s25 =	ssub.s32 $0x2, s1;
	s3 =	sor.u32 s1, s3;
	v41 =	vor.u32 $0x85, v0;
	v42 =	vor.u32 $0x80C, v3;
	[tilespmem:$0x1FFE0] =	vst v9;
	v9 =	vor.u32 $0x7, v3  }
0x11: {  	s26 =	sadd.s32 $0x1600, s0;
	s4 =	sshrl.u32 s25, $0x1;
	s29 =	sshll.u32 s3, $0xA;
	v43 =	vor.u32 $0x80D, v3;
	v44 =	vor.u32 $0x86, v0;
	v45 =	vor.u32 $0x80E, v3;
	[tilespmem:$0x1FFF0] =	vst v9  }
0x12: {  	v46 =	vor.u32 $0x80F, v3;
	v47 =	vor.u32 $0x87, v0;
	v48 =	vor.u32 $0x1000, v3;
	s2 =	sadd.s32 s5, s29;
	_ =	strace $0x80000047;
	[dreg:$0xc] =	wrdreg s26  }
.Ltmp0:
0x13: {  	s30 =	sor.u32 $0x40, s3;
	v49 =	vor.u32 $0x1001, v3;
	v50 =	vor.u32 $0x100, v0;
	v51 =	vor.u32 $0x1002, v3;
	[dreg:$0xd] =	wrdreg s2;
	(pc) =	sbr.rel .LBB2_1-.Ltmp0, $4  }
0x14: {  	s0 =	sadd.s32 $0x27C200, s0;
	v52 =	vor.u32 $0x1003, v3;
	v53 =	vor.u32 $0x101, v0;
	v54 =	vor.u32 $0x1004, v3;
	s28 =	ssub.s32 s25, s4;
	[dreg:$0xe] =	wrdreg s30  }
0x15: {  	v55 =	vor.u32 $0x1005, v3;
	v56 =	vor.u32 $0x102, v0;
	v57 =	vor.u32 $0x1006, v3;
	s31 =	smax.u32 s28, $0x1;
	[dreg:$0xf] =	wrdreg s0  }
0x16: {  	s13 =	simm.s32 $0x8000;
	p0 =	sgt.u32 s3, $0xA;
	v58 =	vor.u32 $0x1007, v3;
	v59 =	vor.u32 $0x103, v0;
	v60 =	vor.u32 $0x1008, v3;
	[dreg:$0x10] =	wrdreg s31  }
0x17: {  	p1 =	sne.s32 s3, $0x1F;
	v61 =	vor.u32 $0x1009, v3;
	v62 =	vor.u32 $0x104, v0;
	v63 =	vor.u32 $0x100A, v3;
	s5 =	simm.s32 $0x0;
	[dreg:$0xb] =	wrdreg s3  }
.LBB2_10:
0x18: {  	s0 =	simm.s32 $0x4  }
0x19: {  	_ =	swait.ge [sflag:s0], $0x2000  }
0x1a: {  	[sflag:s0] =	ssyncset.done $0x0  }
0x1b: {  	s5 =	rddreg [dreg:$0x11];
	[sflag:s0] =	ssyncadd.s32 $0xFFFFE000  }
.LBB2_13:
0x1c: {  	s5 =	sadd.s32 $0x1, s5;
	s0 =	rddreg [dreg:$0x10]  }
0x1d: {  	p2 =	sne.s32 s5, s0  }
.Ltmp1:
0x1e: {  	_ = 	snop;
	(pc) =	sbr.rel @!p2 .LBB2_14-.Ltmp1, $1  }
0x1f: {  	_ =	sdelay $0x3  }
.LBB2_1:
.Ltmp2:
0x20: {  	(pc) =	sbr.rel .LBB2_2-.Ltmp2, $4  }
0x21: {  	[dreg:$0x11] =	wrdreg s5  }
0x22: {  	s0 =	simm.s32 $0x0;
	s1 =	rddreg [dreg:$0xd]  }
0x23: {  	s2 =	simm.s32 $0x2000;
	s3 =	simm.s32 $0x13D6400;
	s4 =	simm.s32 $0x0  }
0x24: {  	[tilespmem:s0], [sflag:$0x1] =	stream.strided.gather [hbm4b:s1+s2], $0x4000, s3, s2, $0x38;
	[tilespmem:$0xE200] =	vst v63  }
.LBB2_8:
0x25: {  	s4 =	rddreg [dreg:$0x12]  }
0x26: {  	s4 =	sadd.s32 $0x1, s4  }
0x27: {  	p2 =	sne.s32 s4, $0x28  }
.Ltmp3:
0x28: {  	_ = 	snop;
	(pc) =	sbr.rel @!p2 .LBB2_9-.Ltmp3, $1  }
0x29: {  	_ =	sdelay $0x3  }
.LBB2_2:
0x2a: {  	s1 =	sshll.u32 s4, $0x6;
	s0 =	rddreg [dreg:$0xb]  }
0x2b: {  	[dreg:$0x14] =	wrdreg s1;
	s0 =	sor.u32 s0, s1  }
0x2c: {  	[dreg:$0x15] =	wrdreg s0;
	s0 =	sor.u32 $0x20, s0  }
0x2d: {  	p3 =	seq.s32 s4, $0x0;
	s1 =	rddreg [dreg:$0x0];
	p2 =	sgt.u32 s0, $0x9EA  }
0x2e: {  	[dreg:$0x13] =	wrdreg s0;
	s0 =	sshll.u32 @!p2 s0, $0xA;
	s2 =	simm.s32 @!p2 $0x13D6400  }
0x2f: {  	s3 =	simm.s32 @!p2 $0x4000;
	s0 =	sadd.s32 @!p2 s1, s0;
	s1 =	simm.s32 @!p2 $0x2000  }
0x30: {  	[tilespmem:s3], [sflag:$0x2] =	stream.strided.gather @!p2 [hbm4b:s0+s1], $0x4000, s2, s1, $0x38;
	[tilespmem:$0xE200] =	vst v63  }
0x31: {  	[dreg:$0x12] =	wrdreg s4;
	s0 =	simm.s32 @!p3 $0x3  }
0x32: {  	_ =	swait.ge @!p3 [sflag:s0], $0x2000  }
0x33: {  	[sflag:s0] =	ssyncset.done @!p3 $0x0  }
0x34: {  	s14 =	simm.s32 $0x1;
	[sflag:s0] =	ssyncadd.s32 @!p3 $0xFFFFE000  }
0x35: {  	s28 =	simm.s32 $0x0;
	s15 =	simm.s32 $0x0;
	_ =	swait.ge [sflag:s14], $0x4000  }
0x36: {  	s16 =	sand.u32 $0x40, s15;
	s0 =	sand.u32 $0x1C00, s28;
	[sflag:s14] =	ssyncset.done $0x0  }
0x37: {  	s17 =	sor.u32 s16, s0;
	[sflag:s14] =	ssyncadd.s32 $0xFFFFC000  }
0x38: {  	v9 =	vld [tilespmem:s17+$0x0]  }
0x39: {  	s6 =	simm.s32 $0x0;
	v10 =	vld [tilespmem:s17+$0x80]  }
0x3a: {  	v11 =	vor.u32 s6, v0;
	_ =	sdelay $0x3  }
0x3b: {  	v9 =	vpack.i.f32.bf16 v10, v9  }
0x3c: {  	[tilespmem:v11+s13+$0x0] =	vst.idx.msk $0xffff, v9  }
0x3d: {  	v9 =	vld [tilespmem:s17+$0x100]  }
0x3e: {  	v10 =	vld [tilespmem:s17+$0x180]  }
0x3f: {  	v11 =	vor.u32 s6, v1  }
0x40: {  	p4 =	por $0x0, $0x0;
	s3 =	simm.s32 $0x1  }
0x41: {  	s3 =	simm.s32 @!p4 $0x0  }
0x42: {  	s3 =	sshll.u32 s3, $0x6  }
0x43: {  	s3 =	sadd.s32 $0x0, s3;
	v9 =	vpack.i.f32.bf16 v10, v9  }
0x44: {  	s18 =	sor.u32 $0x200, s3;
	[tilespmem:v11+s13+$0x0] =	vst.idx.msk $0xffff, v9  }
0x45: {  	s5 =	sor.u32 $0x280, s3;
	v9 =	vld [tilespmem:s18+$0x0]  }
0x46: {  	v10 =	vld [tilespmem:s5+$0x0]  }
0x47: {  	v11 =	vor.u32 s6, v2;
	_ =	sdelay $0x3  }
0x48: {  	v9 =	vpack.i.f32.bf16 v10, v9  }
0x49: {  	s2 =	sor.u32 s15, s28;
	s3 =	sor.u32 $0x300, s3;
	[tilespmem:v11+s13+$0x0] =	vst.idx.msk $0xffff, v9  }
0x4a: {  	s2 =	sor.u32 $0x380, s2;
	v9 =	vld [tilespmem:s3+$0x0]  }
0x4b: {  	v10 =	vld [tilespmem:s2+$0x0]  }
0x4c: {  	v11 =	vor.u32 s6, v4;
	_ =	sdelay $0x3  }
0x4d: {  	s4 =	sor.u32 $0x2000, s0;
	v9 =	vpack.i.f32.bf16 v10, v9  }
0x4e: {  	s19 =	sor.u32 s16, s4;
	s5 =	sor.u32 $0x2080, s0;
	[tilespmem:v11+s13+$0x0] =	vst.idx.msk $0xffff, v9  }
0x4f: {  	s20 =	sor.u32 s16, s5;
	v9 =	vld [tilespmem:s19+$0x0]  }
0x50: {  	v10 =	vld [tilespmem:s20+$0x0]  }
0x51: {  	v11 =	vor.u32 s6, v5;
	_ =	sdelay $0x3  }
0x52: {  	s29 =	sor.u32 $0x2100, s0;
	v9 =	vpack.i.f32.bf16 v10, v9  }
0x53: {  	s30 =	sor.u32 $0x2180, s0;
	s21 =	sor.u32 s16, s29;
	[tilespmem:v11+s13+$0x0] =	vst.idx.msk $0xffff, v9  }
0x54: {  	s22 =	sor.u32 s16, s30;
	v9 =	vld [tilespmem:s21+$0x0]  }
0x55: {  	v10 =	vld [tilespmem:s22+$0x0]  }
0x56: {  	v11 =	vor.u32 s6, v6;
	_ =	sdelay $0x3  }
0x57: {  	s7 =	sor.u32 $0x2200, s0;
	v9 =	vpack.i.f32.bf16 v10, v9  }
0x58: {  	s31 =	sor.u32 $0x2280, s0;
	s23 =	sor.u32 s16, s7;
	[tilespmem:v11+s13+$0x0] =	vst.idx.msk $0xffff, v9  }
0x59: {  	s24 =	sor.u32 s16, s31;
	v9 =	vld [tilespmem:s23+$0x0]  }
0x5a: {  	v10 =	vld [tilespmem:s24+$0x0]  }
0x5b: {  	v11 =	vor.u32 s6, v7;
	_ =	sdelay $0x3  }
0x5c: {  	s2 =	sor.u32 $0x2300, s0;
	v9 =	vpack.i.f32.bf16 v10, v9  }
0x5d: {  	s3 =	sor.u32 $0x2380, s0;
	s8 =	sor.u32 s16, s2;
	[tilespmem:v11+s13+$0x0] =	vst.idx.msk $0xffff, v9  }
0x5e: {  	s1 =	sor.u32 s16, s3;
	v9 =	vld [tilespmem:s8+$0x0]  }
0x5f: {  	v10 =	vld [tilespmem:s1+$0x0]  }
0x60: {  	v11 =	vor.u32 s6, v8;
	_ =	sdelay $0x2  }
0x61: {  	s25 =	simm.s32 $0x10  }
0x62: {  	s26 =	sand.u32 $0x50, s25;
	v9 =	vpack.i.f32.bf16 v10, v9  }
0x63: {  	s12 =	sor.u32 s26, s0;
	[tilespmem:v11+s13+$0x0] =	vst.idx.msk $0xffff, v9  }
0x64: {  	v9 =	vld [tilespmem:s12+$0x0]  }
0x65: {  	s10 =	simm.s32 $0x80;
	v10 =	vld [tilespmem:s12+$0x80]  }
0x66: {  	v11 =	vor.u32 s10, v0;
	_ =	sdelay $0x3  }
0x67: {  	v9 =	vpack.i.f32.bf16 v10, v9  }
0x68: {  	[tilespmem:v11+s13+$0x0] =	vst.idx.msk $0xffff, v9  }
0x69: {  	v9 =	vld [tilespmem:s12+$0x100]  }
0x6a: {  	v10 =	vld [tilespmem:s12+$0x180]  }
0x6b: {  	v11 =	vor.u32 s10, v1  }
0x6c: {  	s14 =	sand.u32 $0x7, s28  }
0x6d: {  	s8 =	sshll.u32 s14, $0x4  }
0x6e: {  	s9 =	sadd.s32 $0x0, s8  }
0x6f: {  	s8 =	sadd.s32 $0x10, s9;
	v9 =	vpack.i.f32.bf16 v10, v9  }
0x70: {  	s11 =	sor.u32 $0x200, s8;
	[tilespmem:v11+s13+$0x0] =	vst.idx.msk $0xffff, v9  }
0x71: {  	s15 =	sor.u32 $0x280, s8;
	v9 =	vld [tilespmem:s11+$0x0]  }
0x72: {  	v10 =	vld [tilespmem:s15+$0x0]  }
0x73: {  	v11 =	vor.u32 s10, v2;
	_ =	sdelay $0x3  }
0x74: {  	v9 =	vpack.i.f32.bf16 v10, v9  }
0x75: {  	s1 =	sor.u32 s25, s28;
	s8 =	sor.u32 $0x300, s8;
	[tilespmem:v11+s13+$0x0] =	vst.idx.msk $0xffff, v9  }
0x76: {  	s1 =	sor.u32 $0x380, s1;
	v9 =	vld [tilespmem:s8+$0x0]  }
0x77: {  	v10 =	vld [tilespmem:s1+$0x0]  }
0x78: {  	v11 =	vor.u32 s10, v4;
	_ =	sdelay $0x3  }
0x79: {  	v9 =	vpack.i.f32.bf16 v10, v9  }
0x7a: {  	s16 =	sor.u32 s26, s4;
	[tilespmem:v11+s13+$0x0] =	vst.idx.msk $0xffff, v9  }
0x7b: {  	s17 =	sor.u32 s26, s5;
	v9 =	vld [tilespmem:s16+$0x0]  }
0x7c: {  	v10 =	vld [tilespmem:s17+$0x0]  }
0x7d: {  	v11 =	vor.u32 s10, v5;
	_ =	sdelay $0x3  }
0x7e: {  	v9 =	vpack.i.f32.bf16 v10, v9  }
0x7f: {  	s18 =	sor.u32 s26, s29;
	[tilespmem:v11+s13+$0x0] =	vst.idx.msk $0xffff, v9  }
0x80: {  	s19 =	sor.u32 s26, s30;
	v9 =	vld [tilespmem:s18+$0x0]  }
0x81: {  	v10 =	vld [tilespmem:s19+$0x0]  }
0x82: {  	v11 =	vor.u32 s10, v6;
	_ =	sdelay $0x3  }
0x83: {  	v9 =	vpack.i.f32.bf16 v10, v9  }
0x84: {  	s20 =	sor.u32 s26, s7;
	[tilespmem:v11+s13+$0x0] =	vst.idx.msk $0xffff, v9  }
0x85: {  	s21 =	sor.u32 s26, s31;
	v9 =	vld [tilespmem:s20+$0x0]  }
0x86: {  	v10 =	vld [tilespmem:s21+$0x0]  }
0x87: {  	v11 =	vor.u32 s10, v7;
	_ =	sdelay $0x3  }
0x88: {  	v9 =	vpack.i.f32.bf16 v10, v9  }
0x89: {  	s22 =	sor.u32 s26, s2;
	[tilespmem:v11+s13+$0x0] =	vst.idx.msk $0xffff, v9  }
0x8a: {  	s6 =	sor.u32 s26, s3;
	v9 =	vld [tilespmem:s22+$0x0]  }
0x8b: {  	v10 =	vld [tilespmem:s6+$0x0]  }
0x8c: {  	v11 =	vor.u32 s10, v8;
	_ =	sdelay $0x2  }
0x8d: {  	s23 =	simm.s32 $0x20  }
0x8e: {  	s24 =	sand.u32 $0x60, s23;
	v9 =	vpack.i.f32.bf16 v10, v9  }
0x8f: {  	s25 =	sor.u32 s24, s0;
	[tilespmem:v11+s13+$0x0] =	vst.idx.msk $0xffff, v9  }
0x90: {  	v9 =	vld [tilespmem:s25+$0x0]  }
0x91: {  	s26 =	simm.s32 $0x100;
	v10 =	vld [tilespmem:s25+$0x80]  }
0x92: {  	v11 =	vor.u32 s26, v0;
	_ =	sdelay $0x3  }
0x93: {  	v9 =	vpack.i.f32.bf16 v10, v9  }
0x94: {  	[tilespmem:v11+s13+$0x0] =	vst.idx.msk $0xffff, v9  }
0x95: {  	v9 =	vld [tilespmem:s25+$0x100]  }
0x96: {  	v10 =	vld [tilespmem:s25+$0x180]  }
0x97: {  	v11 =	vor.u32 s26, v1  }
0x98: {  	s11 =	sand.u32 $0x3, s28  }
0x99: {  	s8 =	sshll.u32 s11, $0x5  }
0x9a: {  	s8 =	sadd.s32 $0x0, s8  }
0x9b: {  	s8 =	sadd.s32 $0x20, s8;
	v9 =	vpack.i.f32.bf16 v10, v9  }
0x9c: {  	s12 =	sor.u32 $0x200, s8;
	[tilespmem:v11+s13+$0x0] =	vst.idx.msk $0xffff, v9  }
0x9d: {  	s14 =	sor.u32 $0x280, s8;
	v9 =	vld [tilespmem:s12+$0x0]  }
0x9e: {  	v10 =	vld [tilespmem:s14+$0x0]  }
0x9f: {  	v11 =	vor.u32 s26, v2;
	_ =	sdelay $0x3  }
0xa0: {  	v9 =	vpack.i.f32.bf16 v10, v9  }
0xa1: {  	s1 =	sor.u32 s23, s28;
	s8 =	sor.u32 $0x300, s8;
	[tilespmem:v11+s13+$0x0] =	vst.idx.msk $0xffff, v9  }
0xa2: {  	s1 =	sor.u32 $0x380, s1;
	v9 =	vld [tilespmem:s8+$0x0]  }
0xa3: {  	v10 =	vld [tilespmem:s1+$0x0]  }
0xa4: {  	v11 =	vor.u32 s26, v4;
	_ =	sdelay $0x3  }
0xa5: {  	v9 =	vpack.i.f32.bf16 v10, v9  }
0xa6: {  	s15 =	sor.u32 s24, s4;
	[tilespmem:v11+s13+$0x0] =	vst.idx.msk $0xffff, v9  }
0xa7: {  	s16 =	sor.u32 s24, s5;
	v9 =	vld [tilespmem:s15+$0x0]  }
0xa8: {  	v10 =	vld [tilespmem:s16+$0x0]  }
0xa9: {  	v11 =	vor.u32 s26, v5;
	_ =	sdelay $0x3  }
0xaa: {  	v9 =	vpack.i.f32.bf16 v10, v9  }
0xab: {  	s17 =	sor.u32 s24, s29;
	[tilespmem:v11+s13+$0x0] =	vst.idx.msk $0xffff, v9  }
0xac: {  	s18 =	sor.u32 s24, s30;
	v9 =	vld [tilespmem:s17+$0x0]  }
0xad: {  	v10 =	vld [tilespmem:s18+$0x0]  }
0xae: {  	v11 =	vor.u32 s26, v6;
	_ =	sdelay $0x3  }
0xaf: {  	v9 =	vpack.i.f32.bf16 v10, v9  }
0xb0: {  	s19 =	sor.u32 s24, s7;
	[tilespmem:v11+s13+$0x0] =	vst.idx.msk $0xffff, v9  }
0xb1: {  	s20 =	sor.u32 s24, s31;
	v9 =	vld [tilespmem:s19+$0x0]  }
0xb2: {  	v10 =	vld [tilespmem:s20+$0x0]  }
0xb3: {  	v11 =	vor.u32 s26, v7;
	_ =	sdelay $0x3  }
0xb4: {  	v9 =	vpack.i.f32.bf16 v10, v9  }
0xb5: {  	s21 =	sor.u32 s24, s2;
	[tilespmem:v11+s13+$0x0] =	vst.idx.msk $0xffff, v9  }
0xb6: {  	s6 =	sor.u32 s24, s3;
	v9 =	vld [tilespmem:s21+$0x0]  }
0xb7: {  	v10 =	vld [tilespmem:s6+$0x0]  }
0xb8: {  	v11 =	vor.u32 s26, v8;
	_ =	sdelay $0x2  }
0xb9: {  	s1 =	simm.s32 $0x30  }
0xba: {  	s18 =	sand.u32 $0x70, s1;
	v9 =	vpack.i.f32.bf16 v10, v9  }
0xbb: {  	s0 =	sor.u32 s18, s0;
	[tilespmem:v11+s13+$0x0] =	vst.idx.msk $0xffff, v9  }
0xbc: {  	v9 =	vld [tilespmem:s0+$0x0]  }
0xbd: {  	s22 =	simm.s32 $0x180;
	v10 =	vld [tilespmem:s0+$0x80]  }
0xbe: {  	v11 =	vor.u32 s22, v0;
	_ =	sdelay $0x3  }
0xbf: {  	v9 =	vpack.i.f32.bf16 v10, v9  }
0xc0: {  	[tilespmem:v11+s13+$0x0] =	vst.idx.msk $0xffff, v9  }
0xc1: {  	v9 =	vld [tilespmem:s0+$0x100]  }
0xc2: {  	v10 =	vld [tilespmem:s0+$0x180]  }
0xc3: {  	v11 =	vor.u32 s22, v1;
	_ =	sdelay $0x3  }
0xc4: {  	s23 =	sadd.s32 $0x30, s9;
	v9 =	vpack.i.f32.bf16 v10, v9  }
0xc5: {  	s24 =	sor.u32 $0x200, s23;
	[tilespmem:v11+s13+$0x0] =	vst.idx.msk $0xffff, v9  }
0xc6: {  	s25 =	sor.u32 $0x280, s23;
	v9 =	vld [tilespmem:s24+$0x0]  }
0xc7: {  	v10 =	vld [tilespmem:s25+$0x0]  }
0xc8: {  	v11 =	vor.u32 s22, v2;
	_ =	sdelay $0x3  }
0xc9: {  	v9 =	vpack.i.f32.bf16 v10, v9  }
0xca: {  	s26 =	sor.u32 s1, s28;
	s0 =	sor.u32 $0x300, s23;
	[tilespmem:v11+s13+$0x0] =	vst.idx.msk $0xffff, v9  }
0xcb: {  	s8 =	sor.u32 $0x380, s26;
	v14 =	vld [tilespmem:s0+$0x0]  }
0xcc: {  	v15 =	vld [tilespmem:s8+$0x0];
	_ =	sdelay $0x2  }
0xcd: {  	p4 =	por !p4, !p4;
	v13 =	vor.u32 s22, v4  }
0xce: {  	s9 =	simm.s32 $0x4;
	s11 =	simm.s32 $0x2;
	v12 =	vor.u32 s22, v5;
	s12 =	simm.s32 $0x0;
	v10 =	vor.u32 s22, v7  }
0xcf: {  	s17 =	sor.u32 s18, s4;
	s7 =	sor.u32 s18, s7;
	v11 =	vor.u32 s22, v6;
	v9 =	vor.u32 s22, v8;
	s0 =	sor.u32 s18, s5;
	v14 =	vpack.i.f32.bf16 v15, v14  }
.LBB2_3:
0xd0: {  	_ =	sdelay $0x1  }
0xd1: {  	[tilespmem:v13+s13+$0x0] =	vst.idx.msk $0xffff, v14  }
0xd2: {  	v13 =	vld [tilespmem:s17+$0x0]  }
0xd3: {  	v14 =	vld [tilespmem:s0+$0x0];
	_ =	sdelay $0x4  }
0xd4: {  	v13 =	vpack.i.f32.bf16 v14, v13  }
0xd5: {  	s17 =	sor.u32 s18, s29;
	[tilespmem:v12+s13+$0x0] =	vst.idx.msk $0xffff, v13  }
0xd6: {  	s5 =	sor.u32 s18, s30;
	v12 =	vld [tilespmem:s17+$0x0]  }
0xd7: {  	v13 =	vld [tilespmem:s5+$0x0];
	_ =	sdelay $0x4  }
0xd8: {  	v12 =	vpack.i.f32.bf16 v13, v12  }
0xd9: {  	[tilespmem:v11+s13+$0x0] =	vst.idx.msk $0xffff, v12  }
0xda: {  	s19 =	sor.u32 s18, s31;
	v11 =	vld [tilespmem:s7+$0x0]  }
0xdb: {  	v12 =	vld [tilespmem:s19+$0x0];
	_ =	sdelay $0x4  }
0xdc: {  	v11 =	vpack.i.f32.bf16 v12, v11  }
0xdd: {  	s20 =	sor.u32 s18, s2;
	[tilespmem:v10+s13+$0x0] =	vst.idx.msk $0xffff, v11  }
0xde: {  	s21 =	sor.u32 s18, s3;
	v10 =	vld [tilespmem:s20+$0x0]  }
0xdf: {  	v11 =	vld [tilespmem:s21+$0x0];
	_ =	sdelay $0x2  }
0xe0: {  	s1 =	sadd.s32 $0x40, s1  }
0xe1: {  	s28 =	sadd.s32 $0x200, s28;
	s22 =	sadd.s32 $0xFFFFFFD0, s1  }
0xe2: {  	s0 =	sand.u32 $0x40, s22;
	s21 =	sand.u32 $0x1C00, s28;
	v10 =	vpack.i.f32.bf16 v11, v10  }
0xe3: {  	s8 =	sor.u32 s0, s21;
	[tilespmem:v9+s13+$0x0] =	vst.idx.msk $0xffff, v10  }
0xe4: {  	s4 =	smov.u32 s9;
	v9 =	vld [tilespmem:s8+$0x0]  }
0xe5: {  	s2 =	sshll.u32 s4, $0x7;
	v10 =	vld [tilespmem:s8+$0x80]  }
0xe6: {  	v11 =	vor.u32 s2, v0;
	_ =	sdelay $0x3  }
0xe7: {  	v9 =	vpack.i.f32.bf16 v10, v9  }
0xe8: {  	[tilespmem:v11+s13+$0x0] =	vst.idx.msk $0xffff, v9  }
0xe9: {  	v9 =	vld [tilespmem:s8+$0x100]  }
0xea: {  	v11 =	vld [tilespmem:s8+$0x180]  }
0xeb: {  	v10 =	vor.u32 s2, v1  }
0xec: {  	s4 =	simm.s32 $0x1  }
0xed: {  	s4 =	simm.s32 @!p4 $0x0  }
0xee: {  	s4 =	sshll.u32 s4, $0x6  }
0xef: {  	s4 =	sadd.s32 s4, s28;
	v9 =	vpack.i.f32.bf16 v11, v9  }
0xf0: {  	s23 =	sor.u32 $0x200, s4;
	[tilespmem:v10+s13+$0x0] =	vst.idx.msk $0xffff, v9  }
0xf1: {  	s10 =	sor.u32 $0x280, s4;
	v10 =	vld [tilespmem:s23+$0x0]  }
0xf2: {  	v11 =	vld [tilespmem:s10+$0x0]  }
0xf3: {  	v9 =	vor.u32 s2, v2;
	_ =	sdelay $0x3  }
0xf4: {  	v10 =	vpack.i.f32.bf16 v11, v10  }
0xf5: {  	s6 =	sor.u32 s22, s28;
	s4 =	sor.u32 $0x300, s4;
	[tilespmem:v9+s13+$0x0] =	vst.idx.msk $0xffff, v10  }
0xf6: {  	s6 =	sor.u32 $0x380, s6;
	v9 =	vld [tilespmem:s4+$0x0]  }
0xf7: {  	v10 =	vld [tilespmem:s6+$0x0]  }
0xf8: {  	v11 =	vor.u32 s2, v4;
	_ =	sdelay $0x3  }
0xf9: {  	s15 =	sor.u32 $0x2000, s21;
	v9 =	vpack.i.f32.bf16 v10, v9  }
0xfa: {  	s24 =	sor.u32 s0, s15;
	s4 =	sor.u32 $0x2080, s21;
	[tilespmem:v11+s13+$0x0] =	vst.idx.msk $0xffff, v9  }
0xfb: {  	s25 =	sor.u32 s0, s4;
	v9 =	vld [tilespmem:s24+$0x0]  }
0xfc: {  	v10 =	vld [tilespmem:s25+$0x0]  }
0xfd: {  	v12 =	vor.u32 s2, v5;
	_ =	sdelay $0x3  }
0xfe: {  	s29 =	sor.u32 $0x2100, s21;
	v9 =	vpack.i.f32.bf16 v10, v9  }
0xff: {  	s30 =	sor.u32 $0x2180, s21;
	s14 =	sor.u32 s0, s29;
	[tilespmem:v12+s13+$0x0] =	vst.idx.msk $0xffff, v9  }
0x100: {  	s16 =	sor.u32 s0, s30;
	v9 =	vld [tilespmem:s14+$0x0]  }
0x101: {  	v10 =	vld [tilespmem:s16+$0x0]  }
0x102: {  	v11 =	vor.u32 s2, v6;
	_ =	sdelay $0x3  }
0x103: {  	s19 =	sor.u32 $0x2200, s21;
	v9 =	vpack.i.f32.bf16 v10, v9  }
0x104: {  	s31 =	sor.u32 $0x2280, s21;
	s3 =	sor.u32 s0, s19;
	[tilespmem:v11+s13+$0x0] =	vst.idx.msk $0xffff, v9  }
0x105: {  	s20 =	sor.u32 s0, s31;
	v9 =	vld [tilespmem:s3+$0x0]  }
0x106: {  	v10 =	vld [tilespmem:s20+$0x0]  }
0x107: {  	v12 =	vor.u32 s2, v7;
	_ =	sdelay $0x2  }
0x108: {  	s22 =	sadd.s32 $0x100, s2  }
0x109: {  	s5 =	sadd.s32 $0x80, s2;
	s7 =	sadd.s32 $0x180, s2;
	v11 =	vor.u32 s2, v8;
	s2 =	sor.u32 $0x2300, s21;
	v9 =	vpack.i.f32.bf16 v10, v9  }
0x10a: {  	s3 =	sor.u32 $0x2380, s21;
	s23 =	sor.u32 s0, s2;
	[tilespmem:v12+s13+$0x0] =	vst.idx.msk $0xffff, v9  }
0x10b: {  	s0 =	sor.u32 s0, s3;
	v9 =	vld [tilespmem:s23+$0x0]  }
0x10c: {  	v10 =	vld [tilespmem:s0+$0x0];
	_ =	sdelay $0x3  }
0x10d: {  	s18 =	sand.u32 $0x70, s1;
	s24 =	sadd.s32 $0xFFFFFFE0, s1  }
0x10e: {  	s26 =	sor.u32 s18, s4;
	s25 =	sand.u32 $0x50, s24;
	v9 =	vpack.i.f32.bf16 v10, v9  }
0x10f: {  	[dreg:$0x7] =	wrdreg s26;
	s26 =	sor.u32 s25, s21;
	[tilespmem:v11+s13+$0x0] =	vst.idx.msk $0xffff, v9  }
0x110: {  	v9 =	vld [tilespmem:s26+$0x0]  }
0x111: {  	v11 =	vld [tilespmem:s26+$0x80]  }
0x112: {  	v12 =	vor.u32 s5, v0;
	_ =	sdelay $0x2  }
0x113: {  	s10 =	sor.u32 s18, s19  }
0x114: {  	[dreg:$0x4] =	wrdreg s10;
	s10 =	simm.s32 $0x8000;
	v9 =	vpack.i.f32.bf16 v11, v9  }
0x115: {  	[tilespmem:v12+s10+$0x0] =	vst.idx.msk $0xffff, v9  }
0x116: {  	v11 =	vld [tilespmem:s26+$0x100]  }
0x117: {  	v12 =	vld [tilespmem:s26+$0x180]  }
0x118: {  	s12 =	sadd.s32 $0x4, s12;
	v10 =	vor.u32 s5, v1  }
0x119: {  	s14 =	sand.u32 $0x7, s12  }
0x11a: {  	s0 =	sshll.u32 s14, $0x4  }
0x11b: {  	s0 =	sadd.s32 s28, s0  }
0x11c: {  	s26 =	sadd.s32 $0x10, s0;
	v11 =	vpack.i.f32.bf16 v12, v11  }
0x11d: {  	s14 =	sor.u32 $0x200, s26;
	[tilespmem:v10+s10+$0x0] =	vst.idx.msk $0xffff, v11  }
0x11e: {  	s20 =	sor.u32 $0x280, s26;
	v10 =	vld [tilespmem:s14+$0x0]  }
0x11f: {  	v11 =	vld [tilespmem:s20+$0x0]  }
0x120: {  	v9 =	vor.u32 s5, v2;
	_ =	sdelay $0x3  }
0x121: {  	v10 =	vpack.i.f32.bf16 v11, v10  }
0x122: {  	s23 =	sor.u32 s24, s28;
	s20 =	sor.u32 $0x300, s26;
	[tilespmem:v9+s10+$0x0] =	vst.idx.msk $0xffff, v10  }
0x123: {  	s26 =	sor.u32 $0x380, s23;
	v9 =	vld [tilespmem:s20+$0x0]  }
0x124: {  	v10 =	vld [tilespmem:s26+$0x0]  }
0x125: {  	v12 =	vor.u32 s5, v4;
	_ =	sdelay $0x3  }
0x126: {  	v9 =	vpack.i.f32.bf16 v10, v9  }
0x127: {  	s20 =	sor.u32 s25, s15;
	[tilespmem:v12+s10+$0x0] =	vst.idx.msk $0xffff, v9  }
0x128: {  	s16 =	sor.u32 s25, s4;
	v9 =	vld [tilespmem:s20+$0x0]  }
0x129: {  	v10 =	vld [tilespmem:s16+$0x0]  }
0x12a: {  	v13 =	vor.u32 s5, v5;
	_ =	sdelay $0x3  }
0x12b: {  	v9 =	vpack.i.f32.bf16 v10, v9  }
0x12c: {  	s23 =	sor.u32 s25, s29;
	[tilespmem:v13+s10+$0x0] =	vst.idx.msk $0xffff, v9  }
0x12d: {  	s26 =	sor.u32 s25, s30;
	v9 =	vld [tilespmem:s23+$0x0]  }
0x12e: {  	v10 =	vld [tilespmem:s26+$0x0]  }
0x12f: {  	v11 =	vor.u32 s5, v6;
	_ =	sdelay $0x3  }
0x130: {  	v9 =	vpack.i.f32.bf16 v10, v9  }
0x131: {  	s24 =	sor.u32 s25, s19;
	[tilespmem:v11+s10+$0x0] =	vst.idx.msk $0xffff, v9  }
0x132: {  	s13 =	sor.u32 s25, s31;
	v9 =	vld [tilespmem:s24+$0x0]  }
0x133: {  	v10 =	vld [tilespmem:s13+$0x0]  }
0x134: {  	v12 =	vor.u32 s5, v7;
	_ =	sdelay $0x3  }
0x135: {  	v9 =	vpack.i.f32.bf16 v10, v9  }
0x136: {  	s6 =	sor.u32 s25, s2;
	[tilespmem:v12+s10+$0x0] =	vst.idx.msk $0xffff, v9  }
0x137: {  	s8 =	sor.u32 s25, s3;
	v9 =	vld [tilespmem:s6+$0x0]  }
0x138: {  	v12 =	vld [tilespmem:s8+$0x0]  }
0x139: {  	v13 =	vor.u32 s5, v8;
	_ =	sdelay $0x2  }
0x13a: {  	s16 =	sadd.s32 $0xFFFFFFF0, s1  }
0x13b: {  	s5 =	sand.u32 $0x60, s16;
	v9 =	vpack.i.f32.bf16 v12, v9  }
0x13c: {  	s6 =	sor.u32 s5, s21;
	[tilespmem:v13+s10+$0x0] =	vst.idx.msk $0xffff, v9  }
0x13d: {  	v12 =	vld [tilespmem:s6+$0x0]  }
0x13e: {  	v13 =	vld [tilespmem:s6+$0x80]  }
0x13f: {  	v11 =	vor.u32 s22, v0;
	_ =	sdelay $0x3  }
0x140: {  	v12 =	vpack.i.f32.bf16 v13, v12  }
0x141: {  	[tilespmem:v11+s10+$0x0] =	vst.idx.msk $0xffff, v12  }
0x142: {  	v11 =	vld [tilespmem:s6+$0x100]  }
0x143: {  	v12 =	vld [tilespmem:s6+$0x180]  }
0x144: {  	v10 =	vor.u32 s22, v1  }
0x145: {  	s24 =	sand.u32 $0x3, s11  }
0x146: {  	s14 =	sshll.u32 s24, $0x5  }
0x147: {  	s14 =	sadd.s32 s28, s14  }
0x148: {  	s14 =	sadd.s32 $0x20, s14;
	v11 =	vpack.i.f32.bf16 v12, v11  }
0x149: {  	s25 =	sor.u32 $0x200, s14;
	[tilespmem:v10+s10+$0x0] =	vst.idx.msk $0xffff, v11  }
0x14a: {  	s26 =	sor.u32 $0x280, s14;
	v10 =	vld [tilespmem:s25+$0x0]  }
0x14b: {  	v11 =	vld [tilespmem:s26+$0x0]  }
0x14c: {  	v9 =	vor.u32 s22, v2;
	_ =	sdelay $0x3  }
0x14d: {  	v10 =	vpack.i.f32.bf16 v11, v10  }
0x14e: {  	s20 =	sor.u32 s16, s28;
	s14 =	sor.u32 $0x300, s14;
	[tilespmem:v9+s10+$0x0] =	vst.idx.msk $0xffff, v10  }
0x14f: {  	s13 =	sor.u32 $0x380, s20;
	v9 =	vld [tilespmem:s14+$0x0]  }
0x150: {  	v10 =	vld [tilespmem:s13+$0x0]  }
0x151: {  	v13 =	vor.u32 s22, v4;
	_ =	sdelay $0x3  }
0x152: {  	v9 =	vpack.i.f32.bf16 v10, v9  }
0x153: {  	s17 =	sor.u32 s18, s15;
	s15 =	sor.u32 s5, s15;
	[tilespmem:v13+s10+$0x0] =	vst.idx.msk $0xffff, v9  }
0x154: {  	s4 =	sor.u32 s5, s4;
	v9 =	vld [tilespmem:s15+$0x0]  }
0x155: {  	v10 =	vld [tilespmem:s4+$0x0]  }
0x156: {  	v14 =	vor.u32 s22, v5;
	_ =	sdelay $0x3  }
0x157: {  	v9 =	vpack.i.f32.bf16 v10, v9  }
0x158: {  	s16 =	sor.u32 s5, s29;
	[tilespmem:v14+s10+$0x0] =	vst.idx.msk $0xffff, v9  }
0x159: {  	s8 =	sor.u32 s5, s19;
	s19 =	sor.u32 s5, s30;
	v9 =	vld [tilespmem:s16+$0x0]  }
0x15a: {  	v10 =	vld [tilespmem:s19+$0x0]  }
0x15b: {  	v12 =	vor.u32 s22, v6;
	_ =	sdelay $0x3  }
0x15c: {  	s13 =	simm.s32 $0x8000;
	v9 =	vpack.i.f32.bf16 v10, v9  }
0x15d: {  	[tilespmem:v12+s13+$0x0] =	vst.idx.msk $0xffff, v9  }
0x15e: {  	s20 =	sor.u32 s5, s31;
	v9 =	vld [tilespmem:s8+$0x0]  }
0x15f: {  	v12 =	vld [tilespmem:s20+$0x0]  }
0x160: {  	v11 =	vor.u32 s22, v7;
	_ =	sdelay $0x3  }
0x161: {  	v9 =	vpack.i.f32.bf16 v12, v9  }
0x162: {  	v15 =	vor.u32 s22, v8;
	s22 =	sor.u32 s5, s2;
	[tilespmem:v11+s13+$0x0] =	vst.idx.msk $0xffff, v9  }
0x163: {  	s23 =	sor.u32 s5, s3;
	v11 =	vld [tilespmem:s22+$0x0]  }
0x164: {  	v12 =	vld [tilespmem:s23+$0x0];
	_ =	sdelay $0x4  }
0x165: {  	v11 =	vpack.i.f32.bf16 v12, v11  }
0x166: {  	s23 =	sor.u32 s18, s21;
	[tilespmem:v15+s13+$0x0] =	vst.idx.msk $0xffff, v11  }
0x167: {  	v11 =	vld [tilespmem:s23+$0x0]  }
0x168: {  	v15 =	vld [tilespmem:s23+$0x80]  }
0x169: {  	v14 =	vor.u32 s7, v0;
	_ =	sdelay $0x3  }
0x16a: {  	v11 =	vpack.i.f32.bf16 v15, v11  }
0x16b: {  	[tilespmem:v14+s13+$0x0] =	vst.idx.msk $0xffff, v11  }
0x16c: {  	v14 =	vld [tilespmem:s23+$0x100]  }
0x16d: {  	v15 =	vld [tilespmem:s23+$0x180]  }
0x16e: {  	v10 =	vor.u32 s7, v1;
	_ =	sdelay $0x3  }
0x16f: {  	s0 =	sadd.s32 $0x30, s0;
	v14 =	vpack.i.f32.bf16 v15, v14  }
0x170: {  	s24 =	sor.u32 $0x200, s0;
	[tilespmem:v10+s13+$0x0] =	vst.idx.msk $0xffff, v14  }
0x171: {  	s25 =	sor.u32 $0x280, s0;
	v14 =	vld [tilespmem:s24+$0x0]  }
0x172: {  	v15 =	vld [tilespmem:s25+$0x0]  }
0x173: {  	v9 =	vor.u32 s7, v2;
	_ =	sdelay $0x3  }
0x174: {  	v14 =	vpack.i.f32.bf16 v15, v14  }
0x175: {  	s26 =	sor.u32 s1, s28;
	s0 =	sor.u32 $0x300, s0;
	[tilespmem:v9+s13+$0x0] =	vst.idx.msk $0xffff, v14  }
0x176: {  	s4 =	sor.u32 $0x380, s26;
	v14 =	vld [tilespmem:s0+$0x0]  }
0x177: {  	p5 =	slt.u32 s9, $0x3C;
	v15 =	vld [tilespmem:s4+$0x0]  }
.Ltmp4:
0x178: {  	_ = 	snop;
	(pc) =	sbr.rel @p5 .LBB2_3-.Ltmp4, $4  }
0x179: {  	_ = 	snop  }
0x17a: {  	v13 =	vor.u32 s7, v4;
	v12 =	vor.u32 s7, v5  }
0x17b: {  	s9 =	sadd.s32 $0x4, s9;
	v11 =	vor.u32 s7, v6;
	v10 =	vor.u32 s7, v7;
	v9 =	vor.u32 s7, v8;
	s7 =	rddreg [dreg:$0x4]  }
0x17c: {  	p4 =	por !p4, !p4;
	s11 =	sadd.s32 $0x2, s11;
	s0 =	rddreg [dreg:$0x7];
	v14 =	vpack.i.f32.bf16 v15, v14  }
0x17d: {  	_ =	sdelay $0x3  }
0x17e: {  	[tilespmem:v13+s13+$0x0] =	vst.idx.msk $0xffff, v14  }
0x17f: {  	v13 =	vld [tilespmem:s17+$0x0]  }
0x180: {  	v14 =	vld [tilespmem:s0+$0x0];
	_ =	sdelay $0x4  }
0x181: {  	v13 =	vpack.i.f32.bf16 v14, v13  }
0x182: {  	s22 =	sor.u32 s18, s29;
	[tilespmem:v12+s13+$0x0] =	vst.idx.msk $0xffff, v13  }
0x183: {  	s1 =	sor.u32 s18, s30;
	v12 =	vld [tilespmem:s22+$0x0]  }
0x184: {  	v13 =	vld [tilespmem:s1+$0x0];
	_ =	sdelay $0x4  }
0x185: {  	v12 =	vpack.i.f32.bf16 v13, v12  }
0x186: {  	[tilespmem:v11+s13+$0x0] =	vst.idx.msk $0xffff, v12  }
0x187: {  	s23 =	sor.u32 s18, s31;
	v11 =	vld [tilespmem:s7+$0x0]  }
0x188: {  	v12 =	vld [tilespmem:s23+$0x0];
	_ =	sdelay $0x4  }
0x189: {  	v11 =	vpack.i.f32.bf16 v12, v11  }
0x18a: {  	s24 =	sor.u32 s18, s2;
	[tilespmem:v10+s13+$0x0] =	vst.idx.msk $0xffff, v11  }
0x18b: {  	s25 =	sor.u32 s18, s3;
	v10 =	vld [tilespmem:s24+$0x0]  }
0x18c: {  	v11 =	vld [tilespmem:s25+$0x0];
	_ =	sdelay $0x2  }
0x18d: {  	s26 =	rddreg [dreg:$0x15]  }
0x18e: {  	s28 =	rddreg [dreg:$0xc]  }
0x18f: {  	s30 =	rddreg [dreg:$0xe];
	s0 =	sshll.u32 s26, $0xA;
	v10 =	vpack.i.f32.bf16 v11, v10  }
0x190: {  	s29 =	simm.s32 $0x0;
	s31 =	rddreg [dreg:$0x14];
	s0 =	sadd.s32 s28, s0;
	[tilespmem:v9+s13+$0x0] =	vst.idx.msk $0xffff, v10  }
0x191: {  	[hbm4b:s0+s29] =	stream.linear.scatter [tilespmem:s13], [sflag:$0x3], $0x2000, $0x38;
	[tilespmem:$0xE200] =	vst v63  }
.Ltmp5:
0x192: {  	s0 =	sadd.s32 s30, s31;
	(pc) =	sbr.rel @p2 .LBB2_8-.Ltmp5, $4  }
0x193: {  	p4 =	sgt.u32 s0, $0x9EA  }
0x194: {  	s1 =	rddreg [dreg:$0x0];
	s0 =	sshll.u32 @!p4 s0, $0xA;
	s2 =	simm.s32 @!p4 $0x13D6400  }
0x195: {  	s3 =	simm.s32 @!p4 $0x0;
	s0 =	sadd.s32 @!p4 s1, s0;
	s1 =	simm.s32 @!p4 $0x2000  }
0x196: {  	[tilespmem:s3], [sflag:$0x1] =	stream.strided.gather @!p4 [hbm4b:s0+s1], $0x4000, s2, s1, $0x38;
	[tilespmem:$0xE200] =	vst v63  }
0x197: {  	s0 =	simm.s32 @!p3 $0x4  }
0x198: {  	_ =	swait.ge @!p3 [sflag:s0], $0x2000  }
0x199: {  	[sflag:s0] =	ssyncset.done @!p3 $0x0  }
0x19a: {  	s25 =	simm.s32 $0x0;
	s4 =	simm.s32 $0x2;
	[sflag:s0] =	ssyncadd.s32 @!p3 $0xFFFFE000  }
0x19b: {  	s2 =	simm.s32 $0x0;
	s1 =	sand.u32 $0x1C00, s25;
	_ =	swait.ge [sflag:s4], $0x4000  }
0x19c: {  	s3 =	sand.u32 $0x40, s2;
	s0 =	sor.u32 $0x4000, s1;
	[sflag:s4] =	ssyncset.done $0x0  }
0x19d: {  	s18 =	sor.u32 s3, s0;
	[sflag:s4] =	ssyncadd.s32 $0xFFFFC000  }
0x19e: {  	v9 =	vld [tilespmem:s18+$0x0]  }
0x19f: {  	s6 =	simm.s32 $0x0;
	v10 =	vld [tilespmem:s18+$0x80]  }
0x1a0: {  	v11 =	vor.u32 s6, v0;
	_ =	sdelay $0x3  }
0x1a1: {  	s13 =	simm.s32 $0xA000;
	v9 =	vpack.i.f32.bf16 v10, v9  }
0x1a2: {  	[tilespmem:v11+s13+$0x0] =	vst.idx.msk $0xffff, v9  }
0x1a3: {  	v9 =	vld [tilespmem:s18+$0x100]  }
0x1a4: {  	v10 =	vld [tilespmem:s18+$0x180]  }
0x1a5: {  	v11 =	vor.u32 s6, v1  }
0x1a6: {  	p2 =	por $0x0, $0x0;
	s4 =	simm.s32 $0x1  }
0x1a7: {  	s4 =	simm.s32 @!p2 $0x0  }
0x1a8: {  	s4 =	sshll.u32 s4, $0x6  }
0x1a9: {  	s4 =	sadd.s32 $0x0, s4;
	v9 =	vpack.i.f32.bf16 v10, v9  }
0x1aa: {  	s5 =	sor.u32 $0x200, s4;
	[tilespmem:v11+s13+$0x0] =	vst.idx.msk $0xffff, v9  }
0x1ab: {  	s7 =	sor.u32 $0x280, s4;
	v9 =	vld [tilespmem:s5+$0x4000]  }
0x1ac: {  	v10 =	vld [tilespmem:s7+$0x4000]  }
0x1ad: {  	v11 =	vor.u32 s6, v2;
	_ =	sdelay $0x3  }
0x1ae: {  	v9 =	vpack.i.f32.bf16 v10, v9  }
0x1af: {  	s2 =	sor.u32 s2, s25;
	s4 =	sor.u32 $0x300, s4;
	[tilespmem:v11+s13+$0x0] =	vst.idx.msk $0xffff, v9  }
0x1b0: {  	s2 =	sor.u32 $0x380, s2;
	v9 =	vld [tilespmem:s4+$0x4000]  }
0x1b1: {  	v10 =	vld [tilespmem:s2+$0x4000]  }
0x1b2: {  	v11 =	vor.u32 s6, v4;
	_ =	sdelay $0x3  }
0x1b3: {  	s4 =	sor.u32 $0x6000, s1;
	v9 =	vpack.i.f32.bf16 v10, v9  }
0x1b4: {  	s5 =	sor.u32 $0x6080, s1;
	s19 =	sor.u32 s3, s4;
	[tilespmem:v11+s13+$0x0] =	vst.idx.msk $0xffff, v9  }
0x1b5: {  	s20 =	sor.u32 s3, s5;
	v9 =	vld [tilespmem:s19+$0x0]  }
0x1b6: {  	v10 =	vld [tilespmem:s20+$0x0]  }
0x1b7: {  	v11 =	vor.u32 s6, v5;
	_ =	sdelay $0x3  }
0x1b8: {  	s7 =	sor.u32 $0x6100, s1;
	v9 =	vpack.i.f32.bf16 v10, v9  }
0x1b9: {  	s10 =	sor.u32 $0x6180, s1;
	s21 =	sor.u32 s3, s7;
	[tilespmem:v11+s13+$0x0] =	vst.idx.msk $0xffff, v9  }
0x1ba: {  	s8 =	sor.u32 s3, s10;
	v9 =	vld [tilespmem:s21+$0x0]  }
0x1bb: {  	v10 =	vld [tilespmem:s8+$0x0]  }
0x1bc: {  	v11 =	vor.u32 s6, v6;
	_ =	sdelay $0x3  }
0x1bd: {  	s9 =	sor.u32 $0x6200, s1;
	v9 =	vpack.i.f32.bf16 v10, v9  }
0x1be: {  	s28 =	sor.u32 $0x6280, s1;
	s22 =	sor.u32 s3, s9;
	[tilespmem:v11+s13+$0x0] =	vst.idx.msk $0xffff, v9  }
0x1bf: {  	s23 =	sor.u32 s3, s28;
	v9 =	vld [tilespmem:s22+$0x0]  }
0x1c0: {  	v10 =	vld [tilespmem:s23+$0x0]  }
0x1c1: {  	v11 =	vor.u32 s6, v7;
	_ =	sdelay $0x3  }
0x1c2: {  	s11 =	sor.u32 $0x6300, s1;
	v9 =	vpack.i.f32.bf16 v10, v9  }
0x1c3: {  	s24 =	sor.u32 s3, s11;
	s2 =	sor.u32 $0x6380, s1;
	[tilespmem:v11+s13+$0x0] =	vst.idx.msk $0xffff, v9  }
0x1c4: {  	s1 =	sor.u32 s3, s2;
	v9 =	vld [tilespmem:s24+$0x0]  }
0x1c5: {  	v10 =	vld [tilespmem:s1+$0x0]  }
0x1c6: {  	v11 =	vor.u32 s6, v8;
	_ =	sdelay $0x2  }
0x1c7: {  	s26 =	simm.s32 $0x10  }
0x1c8: {  	s29 =	sand.u32 $0x50, s26;
	v9 =	vpack.i.f32.bf16 v10, v9  }
0x1c9: {  	s30 =	sor.u32 s29, s0;
	[tilespmem:v11+s13+$0x0] =	vst.idx.msk $0xffff, v9  }
0x1ca: {  	v9 =	vld [tilespmem:s30+$0x0]  }
0x1cb: {  	s31 =	simm.s32 $0x80;
	v10 =	vld [tilespmem:s30+$0x80]  }
0x1cc: {  	v11 =	vor.u32 s31, v0;
	_ =	sdelay $0x3  }
0x1cd: {  	v9 =	vpack.i.f32.bf16 v10, v9  }
0x1ce: {  	[tilespmem:v11+s13+$0x0] =	vst.idx.msk $0xffff, v9  }
0x1cf: {  	v9 =	vld [tilespmem:s30+$0x100]  }
0x1d0: {  	v10 =	vld [tilespmem:s30+$0x180]  }
0x1d1: {  	v11 =	vor.u32 s31, v1  }
0x1d2: {  	s15 =	sand.u32 $0x7, s25  }
0x1d3: {  	s1 =	sshll.u32 s15, $0x4  }
0x1d4: {  	s1 =	sadd.s32 $0x0, s1  }
0x1d5: {  	s14 =	sadd.s32 $0x10, s1;
	v9 =	vpack.i.f32.bf16 v10, v9  }
0x1d6: {  	s12 =	sor.u32 $0x200, s14;
	[tilespmem:v11+s13+$0x0] =	vst.idx.msk $0xffff, v9  }
0x1d7: {  	s16 =	sor.u32 $0x280, s14;
	v9 =	vld [tilespmem:s12+$0x4000]  }
0x1d8: {  	v10 =	vld [tilespmem:s16+$0x4000]  }
0x1d9: {  	v11 =	vor.u32 s31, v2;
	_ =	sdelay $0x3  }
0x1da: {  	v9 =	vpack.i.f32.bf16 v10, v9  }
0x1db: {  	s3 =	sor.u32 s26, s25;
	s17 =	sor.u32 $0x300, s14;
	[tilespmem:v11+s13+$0x0] =	vst.idx.msk $0xffff, v9  }
0x1dc: {  	s3 =	sor.u32 $0x380, s3;
	v9 =	vld [tilespmem:s17+$0x4000]  }
0x1dd: {  	v10 =	vld [tilespmem:s3+$0x4000]  }
0x1de: {  	v11 =	vor.u32 s31, v4;
	_ =	sdelay $0x3  }
0x1df: {  	v9 =	vpack.i.f32.bf16 v10, v9  }
0x1e0: {  	s18 =	sor.u32 s29, s4;
	[tilespmem:v11+s13+$0x0] =	vst.idx.msk $0xffff, v9  }
0x1e1: {  	s19 =	sor.u32 s29, s5;
	v9 =	vld [tilespmem:s18+$0x0]  }
0x1e2: {  	v10 =	vld [tilespmem:s19+$0x0]  }
0x1e3: {  	v11 =	vor.u32 s31, v5;
	_ =	sdelay $0x3  }
0x1e4: {  	v9 =	vpack.i.f32.bf16 v10, v9  }
0x1e5: {  	s20 =	sor.u32 s29, s7;
	[tilespmem:v11+s13+$0x0] =	vst.idx.msk $0xffff, v9  }
0x1e6: {  	s21 =	sor.u32 s29, s10;
	v9 =	vld [tilespmem:s20+$0x0]  }
0x1e7: {  	v10 =	vld [tilespmem:s21+$0x0]  }
0x1e8: {  	v11 =	vor.u32 s31, v6;
	_ =	sdelay $0x3  }
0x1e9: {  	v9 =	vpack.i.f32.bf16 v10, v9  }
0x1ea: {  	s22 =	sor.u32 s29, s9;
	[tilespmem:v11+s13+$0x0] =	vst.idx.msk $0xffff, v9  }
0x1eb: {  	s23 =	sor.u32 s29, s28;
	v9 =	vld [tilespmem:s22+$0x0]  }
0x1ec: {  	v10 =	vld [tilespmem:s23+$0x0]  }
0x1ed: {  	v11 =	vor.u32 s31, v7;
	_ =	sdelay $0x3  }
0x1ee: {  	v9 =	vpack.i.f32.bf16 v10, v9  }
0x1ef: {  	s24 =	sor.u32 s29, s11;
	[tilespmem:v11+s13+$0x0] =	vst.idx.msk $0xffff, v9  }
0x1f0: {  	s6 =	sor.u32 s29, s2;
	v9 =	vld [tilespmem:s24+$0x0]  }
0x1f1: {  	v10 =	vld [tilespmem:s6+$0x0]  }
0x1f2: {  	v11 =	vor.u32 s31, v8;
	_ =	sdelay $0x2  }
0x1f3: {  	s26 =	simm.s32 $0x20  }
0x1f4: {  	s29 =	sand.u32 $0x60, s26;
	v9 =	vpack.i.f32.bf16 v10, v9  }
0x1f5: {  	s30 =	sor.u32 s29, s0;
	[tilespmem:v11+s13+$0x0] =	vst.idx.msk $0xffff, v9  }
0x1f6: {  	v9 =	vld [tilespmem:s30+$0x0]  }
0x1f7: {  	s31 =	simm.s32 $0x100;
	v10 =	vld [tilespmem:s30+$0x80]  }
0x1f8: {  	v11 =	vor.u32 s31, v0;
	_ =	sdelay $0x3  }
0x1f9: {  	v9 =	vpack.i.f32.bf16 v10, v9  }
0x1fa: {  	[tilespmem:v11+s13+$0x0] =	vst.idx.msk $0xffff, v9  }
0x1fb: {  	v9 =	vld [tilespmem:s30+$0x100]  }
0x1fc: {  	v10 =	vld [tilespmem:s30+$0x180]  }
0x1fd: {  	v11 =	vor.u32 s31, v1  }
0x1fe: {  	s15 =	sand.u32 $0x3, s25  }
0x1ff: {  	s8 =	sshll.u32 s15, $0x5  }
0x200: {  	s8 =	sadd.s32 $0x0, s8  }
0x201: {  	s8 =	sadd.s32 $0x20, s8;
	v9 =	vpack.i.f32.bf16 v10, v9  }
0x202: {  	s16 =	sor.u32 $0x200, s8;
	[tilespmem:v11+s13+$0x0] =	vst.idx.msk $0xffff, v9  }
0x203: {  	s17 =	sor.u32 $0x280, s8;
	v9 =	vld [tilespmem:s16+$0x4000]  }
0x204: {  	v10 =	vld [tilespmem:s17+$0x4000]  }
0x205: {  	v11 =	vor.u32 s31, v2;
	_ =	sdelay $0x3  }
0x206: {  	v9 =	vpack.i.f32.bf16 v10, v9  }
0x207: {  	s3 =	sor.u32 s26, s25;
	s8 =	sor.u32 $0x300, s8;
	[tilespmem:v11+s13+$0x0] =	vst.idx.msk $0xffff, v9  }
0x208: {  	s3 =	sor.u32 $0x380, s3;
	v9 =	vld [tilespmem:s8+$0x4000]  }
0x209: {  	v10 =	vld [tilespmem:s3+$0x4000]  }
0x20a: {  	v11 =	vor.u32 s31, v4;
	_ =	sdelay $0x3  }
0x20b: {  	v9 =	vpack.i.f32.bf16 v10, v9  }
0x20c: {  	s18 =	sor.u32 s29, s4;
	[tilespmem:v11+s13+$0x0] =	vst.idx.msk $0xffff, v9  }
0x20d: {  	s19 =	sor.u32 s29, s5;
	v9 =	vld [tilespmem:s18+$0x0]  }
0x20e: {  	v10 =	vld [tilespmem:s19+$0x0]  }
0x20f: {  	v11 =	vor.u32 s31, v5;
	_ =	sdelay $0x3  }
0x210: {  	v9 =	vpack.i.f32.bf16 v10, v9  }
0x211: {  	s20 =	sor.u32 s29, s7;
	[tilespmem:v11+s13+$0x0] =	vst.idx.msk $0xffff, v9  }
0x212: {  	s21 =	sor.u32 s29, s10;
	v9 =	vld [tilespmem:s20+$0x0]  }
0x213: {  	v10 =	vld [tilespmem:s21+$0x0]  }
0x214: {  	v11 =	vor.u32 s31, v6;
	_ =	sdelay $0x3  }
0x215: {  	v9 =	vpack.i.f32.bf16 v10, v9  }
0x216: {  	s22 =	sor.u32 s29, s9;
	[tilespmem:v11+s13+$0x0] =	vst.idx.msk $0xffff, v9  }
0x217: {  	s23 =	sor.u32 s29, s28;
	v9 =	vld [tilespmem:s22+$0x0]  }
0x218: {  	v10 =	vld [tilespmem:s23+$0x0]  }
0x219: {  	v11 =	vor.u32 s31, v7;
	_ =	sdelay $0x3  }
0x21a: {  	v9 =	vpack.i.f32.bf16 v10, v9  }
0x21b: {  	s24 =	sor.u32 s29, s11;
	[tilespmem:v11+s13+$0x0] =	vst.idx.msk $0xffff, v9  }
0x21c: {  	s6 =	sor.u32 s29, s2;
	v9 =	vld [tilespmem:s24+$0x0]  }
0x21d: {  	v10 =	vld [tilespmem:s6+$0x0]  }
0x21e: {  	v11 =	vor.u32 s31, v8;
	_ =	sdelay $0x2  }
0x21f: {  	s3 =	simm.s32 $0x30  }
0x220: {  	s12 =	sand.u32 $0x70, s3;
	v9 =	vpack.i.f32.bf16 v10, v9  }
0x221: {  	s0 =	sor.u32 s12, s0;
	[tilespmem:v11+s13+$0x0] =	vst.idx.msk $0xffff, v9  }
0x222: {  	v9 =	vld [tilespmem:s0+$0x0]  }
0x223: {  	s26 =	simm.s32 $0x180;
	v10 =	vld [tilespmem:s0+$0x80]  }
0x224: {  	v11 =	vor.u32 s26, v0;
	_ =	sdelay $0x3  }
0x225: {  	v9 =	vpack.i.f32.bf16 v10, v9  }
0x226: {  	[tilespmem:v11+s13+$0x0] =	vst.idx.msk $0xffff, v9  }
0x227: {  	v9 =	vld [tilespmem:s0+$0x100]  }
0x228: {  	v10 =	vld [tilespmem:s0+$0x180]  }
0x229: {  	v11 =	vor.u32 s26, v1;
	_ =	sdelay $0x3  }
0x22a: {  	s29 =	sadd.s32 $0x30, s1;
	v9 =	vpack.i.f32.bf16 v10, v9  }
0x22b: {  	s1 =	sor.u32 $0x200, s29;
	[tilespmem:v11+s13+$0x0] =	vst.idx.msk $0xffff, v9  }
0x22c: {  	s30 =	sor.u32 $0x280, s29;
	v9 =	vld [tilespmem:s1+$0x4000]  }
0x22d: {  	v10 =	vld [tilespmem:s30+$0x4000]  }
0x22e: {  	v11 =	vor.u32 s26, v2;
	_ =	sdelay $0x3  }
0x22f: {  	v9 =	vpack.i.f32.bf16 v10, v9  }
0x230: {  	s31 =	sor.u32 s3, s25;
	s0 =	sor.u32 $0x300, s29;
	[tilespmem:v11+s13+$0x0] =	vst.idx.msk $0xffff, v9  }
0x231: {  	s1 =	sor.u32 $0x380, s31;
	v14 =	vld [tilespmem:s0+$0x4000]  }
0x232: {  	v15 =	vld [tilespmem:s1+$0x4000];
	_ =	sdelay $0x1  }
0x233: {  	v13 =	vor.u32 s26, v4  }
0x234: {  	p2 =	por !p2, !p2;
	s14 =	sor.u32 s12, s4;
	s8 =	sor.u32 s12, s7  }
0x235: {  	v12 =	vor.u32 s26, v5;
	s7 =	sor.u32 s12, s9;
	s4 =	sor.u32 s12, s11;
	s9 =	simm.s32 $0x2;
	v10 =	vor.u32 s26, v7  }
0x236: {  	s11 =	simm.s32 $0x0;
	v11 =	vor.u32 s26, v6;
	v9 =	vor.u32 s26, v8;
	s1 =	simm.s32 $0x4;
	s0 =	sor.u32 s12, s5;
	v14 =	vpack.i.f32.bf16 v15, v14  }
.LBB2_6:
0x237: {  	_ = 	snop  }
0x238: {  	[tilespmem:v13+s13+$0x0] =	vst.idx.msk $0xffff, v14  }
0x239: {  	v13 =	vld [tilespmem:s14+$0x0]  }
0x23a: {  	v14 =	vld [tilespmem:s0+$0x0];
	_ =	sdelay $0x4  }
0x23b: {  	v13 =	vpack.i.f32.bf16 v14, v13  }
0x23c: {  	[tilespmem:v12+s13+$0x0] =	vst.idx.msk $0xffff, v13  }
0x23d: {  	s16 =	sor.u32 s12, s10;
	v12 =	vld [tilespmem:s8+$0x0]  }
0x23e: {  	v13 =	vld [tilespmem:s16+$0x0];
	_ =	sdelay $0x4  }
0x23f: {  	v12 =	vpack.i.f32.bf16 v13, v12  }
0x240: {  	[tilespmem:v11+s13+$0x0] =	vst.idx.msk $0xffff, v12  }
0x241: {  	s17 =	sor.u32 s12, s28;
	v11 =	vld [tilespmem:s7+$0x0]  }
0x242: {  	v12 =	vld [tilespmem:s17+$0x0];
	_ =	sdelay $0x4  }
0x243: {  	v11 =	vpack.i.f32.bf16 v12, v11  }
0x244: {  	[tilespmem:v10+s13+$0x0] =	vst.idx.msk $0xffff, v11  }
0x245: {  	s18 =	sor.u32 s12, s2;
	v10 =	vld [tilespmem:s4+$0x0]  }
0x246: {  	v11 =	vld [tilespmem:s18+$0x0];
	_ =	sdelay $0x2  }
0x247: {  	s3 =	sadd.s32 $0x40, s3;
	s25 =	sadd.s32 $0x200, s25  }
0x248: {  	s19 =	sadd.s32 $0xFFFFFFD0, s3;
	s2 =	sand.u32 $0x1C00, s25  }
0x249: {  	s0 =	sand.u32 $0x40, s19;
	s17 =	sor.u32 $0x4000, s2;
	v10 =	vpack.i.f32.bf16 v11, v10  }
0x24a: {  	s20 =	sor.u32 s0, s17;
	[tilespmem:v9+s13+$0x0] =	vst.idx.msk $0xffff, v10  }
0x24b: {  	s5 =	smov.u32 s1;
	v9 =	vld [tilespmem:s20+$0x0]  }
0x24c: {  	s5 =	sshll.u32 s5, $0x7;
	v10 =	vld [tilespmem:s20+$0x80]  }
0x24d: {  	v11 =	vor.u32 s5, v0;
	_ =	sdelay $0x3  }
0x24e: {  	s26 =	simm.s32 $0xA000;
	v9 =	vpack.i.f32.bf16 v10, v9  }
0x24f: {  	[tilespmem:v11+s26+$0x0] =	vst.idx.msk $0xffff, v9  }
0x250: {  	v9 =	vld [tilespmem:s20+$0x100]  }
0x251: {  	v11 =	vld [tilespmem:s20+$0x180]  }
0x252: {  	v10 =	vor.u32 s5, v1  }
0x253: {  	s10 =	simm.s32 $0x1  }
0x254: {  	s10 =	simm.s32 @!p2 $0x0  }
0x255: {  	s10 =	sshll.u32 s10, $0x6  }
0x256: {  	s10 =	sadd.s32 s10, s25;
	v9 =	vpack.i.f32.bf16 v11, v9  }
0x257: {  	s23 =	sor.u32 $0x200, s10;
	[tilespmem:v10+s26+$0x0] =	vst.idx.msk $0xffff, v9  }
0x258: {  	s24 =	sor.u32 $0x280, s10;
	v10 =	vld [tilespmem:s23+$0x4000]  }
0x259: {  	v11 =	vld [tilespmem:s24+$0x4000]  }
0x25a: {  	v9 =	vor.u32 s5, v2;
	_ =	sdelay $0x3  }
0x25b: {  	v10 =	vpack.i.f32.bf16 v11, v10  }
0x25c: {  	s10 =	sor.u32 $0x300, s10;
	s4 =	sor.u32 s19, s25;
	[tilespmem:v9+s26+$0x0] =	vst.idx.msk $0xffff, v10  }
0x25d: {  	s4 =	sor.u32 $0x380, s4;
	v9 =	vld [tilespmem:s10+$0x4000]  }
0x25e: {  	v10 =	vld [tilespmem:s4+$0x4000]  }
0x25f: {  	v11 =	vor.u32 s5, v4;
	_ =	sdelay $0x3  }
0x260: {  	s22 =	sor.u32 $0x6000, s2;
	v9 =	vpack.i.f32.bf16 v10, v9  }
0x261: {  	s18 =	sor.u32 s0, s22;
	s4 =	sor.u32 $0x6080, s2;
	[tilespmem:v11+s26+$0x0] =	vst.idx.msk $0xffff, v9  }
0x262: {  	s29 =	sor.u32 s0, s4;
	v9 =	vld [tilespmem:s18+$0x0]  }
0x263: {  	v10 =	vld [tilespmem:s29+$0x0]  }
0x264: {  	v12 =	vor.u32 s5, v5;
	_ =	sdelay $0x3  }
0x265: {  	s31 =	sor.u32 $0x6100, s2;
	v9 =	vpack.i.f32.bf16 v10, v9  }
0x266: {  	s13 =	sor.u32 s0, s31;
	s10 =	sor.u32 $0x6180, s2;
	[tilespmem:v12+s26+$0x0] =	vst.idx.msk $0xffff, v9  }
0x267: {  	s24 =	sor.u32 s0, s10;
	v9 =	vld [tilespmem:s13+$0x0]  }
0x268: {  	v10 =	vld [tilespmem:s24+$0x0]  }
0x269: {  	v11 =	vor.u32 s5, v6;
	_ =	sdelay $0x3  }
0x26a: {  	s15 =	sor.u32 $0x6200, s2;
	v9 =	vpack.i.f32.bf16 v10, v9  }
0x26b: {  	s28 =	sor.u32 $0x6280, s2;
	s6 =	sor.u32 s0, s15;
	[tilespmem:v11+s26+$0x0] =	vst.idx.msk $0xffff, v9  }
0x26c: {  	s29 =	sor.u32 s0, s28;
	v9 =	vld [tilespmem:s6+$0x0]  }
0x26d: {  	v10 =	vld [tilespmem:s29+$0x0]  }
0x26e: {  	v12 =	vor.u32 s5, v7;
	_ =	sdelay $0x3  }
0x26f: {  	s19 =	sor.u32 $0x6300, s2;
	v9 =	vpack.i.f32.bf16 v10, v9  }
0x270: {  	s8 =	sor.u32 s0, s19;
	s2 =	sor.u32 $0x6380, s2;
	[tilespmem:v12+s26+$0x0] =	vst.idx.msk $0xffff, v9  }
0x271: {  	s0 =	sor.u32 s0, s2;
	v9 =	vld [tilespmem:s8+$0x0]  }
0x272: {  	v10 =	vld [tilespmem:s0+$0x0]  }
0x273: {  	v11 =	vor.u32 s5, v8;
	_ =	sdelay $0x1  }
0x274: {  	s12 =	sand.u32 $0x70, s3  }
0x275: {  	s14 =	sadd.s32 $0xFFFFFFE0, s3;
	s23 =	sor.u32 s12, s19  }
0x276: {  	s30 =	sor.u32 s12, s22;
	[dreg:$0x8] =	wrdreg s23;
	s23 =	sand.u32 $0x50, s14;
	v9 =	vpack.i.f32.bf16 v10, v9  }
0x277: {  	[dreg:$0xa] =	wrdreg s30;
	s30 =	sor.u32 s23, s17;
	[tilespmem:v11+s26+$0x0] =	vst.idx.msk $0xffff, v9  }
0x278: {  	v9 =	vld [tilespmem:s30+$0x0]  }
0x279: {  	s21 =	sadd.s32 $0x100, s5;
	s7 =	sadd.s32 $0x180, s5;
	s5 =	sadd.s32 $0x80, s5;
	v11 =	vld [tilespmem:s30+$0x80]  }
0x27a: {  	v12 =	vor.u32 s5, v0;
	_ =	sdelay $0x3  }
0x27b: {  	v9 =	vpack.i.f32.bf16 v11, v9  }
0x27c: {  	[tilespmem:v12+s26+$0x0] =	vst.idx.msk $0xffff, v9  }
0x27d: {  	v11 =	vld [tilespmem:s30+$0x100]  }
0x27e: {  	v12 =	vld [tilespmem:s30+$0x180]  }
0x27f: {  	s11 =	sadd.s32 $0x4, s11;
	s20 =	sor.u32 s12, s15;
	v10 =	vor.u32 s5, v1  }
0x280: {  	[dreg:$0x5] =	wrdreg s20;
	s20 =	sand.u32 $0x7, s11  }
0x281: {  	s0 =	sshll.u32 s20, $0x4  }
0x282: {  	s0 =	sadd.s32 s25, s0  }
0x283: {  	s20 =	sadd.s32 $0x10, s0;
	v11 =	vpack.i.f32.bf16 v12, v11  }
0x284: {  	s29 =	sor.u32 $0x200, s20;
	[tilespmem:v10+s26+$0x0] =	vst.idx.msk $0xffff, v11  }
0x285: {  	s30 =	sor.u32 $0x280, s20;
	v10 =	vld [tilespmem:s29+$0x4000]  }
0x286: {  	v11 =	vld [tilespmem:s30+$0x4000]  }
0x287: {  	v9 =	vor.u32 s5, v2;
	_ =	sdelay $0x3  }
0x288: {  	v10 =	vpack.i.f32.bf16 v11, v10  }
0x289: {  	s14 =	sor.u32 s14, s25;
	s20 =	sor.u32 $0x300, s20;
	[tilespmem:v9+s26+$0x0] =	vst.idx.msk $0xffff, v10  }
0x28a: {  	s14 =	sor.u32 $0x380, s14;
	v9 =	vld [tilespmem:s20+$0x4000]  }
0x28b: {  	v10 =	vld [tilespmem:s14+$0x4000]  }
0x28c: {  	v12 =	vor.u32 s5, v4;
	_ =	sdelay $0x3  }
0x28d: {  	s16 =	sor.u32 s12, s4;
	v9 =	vpack.i.f32.bf16 v10, v9  }
0x28e: {  	[dreg:$0x6] =	wrdreg s16;
	s16 =	sor.u32 s23, s22;
	[tilespmem:v12+s26+$0x0] =	vst.idx.msk $0xffff, v9  }
0x28f: {  	s29 =	sor.u32 s23, s4;
	v9 =	vld [tilespmem:s16+$0x0]  }
0x290: {  	v10 =	vld [tilespmem:s29+$0x0]  }
0x291: {  	v13 =	vor.u32 s5, v5;
	_ =	sdelay $0x3  }
0x292: {  	s18 =	sor.u32 s12, s31;
	v9 =	vpack.i.f32.bf16 v10, v9  }
0x293: {  	[dreg:$0x9] =	wrdreg s18;
	s18 =	sor.u32 s23, s31;
	[tilespmem:v13+s26+$0x0] =	vst.idx.msk $0xffff, v9  }
0x294: {  	s30 =	sor.u32 s23, s10;
	v9 =	vld [tilespmem:s18+$0x0]  }
0x295: {  	v10 =	vld [tilespmem:s30+$0x0]  }
0x296: {  	v11 =	vor.u32 s5, v6;
	_ =	sdelay $0x3  }
0x297: {  	v9 =	vpack.i.f32.bf16 v10, v9  }
0x298: {  	s24 =	sor.u32 s23, s15;
	[tilespmem:v11+s26+$0x0] =	vst.idx.msk $0xffff, v9  }
0x299: {  	s13 =	sor.u32 s23, s28;
	v9 =	vld [tilespmem:s24+$0x0]  }
0x29a: {  	v10 =	vld [tilespmem:s13+$0x0]  }
0x29b: {  	v12 =	vor.u32 s5, v7;
	_ =	sdelay $0x3  }
0x29c: {  	v9 =	vpack.i.f32.bf16 v10, v9  }
0x29d: {  	s6 =	sor.u32 s23, s19;
	[tilespmem:v12+s26+$0x0] =	vst.idx.msk $0xffff, v9  }
0x29e: {  	s8 =	sor.u32 s23, s2;
	v9 =	vld [tilespmem:s6+$0x0]  }
0x29f: {  	v12 =	vld [tilespmem:s8+$0x0]  }
0x2a0: {  	v13 =	vor.u32 s5, v8;
	_ =	sdelay $0x2  }
0x2a1: {  	s8 =	sadd.s32 $0xFFFFFFF0, s3  }
0x2a2: {  	s13 =	sand.u32 $0x60, s8;
	v9 =	vpack.i.f32.bf16 v12, v9  }
0x2a3: {  	s18 =	sor.u32 s13, s17;
	[tilespmem:v13+s26+$0x0] =	vst.idx.msk $0xffff, v9  }
0x2a4: {  	v12 =	vld [tilespmem:s18+$0x0]  }
0x2a5: {  	v13 =	vld [tilespmem:s18+$0x80]  }
0x2a6: {  	v11 =	vor.u32 s21, v0;
	_ =	sdelay $0x3  }
0x2a7: {  	v12 =	vpack.i.f32.bf16 v13, v12  }
0x2a8: {  	[tilespmem:v11+s26+$0x0] =	vst.idx.msk $0xffff, v12  }
0x2a9: {  	v11 =	vld [tilespmem:s18+$0x100]  }
0x2aa: {  	v12 =	vld [tilespmem:s18+$0x180]  }
0x2ab: {  	v10 =	vor.u32 s21, v1  }
0x2ac: {  	s30 =	sor.u32 s13, s19;
	s19 =	sand.u32 $0x3, s9  }
0x2ad: {  	s29 =	sor.u32 s13, s15;
	s15 =	sshll.u32 s19, $0x5  }
0x2ae: {  	s15 =	sadd.s32 s25, s15  }
0x2af: {  	s15 =	sadd.s32 $0x20, s15;
	v11 =	vpack.i.f32.bf16 v12, v11  }
0x2b0: {  	s20 =	sor.u32 $0x200, s15;
	[tilespmem:v10+s26+$0x0] =	vst.idx.msk $0xffff, v11  }
0x2b1: {  	s23 =	sor.u32 s13, s22;
	s22 =	sor.u32 $0x280, s15;
	v10 =	vld [tilespmem:s20+$0x4000]  }
0x2b2: {  	v11 =	vld [tilespmem:s22+$0x4000]  }
0x2b3: {  	v9 =	vor.u32 s21, v2;
	_ =	sdelay $0x3  }
0x2b4: {  	v10 =	vpack.i.f32.bf16 v11, v10  }
0x2b5: {  	s16 =	sor.u32 s8, s25;
	s15 =	sor.u32 $0x300, s15;
	[tilespmem:v9+s26+$0x0] =	vst.idx.msk $0xffff, v10  }
0x2b6: {  	s14 =	sor.u32 $0x380, s16;
	v9 =	vld [tilespmem:s15+$0x4000]  }
0x2b7: {  	v10 =	vld [tilespmem:s14+$0x4000]  }
0x2b8: {  	v13 =	vor.u32 s21, v4;
	_ =	sdelay $0x3  }
0x2b9: {  	v9 =	vpack.i.f32.bf16 v10, v9  }
0x2ba: {  	[tilespmem:v13+s26+$0x0] =	vst.idx.msk $0xffff, v9  }
0x2bb: {  	s4 =	sor.u32 s13, s4;
	v9 =	vld [tilespmem:s23+$0x0]  }
0x2bc: {  	v10 =	vld [tilespmem:s4+$0x0]  }
0x2bd: {  	v14 =	vor.u32 s21, v5;
	_ =	sdelay $0x3  }
0x2be: {  	v9 =	vpack.i.f32.bf16 v10, v9  }
0x2bf: {  	s24 =	sor.u32 s13, s31;
	[tilespmem:v14+s26+$0x0] =	vst.idx.msk $0xffff, v9  }
0x2c0: {  	s23 =	sor.u32 s13, s10;
	v9 =	vld [tilespmem:s24+$0x0]  }
0x2c1: {  	v10 =	vld [tilespmem:s23+$0x0]  }
0x2c2: {  	v12 =	vor.u32 s21, v6;
	_ =	sdelay $0x3  }
0x2c3: {  	v9 =	vpack.i.f32.bf16 v10, v9  }
0x2c4: {  	[tilespmem:v12+s26+$0x0] =	vst.idx.msk $0xffff, v9  }
0x2c5: {  	s24 =	sor.u32 s13, s28;
	v9 =	vld [tilespmem:s29+$0x0]  }
0x2c6: {  	v12 =	vld [tilespmem:s24+$0x0]  }
0x2c7: {  	v11 =	vor.u32 s21, v7;
	_ =	sdelay $0x3  }
0x2c8: {  	s31 =	sor.u32 s13, s2;
	s13 =	simm.s32 $0xA000;
	v9 =	vpack.i.f32.bf16 v12, v9  }
0x2c9: {  	[tilespmem:v11+s13+$0x0] =	vst.idx.msk $0xffff, v9  }
0x2ca: {  	v11 =	vld [tilespmem:s30+$0x0]  }
0x2cb: {  	v12 =	vld [tilespmem:s31+$0x0]  }
0x2cc: {  	v15 =	vor.u32 s21, v8;
	_ =	sdelay $0x3  }
0x2cd: {  	v11 =	vpack.i.f32.bf16 v12, v11  }
0x2ce: {  	s26 =	sor.u32 s12, s17;
	[tilespmem:v15+s13+$0x0] =	vst.idx.msk $0xffff, v11  }
0x2cf: {  	v11 =	vld [tilespmem:s26+$0x0]  }
0x2d0: {  	v15 =	vld [tilespmem:s26+$0x80]  }
0x2d1: {  	v14 =	vor.u32 s7, v0;
	_ =	sdelay $0x3  }
0x2d2: {  	v11 =	vpack.i.f32.bf16 v15, v11  }
0x2d3: {  	[tilespmem:v14+s13+$0x0] =	vst.idx.msk $0xffff, v11  }
0x2d4: {  	v14 =	vld [tilespmem:s26+$0x100]  }
0x2d5: {  	v15 =	vld [tilespmem:s26+$0x180]  }
0x2d6: {  	v10 =	vor.u32 s7, v1;
	_ =	sdelay $0x3  }
0x2d7: {  	s0 =	sadd.s32 $0x30, s0;
	v14 =	vpack.i.f32.bf16 v15, v14  }
0x2d8: {  	s29 =	sor.u32 $0x200, s0;
	[tilespmem:v10+s13+$0x0] =	vst.idx.msk $0xffff, v14  }
0x2d9: {  	s30 =	sor.u32 $0x280, s0;
	v14 =	vld [tilespmem:s29+$0x4000]  }
0x2da: {  	v15 =	vld [tilespmem:s30+$0x4000]  }
0x2db: {  	v9 =	vor.u32 s7, v2;
	_ =	sdelay $0x3  }
0x2dc: {  	v14 =	vpack.i.f32.bf16 v15, v14  }
0x2dd: {  	s31 =	sor.u32 s3, s25;
	s0 =	sor.u32 $0x300, s0;
	[tilespmem:v9+s13+$0x0] =	vst.idx.msk $0xffff, v14  }
0x2de: {  	s4 =	sor.u32 $0x380, s31;
	v14 =	vld [tilespmem:s0+$0x4000]  }
0x2df: {  	p3 =	slt.u32 s1, $0x3C;
	v15 =	vld [tilespmem:s4+$0x4000]  }
.Ltmp6:
0x2e0: {  	s8 =	rddreg [dreg:$0x9];
	(pc) =	sbr.rel @p3 .LBB2_6-.Ltmp6, $4  }
0x2e1: {  	s14 =	rddreg [dreg:$0xa];
	v13 =	vor.u32 s7, v4;
	v12 =	vor.u32 s7, v5  }
0x2e2: {  	v11 =	vor.u32 s7, v6;
	v10 =	vor.u32 s7, v7;
	v9 =	vor.u32 s7, v8;
	s7 =	rddreg [dreg:$0x5]  }
0x2e3: {  	s1 =	sadd.s32 $0x4, s1;
	s0 =	rddreg [dreg:$0x6]  }
0x2e4: {  	p2 =	por !p2, !p2;
	s9 =	sadd.s32 $0x2, s9;
	s4 =	rddreg [dreg:$0x8];
	v14 =	vpack.i.f32.bf16 v15, v14  }
0x2e5: {  	_ =	sdelay $0x3  }
0x2e6: {  	[tilespmem:v13+s13+$0x0] =	vst.idx.msk $0xffff, v14  }
0x2e7: {  	v13 =	vld [tilespmem:s14+$0x0]  }
0x2e8: {  	v14 =	vld [tilespmem:s0+$0x0];
	_ =	sdelay $0x4  }
0x2e9: {  	v13 =	vpack.i.f32.bf16 v14, v13  }
0x2ea: {  	[tilespmem:v12+s13+$0x0] =	vst.idx.msk $0xffff, v13  }
0x2eb: {  	s26 =	sor.u32 s12, s10;
	v12 =	vld [tilespmem:s8+$0x0]  }
0x2ec: {  	v13 =	vld [tilespmem:s26+$0x0];
	_ =	sdelay $0x4  }
0x2ed: {  	v12 =	vpack.i.f32.bf16 v13, v12  }
0x2ee: {  	[tilespmem:v11+s13+$0x0] =	vst.idx.msk $0xffff, v12  }
0x2ef: {  	s28 =	sor.u32 s12, s28;
	v11 =	vld [tilespmem:s7+$0x0]  }
0x2f0: {  	v12 =	vld [tilespmem:s28+$0x0];
	_ =	sdelay $0x4  }
0x2f1: {  	v11 =	vpack.i.f32.bf16 v12, v11  }
0x2f2: {  	[tilespmem:v10+s13+$0x0] =	vst.idx.msk $0xffff, v11  }
0x2f3: {  	s29 =	sor.u32 s12, s2;
	v10 =	vld [tilespmem:s4+$0x0]  }
0x2f4: {  	v11 =	vld [tilespmem:s29+$0x0];
	_ =	sdelay $0x3  }
.Ltmp7:
0x2f5: {  	s30 =	rddreg [dreg:$0x13];
	(pc) =	sbr.rel .LBB2_8-.Ltmp7, $4  }
0x2f6: {  	s1 =	rddreg [dreg:$0xc];
	s0 =	sshll.u32 s30, $0xA;
	v10 =	vpack.i.f32.bf16 v11, v10  }
0x2f7: {  	s31 =	simm.s32 $0x0;
	s0 =	sadd.s32 s1, s0;
	[tilespmem:v9+s13+$0x0] =	vst.idx.msk $0xffff, v10  }
0x2f8: {  	[hbm4b:s0+s31] =	stream.linear.scatter [tilespmem:s13], [sflag:$0x4], $0x2000, $0x38;
	[tilespmem:$0xE200] =	vst v63  }
0x2f9: {  	s13 =	simm.s32 $0x8000  }
.LBB2_9:
.Ltmp8:
0x2fa: {  	(pc) =	sbr.rel @!p0 .LBB2_10-.Ltmp8, $4  }
0x2fb: {  	s0 =	simm.s32 $0x3  }
0x2fc: {  	_ =	swait.ge [sflag:s0], $0x2000  }
0x2fd: {  	[sflag:s0] =	ssyncset.done $0x0  }
0x2fe: {  	[sflag:s0] =	ssyncadd.s32 $0xFFFFE000  }
.Ltmp9:
0x2ff: {  	(pc) =	sbr.rel @p1 .LBB2_13-.Ltmp9, $2  }
0x300: {  	_ =	sdelay $0x2  }
0x301: {  	s5 =	rddreg [dreg:$0x11]  }
0x302: {  	s0 =	rddreg [dreg:$0x1]  }
0x303: {  	s1 =	simm.s32 $0x0;
	s2 =	simm.s32 $0xC000;
	s3 =	simm.s32 $0x5  }
0x304: {  	[tilespmem:s2], [sflag:$0x5] =	stream.linear.gather [hbm4b:s0+s1], $0x2000, $0x38;
	[tilespmem:$0xE200] =	vst v63  }
0x305: {  	_ =	swait.ge [sflag:s3], $0x2000  }
0x306: {  	v10 =	vld [tilespmem:$0x1FF90];
	_ =	sdelay $0x4  }
0x307: {  	[sflag:s3] =	ssyncset.done $0x0  }
0x308: {  	[sflag:s3] =	ssyncadd.s32 $0xFFFFE000  }
0x309: {  	v9 =	vld.idx.msk [tilespmem:v3+s2+$0x0], $0xffff  }
0x30a: {  	v10 =	vld.idx.msk [tilespmem:v10+s2+$0x0], $0xffff;
	_ =	sdelay $0x4  }
0x30b: {  	s4 =	simm.s32 $0xE000;
	v9 =	vpack.i.f32.bf16 v10, v9;
	v10 =	vld [tilespmem:$0x1FFB0]  }
0x30c: {  	[tilespmem:v0+s4+$0x0] =	vst.idx.msk $0xffff, v9;
	v9 =	vld [tilespmem:$0x1FFA0];
	_ =	sdelay $0x6  }
0x30d: {  	v10 =	vld.idx.msk [tilespmem:v10+s2+$0x0], $0xffff  }
0x30e: {  	v9 =	vld.idx.msk [tilespmem:v9+s2+$0x0], $0xffff;
	_ =	sdelay $0x4  }
0x30f: {  	v9 =	vpack.i.f32.bf16 v10, v9;
	v10 =	vld [tilespmem:$0x1FFD0]  }
0x310: {  	[tilespmem:v1+s4+$0x0] =	vst.idx.msk $0xffff, v9;
	v9 =	vld [tilespmem:$0x1FFC0];
	_ =	sdelay $0x6  }
0x311: {  	v10 =	vld.idx.msk [tilespmem:v10+s2+$0x0], $0xffff  }
0x312: {  	v9 =	vld.idx.msk [tilespmem:v9+s2+$0x0], $0xffff;
	_ =	sdelay $0x4  }
0x313: {  	v9 =	vpack.i.f32.bf16 v10, v9;
	v10 =	vld [tilespmem:$0x1FFF0]  }
0x314: {  	[tilespmem:v2+s4+$0x0] =	vst.idx.msk $0xffff, v9;
	v9 =	vld [tilespmem:$0x1FFE0];
	_ =	sdelay $0x6  }
0x315: {  	v10 =	vld.idx.msk [tilespmem:v10+s2+$0x0], $0xffff  }
0x316: {  	v9 =	vld.idx.msk [tilespmem:v9+s2+$0x0], $0xffff;
	_ =	sdelay $0x4  }
0x317: {  	v9 =	vpack.i.f32.bf16 v10, v9  }
0x318: {  	[tilespmem:v4+s4+$0x0] =	vst.idx.msk $0xffff, v9  }
0x319: {  	v9 =	vld.idx.msk [tilespmem:v16+s2+$0x0], $0xffff  }
0x31a: {  	v10 =	vld.idx.msk [tilespmem:v17+s2+$0x0], $0xffff;
	_ =	sdelay $0x4  }
0x31b: {  	v9 =	vpack.i.f32.bf16 v10, v9  }
0x31c: {  	[tilespmem:v5+s4+$0x0] =	vst.idx.msk $0xffff, v9  }
0x31d: {  	v9 =	vld.idx.msk [tilespmem:v18+s2+$0x0], $0xffff  }
0x31e: {  	v10 =	vld.idx.msk [tilespmem:v19+s2+$0x0], $0xffff;
	_ =	sdelay $0x4  }
0x31f: {  	v9 =	vpack.i.f32.bf16 v10, v9  }
0x320: {  	[tilespmem:v6+s4+$0x0] =	vst.idx.msk $0xffff, v9  }
0x321: {  	v9 =	vld.idx.msk [tilespmem:v20+s2+$0x0], $0xffff  }
0x322: {  	v10 =	vld.idx.msk [tilespmem:v21+s2+$0x0], $0xffff;
	_ =	sdelay $0x4  }
0x323: {  	v9 =	vpack.i.f32.bf16 v10, v9  }
0x324: {  	[tilespmem:v7+s4+$0x0] =	vst.idx.msk $0xffff, v9  }
0x325: {  	v9 =	vld.idx.msk [tilespmem:v22+s2+$0x0], $0xffff  }
0x326: {  	v10 =	vld.idx.msk [tilespmem:v23+s2+$0x0], $0xffff;
	_ =	sdelay $0x4  }
0x327: {  	v9 =	vpack.i.f32.bf16 v10, v9  }
0x328: {  	[tilespmem:v8+s4+$0x0] =	vst.idx.msk $0xffff, v9  }
0x329: {  	v9 =	vld.idx.msk [tilespmem:v24+s2+$0x0], $0xffff  }
0x32a: {  	v10 =	vld.idx.msk [tilespmem:v25+s2+$0x0], $0xffff;
	_ =	sdelay $0x4  }
0x32b: {  	v9 =	vpack.i.f32.bf16 v10, v9  }
0x32c: {  	[tilespmem:v26+s4+$0x0] =	vst.idx.msk $0xffff, v9  }
0x32d: {  	v9 =	vld.idx.msk [tilespmem:v27+s2+$0x0], $0xffff  }
0x32e: {  	v10 =	vld.idx.msk [tilespmem:v28+s2+$0x0], $0xffff;
	_ =	sdelay $0x4  }
0x32f: {  	v9 =	vpack.i.f32.bf16 v10, v9  }
0x330: {  	[tilespmem:v29+s4+$0x0] =	vst.idx.msk $0xffff, v9  }
0x331: {  	v9 =	vld.idx.msk [tilespmem:v30+s2+$0x0], $0xffff  }
0x332: {  	v10 =	vld.idx.msk [tilespmem:v31+s2+$0x0], $0xffff;
	_ =	sdelay $0x4  }
0x333: {  	v9 =	vpack.i.f32.bf16 v10, v9  }
0x334: {  	[tilespmem:v32+s4+$0x0] =	vst.idx.msk $0xffff, v9  }
0x335: {  	v9 =	vld.idx.msk [tilespmem:v33+s2+$0x0], $0xffff  }
0x336: {  	v10 =	vld.idx.msk [tilespmem:v34+s2+$0x0], $0xffff;
	_ =	sdelay $0x4  }
0x337: {  	v9 =	vpack.i.f32.bf16 v10, v9  }
0x338: {  	[tilespmem:v35+s4+$0x0] =	vst.idx.msk $0xffff, v9  }
0x339: {  	v9 =	vld.idx.msk [tilespmem:v36+s2+$0x0], $0xffff  }
0x33a: {  	v10 =	vld.idx.msk [tilespmem:v37+s2+$0x0], $0xffff;
	_ =	sdelay $0x4  }
0x33b: {  	v9 =	vpack.i.f32.bf16 v10, v9  }
0x33c: {  	[tilespmem:v38+s4+$0x0] =	vst.idx.msk $0xffff, v9  }
0x33d: {  	v9 =	vld.idx.msk [tilespmem:v39+s2+$0x0], $0xffff  }
0x33e: {  	v10 =	vld.idx.msk [tilespmem:v40+s2+$0x0], $0xffff;
	_ =	sdelay $0x4  }
0x33f: {  	v9 =	vpack.i.f32.bf16 v10, v9  }
0x340: {  	[tilespmem:v41+s4+$0x0] =	vst.idx.msk $0xffff, v9  }
0x341: {  	v9 =	vld.idx.msk [tilespmem:v42+s2+$0x0], $0xffff  }
0x342: {  	v10 =	vld.idx.msk [tilespmem:v43+s2+$0x0], $0xffff;
	_ =	sdelay $0x4  }
0x343: {  	v9 =	vpack.i.f32.bf16 v10, v9  }
0x344: {  	[tilespmem:v44+s4+$0x0] =	vst.idx.msk $0xffff, v9  }
0x345: {  	v9 =	vld.idx.msk [tilespmem:v45+s2+$0x0], $0xffff  }
0x346: {  	v10 =	vld.idx.msk [tilespmem:v46+s2+$0x0], $0xffff;
	_ =	sdelay $0x4  }
0x347: {  	v9 =	vpack.i.f32.bf16 v10, v9  }
0x348: {  	[tilespmem:v47+s4+$0x0] =	vst.idx.msk $0xffff, v9  }
0x349: {  	v9 =	vld.idx.msk [tilespmem:v48+s2+$0x0], $0xffff  }
0x34a: {  	v10 =	vld.idx.msk [tilespmem:v49+s2+$0x0], $0xffff;
	_ =	sdelay $0x4  }
0x34b: {  	v9 =	vpack.i.f32.bf16 v10, v9  }
0x34c: {  	[tilespmem:v50+s4+$0x0] =	vst.idx.msk $0xffff, v9  }
0x34d: {  	v9 =	vld.idx.msk [tilespmem:v51+s2+$0x0], $0xffff  }
0x34e: {  	v10 =	vld.idx.msk [tilespmem:v52+s2+$0x0], $0xffff;
	_ =	sdelay $0x4  }
0x34f: {  	v9 =	vpack.i.f32.bf16 v10, v9  }
0x350: {  	[tilespmem:v53+s4+$0x0] =	vst.idx.msk $0xffff, v9  }
0x351: {  	v9 =	vld.idx.msk [tilespmem:v54+s2+$0x0], $0xffff  }
0x352: {  	v10 =	vld.idx.msk [tilespmem:v55+s2+$0x0], $0xffff;
	_ =	sdelay $0x4  }
0x353: {  	v9 =	vpack.i.f32.bf16 v10, v9  }
0x354: {  	[tilespmem:v56+s4+$0x0] =	vst.idx.msk $0xffff, v9  }
0x355: {  	v9 =	vld.idx.msk [tilespmem:v57+s2+$0x0], $0xffff  }
0x356: {  	v10 =	vld.idx.msk [tilespmem:v58+s2+$0x0], $0xffff;
	_ =	sdelay $0x4  }
0x357: {  	v9 =	vpack.i.f32.bf16 v10, v9  }
0x358: {  	[tilespmem:v59+s4+$0x0] =	vst.idx.msk $0xffff, v9  }
0x359: {  	v9 =	vld.idx.msk [tilespmem:v60+s2+$0x0], $0xffff  }
0x35a: {  	v10 =	vld.idx.msk [tilespmem:v61+s2+$0x0], $0xffff;
	_ =	sdelay $0x2  }
0x35b: {  	v11 =	vor.u32 $0x100B, v3;
	_ =	sdelay $0x1  }
0x35c: {  	v9 =	vpack.i.f32.bf16 v10, v9  }
0x35d: {  	[tilespmem:v62+s4+$0x0] =	vst.idx.msk $0xffff, v9  }
0x35e: {  	v9 =	vld.idx.msk [tilespmem:v63+s2+$0x0], $0xffff  }
0x35f: {  	v10 =	vld.idx.msk [tilespmem:v11+s2+$0x0], $0xffff  }
0x360: {  	v11 =	vor.u32 $0x105, v0  }
0x361: {  	v12 =	vor.u32 $0x100C, v3  }
0x362: {  	v13 =	vor.u32 $0x100D, v3;
	_ =	sdelay $0x1  }
0x363: {  	v9 =	vpack.i.f32.bf16 v10, v9  }
0x364: {  	[tilespmem:v11+s4+$0x0] =	vst.idx.msk $0xffff, v9  }
0x365: {  	v9 =	vld.idx.msk [tilespmem:v12+s2+$0x0], $0xffff  }
0x366: {  	v10 =	vld.idx.msk [tilespmem:v13+s2+$0x0], $0xffff  }
0x367: {  	v11 =	vor.u32 $0x106, v0  }
0x368: {  	v12 =	vor.u32 $0x100E, v3  }
0x369: {  	v13 =	vor.u32 $0x100F, v3;
	_ =	sdelay $0x1  }
0x36a: {  	v9 =	vpack.i.f32.bf16 v10, v9  }
0x36b: {  	[tilespmem:v11+s4+$0x0] =	vst.idx.msk $0xffff, v9  }
0x36c: {  	v9 =	vld.idx.msk [tilespmem:v12+s2+$0x0], $0xffff  }
0x36d: {  	v10 =	vld.idx.msk [tilespmem:v13+s2+$0x0], $0xffff  }
0x36e: {  	v11 =	vor.u32 $0x107, v0  }
0x36f: {  	v12 =	vor.u32 $0x1800, v3  }
0x370: {  	v13 =	vor.u32 $0x1801, v3;
	_ =	sdelay $0x1  }
0x371: {  	v9 =	vpack.i.f32.bf16 v10, v9  }
0x372: {  	[tilespmem:v11+s4+$0x0] =	vst.idx.msk $0xffff, v9  }
0x373: {  	v9 =	vld.idx.msk [tilespmem:v12+s2+$0x0], $0xffff  }
0x374: {  	v10 =	vld.idx.msk [tilespmem:v13+s2+$0x0], $0xffff  }
0x375: {  	v11 =	vor.u32 $0x180, v0  }
0x376: {  	v12 =	vor.u32 $0x1802, v3  }
0x377: {  	v13 =	vor.u32 $0x1803, v3;
	_ =	sdelay $0x1  }
0x378: {  	v9 =	vpack.i.f32.bf16 v10, v9  }
0x379: {  	[tilespmem:v11+s4+$0x0] =	vst.idx.msk $0xffff, v9  }
0x37a: {  	v9 =	vld.idx.msk [tilespmem:v12+s2+$0x0], $0xffff  }
0x37b: {  	v10 =	vld.idx.msk [tilespmem:v13+s2+$0x0], $0xffff  }
0x37c: {  	v11 =	vor.u32 $0x181, v0  }
0x37d: {  	v12 =	vor.u32 $0x1804, v3  }
0x37e: {  	v13 =	vor.u32 $0x1805, v3;
	_ =	sdelay $0x1  }
0x37f: {  	v9 =	vpack.i.f32.bf16 v10, v9  }
0x380: {  	[tilespmem:v11+s4+$0x0] =	vst.idx.msk $0xffff, v9  }
0x381: {  	v9 =	vld.idx.msk [tilespmem:v12+s2+$0x0], $0xffff  }
0x382: {  	v10 =	vld.idx.msk [tilespmem:v13+s2+$0x0], $0xffff  }
0x383: {  	v11 =	vor.u32 $0x182, v0  }
0x384: {  	v12 =	vor.u32 $0x1806, v3  }
0x385: {  	v13 =	vor.u32 $0x1807, v3;
	_ =	sdelay $0x1  }
0x386: {  	v9 =	vpack.i.f32.bf16 v10, v9  }
0x387: {  	[tilespmem:v11+s4+$0x0] =	vst.idx.msk $0xffff, v9  }
0x388: {  	v9 =	vld.idx.msk [tilespmem:v12+s2+$0x0], $0xffff  }
0x389: {  	v10 =	vld.idx.msk [tilespmem:v13+s2+$0x0], $0xffff  }
0x38a: {  	v11 =	vor.u32 $0x183, v0  }
0x38b: {  	v12 =	vor.u32 $0x1808, v3  }
0x38c: {  	v13 =	vor.u32 $0x1809, v3;
	_ =	sdelay $0x1  }
0x38d: {  	v9 =	vpack.i.f32.bf16 v10, v9  }
0x38e: {  	[tilespmem:v11+s4+$0x0] =	vst.idx.msk $0xffff, v9  }
0x38f: {  	v9 =	vld.idx.msk [tilespmem:v12+s2+$0x0], $0xffff  }
0x390: {  	v10 =	vld.idx.msk [tilespmem:v13+s2+$0x0], $0xffff  }
0x391: {  	v11 =	vor.u32 $0x184, v0  }
0x392: {  	v12 =	vor.u32 $0x180A, v3  }
0x393: {  	v13 =	vor.u32 $0x180B, v3;
	_ =	sdelay $0x1  }
0x394: {  	v9 =	vpack.i.f32.bf16 v10, v9  }
0x395: {  	[tilespmem:v11+s4+$0x0] =	vst.idx.msk $0xffff, v9  }
0x396: {  	v9 =	vld.idx.msk [tilespmem:v12+s2+$0x0], $0xffff  }
0x397: {  	v10 =	vld.idx.msk [tilespmem:v13+s2+$0x0], $0xffff  }
0x398: {  	v11 =	vor.u32 $0x185, v0  }
0x399: {  	v12 =	vor.u32 $0x180C, v3  }
0x39a: {  	v13 =	vor.u32 $0x180D, v3;
	_ =	sdelay $0x1  }
0x39b: {  	v9 =	vpack.i.f32.bf16 v10, v9  }
0x39c: {  	[tilespmem:v11+s4+$0x0] =	vst.idx.msk $0xffff, v9  }
0x39d: {  	v9 =	vld.idx.msk [tilespmem:v12+s2+$0x0], $0xffff  }
0x39e: {  	v10 =	vld.idx.msk [tilespmem:v13+s2+$0x0], $0xffff  }
0x39f: {  	v11 =	vor.u32 $0x186, v0  }
0x3a0: {  	v12 =	vor.u32 $0x180E, v3  }
0x3a1: {  	v13 =	vor.u32 $0x180F, v3;
	_ =	sdelay $0x1  }
0x3a2: {  	v9 =	vpack.i.f32.bf16 v10, v9  }
0x3a3: {  	[tilespmem:v11+s4+$0x0] =	vst.idx.msk $0xffff, v9  }
0x3a4: {  	v9 =	vld.idx.msk [tilespmem:v12+s2+$0x0], $0xffff  }
0x3a5: {  	v10 =	vld.idx.msk [tilespmem:v13+s2+$0x0], $0xffff  }
0x3a6: {  	v11 =	vor.u32 $0x187, v0;
	_ =	sdelay $0x3  }
0x3a7: {  	v9 =	vpack.i.f32.bf16 v10, v9  }
.Ltmp10:
0x3a8: {  	s31 =	rddreg [dreg:$0xf];
	[tilespmem:v11+s4+$0x0] =	vst.idx.msk $0xffff, v9;
	(pc) =	sbr.rel .LBB2_13-.Ltmp10, $4  }
0x3a9: {  	[hbm4b:s31+s1] =	stream.linear.scatter [tilespmem:s4], [sflag:$0x5], $0x200, $0x38;
	[tilespmem:$0xE200] =	vst v63  }
0x3aa: {  	_ =	swait.ge [sflag:s3], $0x200  }
0x3ab: {  	[sflag:s3] =	ssyncset.done $0x0  }
0x3ac: {  	[sflag:s3] =	ssyncadd.s32 $0xFFFFFE00  }
.LBB2_14:
0x3ad: {  	_ =	sfence.sel $0x180000  }
0x3ae: {  	[bflag:$0x0] =	sbarrier.arrive $0xFFFF  }
0x3af: {  	_ =	strace $0x90000047  }
0x3b0: {  	s0 =	stileid.u32;
	[bflag:$0x2] =	sbarrier.arrive $0xFFFF  }
0x3b1: {  	p0 =	sne.s32 s0, $0x0;
	s0 =	rddreg [dreg:$0x3]  }
0x3b2: {  	s0 =	sadd.s32 @!p0 $0x100000, s0  }
0x3b3: {  	[sflag:s0] =	ssyncadd.tile.s32 @!p0 $0x1;
	_ =	shalt  }
.Lfunc_end2:
_tile_overlayer_lowered:
.L_overlay_start_2:
0x3b4: {  	(tag) =	ssettag $0x2  }
0x3b5: {  	s0 =	rddreg [dreg:$0x0];
	s2 =	stileid.u32  }
0x3b6: {  	s1 =	rddreg [dreg:$0x1];
	p0 =	sne.s32 s2, $0x0  }
0x3b7: {  	s3 =	rddreg [dreg:$0x2];
	[bflag:$0x3] =	sbarrier.arrive $0xFFFF;
	s2 =	simm.s32 @!p0 $0x1C05  }
0x3b8: {  	[timem:s3], [sflag:s2] =	dma.local @!p0 [hbm:s0], s1  }
0x3b9: {  	s0 =	simm.s32 @!p0 $0x5  }
0x3ba: {  	_ =	swait.ge @!p0 [sflag:s0], s1  }
0x3bb: {  	s1 =	ssub.s32 @!p0 $0x0, s1;
	[sflag:s0] =	ssyncset.done @!p0 $0x0  }
0x3bc: {  	[sflag:s0] =	ssyncadd.s32 @!p0 s1  }
0x3bd: {  	[bflag:$0x3] =	sbarrier.arrive $0xFFFF  }
0x3be: {  	_ =	shalt  }

// kernel: kernel.8.cloned.1.call-start
scs
__scs_entry_jumppad:
0x0: {  	(pc) =	sbr.rel $0x88, $3  }
0x1: {  	(tag) =	ssettag $0x0;
	lr =	simm.s32 $0x1  }
0x2: {  	[smem:$0x3F9D] =	sst lr;
	_ =	strace $0xD0000000  }
0x3: {  	_ = 	snop  }
0x4: {  	_ = 	snop  }
0x5: {  	_ = 	snop  }
0x6: {  	_ = 	snop  }
0x7: {  	_ = 	snop  }
__scs_overlays_trampoline_lowered:
0x8: {  	[smem:$0x3FAC] =	sst s0  }
0x9: {  	[smem:$0x3FAD] =	sst s1  }
0xa: {  	[smem:$0x3FAE] =	sst s2  }
0xb: {  	[smem:$0x3FAF] =	sst s3  }
0xc: {  	[smem:$0x3FB0] =	sst s4  }
0xd: {  	[smem:$0x3FB1] =	sst s5  }
0xe: {  	[smem:$0x3FB2] =	sst s6  }
0xf: {  	[smem:$0x3FB3] =	sst s7  }
0x10: {  	[smem:$0x3FB4] =	sst s8  }
0x11: {  	[smem:$0x3FB5] =	sst s9;
	s0 =	simm.s32 @!p0 $0x0  }
0x12: {  	s1 =	sld [smem:$0x3F9B];
	s0 =	simm.s32 @p0 $0x1  }
0x13: {  	[smem:$0x3FB6] =	sst s0;
	s0 =	simm.s32 @!p1 $0x0  }
0x14: {  	s2 =	sld [smem:$0x3F9A];
	s0 =	simm.s32 @p1 $0x1  }
0x15: {  	[smem:$0x3FB7] =	sst s0;
	s0 =	simm.s32 @!p2 $0x0  }
0x16: {  	s3 =	sld [smem:$0x3FDB];
	s0 =	simm.s32 @p2 $0x1  }
0x17: {  	s4 =	simm.s32 $0x1BF5;
	[smem:$0x3FB9] =	sst s0  }
0x18: {  	s0 =	sld [smem:$0x3F9C];
	_ =	swait.ge [sflag:s4], $0x0  }
0x19: {  	s7 =	sld [smem:$0x3F9D]  }
0x1a: {  	s8 =	sadd.s32 $0xFFFFE003, lr  }
0x1b: {  	s9 =	sadd.s32 $0xFFFFFEF7, lr;
	s5 =	simm.s32 $0xFFFFFFFF;
	p2 =	slt.u32 s8, $0xFFFFF086  }
0x1c: {  	p1 =	slt.u32 s9, $0xF7A;
	s5 =	simm.s32 @!p2 $0x0  }
0x1d: {  	s5 =	simm.s32 @p1 $0x1;
	p0 =	seq.s32 s7, s2  }
0x1e: {  	s7 =	smul.u32 @!p0 $0xF7A, s2;
	p2 =	seq.s32 @!p0 s5, $0x0  }
0x1f: {  	s9 =	smul.u32 $0xF7A, s1;
	s8 =	simm.s32 @!p0 $0x1BF5;
	p2 =	por !p2, p0  }
0x20: {  	[sflag:s8] =	ssyncset.s32 @!p0 $0xFFFFF086;
	s6 =	sadd.s32 @!p0 s3, s7;
	s7 =	simm.s32 @!p0 $0x108  }
0x21: {  	s3 =	sadd.s32 s3, s9;
	s6 =	sadd.s32 @!p0 $0x88, s6;
	s7 =	simm.s32 @p2 $0x1082  }
0x22: {  	[simem:s7], [sflag:s8] =	dma.local @!p0 [hbm:s6], $0xF7A  }
0x23: {  	s9 =	sor.u32 $0xD0000000, s2;
	s6 =	simm.s32 $0x108;
	_ =	swait.ge @!p0 [sflag:s8], $0x0  }
0x24: {  	s3 =	sadd.s32 $0x88, s3;
	s6 =	simm.s32 @!p1 $0x1082;
	[sflag:s4] =	ssyncset.s32 $0xFFFFF086  }
0x25: {  	[simem:s6], [sflag:s4] =	dma.local [hbm:s3], $0xF7A  }
0x26: {  	[smem:$0x3F9D] =	sst s1;
	(tag) =	ssettag s2;
	_ =	strace s9  }
0x27: {  	s1 =	sld [smem:$0x3FAD]  }
0x28: {  	s2 =	sld [smem:$0x3FAE]  }
0x29: {  	s4 =	sld [smem:$0x3FB0]  }
0x2a: {  	p0 =	seq.s32 s5, $0x0;
	s5 =	sld [smem:$0x3FB1]  }
0x2b: {  	s6 =	sld [smem:$0x3FB2]  }
0x2c: {  	s7 =	sld [smem:$0x3FB3]  }
0x2d: {  	s3 =	simm.s32 $0x108;
	s8 =	sld [smem:$0x3FB4]  }
0x2e: {  	s3 =	simm.s32 @!p0 $0x1082;
	s9 =	sld [smem:$0x3FB5]  }
0x2f: {  	lr =	sadd.s32 s0, s3;
	s0 =	sld [smem:$0x3FAC]  }
0x30: {  	s3 =	sld [smem:$0x3FAF]  }
0x31: {  	[smem:$0x3FB8] =	sst s10  }
0x32: {  	s10 =	sld [smem:$0x3FB6];
	_ =	sdelay $0x3  }
0x33: {  	p0 =	seq.s32 s10, $0x1;
	s10 =	sld [smem:$0x3FB8];
	_ =	sdelay $0x3  }
0x34: {  	[smem:$0x3FB8] =	sst s10  }
0x35: {  	s10 =	sld [smem:$0x3FB7];
	_ =	sdelay $0x3  }
0x36: {  	p1 =	seq.s32 s10, $0x1;
	s10 =	sld [smem:$0x3FB8];
	_ =	sdelay $0x3  }
0x37: {  	[smem:$0x3FB8] =	sst s10  }
0x38: {  	s10 =	sld [smem:$0x3FB9]  }
0x39: {  	_ = 	snop;
	(pc) =	sbr.ind lr, $3  }
0x3a: {  	_ = 	snop  }
0x3b: {  	_ = 	snop  }
0x3c: {  	p2 =	seq.s32 s10, $0x1;
	s10 =	sld [smem:$0x3FB8]  }
0x3d: {  	_ =	shalt  }
0x3e: {  	_ =	shalt  }
0x3f: {  	_ =	shalt  }
0x40: {  	_ =	shalt  }
0x41: {  	_ =	shalt  }
0x42: {  	_ =	shalt  }
0x43: {  	_ =	shalt  }
0x44: {  	_ =	shalt  }
0x45: {  	_ =	shalt  }
0x46: {  	_ =	shalt  }
0x47: {  	_ =	shalt  }
0x48: {  	_ =	shalt  }
0x49: {  	_ =	shalt  }
0x4a: {  	_ =	shalt  }
0x4b: {  	_ =	shalt  }
0x4c: {  	_ =	shalt  }
0x4d: {  	_ =	shalt  }
0x4e: {  	_ =	shalt  }
0x4f: {  	_ =	shalt  }
0x50: {  	_ =	shalt  }
0x51: {  	_ =	shalt  }
0x52: {  	_ =	shalt  }
0x53: {  	_ =	shalt  }
0x54: {  	_ =	shalt  }
0x55: {  	_ =	shalt  }
0x56: {  	_ =	shalt  }
0x57: {  	_ =	shalt  }
0x58: {  	_ =	shalt  }
0x59: {  	_ =	shalt  }
0x5a: {  	_ =	shalt  }
0x5b: {  	_ =	shalt  }
0x5c: {  	_ =	shalt  }
0x5d: {  	_ =	shalt  }
0x5e: {  	_ =	shalt  }
0x5f: {  	_ =	shalt  }
0x60: {  	_ =	shalt  }
0x61: {  	_ =	shalt  }
0x62: {  	_ =	shalt  }
0x63: {  	_ =	shalt  }
0x64: {  	_ =	shalt  }
0x65: {  	_ =	shalt  }
0x66: {  	_ =	shalt  }
0x67: {  	_ =	shalt  }
0x68: {  	_ =	shalt  }
0x69: {  	_ =	shalt  }
0x6a: {  	_ =	shalt  }
0x6b: {  	_ =	shalt  }
0x6c: {  	_ =	shalt  }
0x6d: {  	_ =	shalt  }
0x6e: {  	_ =	shalt  }
0x6f: {  	_ =	shalt  }
0x70: {  	_ =	shalt  }
0x71: {  	_ =	shalt  }
0x72: {  	_ =	shalt  }
0x73: {  	_ =	shalt  }
0x74: {  	_ =	shalt  }
0x75: {  	_ =	shalt  }
0x76: {  	_ =	shalt  }
0x77: {  	_ =	shalt  }
0x78: {  	_ =	shalt  }
0x79: {  	_ =	shalt  }
0x7a: {  	_ =	shalt  }
0x7b: {  	_ =	shalt  }
0x7c: {  	_ =	shalt  }
0x7d: {  	_ =	shalt  }
0x7e: {  	_ =	shalt  }
0x7f: {  	_ =	shalt  }
0x80: {  	_ =	shalt  }
0x81: {  	_ =	shalt  }
0x82: {  	_ =	shalt  }
0x83: {  	_ =	shalt  }
0x84: {  	_ =	shalt  }
0x85: {  	_ =	shalt  }
0x86: {  	_ =	shalt  }
0x87: {  	_ =	shalt  }
.Lfunc_end0:
.L_simem_size_0:
called_computation.1_lowered:
.L_overlay_start_0:
0x88: {  	s2 =	sld [smem:$0x3FD9]  }
0x89: {  	s3 =	sld [smem:$0x3FFE];
	_ =	sdelay $0x1  }
0x8a: {  	s1 =	srdreg.scid  }
0x8b: {  	s0 =	sand.u32 $0x1, s1  }
0x8c: {  	s16 =	sshll.u32 s0, $0xA;
	s2 =	sadd.s32 s3, s2  }
0x8d: {  	s2 =	sadd.s32 s2, s16  }
0x8e: {  	[smem:$0x3FC4] =	sst s2  }
0x8f: {  	_ = 	snop  }
0x90: {  	(tm) =	ssettm $0x1  }
0x91: {  	s17 =	sld [smem:$0x3FFB];
	_ =	sdelay $0x3  }
0x92: {  	_ =	strace s17  }
0x93: {  	s2 =	sld [smem:$0x3FFC];
	_ =	sdelay $0x3  }
0x94: {  	_ =	strace s2  }
0x95: {  	s2 =	sld [smem:$0x3FFD];
	_ =	sdelay $0x3  }
0x96: {  	_ =	strace s2  }
0x97: {  	_ =	strace $0x8FFFFFFF  }
0x98: {  	s18 =	sld [smem:$0x3FDB];
	_ =	sdelay $0x1  }
0x99: {  	s19 =	simm.s32 $_scs_section_size  }
0x9a: {  	s4 =	simm.s32 $_size__tile_overlayer_lowered;
	s5 =	simm.s32 $_tile_overlayer_lowered  }
0x9b: {  	s22 =	simm.s32 $0x1BFF;
	s21 =	sshll.u32 s5, $0x1;
	s2 =	sadd.s32 s19, s18  }
0x9c: {  	s6 =	simm.s32 $0x0;
	s20 =	sshll.u32 s4, $0x1;
	s4 =	sadd.s32 s21, s2  }
0x9d: {  	[timem:s6], [sflag:s22] =	dma.local [hbm:s4], s20  }
0x9e: {  	_ =	swait.ge [sflag:s22], s20  }
0x9f: {  	s3 =	ssub.s32 $0x0, s20;
	[sflag:s22] =	ssyncset.done $0x0  }
0xa0: {  	[sflag:s22] =	ssyncadd.s32 s3;
	_ =	sdelay $0x1  }
0xa1: {  	s23 =	simm.s32 $0x1B8B  }
0xa2: {  	_ =	swait.ge [sflag:s23], $0x1  }
0xa3: {  	[sflag:s23] =	ssyncset.done $0x0  }
0xa4: {  	s25 =	simm.s32 $0x1B8E;
	s24 =	sld [smem:$0x3FFE];
	[sflag:s23] =	ssyncadd.s32 $0xFFFFFFFF  }
0xa5: {  	s26 =	simm.s32 $execute0_lowered;
	[smem:$0x3FD2] =	sst s25  }
0xa6: {  	s4 =	sshll.u32 s26, $0x1;
	_ =	strace $0x80000049;
	[dreg:$0x1] =	wrdreg $0xFFFFFFFF  }
0xa7: {  	s28 =	simm.s32 $_size_execute0_lowered;
	s2 =	sadd.s32 s2, s4;
	[dreg:$0x0] =	wrdreg $0x0  }
0xa8: {  	s4 =	sshll.u32 s28, $0x1;
	[dreg:$0x2] =	wrdreg s2  }
0xa9: {  	[dreg:$0x3] =	wrdreg s4  }
0xaa: {  	[dreg:$0x4] =	wrdreg $0xC0  }
0xab: {  	_ =	task [dreg:s6], $0x5FFFF  }
0xac: {  	[dreg:$0x1] =	wrdreg $0xFFFFFFFF  }
0xad: {  	[dreg:$0x0] =	wrdreg $0x60  }
0xae: {  	[dreg:$0x2] =	wrdreg s24  }
0xaf: {  	[dreg:$0x3] =	wrdreg $0x9  }
0xb0: {  	_ =	task.clear_ibuf [dreg:s6], $0x4FFFF;
	_ =	strace $0x90000049  }
0xb1: {  	s29 =	simm.s32 $0x9;
	_ =	strace $0x8000004B  }
0xb2: {  	_ =	swait.ge [sflag:s29], $0x1  }
0xb3: {  	[sflag:s29] =	ssyncadd.s32 $0xFFFFFFFF  }
0xb4: {  	_ =	strace $0x9000004B  }
0xb5: {  	_ =	sfence  }
0xb6: {  	s30 =	sld [smem:$0x0];
	_ =	sdelay $0x2  }
0xb7: {  	s31 =	sshll.u32 s1, $0xD;
	s1 =	sshrl.u32 s1, $0x2  }
0xb8: {  	s3 =	sand.u32 $0x4000, s31;
	s1 =	sadd.s32 s1, s30  }
0xb9: {  	s0 =	sor.u32 s3, s0;
	s1 =	sshll.u32 s1, $0x11  }
0xba: {  	s0 =	sor.u32 s1, s0  }
0xbb: {  	s0 =	sadd.s32 $0x8F2B, s0  }
0xbc: {  	[sflag:s0] =	ssyncadd.remote.s32 $0x1  }
0xbd: {  	_ =	sfence.sel $0xFFFF  }
0xbe: {  	[dreg:$0x0] =	wrdreg $0xFFFFFFFF;
	(pc) =	sbr.abs _section_cstart, $3  }
0xbf: {  	[dreg:$0x1] =	wrdreg $0xFFFFFFFF  }
0xc0: {  	_ =	task.clear_ibuf [dreg:s6], $0x2FFFF;
	_ =	strace $0x9FFFFFFF  }
0xc1: {  	(tm) =	ssettm $0x7FFFFFFF  }
tec
execute0_lowered:
.L_overlay_start_1:
0x0: {  	(tag) =	ssettag $0x1  }
0x1: {  	s0 =	rddreg [dreg:$0x0]  }
0x2: {  	s2 =	simm.s32 $0x0;
	s1 =	srdreg.scid;
	s3 =	stileid.u32  }
0x3: {  	s10 =	simm.s32 $0x3;
	s11 =	simm.s32 $0x68;
	s12 =	simm.s32 $0x340  }
0x4: {  	s15 =	simm.s32 $0x9C0;
	s16 =	simm.s32 $0x138;
	s17 =	simm.s32 $0xD00  }
0x5: {  	s18 =	simm.s32 $0x1A0;
	s19 =	simm.s32 $0x1040;
	s20 =	simm.s32 $0x208  }
0x6: {  	s21 =	simm.s32 $0x1380;
	s22 =	simm.s32 $0x270;
	s23 =	simm.s32 $0x16C0  }
0x7: {  	s24 =	simm.s32 $0x2D8;
	s25 =	simm.s32 $0x1A00;
	s26 =	simm.s32 $0x1  }
0x8: {  	s28 =	simm.s32 $0x2;
	s29 =	simm.s32 $0x1D40;
	s30 =	simm.s32 $0x0  }
0x9: {  	[smem:$0x7FF] =	sst s2;
	s1 =	sand.u32 $0x1, s1;
	s3 =	sshll.u32 s3, $0x1  }
0xa: {  	s5 =	sadd.s32 $0x1600, s0;
	_ =	strace $0x8000004A;
	s6 =	sor.u32 s1, s3  }
0xb: {  	s1 =	ssub.s32 $0x2, s1;
	s4 =	smul.u32 $0x3400, s6;
	s6 =	sshll.u32 s6, $0x6  }
0xc: {  	s3 =	sadd.s32 $0x27C400, s0;
	s7 =	sshrl.u32 s1, $0x1;
	s0 =	sadd.s32 s6, s0  }
0xd: {  	v0 =	vlaneseq.u32;
	s1 =	ssub.s32 s1, s7;
	s31 =	sshrl.u32 s4, $0x3;
	s7 =	sor.u32 $0x340, s4  }
0xe: {  	v0 =	vmul.u32 $0xD0, v0;
	s8 =	sadd.s32 $0x289400, s0;
	s9 =	smax.u32 s1, $0x1;
	s6 =	sadd.s32 s3, s31  }
.LBB2_1:
0xf: {  	[tilespmem:s2], [sflag:$0x3] =	stream.linear.gather [hbm4b:s6+s2], $0x1A0, $0x38;
	[tilespmem:$0x1F40] =	vst v63  }
0x10: {  	_ =	swait.ge [sflag:s10], $0x1A0  }
0x11: {  	[sflag:s10] =	ssyncset.done $0x0  }
0x12: {  	[sflag:s10] =	ssyncadd.s32 $0xFFFFFE60  }
0x13: {  	[tilespmem:s12], [sflag:$0x1] =	stream.indirect.gather [hbm4b:s5+s11], $0x8, s2, s11, $0xb8;
	[tilespmem:$0x1F40] =	vst v63  }
0x14: {  	s0 =	simm.s32 $0x680  }
0x15: {  	[tilespmem:s0], [sflag:$0x1] =	stream.indirect.gather [hbm4b:s5+s11], $0x8, s11, s11, $0xb8;
	[tilespmem:$0x1F40] =	vst v63  }
0x16: {  	s14 =	simm.s32 $0xD0  }
0x17: {  	[tilespmem:s15], [sflag:$0x1] =	stream.indirect.gather [hbm4b:s5+s11], $0x8, s14, s11, $0xb8;
	[tilespmem:$0x1F40] =	vst v63  }
0x18: {  	s31 =	simm.s32 $0x0  }
0x19: {  	[tilespmem:s17], [sflag:$0x1] =	stream.indirect.gather [hbm4b:s5+s11], $0x8, s16, s11, $0xb8;
	[tilespmem:$0x1F40] =	vst v63  }
.LBB2_2:
0x1a: {  	s0 =	sshllo.u32 s31, $0x1  }
0x1b: {  	s1 =	smul.u32 $0x1A0, s0;
	_ =	sdelay $0x1  }
0x1c: {  	s1 =	sadd.s32 s4, s1  }
0x1d: {  	s1 =	sshrl.u32 s1, $0x3  }
0x1e: {  	s13 =	simm.s32 $0x0;
	s1 =	sadd.s32 s3, s1  }
0x1f: {  	[tilespmem:s18], [sflag:$0x3] =	stream.linear.gather [hbm4b:s1+s13], $0x1A0, $0x38;
	[tilespmem:$0x1F40] =	vst v63  }
0x20: {  	_ =	swait.ge [sflag:s10], $0x1A0  }
0x21: {  	[sflag:s10] =	ssyncset.done $0x0  }
0x22: {  	[sflag:s10] =	ssyncadd.s32 $0xFFFFFE60  }
0x23: {  	[tilespmem:s19], [sflag:$0x2] =	stream.indirect.gather [hbm4b:s5+s11], $0x8, s18, s11, $0xb8;
	[tilespmem:$0x1F40] =	vst v63  }
0x24: {  	_ = 	snop  }
0x25: {  	[tilespmem:s21], [sflag:$0x2] =	stream.indirect.gather [hbm4b:s5+s11], $0x8, s20, s11, $0xb8;
	[tilespmem:$0x1F40] =	vst v63  }
0x26: {  	v1 =	vmov s13  }
0x27: {  	v1 =	vshll.u32 v1, $0x3;
	[tilespmem:s23], [sflag:$0x2] =	stream.indirect.gather [hbm4b:s5+s11], $0x8, s22, s11, $0xb8;
	[tilespmem:$0x1F40] =	vst v63  }
0x28: {  	v1 =	vadd.s32 v0, v1  }
0x29: {  	v2 =	vor.u32 $0x1, v1;
	[tilespmem:s25], [sflag:$0x2] =	stream.indirect.gather [hbm4b:s5+s11], $0x8, s24, s11, $0xb8;
	[tilespmem:$0x1F40] =	vst v63  }
0x2a: {  	v3 =	vor.u32 $0x3, v1;
	_ =	swait.ge [sflag:s26], $0xD00  }
0x2b: {  	v18 =	vimm.f32 $0.0e+00;
	v22 =	vimm.f32 $0.0e+00;
	v7 =	vor.u32 $0x2, v1;
	[sflag:s26] =	ssyncset.done $0x0  }
0x2c: {  	v17 =	vimm.f32 $0.0e+00;
	v13 =	vimm.f32 $0.0e+00;
	v10 =	vor.u32 $0x7, v1;
	[sflag:s26] =	ssyncadd.s32 $0xFFFFF300  }
0x2d: {  	v15 =	vimm.f32 $0.0e+00;
	v31 =	vimm.f32 $0.0e+00;
	v12 =	vor.u32 $0x5, v1;
	v4 =	vld.idx.msk [tilespmem:v1+s12+$0x0], $0xffff  }
0x2e: {  	v29 =	vimm.f32 $0.0e+00;
	v33 =	vimm.f32 $0.0e+00;
	v16 =	vor.u32 $0x6, v1;
	v2 =	vld.idx.msk [tilespmem:v2+s12+$0x0], $0xffff  }
0x2f: {  	v6 =	vimm.f32 $0.0e+00;
	v27 =	vimm.f32 $0.0e+00;
	v8 =	vor.u32 $0x4, v1;
	v3 =	vld.idx.msk [tilespmem:v3+s12+$0x0], $0xffff  }
0x30: {  	v9 =	vimm.f32 $0.0e+00;
	v11 =	vimm.f32 $0.0e+00;
	v14 =	vimm.f32 $0.0e+00;
	v40 =	vld.idx.msk [tilespmem:v7+s12+$0x0], $0xffff  }
0x31: {  	v26 =	vimm.f32 $0.0e+00;
	v20 =	vimm.f32 $0.0e+00;
	v24 =	vimm.f32 $0.0e+00;
	v28 =	vld.idx.msk [tilespmem:v10+s12+$0x0], $0xffff  }
0x32: {  	v32 =	vimm.f32 $0.0e+00;
	v23 =	vimm.f32 $0.0e+00;
	v21 =	vimm.f32 $0.0e+00;
	v37 =	vld.idx.msk [tilespmem:v12+s12+$0x0], $0xffff  }
0x33: {  	v7 =	vimm.f32 $0.0e+00;
	v10 =	vimm.f32 $0.0e+00;
	v12 =	vimm.f32 $0.0e+00;
	v36 =	vld.idx.msk [tilespmem:v16+s12+$0x0], $0xffff  }
0x34: {  	v34 =	vld.idx.msk [tilespmem:v8+s12+$0x0], $0xffff;
	v16 =	vimm.f32 $0.0e+00;
	v8 =	vimm.f32 $0.0e+00;
	v5 =	vunpack.i.u.bf16.f32 v4  }
0x35: {  	v1 =	vunpack.i.l.bf16.f32 v4;
	v42 =	vunpack.i.u.bf16.f32 v2;
	v41 =	vunpack.i.l.bf16.f32 v2  }
0x36: {  	v35 =	vunpack.i.u.bf16.f32 v3;
	v38 =	vunpack.i.l.bf16.f32 v3;
	v2 =	vimm.f32 $0.0e+00  }
0x37: {  	v3 =	vimm.f32 $0.0e+00;
	v4 =	vimm.f32 $0.0e+00;
	v25 =	vadd.f32 v5, v18  }
0x38: {  	v39 =	vmul.f32 v5, v5;
	v19 =	vadd.f32 v42, v18;
	v30 =	vadd.f32 v1, v18  }
0x39: {  	s1 =	simm.s32 $0x1;
	v43 =	vmul.f32 v1, v1;
	v1 =	vimm.f32 $0.0e+00;
	v5 =	vimm.f32 $0.0e+00  }
.LBB2_3:
0x3a: {  	p0 =	sne.s32 s1, $0x19;
	v18 =	vadd.f32 v41, v18;
	v44 =	vunpack.i.l.bf16.f32 v40;
	v45 =	vunpack.i.l.bf16.f32 v28;
	s13 =	smov.u32 s1;
	s1 =	sadd.s32 $0x1, s1  }
0x3b: {  	v42 =	vmul.f32 v42, v42;
	v40 =	vunpack.i.u.bf16.f32 v40;
	v22 =	vadd.f32 v44, v22  }
0x3c: {  	v46 =	vmul.f32 v38, v38;
	v17 =	vadd.f32 v40, v17;
	v47 =	vunpack.i.u.bf16.f32 v36  }
0x3d: {  	v13 =	vadd.f32 v35, v13;
	v48 =	vunpack.i.u.bf16.f32 v37;
	v28 =	vunpack.i.u.bf16.f32 v28  }
0x3e: {  	v41 =	vmul.f32 v41, v41;
	v37 =	vunpack.i.l.bf16.f32 v37;
	v36 =	vunpack.i.l.bf16.f32 v36  }
0x3f: {  	v15 =	vadd.f32 v38, v15;
	v1 =	vadd.f32 v28, v1;
	v38 =	vmul.f32 v47, v47  }
0x40: {  	v31 =	vadd.f32 v39, v31;
	v39 =	vmul.f32 v48, v48;
	v29 =	vadd.f32 v41, v29  }
0x41: {  	v33 =	vadd.f32 v43, v33;
	v41 =	vmul.f32 v36, v36;
	v2 =	vadd.f32 v38, v2  }
0x42: {  	v3 =	vadd.f32 v45, v3;
	v6 =	vadd.f32 v39, v6;
	v38 =	vmov s13  }
0x43: {  	v35 =	vmul.f32 v35, v35;
	v5 =	vadd.f32 v41, v5;
	v38 =	vshll.u32 v38, $0x3  }
0x44: {  	v27 =	vadd.f32 v42, v27;
	v9 =	vadd.f32 v36, v9;
	v38 =	vadd.s32 v0, v38  }
0x45: {  	v41 =	vunpack.i.u.bf16.f32 v34;
	v36 =	vor.u32 $0x1, v38;
	v39 =	vor.u32 $0x2, v38  }
0x46: {  	v40 =	vmul.f32 v40, v40;
	v42 =	vor.u32 $0x3, v38;
	v49 =	vor.u32 $0x4, v38  }
0x47: {  	v11 =	vadd.f32 v37, v11;
	v37 =	vmul.f32 v37, v37;
	v43 =	vor.u32 $0x6, v38  }
0x48: {  	v7 =	vadd.f32 v47, v7;
	v14 =	vadd.f32 v41, v14;
	v50 =	vor.u32 $0x7, v38  }
0x49: {  	v26 =	vadd.f32 v40, v26;
	v10 =	vadd.f32 v37, v10;
	v47 =	vld.idx.msk [tilespmem:v38+s12+$0x0], $0xffff;
	v38 =	vor.u32 $0x5, v38  }
0x4a: {  	v28 =	vmul.f32 v28, v28;
	v20 =	vadd.f32 v35, v20;
	v35 =	vmul.f32 v45, v45;
	v51 =	vld.idx.msk [tilespmem:v36+s12+$0x0], $0xffff  }
0x4b: {  	v12 =	vadd.f32 v48, v12;
	v24 =	vadd.f32 v46, v24;
	v36 =	vmul.f32 v44, v44;
	v45 =	vld.idx.msk [tilespmem:v42+s12+$0x0], $0xffff  }
0x4c: {  	v4 =	vadd.f32 v28, v4;
	v34 =	vunpack.i.l.bf16.f32 v34;
	v40 =	vld.idx.msk [tilespmem:v39+s12+$0x0], $0xffff;
	v39 =	vmul.f32 v41, v41  }
0x4d: {  	v23 =	vadd.f32 v34, v23;
	v34 =	vmul.f32 v34, v34;
	v32 =	vadd.f32 v36, v32;
	v28 =	vld.idx.msk [tilespmem:v50+s12+$0x0], $0xffff  }
.Ltmp0:
0x4e: {  	v8 =	vadd.f32 v35, v8;
	v37 =	vld.idx.msk [tilespmem:v38+s12+$0x0], $0xffff;
	v16 =	vadd.f32 v39, v16;
	(pc) =	sbr.rel @p0 .LBB2_3-.Ltmp0, $4  }
0x4f: {  	v21 =	vadd.f32 v34, v21;
	v35 =	vunpack.i.u.bf16.f32 v47;
	v38 =	vunpack.i.l.bf16.f32 v47;
	v36 =	vld.idx.msk [tilespmem:v43+s12+$0x0], $0xffff  }
0x50: {  	v25 =	vadd.f32 v35, v25;
	v42 =	vunpack.i.u.bf16.f32 v51;
	v41 =	vunpack.i.l.bf16.f32 v51  }
0x51: {  	v39 =	vmul.f32 v35, v35;
	v19 =	vadd.f32 v42, v19;
	v35 =	vunpack.i.u.bf16.f32 v45  }
0x52: {  	v30 =	vadd.f32 v38, v30;
	v43 =	vmul.f32 v38, v38;
	v38 =	vunpack.i.l.bf16.f32 v45;
	v34 =	vld.idx.msk [tilespmem:v49+s12+$0x0], $0xffff  }
0x53: {  	_ = 	snop  }
0x54: {  	v33 =	vadd.f32 v43, v33;
	v30 =	vmul.f32 v30, v30;
	_ =	sdelay $0x1  }
0x55: {  	v25 =	vmul.f32 v25, v25;
	v30 =	vsub.f32 v30, v33  }
0x56: {  	v18 =	vadd.f32 v41, v18  }
0x57: {  	v31 =	vadd.f32 v39, v31;
	v25 =	vadd.f32 v30, v25;
	_ =	sdelay $0x1  }
0x58: {  	v18 =	vmul.f32 v18, v18;
	v30 =	vmul.f32 v41, v41;
	v25 =	vsub.f32 v25, v31;
	_ =	sdelay $0x1  }
0x59: {  	v29 =	vadd.f32 v30, v29;
	v18 =	vadd.f32 v25, v18  }
0x5a: {  	v30 =	vmul.f32 v42, v42  }
0x5b: {  	v19 =	vmul.f32 v19, v19;
	v18 =	vsub.f32 v18, v29  }
0x5c: {  	v25 =	vunpack.i.l.bf16.f32 v40;
	v27 =	vadd.f32 v30, v27  }
0x5d: {  	v22 =	vadd.f32 v25, v22;
	v18 =	vadd.f32 v18, v19  }
0x5e: {  	v25 =	vmul.f32 v25, v25  }
0x5f: {  	v22 =	vmul.f32 v22, v22;
	v18 =	vsub.f32 v18, v27  }
0x60: {  	v25 =	vadd.f32 v25, v32;
	v19 =	vunpack.i.u.bf16.f32 v40  }
0x61: {  	v17 =	vadd.f32 v19, v17;
	v18 =	vadd.f32 v18, v22;
	_ =	sdelay $0x1  }
0x62: {  	v19 =	vmul.f32 v19, v19;
	v17 =	vmul.f32 v17, v17;
	v18 =	vsub.f32 v18, v25  }
0x63: {  	v15 =	vadd.f32 v38, v15  }
0x64: {  	v19 =	vadd.f32 v19, v26;
	v17 =	vadd.f32 v18, v17;
	_ =	sdelay $0x1  }
0x65: {  	v15 =	vmul.f32 v15, v15;
	v18 =	vmul.f32 v38, v38;
	v17 =	vsub.f32 v17, v19  }
0x66: {  	v13 =	vadd.f32 v35, v13  }
0x67: {  	v18 =	vadd.f32 v18, v24;
	v15 =	vadd.f32 v17, v15  }
0x68: {  	v17 =	vmul.f32 v35, v35  }
0x69: {  	v13 =	vmul.f32 v13, v13;
	v15 =	vsub.f32 v15, v18  }
0x6a: {  	v17 =	vadd.f32 v17, v20;
	v18 =	vunpack.i.l.bf16.f32 v34  }
0x6b: {  	v19 =	vadd.f32 v18, v23;
	v13 =	vadd.f32 v15, v13  }
0x6c: {  	v18 =	vmul.f32 v18, v18  }
0x6d: {  	v15 =	vunpack.i.u.bf16.f32 v34;
	v13 =	vsub.f32 v13, v17;
	v17 =	vmul.f32 v19, v19  }
0x6e: {  	v14 =	vadd.f32 v15, v14  }
0x6f: {  	v18 =	vadd.f32 v18, v21;
	v13 =	vadd.f32 v13, v17  }
0x70: {  	v15 =	vmul.f32 v15, v15  }
0x71: {  	v14 =	vmul.f32 v14, v14;
	v13 =	vsub.f32 v13, v18  }
0x72: {  	v15 =	vadd.f32 v15, v16;
	v17 =	vunpack.i.l.bf16.f32 v37  }
0x73: {  	v11 =	vadd.f32 v17, v11;
	v13 =	vadd.f32 v13, v14  }
0x74: {  	v14 =	vmul.f32 v17, v17  }
0x75: {  	v11 =	vmul.f32 v11, v11;
	v13 =	vsub.f32 v13, v15  }
0x76: {  	v15 =	vunpack.i.u.bf16.f32 v37;
	v10 =	vadd.f32 v14, v10  }
0x77: {  	v12 =	vadd.f32 v15, v12;
	v11 =	vadd.f32 v13, v11  }
0x78: {  	v13 =	vmul.f32 v15, v15  }
0x79: {  	v10 =	vsub.f32 v11, v10;
	v11 =	vmul.f32 v12, v12  }
0x7a: {  	v12 =	vunpack.i.l.bf16.f32 v36;
	v6 =	vadd.f32 v13, v6  }
0x7b: {  	v9 =	vadd.f32 v12, v9;
	v10 =	vadd.f32 v10, v11  }
0x7c: {  	v11 =	vmul.f32 v12, v12  }
0x7d: {  	v9 =	vmul.f32 v9, v9;
	v6 =	vsub.f32 v10, v6  }
0x7e: {  	v10 =	vunpack.i.u.bf16.f32 v36;
	v5 =	vadd.f32 v11, v5  }
0x7f: {  	v7 =	vadd.f32 v10, v7;
	v6 =	vadd.f32 v6, v9  }
0x80: {  	v9 =	vmul.f32 v10, v10  }
0x81: {  	v5 =	vsub.f32 v6, v5;
	v6 =	vmul.f32 v7, v7  }
0x82: {  	v7 =	vunpack.i.l.bf16.f32 v28;
	v2 =	vadd.f32 v9, v2  }
0x83: {  	v3 =	vadd.f32 v7, v3;
	v5 =	vadd.f32 v5, v6  }
0x84: {  	v7 =	vmul.f32 v7, v7  }
0x85: {  	v6 =	vunpack.i.u.bf16.f32 v28;
	v3 =	vmul.f32 v3, v3;
	v2 =	vsub.f32 v5, v2  }
0x86: {  	v1 =	vadd.f32 v6, v1  }
0x87: {  	v5 =	vadd.f32 v7, v8;
	v2 =	vadd.f32 v2, v3;
	_ =	sdelay $0x1  }
0x88: {  	v1 =	vmul.f32 v1, v1;
	v3 =	vmul.f32 v6, v6;
	v2 =	vsub.f32 v2, v5  }
0x89: {  	p0 =	seq.s32 s31, $0xF  }
0x8a: {  	s1 =	smul.u32 @!p0 $0x340, s31;
	v3 =	vadd.f32 v3, v4;
	v1 =	vadd.f32 v2, v1;
	_ =	sdelay $0x1  }
0x8b: {  	s13 =	sshll.u32 s31, $0x5;
	s1 =	sadd.s32 @!p0 s1, s7;
	v1 =	vsub.f32 v1, v3  }
0x8c: {  	s13 =	sand.u32 $0x3FFFFFE0, s13;
	s1 =	sshrl.u32 @!p0 s1, $0x3  }
0x8d: {  	s1 =	sadd.s32 @!p0 s3, s1;
	[tilespmem:s13+$0x1D40] =	vst v1;
	s13 =	simm.s32 @!p0 $0x0  }
0x8e: {  	[tilespmem:s13], [sflag:$0x3] =	stream.linear.gather @!p0 [hbm4b:s1+s13], $0x1A0, $0x38;
	[tilespmem:$0x1F40] =	vst v63  }
0x8f: {  	s1 =	simm.s32 @!p0 $0x3  }
0x90: {  	_ =	swait.ge @!p0 [sflag:s1], $0x1A0  }
0x91: {  	[sflag:s1] =	ssyncset.done @!p0 $0x0  }
0x92: {  	s14 =	simm.s32 @!p0 $0x340;
	[sflag:s1] =	ssyncadd.s32 @!p0 $0xFFFFFE60;
	s1 =	simm.s32 @!p0 $0x68  }
0x93: {  	[tilespmem:s14], [sflag:$0x1] =	stream.indirect.gather @!p0 [hbm4b:s5+s1], $0x8, s13, s1, $0xb8;
	[tilespmem:$0x1F40] =	vst v63  }
0x94: {  	s13 =	simm.s32 @!p0 $0x680  }
0x95: {  	[tilespmem:s13], [sflag:$0x1] =	stream.indirect.gather @!p0 [hbm4b:s5+s1], $0x8, s1, s1, $0xb8;
	[tilespmem:$0x1F40] =	vst v63  }
0x96: {  	s13 =	simm.s32 $0x0  }
0x97: {  	s14 =	simm.s32 @!p0 $0xD0;
	v1 =	vmov s13;
	s13 =	simm.s32 @!p0 $0x9C0  }
0x98: {  	[tilespmem:s13], [sflag:$0x1] =	stream.indirect.gather @!p0 [hbm4b:s5+s1], $0x8, s14, s1, $0xb8;
	v1 =	vshll.u32 v1, $0x3;
	[tilespmem:$0x1F40] =	vst v63  }
0x99: {  	s13 =	simm.s32 @!p0 $0x138;
	s14 =	simm.s32 @!p0 $0xD00;
	v1 =	vadd.s32 v0, v1  }
0x9a: {  	[tilespmem:s14], [sflag:$0x1] =	stream.indirect.gather @!p0 [hbm4b:s5+s1], $0x8, s13, s1, $0xb8;
	v2 =	vor.u32 $0x1, v1;
	[tilespmem:$0x1F40] =	vst v63  }
0x9b: {  	v3 =	vor.u32 $0x3, v1;
	_ =	swait.ge [sflag:s28], $0xD00  }
0x9c: {  	v33 =	vimm.f32 $0.0e+00;
	v31 =	vimm.f32 $0.0e+00;
	v7 =	vor.u32 $0x2, v1;
	[sflag:s28] =	ssyncset.done $0x0  }
0x9d: {  	v29 =	vimm.f32 $0.0e+00;
	v32 =	vimm.f32 $0.0e+00;
	v10 =	vor.u32 $0x7, v1;
	[sflag:s28] =	ssyncadd.s32 $0xFFFFF300  }
0x9e: {  	v27 =	vimm.f32 $0.0e+00;
	v26 =	vimm.f32 $0.0e+00;
	v12 =	vor.u32 $0x5, v1;
	v4 =	vld.idx.msk [tilespmem:v1+s19+$0x0], $0xffff  }
0x9f: {  	v22 =	vimm.f32 $0.0e+00;
	v24 =	vimm.f32 $0.0e+00;
	v16 =	vor.u32 $0x6, v1;
	v2 =	vld.idx.msk [tilespmem:v2+s19+$0x0], $0xffff  }
0xa0: {  	v20 =	vimm.f32 $0.0e+00;
	v23 =	vimm.f32 $0.0e+00;
	v8 =	vor.u32 $0x4, v1;
	v3 =	vld.idx.msk [tilespmem:v3+s19+$0x0], $0xffff  }
0xa1: {  	v21 =	vimm.f32 $0.0e+00;
	v18 =	vimm.f32 $0.0e+00;
	v17 =	vimm.f32 $0.0e+00;
	v40 =	vld.idx.msk [tilespmem:v7+s19+$0x0], $0xffff  }
0xa2: {  	v14 =	vimm.f32 $0.0e+00;
	v15 =	vimm.f32 $0.0e+00;
	v13 =	vimm.f32 $0.0e+00;
	v28 =	vld.idx.msk [tilespmem:v10+s19+$0x0], $0xffff  }
0xa3: {  	v11 =	vimm.f32 $0.0e+00;
	v9 =	vimm.f32 $0.0e+00;
	v6 =	vimm.f32 $0.0e+00;
	v37 =	vld.idx.msk [tilespmem:v12+s19+$0x0], $0xffff  }
0xa4: {  	v7 =	vimm.f32 $0.0e+00;
	v10 =	vimm.f32 $0.0e+00;
	v12 =	vimm.f32 $0.0e+00;
	v36 =	vld.idx.msk [tilespmem:v16+s19+$0x0], $0xffff  }
0xa5: {  	v34 =	vld.idx.msk [tilespmem:v8+s19+$0x0], $0xffff;
	v16 =	vimm.f32 $0.0e+00;
	v8 =	vimm.f32 $0.0e+00;
	v5 =	vunpack.i.u.bf16.f32 v4  }
0xa6: {  	v1 =	vunpack.i.l.bf16.f32 v4;
	v4 =	vimm.f32 $0.0e+00;
	v25 =	vadd.f32 v5, v18  }
0xa7: {  	v42 =	vunpack.i.u.bf16.f32 v2;
	v41 =	vunpack.i.l.bf16.f32 v2;
	v39 =	vmul.f32 v5, v5  }
0xa8: {  	v35 =	vunpack.i.u.bf16.f32 v3;
	v30 =	vadd.f32 v1, v18;
	v43 =	vmul.f32 v1, v1  }
0xa9: {  	v38 =	vunpack.i.l.bf16.f32 v3;
	v1 =	vimm.f32 $0.0e+00;
	v2 =	vimm.f32 $0.0e+00  }
0xaa: {  	s1 =	simm.s32 $0x1;
	v3 =	vimm.f32 $0.0e+00;
	v5 =	vimm.f32 $0.0e+00;
	v19 =	vadd.f32 v42, v18  }
.LBB2_5:
0xab: {  	p0 =	sne.s32 s1, $0x19;
	v18 =	vadd.f32 v41, v18;
	v44 =	vunpack.i.l.bf16.f32 v40;
	v45 =	vunpack.i.l.bf16.f32 v28;
	s13 =	smov.u32 s1;
	s1 =	sadd.s32 $0x1, s1  }
0xac: {  	v42 =	vmul.f32 v42, v42;
	v40 =	vunpack.i.u.bf16.f32 v40;
	v22 =	vadd.f32 v44, v22  }
0xad: {  	v46 =	vmul.f32 v38, v38;
	v17 =	vadd.f32 v40, v17;
	v47 =	vunpack.i.u.bf16.f32 v36  }
0xae: {  	v13 =	vadd.f32 v35, v13;
	v48 =	vunpack.i.u.bf16.f32 v37;
	v28 =	vunpack.i.u.bf16.f32 v28  }
0xaf: {  	v41 =	vmul.f32 v41, v41;
	v37 =	vunpack.i.l.bf16.f32 v37;
	v36 =	vunpack.i.l.bf16.f32 v36  }
0xb0: {  	v15 =	vadd.f32 v38, v15;
	v1 =	vadd.f32 v28, v1;
	v38 =	vmul.f32 v47, v47  }
0xb1: {  	v31 =	vadd.f32 v39, v31;
	v39 =	vmul.f32 v48, v48;
	v29 =	vadd.f32 v41, v29  }
0xb2: {  	v33 =	vadd.f32 v43, v33;
	v41 =	vmul.f32 v36, v36;
	v2 =	vadd.f32 v38, v2  }
0xb3: {  	v3 =	vadd.f32 v45, v3;
	v6 =	vadd.f32 v39, v6;
	v38 =	vmov s13  }
0xb4: {  	v35 =	vmul.f32 v35, v35;
	v5 =	vadd.f32 v41, v5;
	v38 =	vshll.u32 v38, $0x3  }
0xb5: {  	v27 =	vadd.f32 v42, v27;
	v9 =	vadd.f32 v36, v9;
	v38 =	vadd.s32 v0, v38  }
0xb6: {  	v41 =	vunpack.i.u.bf16.f32 v34;
	v36 =	vor.u32 $0x1, v38;
	v39 =	vor.u32 $0x2, v38  }
0xb7: {  	v40 =	vmul.f32 v40, v40;
	v42 =	vor.u32 $0x3, v38;
	v49 =	vor.u32 $0x4, v38  }
0xb8: {  	v11 =	vadd.f32 v37, v11;
	v37 =	vmul.f32 v37, v37;
	v43 =	vor.u32 $0x6, v38  }
0xb9: {  	v7 =	vadd.f32 v47, v7;
	v14 =	vadd.f32 v41, v14;
	v50 =	vor.u32 $0x7, v38  }
0xba: {  	v26 =	vadd.f32 v40, v26;
	v10 =	vadd.f32 v37, v10;
	v47 =	vld.idx.msk [tilespmem:v38+s19+$0x0], $0xffff;
	v38 =	vor.u32 $0x5, v38  }
0xbb: {  	v28 =	vmul.f32 v28, v28;
	v20 =	vadd.f32 v35, v20;
	v35 =	vmul.f32 v45, v45;
	v51 =	vld.idx.msk [tilespmem:v36+s19+$0x0], $0xffff  }
0xbc: {  	v12 =	vadd.f32 v48, v12;
	v24 =	vadd.f32 v46, v24;
	v36 =	vmul.f32 v44, v44;
	v45 =	vld.idx.msk [tilespmem:v42+s19+$0x0], $0xffff  }
0xbd: {  	v4 =	vadd.f32 v28, v4;
	v34 =	vunpack.i.l.bf16.f32 v34;
	v40 =	vld.idx.msk [tilespmem:v39+s19+$0x0], $0xffff;
	v39 =	vmul.f32 v41, v41  }
0xbe: {  	v23 =	vadd.f32 v34, v23;
	v34 =	vmul.f32 v34, v34;
	v32 =	vadd.f32 v36, v32;
	v28 =	vld.idx.msk [tilespmem:v50+s19+$0x0], $0xffff  }
.Ltmp1:
0xbf: {  	v8 =	vadd.f32 v35, v8;
	v37 =	vld.idx.msk [tilespmem:v38+s19+$0x0], $0xffff;
	v16 =	vadd.f32 v39, v16;
	(pc) =	sbr.rel @p0 .LBB2_5-.Ltmp1, $4  }
0xc0: {  	v21 =	vadd.f32 v34, v21;
	v35 =	vunpack.i.u.bf16.f32 v47;
	v38 =	vunpack.i.l.bf16.f32 v47;
	v36 =	vld.idx.msk [tilespmem:v43+s19+$0x0], $0xffff  }
0xc1: {  	v25 =	vadd.f32 v35, v25;
	v42 =	vunpack.i.u.bf16.f32 v51;
	v41 =	vunpack.i.l.bf16.f32 v51  }
0xc2: {  	v39 =	vmul.f32 v35, v35;
	v19 =	vadd.f32 v42, v19;
	v35 =	vunpack.i.u.bf16.f32 v45  }
0xc3: {  	v30 =	vadd.f32 v38, v30;
	v43 =	vmul.f32 v38, v38;
	v38 =	vunpack.i.l.bf16.f32 v45;
	v34 =	vld.idx.msk [tilespmem:v49+s19+$0x0], $0xffff  }
0xc4: {  	_ = 	snop  }
0xc5: {  	v33 =	vadd.f32 v43, v33;
	v30 =	vmul.f32 v30, v30;
	_ =	sdelay $0x1  }
0xc6: {  	v25 =	vmul.f32 v25, v25;
	v30 =	vsub.f32 v30, v33  }
0xc7: {  	v18 =	vadd.f32 v41, v18  }
0xc8: {  	v31 =	vadd.f32 v39, v31;
	v25 =	vadd.f32 v30, v25;
	_ =	sdelay $0x1  }
0xc9: {  	v39 =	vmul.f32 v41, v41;
	v18 =	vmul.f32 v18, v18;
	v25 =	vsub.f32 v25, v31;
	_ =	sdelay $0x1  }
0xca: {  	v29 =	vadd.f32 v39, v29;
	v18 =	vadd.f32 v25, v18  }
0xcb: {  	v41 =	vunpack.i.l.bf16.f32 v40  }
0xcc: {  	v19 =	vmul.f32 v19, v19;
	v43 =	vmul.f32 v42, v42;
	v18 =	vsub.f32 v18, v29  }
0xcd: {  	v22 =	vadd.f32 v41, v22  }
0xce: {  	v27 =	vadd.f32 v43, v27;
	v18 =	vadd.f32 v18, v19  }
0xcf: {  	v44 =	vunpack.i.u.bf16.f32 v40  }
0xd0: {  	v22 =	vmul.f32 v22, v22;
	v25 =	vmul.f32 v41, v41;
	v18 =	vsub.f32 v18, v27  }
0xd1: {  	v17 =	vadd.f32 v44, v17  }
0xd2: {  	v25 =	vadd.f32 v25, v32;
	v18 =	vadd.f32 v18, v22;
	_ =	sdelay $0x1  }
0xd3: {  	v17 =	vmul.f32 v17, v17;
	v19 =	vmul.f32 v44, v44;
	v18 =	vsub.f32 v18, v25  }
0xd4: {  	v15 =	vadd.f32 v38, v15  }
0xd5: {  	v19 =	vadd.f32 v19, v26;
	v17 =	vadd.f32 v18, v17;
	_ =	sdelay $0x1  }
0xd6: {  	v45 =	vmul.f32 v38, v38;
	v15 =	vmul.f32 v15, v15;
	v17 =	vsub.f32 v17, v19  }
0xd7: {  	v13 =	vadd.f32 v35, v13  }
0xd8: {  	v18 =	vadd.f32 v45, v24;
	v15 =	vadd.f32 v17, v15  }
0xd9: {  	v46 =	vmul.f32 v35, v35  }
0xda: {  	v13 =	vmul.f32 v13, v13;
	v47 =	vunpack.i.l.bf16.f32 v34;
	v15 =	vsub.f32 v15, v18  }
0xdb: {  	v48 =	vadd.f32 v47, v23  }
0xdc: {  	v17 =	vadd.f32 v46, v20;
	v13 =	vadd.f32 v15, v13  }
0xdd: {  	v49 =	vunpack.i.u.bf16.f32 v34  }
0xde: {  	v50 =	vmul.f32 v48, v48;
	v18 =	vmul.f32 v47, v47;
	v13 =	vsub.f32 v13, v17  }
0xdf: {  	v14 =	vadd.f32 v49, v14  }
0xe0: {  	v18 =	vadd.f32 v18, v21;
	v13 =	vadd.f32 v13, v50  }
0xe1: {  	v51 =	vunpack.i.l.bf16.f32 v37  }
0xe2: {  	v14 =	vmul.f32 v14, v14;
	v15 =	vmul.f32 v49, v49;
	v13 =	vsub.f32 v13, v18  }
0xe3: {  	v11 =	vadd.f32 v51, v11  }
0xe4: {  	v15 =	vadd.f32 v15, v16;
	v13 =	vadd.f32 v13, v14  }
0xe5: {  	v53 =	vunpack.i.u.bf16.f32 v37  }
0xe6: {  	v52 =	vmul.f32 v51, v51;
	v11 =	vmul.f32 v11, v11;
	v13 =	vsub.f32 v13, v15  }
0xe7: {  	v12 =	vadd.f32 v53, v12  }
0xe8: {  	v10 =	vadd.f32 v52, v10;
	v11 =	vadd.f32 v13, v11  }
0xe9: {  	v54 =	vmul.f32 v53, v53  }
0xea: {  	v56 =	vunpack.i.l.bf16.f32 v36;
	v55 =	vmul.f32 v12, v12;
	v10 =	vsub.f32 v11, v10  }
0xeb: {  	v9 =	vadd.f32 v56, v9  }
0xec: {  	v6 =	vadd.f32 v54, v6;
	v10 =	vadd.f32 v10, v55  }
0xed: {  	v58 =	vunpack.i.u.bf16.f32 v36  }
0xee: {  	v57 =	vmul.f32 v56, v56;
	v9 =	vmul.f32 v9, v9;
	v6 =	vsub.f32 v10, v6  }
0xef: {  	v7 =	vadd.f32 v58, v7  }
0xf0: {  	v5 =	vadd.f32 v57, v5;
	v6 =	vadd.f32 v6, v9  }
0xf1: {  	v61 =	vunpack.i.l.bf16.f32 v28  }
0xf2: {  	v59 =	vmul.f32 v58, v58;
	v60 =	vmul.f32 v7, v7;
	v5 =	vsub.f32 v6, v5  }
0xf3: {  	v3 =	vadd.f32 v61, v3  }
0xf4: {  	v2 =	vadd.f32 v59, v2;
	v5 =	vadd.f32 v5, v60  }
0xf5: {  	v62 =	vunpack.i.u.bf16.f32 v28  }
0xf6: {  	v3 =	vmul.f32 v3, v3;
	v7 =	vmul.f32 v61, v61;
	v2 =	vsub.f32 v5, v2  }
0xf7: {  	v1 =	vadd.f32 v62, v1  }
0xf8: {  	v63 =	vadd.f32 v7, v8;
	v2 =	vadd.f32 v2, v3;
	_ =	sdelay $0x1  }
0xf9: {  	s31 =	sadd.s32 $0x1, s31;
	v1 =	vmul.f32 v1, v1;
	v3 =	vmul.f32 v62, v62;
	v2 =	vsub.f32 v2, v63  }
0xfa: {  	p0 =	sne.s32 s31, $0x10  }
.Ltmp2:
0xfb: {  	v3 =	vadd.f32 v3, v4;
	v1 =	vadd.f32 v2, v1;
	(pc) =	sbr.rel @p0 .LBB2_2-.Ltmp2, $4  }
0xfc: {  	_ = 	snop  }
0xfd: {  	s0 =	sshll.u32 s0, $0x4;
	v1 =	vsub.f32 v1, v3  }
0xfe: {  	s0 =	sand.u32 $0x3FFFFFF0, s0  }
0xff: {  	[tilespmem:s0+$0x1D40] =	vst v1  }
0x100: {  	s30 =	sadd.s32 $0x1, s30  }
0x101: {  	p0 =	sne.s32 s30, s9  }
.Ltmp3:
0x102: {  	_ = 	snop;
	(pc) =	sbr.rel @p0 .LBB2_1-.Ltmp3, $4  }
0x103: {  	[hbm4b:s8+s2] =	stream.linear.scatter [tilespmem:s29], [sflag:$0x3], $0x200, $0x38;
	[tilespmem:$0x1F40] =	vst v63  }
0x104: {  	_ =	swait.ge [sflag:s10], $0x200  }
0x105: {  	[sflag:s10] =	ssyncset.done $0x0  }
0x106: {  	[sflag:s10] =	ssyncadd.s32 $0xFFFFFE00  }
0x107: {  	_ =	sfence.sel $0x180000  }
0x108: {  	[bflag:$0x0] =	sbarrier.arrive $0xFFFF  }
0x109: {  	_ =	strace $0x9000004A  }
0x10a: {  	s0 =	stileid.u32;
	[bflag:$0x2] =	sbarrier.arrive $0xFFFF  }
0x10b: {  	p0 =	sne.s32 s0, $0x0;
	s0 =	rddreg [dreg:$0x1]  }
0x10c: {  	s0 =	sadd.s32 @!p0 $0x100000, s0  }
0x10d: {  	[sflag:s0] =	ssyncadd.tile.s32 @!p0 $0x1;
	_ =	shalt  }
.Lfunc_end2:
_tile_overlayer_lowered:
.L_overlay_start_2:
0x10e: {  	(tag) =	ssettag $0x2  }
0x10f: {  	s0 =	rddreg [dreg:$0x0];
	s2 =	stileid.u32  }
0x110: {  	s1 =	rddreg [dreg:$0x1];
	p0 =	sne.s32 s2, $0x0  }
0x111: {  	s3 =	rddreg [dreg:$0x2];
	[bflag:$0x3] =	sbarrier.arrive $0xFFFF;
	s2 =	simm.s32 @!p0 $0x1C03  }
0x112: {  	[timem:s3], [sflag:s2] =	dma.local @!p0 [hbm:s0], s1  }
0x113: {  	s0 =	simm.s32 @!p0 $0x3  }
0x114: {  	_ =	swait.ge @!p0 [sflag:s0], s1  }
0x115: {  	s1 =	ssub.s32 @!p0 $0x0, s1;
	[sflag:s0] =	ssyncset.done @!p0 $0x0  }
0x116: {  	[sflag:s0] =	ssyncadd.s32 @!p0 s1  }
0x117: {  	[bflag:$0x3] =	sbarrier.arrive $0xFFFF  }
0x118: {  	_ =	shalt  }

</sc_bundles>
